<compile_context>
chip_gen: v7x
topology: tpu7x:2x2x1
jax: 0.10.2.dev20260603
libtpu: 0.0.44.dev20260713+nightly
codegen_flags: <defaults>
</compile_context>

<pallas_src>
import functools

import jax
import jax.numpy as jnp
from jax import lax
from jax.experimental import pallas as pl
from jax.experimental.pallas import tpu as pltpu
from jax.experimental.pallas import tpu_sc as plsc

_B, _CIN, _N, _CO, _K = 8, 3, 2048, 128, 20
_R = 1024
_RP = 512
_NT = _N // _RP
_P = _B * _N
_M = _P * _K
_R2 = 512
_NT2 = _P // _R2
_DG = 16
_NC, _NS = 2, 16
_NW = _NC * _NS
_PPT = _P // _NW
_CH = 4
_NCH = _PPT // _CH
_CHI = _CH * _K
_GCH = 128
_GNCH = _M // _NW // _GCH
_NEG = -3.0e38


def _topk_cols(pw, base):
    it = lax.broadcasted_iota(jnp.int32, pw.shape, 1)
    cols, hots = [], []
    for _ in range(_K):
        m = jnp.max(pw, axis=1, keepdims=True)
        j = jnp.min(jnp.where(pw == m, it, _N), axis=1, keepdims=True)
        sel = it == j
        cols.append(j + base)
        hots.append(sel)
        pw = jnp.where(sel, _NEG, pw)
    return cols, hots


def _pairwise(xt, xf):
    dn = (((1,), (0,)), ((), ()))
    inner = lax.dot_general(xt.astype(jnp.bfloat16), xf.astype(jnp.bfloat16),
                            dn, preferred_element_type=jnp.float32)
    nr = jnp.sum(xt * xt, axis=1, keepdims=True)
    nc = jnp.sum(xf * xf, axis=0, keepdims=True)
    return 2.0 * inner - nr - nc


def _prep1_body(xt_ref, x_ref, idx_ref):
    b = pl.program_id(0)
    xt = xt_ref[0]
    xf = x_ref[0]
    pw = _pairwise(xt, xf)
    cols, _ = _topk_cols(pw, b * _N)
    idx_ref[...] = jnp.concatenate(cols, axis=1)


def _prep1(xt3, x3):
    return pl.pallas_call(
        _prep1_body,
        grid=(_B, _NT),
        in_specs=[
            pl.BlockSpec((1, _RP, _DG), lambda b, t: (b, t, 0)),
            pl.BlockSpec((1, _DG, _N), lambda b, t: (b, 0, 0)),
        ],
        out_specs=pl.BlockSpec((_RP, _K), lambda b, t: (b * _NT + t, 0)),
        out_shape=jax.ShapeDtypeStruct((_P, _K), jnp.int32),
    )(xt3, x3)



def _sc_gather_body(tab_hbm, idx_hbm, out_hbm, idx_v, rows_v, sem):
    wid = lax.axis_index("s") * _NC + lax.axis_index("c")
    pltpu.sync_copy(idx_hbm.at[pl.ds(wid * _GNCH, _GNCH)], idx_v)

    def chunk(c, carry):
        base = wid * _GNCH * _GCH + c * _GCH
        pltpu.async_copy(tab_hbm.at[idx_v.at[c]], rows_v, sem).wait()
        pltpu.sync_copy(rows_v, out_hbm.at[pl.ds(base, _GCH)])
        return carry

    lax.fori_loop(0, _GNCH, chunk, 0)


@functools.cache
def _sc_gather_fn():
    return pl.kernel(
        _sc_gather_body,
        mesh=plsc.VectorSubcoreMesh(
            core_axis_name="c", subcore_axis_name="s", num_cores=_NC),
        out_type=jax.ShapeDtypeStruct((_M, _CO), jnp.float32),
        scratch_types=[
            pltpu.VMEM((_GNCH, _GCH), jnp.int32),
            pltpu.VMEM((_GCH, _CO), jnp.float32),
            pltpu.SemaphoreType.DMA,
        ],
    )


def _sc_gather(tab, idx2d):
    return _sc_gather_fn()(tab, idx2d)



def _conv1_body(gat_ref, xi_ref, w_ref, m_ref, sy_ref, sy2_ref, acc):
    ti = pl.program_id(0)

    @pl.when(ti == 0)
    def _init():
        acc[...] = jnp.zeros_like(acc)

    xi = xi_ref[...]
    xib = xi.astype(jnp.bfloat16)
    wb = w_ref[...].astype(jnp.bfloat16)
    dn = (((1,), (0,)), ((), ()))
    d_all = gat_ref[:, :, :_DG] - xi[:, None, :]
    xib_all = jnp.broadcast_to(xib[:, None, :], (_R, _K, _DG))
    feat = jnp.concatenate([d_all.astype(jnp.bfloat16), xib_all], axis=2)
    y = lax.dot_general(feat.reshape(_R * _K, 2 * _DG), wb, dn,
                        preferred_element_type=jnp.float32)
    sy = jnp.sum(y, axis=0, keepdims=True)
    sy2 = jnp.sum(y * y, axis=0, keepdims=True)
    m = jnp.max(y.reshape(_R, _K, _CO), axis=1)
    m_ref[...] = m
    acc[0:1] += sy
    acc[1:2] += sy2
    sy_ref[...] = acc[0:1]
    sy2_ref[...] = acc[1:2]


def _conv1(gat3, xpad, w1T):
    return pl.pallas_call(
        _conv1_body,
        grid=(_P // _R,),
        in_specs=[
            pl.BlockSpec((_R, _K, _CO), lambda t: (t, 0, 0)),
            pl.BlockSpec((_R, _DG), lambda t: (t, 0)),
            pl.BlockSpec((2 * _DG, _CO), lambda t: (0, 0)),
        ],
        out_specs=[
            pl.BlockSpec((_R, _CO), lambda t: (t, 0)),
            pl.BlockSpec((1, _CO), lambda t: (0, 0)),
            pl.BlockSpec((1, _CO), lambda t: (0, 0)),
        ],
        out_shape=[
            jax.ShapeDtypeStruct((_P, _CO), jnp.float32),
            jax.ShapeDtypeStruct((1, _CO), jnp.float32),
            jax.ShapeDtypeStruct((1, _CO), jnp.float32),
        ],
        scratch_shapes=[pltpu.VMEM((2, _CO), jnp.float32)],
    )(gat3, xpad, w1T)


def _prep2_body(xt_ref, x_ref, waT_ref, wtT_ref, idx_ref, za_ref, tt_ref):
    b = pl.program_id(0)
    xt = xt_ref[0]
    xf = x_ref[0]
    dn = (((1,), (0,)), ((), ()))
    xtb = xt.astype(jnp.bfloat16)
    za_ref[...] = lax.dot_general(
        xtb, waT_ref[...].astype(jnp.bfloat16), dn,
        preferred_element_type=jnp.float32)
    tt_ref[...] = lax.dot_general(
        xtb, wtT_ref[...].astype(jnp.bfloat16), dn,
        preferred_element_type=jnp.float32)
    pw = _pairwise(xt, xf)
    cols, _ = _topk_cols(pw, b * _N)
    idx_ref[...] = jnp.concatenate(cols, axis=1)


def _prep2(xt3, x3, waT, wtT):
    return pl.pallas_call(
        _prep2_body,
        grid=(_B, _NT),
        in_specs=[
            pl.BlockSpec((1, _RP, _CO), lambda b, t: (b, t, 0)),
            pl.BlockSpec((1, _CO, _N), lambda b, t: (b, 0, 0)),
            pl.BlockSpec((_CO, _CO), lambda b, t: (0, 0)),
            pl.BlockSpec((_CO, _CO), lambda b, t: (0, 0)),
        ],
        out_specs=[
            pl.BlockSpec((_RP, _K), lambda b, t: (b * _NT + t, 0)),
            pl.BlockSpec((_RP, _CO), lambda b, t: (b * _NT + t, 0)),
            pl.BlockSpec((_RP, _CO), lambda b, t: (b * _NT + t, 0)),
        ],
        out_shape=[
            jax.ShapeDtypeStruct((_P, _K), jnp.int32),
            jax.ShapeDtypeStruct((_P, _CO), jnp.float32),
            jax.ShapeDtypeStruct((_P, _CO), jnp.float32),
        ],
    )(xt3, x3, waT, wtT)



def _sc_body(za_hbm, idx_hbm, mx_hbm, s1_hbm, s2_hbm,
             idx_v, rows_v0, rows_v1, om, osum, osq, sem0, sem1):
    wid = lax.axis_index("s") * _NC + lax.axis_index("c")
    pltpu.sync_copy(idx_hbm.at[pl.ds(wid * _NCH, _NCH)], idx_v)

    def reduce_store(rows_v, c):
        base_pt = wid * _PPT + c * _CH
        for p in range(_CH):
            for h in range(_CO // 16):
                sl = pl.ds(h * 16, 16)
                v0 = rows_v[p * _K, sl]

                def jstep(j, acc):
                    am, asm, asq = acc
                    v = rows_v[p * _K + j, sl]
                    return (jnp.maximum(am, v), asm + v, asq + v * v)

                am, asm, asq = lax.fori_loop(1, _K, jstep, (v0, v0, v0 * v0))
                om[p, sl] = am
                osum[p, sl] = asm
                osq[p, sl] = asq
        pltpu.sync_copy(om, mx_hbm.at[pl.ds(base_pt, _CH)])
        pltpu.sync_copy(osum, s1_hbm.at[pl.ds(base_pt, _CH)])
        pltpu.sync_copy(osq, s2_hbm.at[pl.ds(base_pt, _CH)])

    def body(i, carry):
        pltpu.async_copy(za_hbm.at[idx_v.at[i]], rows_v0, sem0).wait()
        reduce_store(rows_v0, i)
        return carry

    lax.fori_loop(0, _NCH, body, 0)


@functools.cache
def _sc_gather_reduce_fn():
    return pl.kernel(
        _sc_body,
        mesh=plsc.VectorSubcoreMesh(
            core_axis_name="c", subcore_axis_name="s", num_cores=_NC),
        out_type=[jax.ShapeDtypeStruct((_P, _CO), jnp.float32)] * 3,
        scratch_types=[
            pltpu.VMEM((_NCH, _CHI), jnp.int32),
            pltpu.VMEM((_CHI, _CO), jnp.float32),
            pltpu.VMEM((_CHI, _CO), jnp.float32),
            pltpu.VMEM((_CH, _CO), jnp.float32),
            pltpu.VMEM((_CH, _CO), jnp.float32),
            pltpu.VMEM((_CH, _CO), jnp.float32),
            pltpu.SemaphoreType.DMA,
            pltpu.SemaphoreType.DMA,
        ],
    )


def _sc_gather_reduce(za, idx2d):
    return _sc_gather_reduce_fn()(za, idx2d)



def _norm1_body(m_ref, sy_ref, sy2_ref, g_ref, bt_ref, o_ref):
    cnt = jnp.float32(_M)
    mean = sy_ref[...] / cnt
    var = sy2_ref[...] / cnt - mean * mean
    inv = lax.rsqrt(var + 1e-5)
    y = (m_ref[...] - mean) * inv * g_ref[...] + bt_ref[...]
    o_ref[...] = jnp.where(y > 0, y, 0.2 * y)


def _normalize1(m, sy, sy2, g, bt):
    row = pl.BlockSpec((_R2, _CO), lambda t: (t, 0))
    vec = pl.BlockSpec((1, _CO), lambda t: (0, 0))
    return pl.pallas_call(
        _norm1_body,
        grid=(_NT2,),
        in_specs=[row, vec, vec, vec, vec],
        out_specs=row,
        out_shape=jax.ShapeDtypeStruct((_P, _CO), jnp.float32),
    )(m, sy, sy2, g.reshape(1, _CO), bt.reshape(1, _CO))


def _norm2_body(mx_ref, s1_ref, s2_ref, tt_ref, g_ref, bt_ref, o_ref, acc):
    ph = pl.program_id(0)
    ti = pl.program_id(1)

    @pl.when(jnp.logical_and(ph == 0, ti == 0))
    def _init():
        acc[...] = jnp.zeros_like(acc)

    @pl.when(ph == 0)
    def _accum():
        s1 = s1_ref[...]
        t = tt_ref[...]
        acc[0:1] += jnp.sum(s1, axis=0, keepdims=True)
        acc[1:2] += jnp.sum(t, axis=0, keepdims=True)
        acc[2:3] += jnp.sum(t * t, axis=0, keepdims=True)
        acc[3:4] += jnp.sum(t * s1, axis=0, keepdims=True)
        acc[4:5] += jnp.sum(s2_ref[...], axis=0, keepdims=True)

    @pl.when(ph == 1)
    def _norm():
        cnt = jnp.float32(_M)
        kf = jnp.float32(_K)
        sumy = acc[0:1] + kf * acc[1:2]
        sumy2 = acc[4:5] + 2.0 * acc[3:4] + kf * acc[2:3]
        mean = sumy / cnt
        var = sumy2 / cnt - mean * mean
        inv = lax.rsqrt(var + 1e-5)
        y = (mx_ref[...] + tt_ref[...] - mean) * inv * g_ref[...] + bt_ref[...]
        o_ref[...] = jnp.where(y > 0, y, 0.2 * y)


def _normalize2(mx, s1, s2, tt, g, bt):
    row = pl.BlockSpec((_R2, _CO), lambda ph, t: (t, 0))
    vec = pl.BlockSpec((1, _CO), lambda ph, t: (0, 0))
    return pl.pallas_call(
        _norm2_body,
        grid=(2, _NT2),
        in_specs=[row, row, row, row, vec, vec],
        out_specs=row,
        out_shape=jax.ShapeDtypeStruct((_P, _CO), jnp.float32),
        scratch_shapes=[pltpu.VMEM((8, _CO), jnp.float32)],
    )(mx, s1, s2, tt, g.reshape(1, _CO), bt.reshape(1, _CO))


def kernel(x, W1, g1, b1, W2, g2, b2):
    return _layer2(_layer1(x, W1, g1, b1), W2, g2, b2)


def _layer1(x, W1, g1, b1):
    xpad3 = jnp.concatenate(
        [x, jnp.zeros((_B, _DG - _CIN, _N), jnp.float32)], axis=1)
    xt1 = jnp.transpose(xpad3, (0, 2, 1))
    idx1 = _prep1(xt1, xpad3)
    xpad = xt1.reshape(_P, _DG)
    tab = jnp.concatenate(
        [xpad, jnp.zeros((_P, _CO - _DG), jnp.float32)], axis=1)
    gat = _sc_gather(tab, idx1.reshape(_M // _GCH, _GCH))
    w1p = jnp.zeros((2 * _DG, _CO), jnp.float32)
    w1p = w1p.at[:_CIN].set(jnp.transpose(W1[:, :_CIN]))
    w1p = w1p.at[_DG:_DG + _CIN].set(jnp.transpose(W1[:, _CIN:]))
    m1, sy1, sy21 = _conv1(gat.reshape(_P, _K, _CO), xpad, w1p)
    return _normalize1(m1, sy1, sy21, g1, b1)


def _layer2(x1t, W2, g2, b2):
    x1_3 = jnp.transpose(x1t.reshape(_B, _N, _CO), (0, 2, 1))
    w2aT = jnp.transpose(W2[:, :_CO])
    w2tT = jnp.transpose(W2[:, _CO:] - W2[:, :_CO])
    idx2, za2, tt2 = _prep2(x1t.reshape(_B, _N, _CO), x1_3, w2aT, w2tT)
    mx2, s12, s22 = _sc_gather_reduce(za2, idx2.reshape(_NW * _NCH, _CHI))
    x2t = _normalize2(mx2, s12, s22, tt2, g2, b2)
    return jnp.transpose(x2t.reshape(_B, _N, _CO), (0, 2, 1))

# --- scband reference (transcript-rebuilt; emitter-appended) ---
"""Pipeline reference for scband-local-embedder-11836929868385 (READ-ONLY COPY).

The authoritative reference and input builder live on the scoring server;
editing this copy changes nothing except your own understanding.
"""

import jax, jax.numpy as jnp
import numpy as np

B, C_IN, N, C_OUT, K = 8, 3, 2048, 128, 20

def knn(x, k):
    inner = -2.0 * jnp.einsum('bcn,bcm->bnm', x, x)
    xx = jnp.sum(x ** 2, axis=1, keepdims=True)
    pairwise = -xx - inner - jnp.transpose(xx, (0, 2, 1))
    idx = jax.lax.top_k(pairwise, k)[1]
    return idx

def get_graph_feature(x, k):
    b, c, n = x.shape
    kk = min(k, n)
    idx = knn(x, kk)
    x_t = jnp.transpose(x, (0, 2, 1))
    feature = jax.vmap(lambda xt, id_: xt[id_])(x_t, idx)
    xc = jnp.broadcast_to(x_t[:, :, None, :], (b, n, kk, c))
    feature = jnp.concatenate([feature - xc, xc], axis=3)
    return jnp.transpose(feature, (0, 3, 1, 2))

def conv_bn_lrelu(x, W, gamma, beta):
    y = jnp.einsum('oc,bcnj->bonj', W, x)
    mean = jnp.mean(y, axis=(0, 2, 3), keepdims=True)
    var = jnp.var(y, axis=(0, 2, 3), keepdims=True)
    y = (y - mean) / jnp.sqrt(var + 1e-5)
    y = y * gamma[None, :, None, None] + beta[None, :, None, None]
    return jnp.where(y > 0, y, 0.2 * y)

def setup_inputs(seed: int = 0) -> dict:
    key = jax.random.key(seed)
    k1, k2, k3 = jax.random.split(key, 3)
    x = jax.random.normal(k1, (B, C_IN, N), dtype=jnp.float32)
    W1 = jax.random.normal(k2, (C_OUT, C_IN * 2), dtype=jnp.float32) * 0.1
    g1 = jnp.ones((C_OUT,), dtype=jnp.float32)
    b1 = jnp.zeros((C_OUT,), dtype=jnp.float32)
    W2 = jax.random.normal(k3, (C_OUT, C_OUT * 2), dtype=jnp.float32) * 0.05
    g2 = jnp.ones((C_OUT,), dtype=jnp.float32)
    b2 = jnp.zeros((C_OUT,), dtype=jnp.float32)
    return {"x": x, "W1": W1, "g1": g1, "b1": b1, "W2": W2, "g2": g2, "b2": b2}

def reference(x, W1, g1, b1, W2, g2, b2):
    f = get_graph_feature(x, K)
    h = conv_bn_lrelu(f, W1, g1, b1)
    x1 = jnp.max(h, axis=-1)
    f2 = get_graph_feature(x1, K)
    h2 = conv_bn_lrelu(f2, W2, g2, b2)
    x2 = jnp.max(h2, axis=-1)
    return x2

if __name__ == "__main__":
    import jax
    _d = setup_inputs()
    print(jax.jit(kernel)(*tuple(_d.values())))

</pallas_src>

<mosaic_0001>
#map = affine_map<(d0, d1) -> (0, 0)>
module attributes {stable_mosaic.version = 14 : i64} {
  func.func @_sc_gather_body(%arg0: i32, %arg1: i32, %arg2: memref<16384x128xf32, #tpu.memory_space<hbm>>, %arg3: memref<2560x128xi32, #tpu.memory_space<hbm>>, %arg4: memref<327680x128xf32, #tpu.memory_space<hbm>>, %arg5: memref<80x128xi32, #tpu.memory_space<vmem>>, %arg6: memref<128x128xf32, #tpu.memory_space<vmem>>, %arg7: memref<!tpu.dma_semaphore, #tpu.memory_space<semaphore_mem>>) attributes {dimension_semantics = [#tpu.dimension_semantics<core_parallel>, #tpu.dimension_semantics<subcore_parallel>], iteration_bounds = array<i64: 2, 16>, scalar_prefetch = 0 : i64, scratch_operands = 3 : i64, tpu.core_type = #tpu.core_type<sc_vector_subcore>, window_params = [{transform_indices = #map}, {transform_indices = #map}, {transform_indices = #map}]} {
    %mul3A = arith.constant 2 : i32
    %mul3A_0 = arith.muli %arg1, %mul3A : i32
    %add3A = arith.addi %mul3A_0, %arg0 : i32
    %mul3A_1 = arith.constant 80 : i32
    %mul3A_2 = arith.muli %add3A, %mul3A_1 : i32
    "tpu.region"() ({
      %run_scoped3A = tpu.sem_alloc : memref<!tpu.dma_semaphore, #tpu.memory_space<semaphore_mem>>
      %dma_start3A = arith.constant 0 : i32
      %dma_start3A_8 = tpu.memref_slice %arg3[%mul3A_2, %dma_start3A] : memref<2560x128xi32, #tpu.memory_space<hbm>> -> memref<80x128xi32, #tpu.memory_space<hbm>>
      %dma_start3A_9 = arith.constant 0 : i32
      %dma_start3A_10 = tpu.memref_slice %arg3[%mul3A_2, %dma_start3A_9] : memref<2560x128xi32, #tpu.memory_space<hbm>> -> memref<80x128xi32, #tpu.memory_space<hbm>>
      tpu.enqueue_dma source(%dma_start3A_10 : memref<80x128xi32, #tpu.memory_space<hbm>>) target(%arg5 : memref<80x128xi32, #tpu.memory_space<vmem>>) target_semaphore(%run_scoped3A : memref<!tpu.dma_semaphore, #tpu.memory_space<semaphore_mem>>)
      %dma_wait3A = arith.constant 0 : i32
      %dma_wait3A_11 = tpu.memref_slice %arg3[%mul3A_2, %dma_wait3A] : memref<2560x128xi32, #tpu.memory_space<hbm>> -> memref<80x128xi32, #tpu.memory_space<hbm>>
      %dma_wait3A_12 = arith.constant 0 : i32
      %dma_wait3A_13 = tpu.memref_slice %arg3[%mul3A_2, %dma_wait3A_12] : memref<2560x128xi32, #tpu.memory_space<hbm>> -> memref<80x128xi32, #tpu.memory_space<hbm>>
      tpu.wait_dma2 semaphore(%run_scoped3A : memref<!tpu.dma_semaphore, #tpu.memory_space<semaphore_mem>>) src(%dma_wait3A_13 : memref<80x128xi32, #tpu.memory_space<hbm>>) dst(%arg5 : memref<80x128xi32, #tpu.memory_space<vmem>>)
      tpu.yield
    }) : () -> ()
    %scan3A = arith.constant 0 : i32
    %scan3A_3 = arith.constant 0 : i32
    %scan3A_4 = arith.constant 80 : i32
    %scan3A_5 = arith.addi %scan3A_3, %scan3A_4 : i32
    %scan3A_6 = arith.constant 1 : i32
    scf.for %scan3A_8 = %scan3A_3 to %scan3A_5 step %scan3A_6  : i32 {
      %mul3A_9 = arith.constant 80 : i32
      %mul3A_10 = arith.muli %add3A, %mul3A_9 : i32
      %mul3A_11 = arith.constant 128 : i32
      %mul3A_12 = arith.muli %mul3A_10, %mul3A_11 : i32
      %mul3A_13 = arith.constant 128 : i32
      %mul3A_14 = arith.muli %scan3A_8, %mul3A_13 : i32
      %add3A_15 = arith.addi %mul3A_12, %mul3A_14 : i32
      %dma_start3A = arith.constant 0 : i32
      %dma_start3A_16 = tpu.memref_slice %arg5[%scan3A_8, %dma_start3A] : memref<80x128xi32, #tpu.memory_space<vmem>> -> memref<1x128xi32, #tpu.memory_space<vmem>>
      %dma_start3A_17 = tpu.memref_squeeze %dma_start3A_16 : memref<1x128xi32, #tpu.memory_space<vmem>> -> memref<128xi32, #tpu.memory_space<vmem>>
      %dma_start3A_18 = arith.constant 0 : i32
      %dma_start3A_19 = arith.constant 0 : i32
      %dma_start3A_20 = tpu.memref_slice %arg2[%dma_start3A_18, %dma_start3A_19] : memref<16384x128xf32, #tpu.memory_space<hbm>> -> memref<16384x128xf32, #tpu.memory_space<hbm>>
      tpu.enqueue_indirect_dma source(%dma_start3A_20 : memref<16384x128xf32, #tpu.memory_space<hbm>>) target(%arg6 : memref<128x128xf32, #tpu.memory_space<vmem>>) offsets(%dma_start3A_17 : memref<128xi32, #tpu.memory_space<vmem>>) semaphore(%arg7 : memref<!tpu.dma_semaphore, #tpu.memory_space<semaphore_mem>>)
      %dma_wait3A = arith.constant 0 : i32
      %dma_wait3A_21 = tpu.memref_slice %arg5[%scan3A_8, %dma_wait3A] : memref<80x128xi32, #tpu.memory_space<vmem>> -> memref<1x128xi32, #tpu.memory_space<vmem>>
      %dma_wait3A_22 = tpu.memref_squeeze %dma_wait3A_21 : memref<1x128xi32, #tpu.memory_space<vmem>> -> memref<128xi32, #tpu.memory_space<vmem>>
      %dma_wait3A_23 = arith.constant 0 : i32
      %dma_wait3A_24 = arith.constant 0 : i32
      %dma_wait3A_25 = tpu.memref_slice %arg2[%dma_wait3A_23, %dma_wait3A_24] : memref<16384x128xf32, #tpu.memory_space<hbm>> -> memref<16384x128xf32, #tpu.memory_space<hbm>>
      tpu.wait_indirect_dma semaphore(%arg7 : memref<!tpu.dma_semaphore, #tpu.memory_space<semaphore_mem>>) src(%dma_wait3A_25 : memref<16384x128xf32, #tpu.memory_space<hbm>>) dst(%arg6 : memref<128x128xf32, #tpu.memory_space<vmem>>)
      "tpu.region"() ({
        %run_scoped3A = tpu.sem_alloc : memref<!tpu.dma_semaphore, #tpu.memory_space<semaphore_mem>>
        %dma_start3A_26 = arith.constant 0 : i32
        %dma_start3A_27 = tpu.memref_slice %arg4[%add3A_15, %dma_start3A_26] : memref<327680x128xf32, #tpu.memory_space<hbm>> -> memref<128x128xf32, #tpu.memory_space<hbm>>
        %dma_start3A_28 = arith.constant 0 : i32
        %dma_start3A_29 = tpu.memref_slice %arg4[%add3A_15, %dma_start3A_28] : memref<327680x128xf32, #tpu.memory_space<hbm>> -> memref<128x128xf32, #tpu.memory_space<hbm>>
        tpu.enqueue_dma source(%arg6 : memref<128x128xf32, #tpu.memory_space<vmem>>) target(%dma_start3A_29 : memref<128x128xf32, #tpu.memory_space<hbm>>) target_semaphore(%run_scoped3A : memref<!tpu.dma_semaphore, #tpu.memory_space<semaphore_mem>>)
        %dma_wait3A_30 = arith.constant 0 : i32
        %dma_wait3A_31 = tpu.memref_slice %arg4[%add3A_15, %dma_wait3A_30] : memref<327680x128xf32, #tpu.memory_space<hbm>> -> memref<128x128xf32, #tpu.memory_space<hbm>>
        %dma_wait3A_32 = arith.constant 0 : i32
        %dma_wait3A_33 = tpu.memref_slice %arg4[%add3A_15, %dma_wait3A_32] : memref<327680x128xf32, #tpu.memory_space<hbm>> -> memref<128x128xf32, #tpu.memory_space<hbm>>
        tpu.wait_dma2 semaphore(%run_scoped3A : memref<!tpu.dma_semaphore, #tpu.memory_space<semaphore_mem>>) src(%arg6 : memref<128x128xf32, #tpu.memory_space<vmem>>) dst(%dma_wait3A_33 : memref<128x128xf32, #tpu.memory_space<hbm>>)
        tpu.yield
      }) : () -> ()
    }
    %scan3A_7 = arith.constant 80 : i32
    return
  }
}

#map = affine_map<(d0, d1) -> (0, 0)>
module attributes {stable_mosaic.version = 14 : i64} {
  func.func @_sc_body(%arg0: i32, %arg1: i32, %arg2: memref<16384x128xf32, #tpu.memory_space<hbm>>, %arg3: memref<4096x80xi32, #tpu.memory_space<hbm>>, %arg4: memref<16384x128xf32, #tpu.memory_space<hbm>>, %arg5: memref<16384x128xf32, #tpu.memory_space<hbm>>, %arg6: memref<16384x128xf32, #tpu.memory_space<hbm>>, %arg7: memref<128x80xi32, #tpu.memory_space<vmem>>, %arg8: memref<80x128xf32, #tpu.memory_space<vmem>>, %arg9: memref<80x128xf32, #tpu.memory_space<vmem>>, %arg10: memref<4x128xf32, #tpu.memory_space<vmem>>, %arg11: memref<4x128xf32, #tpu.memory_space<vmem>>, %arg12: memref<4x128xf32, #tpu.memory_space<vmem>>, %arg13: memref<!tpu.dma_semaphore, #tpu.memory_space<semaphore_mem>>, %arg14: memref<!tpu.dma_semaphore, #tpu.memory_space<semaphore_mem>>) attributes {dimension_semantics = [#tpu.dimension_semantics<core_parallel>, #tpu.dimension_semantics<subcore_parallel>], iteration_bounds = array<i64: 2, 16>, scalar_prefetch = 0 : i64, scratch_operands = 8 : i64, tpu.core_type = #tpu.core_type<sc_vector_subcore>, window_params = [{transform_indices = #map}, {transform_indices = #map}, {transform_indices = #map}, {transform_indices = #map}, {transform_indices = #map}]} {
    %mul3A = arith.constant 2 : i32
    %mul3A_0 = arith.muli %arg1, %mul3A : i32
    %add3A = arith.addi %mul3A_0, %arg0 : i32
    %mul3A_1 = arith.constant 128 : i32
    %mul3A_2 = arith.muli %add3A, %mul3A_1 : i32
    "tpu.region"() ({
      %run_scoped3A = tpu.sem_alloc : memref<!tpu.dma_semaphore, #tpu.memory_space<semaphore_mem>>
      %dma_start3A = arith.constant 0 : i32
      %dma_start3A_8 = tpu.memref_slice %arg3[%mul3A_2, %dma_start3A] : memref<4096x80xi32, #tpu.memory_space<hbm>> -> memref<128x80xi32, #tpu.memory_space<hbm>>
      %dma_start3A_9 = arith.constant 0 : i32
      %dma_start3A_10 = tpu.memref_slice %arg3[%mul3A_2, %dma_start3A_9] : memref<4096x80xi32, #tpu.memory_space<hbm>> -> memref<128x80xi32, #tpu.memory_space<hbm>>
      tpu.enqueue_dma source(%dma_start3A_10 : memref<128x80xi32, #tpu.memory_space<hbm>>) target(%arg7 : memref<128x80xi32, #tpu.memory_space<vmem>>) target_semaphore(%run_scoped3A : memref<!tpu.dma_semaphore, #tpu.memory_space<semaphore_mem>>)
      %dma_wait3A = arith.constant 0 : i32
      %dma_wait3A_11 = tpu.memref_slice %arg3[%mul3A_2, %dma_wait3A] : memref<4096x80xi32, #tpu.memory_space<hbm>> -> memref<128x80xi32, #tpu.memory_space<hbm>>
      %dma_wait3A_12 = arith.constant 0 : i32
      %dma_wait3A_13 = tpu.memref_slice %arg3[%mul3A_2, %dma_wait3A_12] : memref<4096x80xi32, #tpu.memory_space<hbm>> -> memref<128x80xi32, #tpu.memory_space<hbm>>
      tpu.wait_dma2 semaphore(%run_scoped3A : memref<!tpu.dma_semaphore, #tpu.memory_space<semaphore_mem>>) src(%dma_wait3A_13 : memref<128x80xi32, #tpu.memory_space<hbm>>) dst(%arg7 : memref<128x80xi32, #tpu.memory_space<vmem>>)
      tpu.yield
    }) : () -> ()
    %scan3A = arith.constant 0 : i32
    %scan3A_3 = arith.constant 0 : i32
    %scan3A_4 = arith.constant 128 : i32
    %scan3A_5 = arith.addi %scan3A_3, %scan3A_4 : i32
    %scan3A_6 = arith.constant 1 : i32
    scf.for %scan3A_8 = %scan3A_3 to %scan3A_5 step %scan3A_6  : i32 {
      %dma_start3A = arith.constant 0 : i32
      %dma_start3A_9 = tpu.memref_slice %arg7[%scan3A_8, %dma_start3A] : memref<128x80xi32, #tpu.memory_space<vmem>> -> memref<1x80xi32, #tpu.memory_space<vmem>>
      %dma_start3A_10 = tpu.memref_squeeze %dma_start3A_9 : memref<1x80xi32, #tpu.memory_space<vmem>> -> memref<80xi32, #tpu.memory_space<vmem>>
      %dma_start3A_11 = arith.constant 0 : i32
      %dma_start3A_12 = arith.constant 0 : i32
      %dma_start3A_13 = tpu.memref_slice %arg2[%dma_start3A_11, %dma_start3A_12] : memref<16384x128xf32, #tpu.memory_space<hbm>> -> memref<16384x128xf32, #tpu.memory_space<hbm>>
      tpu.enqueue_indirect_dma source(%dma_start3A_13 : memref<16384x128xf32, #tpu.memory_space<hbm>>) target(%arg8 : memref<80x128xf32, #tpu.memory_space<vmem>>) offsets(%dma_start3A_10 : memref<80xi32, #tpu.memory_space<vmem>>) semaphore(%arg13 : memref<!tpu.dma_semaphore, #tpu.memory_space<semaphore_mem>>)
      %dma_wait3A = arith.constant 0 : i32
      %dma_wait3A_14 = tpu.memref_slice %arg7[%scan3A_8, %dma_wait3A] : memref<128x80xi32, #tpu.memory_space<vmem>> -> memref<1x80xi32, #tpu.memory_space<vmem>>
      %dma_wait3A_15 = tpu.memref_squeeze %dma_wait3A_14 : memref<1x80xi32, #tpu.memory_space<vmem>> -> memref<80xi32, #tpu.memory_space<vmem>>
      %dma_wait3A_16 = arith.constant 0 : i32
      %dma_wait3A_17 = arith.constant 0 : i32
      %dma_wait3A_18 = tpu.memref_slice %arg2[%dma_wait3A_16, %dma_wait3A_17] : memref<16384x128xf32, #tpu.memory_space<hbm>> -> memref<16384x128xf32, #tpu.memory_space<hbm>>
      tpu.wait_indirect_dma semaphore(%arg13 : memref<!tpu.dma_semaphore, #tpu.memory_space<semaphore_mem>>) src(%dma_wait3A_18 : memref<16384x128xf32, #tpu.memory_space<hbm>>) dst(%arg8 : memref<80x128xf32, #tpu.memory_space<vmem>>)
      %mul3A_19 = arith.constant 512 : i32
      %mul3A_20 = arith.muli %add3A, %mul3A_19 : i32
      %mul3A_21 = arith.constant 4 : i32
      %mul3A_22 = arith.muli %scan3A_8, %mul3A_21 : i32
      %add3A_23 = arith.addi %mul3A_20, %mul3A_22 : i32
      %get3A = arith.constant 0 : i32
      %get3A_24 = arith.index_cast %get3A : i32 to index
      %get3A_25 = arith.constant 0 : index
      %get3A_26 = tpu.vector_load %arg8[%get3A_24, %get3A_25] {strides = array<i32>} : memref<80x128xf32, #tpu.memory_space<vmem>>, vector<1x16xf32>,
      %get3A_27 = vector.shape_cast %get3A_26 : vector<1x16xf32> to vector<16xf32>
      %mul3A_28 = arith.mulf %get3A_27, %get3A_27 : vector<16xf32>
      %scan3A_29 = arith.constant 1 : i32
      %scan3A_30 = arith.constant 19 : i32
      %scan3A_31 = arith.addi %scan3A_29, %scan3A_30 : i32
      %scan3A_32 = arith.constant 1 : i32
      %scan3A_33:3 = scf.for %scan3A_982 = %scan3A_29 to %scan3A_31 step %scan3A_32 iter_args(%scan3A_983 = %get3A_27, %scan3A_984 = %get3A_27, %scan3A_985 = %mul3A_28) -> (vector<16xf32>, vector<16xf32>, vector<16xf32>)  : i32 {
        %add3A_986 = arith.constant 0 : i32
        %add3A_987 = arith.addi %add3A_986, %scan3A_982 : i32
        %get3A_988 = arith.index_cast %add3A_987 : i32 to index
        %get3A_989 = arith.constant 0 : index
        %get3A_990 = tpu.vector_load %arg8[%get3A_988, %get3A_989] {strides = array<i32>} : memref<80x128xf32, #tpu.memory_space<vmem>>, vector<1x16xf32>,
        %get3A_991 = vector.shape_cast %get3A_990 : vector<1x16xf32> to vector<16xf32>
        %max3A = arith.maximumf %scan3A_983, %get3A_991 : vector<16xf32>
        %add3A_992 = arith.addf %scan3A_984, %get3A_991 : vector<16xf32>
        %mul3A_993 = arith.mulf %get3A_991, %get3A_991 : vector<16xf32>
        %add3A_994 = arith.addf %scan3A_985, %mul3A_993 : vector<16xf32>
        scf.yield %max3A, %add3A_992, %add3A_994 : vector<16xf32>, vector<16xf32>, vector<16xf32>
      }
      %scan3A_34 = arith.constant 19 : i32
      %swap3A = arith.constant 0 : i32
      %swap3A_35 = arith.index_cast %swap3A : i32 to index
      %swap3A_36 = arith.constant 0 : index
      %swap3A_37 = tpu.vector_load %arg10[%swap3A_35, %swap3A_36] {strides = array<i32>} : memref<4x128xf32, #tpu.memory_space<vmem>>, vector<1x16xf32>,
      %swap3A_38 = vector.shape_cast %swap3A_37 : vector<1x16xf32> to vector<16xf32>
      %swap3A_39 = vector.shape_cast %scan3A_33#0 : vector<16xf32> to vector<1x16xf32>
      tpu.vector_store %arg10[%swap3A_35, %swap3A_36], %swap3A_39 {strides = array<i32>} : memref<4x128xf32, #tpu.memory_space<vmem>>, vector<1x16xf32>,
      %swap3A_40 = arith.constant 0 : i32
      %swap3A_41 = arith.index_cast %swap3A_40 : i32 to index
      %swap3A_42 = arith.constant 0 : index
      %swap3A_43 = tpu.vector_load %arg11[%swap3A_41, %swap3A_42] {strides = array<i32>} : memref<4x128xf32, #tpu.memory_space<vmem>>, vector<1x16xf32>,
      %swap3A_44 = vector.shape_cast %swap3A_43 : vector<1x16xf32> to vector<16xf32>
      %swap3A_45 = vector.shape_cast %scan3A_33#1 : vector<16xf32> to vector<1x16xf32>
      tpu.vector_store %arg11[%swap3A_41, %swap3A_42], %swap3A_45 {strides = array<i32>} : memref<4x128xf32, #tpu.memory_space<vmem>>, vector<1x16xf32>,
      %swap3A_46 = arith.constant 0 : i32
      %swap3A_47 = arith.index_cast %swap3A_46 : i32 to index
      %swap3A_48 = arith.constant 0 : index
      %swap3A_49 = tpu.vector_load %arg12[%swap3A_47, %swap3A_48] {strides = array<i32>} : memref<4x128xf32, #tpu.memory_space<vmem>>, vector<1x16xf32>,
      %swap3A_50 = vector.shape_cast %swap3A_49 : vector<1x16xf32> to vector<16xf32>
      %swap3A_51 = vector.shape_cast %scan3A_33#2 : vector<16xf32> to vector<1x16xf32>
      tpu.vector_store %arg12[%swap3A_47, %swap3A_48], %swap3A_51 {strides = array<i32>} : memref<4x128xf32, #tpu.memory_space<vmem>>, vector<1x16xf32>,
      %get3A_52 = arith.constant 0 : i32
      %get3A_53 = arith.index_cast %get3A_52 : i32 to index
      %get3A_54 = arith.constant 16 : index
      %get3A_55 = tpu.vector_load %arg8[%get3A_53, %get3A_54] {strides = array<i32>} : memref<80x128xf32, #tpu.memory_space<vmem>>, vector<1x16xf32>,
      %get3A_56 = vector.shape_cast %get3A_55 : vector<1x16xf32> to vector<16xf32>
      %mul3A_57 = arith.mulf %get3A_56, %get3A_56 : vector<16xf32>
      %scan3A_58 = arith.constant 1 : i32
      %scan3A_59 = arith.constant 19 : i32
      %scan3A_60 = arith.addi %scan3A_58, %scan3A_59 : i32
      %scan3A_61 = arith.constant 1 : i32
      %scan3A_62:3 = scf.for %scan3A_982 = %scan3A_58 to %scan3A_60 step %scan3A_61 iter_args(%scan3A_983 = %get3A_56, %scan3A_984 = %get3A_56, %scan3A_985 = %mul3A_57) -> (vector<16xf32>, vector<16xf32>, vector<16xf32>)  : i32 {
        %add3A_986 = arith.constant 0 : i32
        %add3A_987 = arith.addi %add3A_986, %scan3A_982 : i32
        %get3A_988 = arith.index_cast %add3A_987 : i32 to index
        %get3A_989 = arith.constant 16 : index
        %get3A_990 = tpu.vector_load %arg8[%get3A_988, %get3A_989] {strides = array<i32>} : memref<80x128xf32, #tpu.memory_space<vmem>>, vector<1x16xf32>,
        %get3A_991 = vector.shape_cast %get3A_990 : vector<1x16xf32> to vector<16xf32>
        %max3A = arith.maximumf %scan3A_983, %get3A_991 : vector<16xf32>
        %add3A_992 = arith.addf %scan3A_984, %get3A_991 : vector<16xf32>
        %mul3A_993 = arith.mulf %get3A_991, %get3A_991 : vector<16xf32>
        %add3A_994 = arith.addf %scan3A_985, %mul3A_993 : vector<16xf32>
        scf.yield %max3A, %add3A_992, %add3A_994 : vector<16xf32>, vector<16xf32>, vector<16xf32>
      }
      %scan3A_63 = arith.constant 19 : i32
      %swap3A_64 = arith.constant 0 : i32
      %swap3A_65 = arith.index_cast %swap3A_64 : i32 to index
      %swap3A_66 = arith.constant 16 : index
      %swap3A_67 = tpu.vector_load %arg10[%swap3A_65, %swap3A_66] {strides = array<i32>} : memref<4x128xf32, #tpu.memory_space<vmem>>, vector<1x16xf32>,
      %swap3A_68 = vector.shape_cast %swap3A_67 : vector<1x16xf32> to vector<16xf32>
      %swap3A_69 = vector.shape_cast %scan3A_62#0 : vector<16xf32> to vector<1x16xf32>
      tpu.vector_store %arg10[%swap3A_65, %swap3A_66], %swap3A_69 {strides = array<i32>} : memref<4x128xf32, #tpu.memory_space<vmem>>, vector<1x16xf32>,
      %swap3A_70 = arith.constant 0 : i32
      %swap3A_71 = arith.index_cast %swap3A_70 : i32 to index
      %swap3A_72 = arith.constant 16 : index
      %swap3A_73 = tpu.vector_load %arg11[%swap3A_71, %swap3A_72] {strides = array<i32>} : memref<4x128xf32, #tpu.memory_space<vmem>>, vector<1x16xf32>,
      %swap3A_74 = vector.shape_cast %swap3A_73 : vector<1x16xf32> to vector<16xf32>
      %swap3A_75 = vector.shape_cast %scan3A_62#1 : vector<16xf32> to vector<1x16xf32>
      tpu.vector_store %arg11[%swap3A_71, %swap3A_72], %swap3A_75 {strides = array<i32>} : memref<4x128xf32, #tpu.memory_space<vmem>>, vector<1x16xf32>,
      %swap3A_76 = arith.constant 0 : i32
      %swap3A_77 = arith.index_cast %swap3A_76 : i32 to index
      %swap3A_78 = arith.constant 16 : index
      %swap3A_79 = tpu.vector_load %arg12[%swap3A_77, %swap3A_78] {strides = array<i32>} : memref<4x128xf32, #tpu.memory_space<vmem>>, vector<1x16xf32>,
      %swap3A_80 = vector.shape_cast %swap3A_79 : vector<1x16xf32> to vector<16xf32>
      %swap3A_81 = vector.shape_cast %scan3A_62#2 : vector<16xf32> to vector<1x16xf32>
      tpu.vector_store %arg12[%swap3A_77, %swap3A_78], %swap3A_81 {strides = array<i32>} : memref<4x128xf32, #tpu.memory_space<vmem>>, vector<1x16xf32>,
      %get3A_82 = arith.constant 0 : i32
      %get3A_83 = arith.index_cast %get3A_82 : i32 to index
      %get3A_84 = arith.constant 32 : index
      %get3A_85 = tpu.vector_load %arg8[%get3A_83, %get3A_84] {strides = array<i32>} : memref<80x128xf32, #tpu.memory_space<vmem>>, vector<1x16xf32>,
      %get3A_86 = vector.shape_cast %get3A_85 : vector<1x16xf32> to vector<16xf32>
      %mul3A_87 = arith.mulf %get3A_86, %get3A_86 : vector<16xf32>
      %scan3A_88 = arith.constant 1 : i32
      %scan3A_89 = arith.constant 19 : i32
      %scan3A_90 = arith.addi %scan3A_88, %scan3A_89 : i32
      %scan3A_91 = arith.constant 1 : i32
      %scan3A_92:3 = scf.for %scan3A_982 = %scan3A_88 to %scan3A_90 step %scan3A_91 iter_args(%scan3A_983 = %get3A_86, %scan3A_984 = %get3A_86, %scan3A_985 = %mul3A_87) -> (vector<16xf32>, vector<16xf32>, vector<16xf32>)  : i32 {
        %add3A_986 = arith.constant 0 : i32
        %add3A_987 = arith.addi %add3A_986, %scan3A_982 : i32
        %get3A_988 = arith.index_cast %add3A_987 : i32 to index
        %get3A_989 = arith.constant 32 : index
        %get3A_990 = tpu.vector_load %arg8[%get3A_988, %get3A_989] {strides = array<i32>} : memref<80x128xf32, #tpu.memory_space<vmem>>, vector<1x16xf32>,
        %get3A_991 = vector.shape_cast %get3A_990 : vector<1x16xf32> to vector<16xf32>
        %max3A = arith.maximumf %scan3A_983, %get3A_991 : vector<16xf32>
        %add3A_992 = arith.addf %scan3A_984, %get3A_991 : vector<16xf32>
        %mul3A_993 = arith.mulf %get3A_991, %get3A_991 : vector<16xf32>
        %add3A_994 = arith.addf %scan3A_985, %mul3A_993 : vector<16xf32>
        scf.yield %max3A, %add3A_992, %add3A_994 : vector<16xf32>, vector<16xf32>, vector<16xf32>
      }
      %scan3A_93 = arith.constant 19 : i32
      %swap3A_94 = arith.constant 0 : i32
      %swap3A_95 = arith.index_cast %swap3A_94 : i32 to index
      %swap3A_96 = arith.constant 32 : index
      %swap3A_97 = tpu.vector_load %arg10[%swap3A_95, %swap3A_96] {strides = array<i32>} : memref<4x128xf32, #tpu.memory_space<vmem>>, vector<1x16xf32>,
      %swap3A_98 = vector.shape_cast %swap3A_97 : vector<1x16xf32> to vector<16xf32>
      %swap3A_99 = vector.shape_cast %scan3A_92#0 : vector<16xf32> to vector<1x16xf32>
      tpu.vector_store %arg10[%swap3A_95, %swap3A_96], %swap3A_99 {strides = array<i32>} : memref<4x128xf32, #tpu.memory_space<vmem>>, vector<1x16xf32>,
      %swap3A_100 = arith.constant 0 : i32
      %swap3A_101 = arith.index_cast %swap3A_100 : i32 to index
      %swap3A_102 = arith.constant 32 : index
      %swap3A_103 = tpu.vector_load %arg11[%swap3A_101, %swap3A_102] {strides = array<i32>} : memref<4x128xf32, #tpu.memory_space<vmem>>, vector<1x16xf32>,
      %swap3A_104 = vector.shape_cast %swap3A_103 : vector<1x16xf32> to vector<16xf32>
      %swap3A_105 = vector.shape_cast %scan3A_92#1 : vector<16xf32> to vector<1x16xf32>
      tpu.vector_store %arg11[%swap3A_101, %swap3A_102], %swap3A_105 {strides = array<i32>} : memref<4x128xf32, #tpu.memory_space<vmem>>, vector<1x16xf32>,
      %swap3A_106 = arith.constant 0 : i32
      %swap3A_107 = arith.index_cast %swap3A_106 : i32 to index
      %swap3A_108 = arith.constant 32 : index
      %swap3A_109 = tpu.vector_load %arg12[%swap3A_107, %swap3A_108] {strides = array<i32>} : memref<4x128xf32, #tpu.memory_space<vmem>>, vector<1x16xf32>,
      %swap3A_110 = vector.shape_cast %swap3A_109 : vector<1x16xf32> to vector<16xf32>
      %swap3A_111 = vector.shape_cast %scan3A_92#2 : vector<16xf32> to vector<1x16xf32>
      tpu.vector_store %arg12[%swap3A_107, %swap3A_108], %swap3A_111 {strides = array<i32>} : memref<4x128xf32, #tpu.memory_space<vmem>>, vector<1x16xf32>,
      %get3A_112 = arith.constant 0 : i32
      %get3A_113 = arith.index_cast %get3A_112 : i32 to index
      %get3A_114 = arith.constant 48 : index
      %get3A_115 = tpu.vector_load %arg8[%get3A_113, %get3A_114] {strides = array<i32>} : memref<80x128xf32, #tpu.memory_space<vmem>>, vector<1x16xf32>,
      %get3A_116 = vector.shape_cast %get3A_115 : vector<1x16xf32> to vector<16xf32>
      %mul3A_117 = arith.mulf %get3A_116, %get3A_116 : vector<16xf32>
      %scan3A_118 = arith.constant 1 : i32
      %scan3A_119 = arith.constant 19 : i32
      %scan3A_120 = arith.addi %scan3A_118, %scan3A_119 : i32
      %scan3A_121 = arith.constant 1 : i32
      %scan3A_122:3 = scf.for %scan3A_982 = %scan3A_118 to %scan3A_120 step %scan3A_121 iter_args(%scan3A_983 = %get3A_116, %scan3A_984 = %get3A_116, %scan3A_985 = %mul3A_117) -> (vector<16xf32>, vector<16xf32>, vector<16xf32>)  : i32 {
        %add3A_986 = arith.constant 0 : i32
        %add3A_987 = arith.addi %add3A_986, %scan3A_982 : i32
        %get3A_988 = arith.index_cast %add3A_987 : i32 to index
        %get3A_989 = arith.constant 48 : index
        %get3A_990 = tpu.vector_load %arg8[%get3A_988, %get3A_989] {strides = array<i32>} : memref<80x128xf32, #tpu.memory_space<vmem>>, vector<1x16xf32>,
        %get3A_991 = vector.shape_cast %get3A_990 : vector<1x16xf32> to vector<16xf32>
        %max3A = arith.maximumf %scan3A_983, %get3A_991 : vector<16xf32>
        %add3A_992 = arith.addf %scan3A_984, %get3A_991 : vector<16xf32>
        %mul3A_993 = arith.mulf %get3A_991, %get3A_991 : vector<16xf32>
        %add3A_994 = arith.addf %scan3A_985, %mul3A_993 : vector<16xf32>
        scf.yield %max3A, %add3A_992, %add3A_994 : vector<16xf32>, vector<16xf32>, vector<16xf32>
      }
      %scan3A_123 = arith.constant 19 : i32
      %swap3A_124 = arith.constant 0 : i32
      %swap3A_125 = arith.index_cast %swap3A_124 : i32 to index
      %swap3A_126 = arith.constant 48 : index
      %swap3A_127 = tpu.vector_load %arg10[%swap3A_125, %swap3A_126] {strides = array<i32>} : memref<4x128xf32, #tpu.memory_space<vmem>>, vector<1x16xf32>,
      %swap3A_128 = vector.shape_cast %swap3A_127 : vector<1x16xf32> to vector<16xf32>
      %swap3A_129 = vector.shape_cast %scan3A_122#0 : vector<16xf32> to vector<1x16xf32>
      tpu.vector_store %arg10[%swap3A_125, %swap3A_126], %swap3A_129 {strides = array<i32>} : memref<4x128xf32, #tpu.memory_space<vmem>>, vector<1x16xf32>,
      %swap3A_130 = arith.constant 0 : i32
      %swap3A_131 = arith.index_cast %swap3A_130 : i32 to index
      %swap3A_132 = arith.constant 48 : index
      %swap3A_133 = tpu.vector_load %arg11[%swap3A_131, %swap3A_132] {strides = array<i32>} : memref<4x128xf32, #tpu.memory_space<vmem>>, vector<1x16xf32>,
      %swap3A_134 = vector.shape_cast %swap3A_133 : vector<1x16xf32> to vector<16xf32>
      %swap3A_135 = vector.shape_cast %scan3A_122#1 : vector<16xf32> to vector<1x16xf32>
      tpu.vector_store %arg11[%swap3A_131, %swap3A_132], %swap3A_135 {strides = array<i32>} : memref<4x128xf32, #tpu.memory_space<vmem>>, vector<1x16xf32>,
      %swap3A_136 = arith.constant 0 : i32
      %swap3A_137 = arith.index_cast %swap3A_136 : i32 to index
      %swap3A_138 = arith.constant 48 : index
      %swap3A_139 = tpu.vector_load %arg12[%swap3A_137, %swap3A_138] {strides = array<i32>} : memref<4x128xf32, #tpu.memory_space<vmem>>, vector<1x16xf32>,
      %swap3A_140 = vector.shape_cast %swap3A_139 : vector<1x16xf32> to vector<16xf32>
      %swap3A_141 = vector.shape_cast %scan3A_122#2 : vector<16xf32> to vector<1x16xf32>
      tpu.vector_store %arg12[%swap3A_137, %swap3A_138], %swap3A_141 {strides = array<i32>} : memref<4x128xf32, #tpu.memory_space<vmem>>, vector<1x16xf32>,
      %get3A_142 = arith.constant 0 : i32
      %get3A_143 = arith.index_cast %get3A_142 : i32 to index
      %get3A_144 = arith.constant 64 : index
      %get3A_145 = tpu.vector_load %arg8[%get3A_143, %get3A_144] {strides = array<i32>} : memref<80x128xf32, #tpu.memory_space<vmem>>, vector<1x16xf32>,
      %get3A_146 = vector.shape_cast %get3A_145 : vector<1x16xf32> to vector<16xf32>
      %mul3A_147 = arith.mulf %get3A_146, %get3A_146 : vector<16xf32>
      %scan3A_148 = arith.constant 1 : i32
      %scan3A_149 = arith.constant 19 : i32
      %scan3A_150 = arith.addi %scan3A_148, %scan3A_149 : i32
      %scan3A_151 = arith.constant 1 : i32
      %scan3A_152:3 = scf.for %scan3A_982 = %scan3A_148 to %scan3A_150 step %scan3A_151 iter_args(%scan3A_983 = %get3A_146, %scan3A_984 = %get3A_146, %scan3A_985 = %mul3A_147) -> (vector<16xf32>, vector<16xf32>, vector<16xf32>)  : i32 {
        %add3A_986 = arith.constant 0 : i32
        %add3A_987 = arith.addi %add3A_986, %scan3A_982 : i32
        %get3A_988 = arith.index_cast %add3A_987 : i32 to index
        %get3A_989 = arith.constant 64 : index
        %get3A_990 = tpu.vector_load %arg8[%get3A_988, %get3A_989] {strides = array<i32>} : memref<80x128xf32, #tpu.memory_space<vmem>>, vector<1x16xf32>,
        %get3A_991 = vector.shape_cast %get3A_990 : vector<1x16xf32> to vector<16xf32>
        %max3A = arith.maximumf %scan3A_983, %get3A_991 : vector<16xf32>
        %add3A_992 = arith.addf %scan3A_984, %get3A_991 : vector<16xf32>
        %mul3A_993 = arith.mulf %get3A_991, %get3A_991 : vector<16xf32>
        %add3A_994 = arith.addf %scan3A_985, %mul3A_993 : vector<16xf32>
        scf.yield %max3A, %add3A_992, %add3A_994 : vector<16xf32>, vector<16xf32>, vector<16xf32>
      }
      %scan3A_153 = arith.constant 19 : i32
      %swap3A_154 = arith.constant 0 : i32
      %swap3A_155 = arith.index_cast %swap3A_154 : i32 to index
      %swap3A_156 = arith.constant 64 : index
      %swap3A_157 = tpu.vector_load %arg10[%swap3A_155, %swap3A_156] {strides = array<i32>} : memref<4x128xf32, #tpu.memory_space<vmem>>, vector<1x16xf32>,
      %swap3A_158 = vector.shape_cast %swap3A_157 : vector<1x16xf32> to vector<16xf32>
      %swap3A_159 = vector.shape_cast %scan3A_152#0 : vector<16xf32> to vector<1x16xf32>
      tpu.vector_store %arg10[%swap3A_155, %swap3A_156], %swap3A_159 {strides = array<i32>} : memref<4x128xf32, #tpu.memory_space<vmem>>, vector<1x16xf32>,
      %swap3A_160 = arith.constant 0 : i32
      %swap3A_161 = arith.index_cast %swap3A_160 : i32 to index
      %swap3A_162 = arith.constant 64 : index
      %swap3A_163 = tpu.vector_load %arg11[%swap3A_161, %swap3A_162] {strides = array<i32>} : memref<4x128xf32, #tpu.memory_space<vmem>>, vector<1x16xf32>,
      %swap3A_164 = vector.shape_cast %swap3A_163 : vector<1x16xf32> to vector<16xf32>
      %swap3A_165 = vector.shape_cast %scan3A_152#1 : vector<16xf32> to vector<1x16xf32>
      tpu.vector_store %arg11[%swap3A_161, %swap3A_162], %swap3A_165 {strides = array<i32>} : memref<4x128xf32, #tpu.memory_space<vmem>>, vector<1x16xf32>,
      %swap3A_166 = arith.constant 0 : i32
      %swap3A_167 = arith.index_cast %swap3A_166 : i32 to index
      %swap3A_168 = arith.constant 64 : index
      %swap3A_169 = tpu.vector_load %arg12[%swap3A_167, %swap3A_168] {strides = array<i32>} : memref<4x128xf32, #tpu.memory_space<vmem>>, vector<1x16xf32>,
      %swap3A_170 = vector.shape_cast %swap3A_169 : vector<1x16xf32> to vector<16xf32>
      %swap3A_171 = vector.shape_cast %scan3A_152#2 : vector<16xf32> to vector<1x16xf32>
      tpu.vector_store %arg12[%swap3A_167, %swap3A_168], %swap3A_171 {strides = array<i32>} : memref<4x128xf32, #tpu.memory_space<vmem>>, vector<1x16xf32>,
      %get3A_172 = arith.constant 0 : i32
      %get3A_173 = arith.index_cast %get3A_172 : i32 to index
      %get3A_174 = arith.constant 80 : index
      %get3A_175 = tpu.vector_load %arg8[%get3A_173, %get3A_174] {strides = array<i32>} : memref<80x128xf32, #tpu.memory_space<vmem>>, vector<1x16xf32>,
      %get3A_176 = vector.shape_cast %get3A_175 : vector<1x16xf32> to vector<16xf32>
      %mul3A_177 = arith.mulf %get3A_176, %get3A_176 : vector<16xf32>
      %scan3A_178 = arith.constant 1 : i32
      %scan3A_179 = arith.constant 19 : i32
      %scan3A_180 = arith.addi %scan3A_178, %scan3A_179 : i32
      %scan3A_181 = arith.constant 1 : i32
      %scan3A_182:3 = scf.for %scan3A_982 = %scan3A_178 to %scan3A_180 step %scan3A_181 iter_args(%scan3A_983 = %get3A_176, %scan3A_984 = %get3A_176, %scan3A_985 = %mul3A_177) -> (vector<16xf32>, vector<16xf32>, vector<16xf32>)  : i32 {
        %add3A_986 = arith.constant 0 : i32
        %add3A_987 = arith.addi %add3A_986, %scan3A_982 : i32
        %get3A_988 = arith.index_cast %add3A_987 : i32 to index
        %get3A_989 = arith.constant 80 : index
        %get3A_990 = tpu.vector_load %arg8[%get3A_988, %get3A_989] {strides = array<i32>} : memref<80x128xf32, #tpu.memory_space<vmem>>, vector<1x16xf32>,
        %get3A_991 = vector.shape_cast %get3A_990 : vector<1x16xf32> to vector<16xf32>
        %max3A = arith.maximumf %scan3A_983, %get3A_991 : vector<16xf32>
        %add3A_992 = arith.addf %scan3A_984, %get3A_991 : vector<16xf32>
        %mul3A_993 = arith.mulf %get3A_991, %get3A_991 : vector<16xf32>
        %add3A_994 = arith.addf %scan3A_985, %mul3A_993 : vector<16xf32>
        scf.yield %max3A, %add3A_992, %add3A_994 : vector<16xf32>, vector<16xf32>, vector<16xf32>
      }
      %scan3A_183 = arith.constant 19 : i32
      %swap3A_184 = arith.constant 0 : i32
      %swap3A_185 = arith.index_cast %swap3A_184 : i32 to index
      %swap3A_186 = arith.constant 80 : index
      %swap3A_187 = tpu.vector_load %arg10[%swap3A_185, %swap3A_186] {strides = array<i32>} : memref<4x128xf32, #tpu.memory_space<vmem>>, vector<1x16xf32>,
      %swap3A_188 = vector.shape_cast %swap3A_187 : vector<1x16xf32> to vector<16xf32>
      %swap3A_189 = vector.shape_cast %scan3A_182#0 : vector<16xf32> to vector<1x16xf32>
      tpu.vector_store %arg10[%swap3A_185, %swap3A_186], %swap3A_189 {strides = array<i32>} : memref<4x128xf32, #tpu.memory_space<vmem>>, vector<1x16xf32>,
      %swap3A_190 = arith.constant 0 : i32
      %swap3A_191 = arith.index_cast %swap3A_190 : i32 to index
      %swap3A_192 = arith.constant 80 : index
      %swap3A_193 = tpu.vector_load %arg11[%swap3A_191, %swap3A_192] {strides = array<i32>} : memref<4x128xf32, #tpu.memory_space<vmem>>, vector<1x16xf32>,
      %swap3A_194 = vector.shape_cast %swap3A_193 : vector<1x16xf32> to vector<16xf32>
      %swap3A_195 = vector.shape_cast %scan3A_182#1 : vector<16xf32> to vector<1x16xf32>
      tpu.vector_store %arg11[%swap3A_191, %swap3A_192], %swap3A_195 {strides = array<i32>} : memref<4x128xf32, #tpu.memory_space<vmem>>, vector<1x16xf32>,
      %swap3A_196 = arith.constant 0 : i32
      %swap3A_197 = arith.index_cast %swap3A_196 : i32 to index
      %swap3A_198 = arith.constant 80 : index
      %swap3A_199 = tpu.vector_load %arg12[%swap3A_197, %swap3A_198] {strides = array<i32>} : memref<4x128xf32, #tpu.memory_space<vmem>>, vector<1x16xf32>,
      %swap3A_200 = vector.shape_cast %swap3A_199 : vector<1x16xf32> to vector<16xf32>
      %swap3A_201 = vector.shape_cast %scan3A_182#2 : vector<16xf32> to vector<1x16xf32>
      tpu.vector_store %arg12[%swap3A_197, %swap3A_198], %swap3A_201 {strides = array<i32>} : memref<4x128xf32, #tpu.memory_space<vmem>>, vector<1x16xf32>,
      %get3A_202 = arith.constant 0 : i32
      %get3A_203 = arith.index_cast %get3A_202 : i32 to index
      %get3A_204 = arith.constant 96 : index
      %get3A_205 = tpu.vector_load %arg8[%get3A_203, %get3A_204] {strides = array<i32>} : memref<80x128xf32, #tpu.memory_space<vmem>>, vector<1x16xf32>,
      %get3A_206 = vector.shape_cast %get3A_205 : vector<1x16xf32> to vector<16xf32>
      %mul3A_207 = arith.mulf %get3A_206, %get3A_206 : vector<16xf32>
      %scan3A_208 = arith.constant 1 : i32
      %scan3A_209 = arith.constant 19 : i32
      %scan3A_210 = arith.addi %scan3A_208, %scan3A_209 : i32
      %scan3A_211 = arith.constant 1 : i32
      %scan3A_212:3 = scf.for %scan3A_982 = %scan3A_208 to %scan3A_210 step %scan3A_211 iter_args(%scan3A_983 = %get3A_206, %scan3A_984 = %get3A_206, %scan3A_985 = %mul3A_207) -> (vector<16xf32>, vector<16xf32>, vector<16xf32>)  : i32 {
        %add3A_986 = arith.constant 0 : i32
        %add3A_987 = arith.addi %add3A_986, %scan3A_982 : i32
        %get3A_988 = arith.index_cast %add3A_987 : i32 to index
        %get3A_989 = arith.constant 96 : index
        %get3A_990 = tpu.vector_load %arg8[%get3A_988, %get3A_989] {strides = array<i32>} : memref<80x128xf32, #tpu.memory_space<vmem>>, vector<1x16xf32>,
        %get3A_991 = vector.shape_cast %get3A_990 : vector<1x16xf32> to vector<16xf32>
        %max3A = arith.maximumf %scan3A_983, %get3A_991 : vector<16xf32>
        %add3A_992 = arith.addf %scan3A_984, %get3A_991 : vector<16xf32>
        %mul3A_993 = arith.mulf %get3A_991, %get3A_991 : vector<16xf32>
        %add3A_994 = arith.addf %scan3A_985, %mul3A_993 : vector<16xf32>
        scf.yield %max3A, %add3A_992, %add3A_994 : vector<16xf32>, vector<16xf32>, vector<16xf32>
      }
      %scan3A_213 = arith.constant 19 : i32
      %swap3A_214 = arith.constant 0 : i32
      %swap3A_215 = arith.index_cast %swap3A_214 : i32 to index
      %swap3A_216 = arith.constant 96 : index
      %swap3A_217 = tpu.vector_load %arg10[%swap3A_215, %swap3A_216] {strides = array<i32>} : memref<4x128xf32, #tpu.memory_space<vmem>>, vector<1x16xf32>,
      %swap3A_218 = vector.shape_cast %swap3A_217 : vector<1x16xf32> to vector<16xf32>
      %swap3A_219 = vector.shape_cast %scan3A_212#0 : vector<16xf32> to vector<1x16xf32>
      tpu.vector_store %arg10[%swap3A_215, %swap3A_216], %swap3A_219 {strides = array<i32>} : memref<4x128xf32, #tpu.memory_space<vmem>>, vector<1x16xf32>,
      %swap3A_220 = arith.constant 0 : i32
      %swap3A_221 = arith.index_cast %swap3A_220 : i32 to index
      %swap3A_222 = arith.constant 96 : index
      %swap3A_223 = tpu.vector_load %arg11[%swap3A_221, %swap3A_222] {strides = array<i32>} : memref<4x128xf32, #tpu.memory_space<vmem>>, vector<1x16xf32>,
      %swap3A_224 = vector.shape_cast %swap3A_223 : vector<1x16xf32> to vector<16xf32>
      %swap3A_225 = vector.shape_cast %scan3A_212#1 : vector<16xf32> to vector<1x16xf32>
      tpu.vector_store %arg11[%swap3A_221, %swap3A_222], %swap3A_225 {strides = array<i32>} : memref<4x128xf32, #tpu.memory_space<vmem>>, vector<1x16xf32>,
      %swap3A_226 = arith.constant 0 : i32
      %swap3A_227 = arith.index_cast %swap3A_226 : i32 to index
      %swap3A_228 = arith.constant 96 : index
      %swap3A_229 = tpu.vector_load %arg12[%swap3A_227, %swap3A_228] {strides = array<i32>} : memref<4x128xf32, #tpu.memory_space<vmem>>, vector<1x16xf32>,
      %swap3A_230 = vector.shape_cast %swap3A_229 : vector<1x16xf32> to vector<16xf32>
      %swap3A_231 = vector.shape_cast %scan3A_212#2 : vector<16xf32> to vector<1x16xf32>
      tpu.vector_store %arg12[%swap3A_227, %swap3A_228], %swap3A_231 {strides = array<i32>} : memref<4x128xf32, #tpu.memory_space<vmem>>, vector<1x16xf32>,
      %get3A_232 = arith.constant 0 : i32
      %get3A_233 = arith.index_cast %get3A_232 : i32 to index
      %get3A_234 = arith.constant 112 : index
      %get3A_235 = tpu.vector_load %arg8[%get3A_233, %get3A_234] {strides = array<i32>} : memref<80x128xf32, #tpu.memory_space<vmem>>, vector<1x16xf32>,
      %get3A_236 = vector.shape_cast %get3A_235 : vector<1x16xf32> to vector<16xf32>
      %mul3A_237 = arith.mulf %get3A_236, %get3A_236 : vector<16xf32>
      %scan3A_238 = arith.constant 1 : i32
      %scan3A_239 = arith.constant 19 : i32
      %scan3A_240 = arith.addi %scan3A_238, %scan3A_239 : i32
      %scan3A_241 = arith.constant 1 : i32
      %scan3A_242:3 = scf.for %scan3A_982 = %scan3A_238 to %scan3A_240 step %scan3A_241 iter_args(%scan3A_983 = %get3A_236, %scan3A_984 = %get3A_236, %scan3A_985 = %mul3A_237) -> (vector<16xf32>, vector<16xf32>, vector<16xf32>)  : i32 {
        %add3A_986 = arith.constant 0 : i32
        %add3A_987 = arith.addi %add3A_986, %scan3A_982 : i32
        %get3A_988 = arith.index_cast %add3A_987 : i32 to index
        %get3A_989 = arith.constant 112 : index
        %get3A_990 = tpu.vector_load %arg8[%get3A_988, %get3A_989] {strides = array<i32>} : memref<80x128xf32, #tpu.memory_space<vmem>>, vector<1x16xf32>,
        %get3A_991 = vector.shape_cast %get3A_990 : vector<1x16xf32> to vector<16xf32>
        %max3A = arith.maximumf %scan3A_983, %get3A_991 : vector<16xf32>
        %add3A_992 = arith.addf %scan3A_984, %get3A_991 : vector<16xf32>
        %mul3A_993 = arith.mulf %get3A_991, %get3A_991 : vector<16xf32>
        %add3A_994 = arith.addf %scan3A_985, %mul3A_993 : vector<16xf32>
        scf.yield %max3A, %add3A_992, %add3A_994 : vector<16xf32>, vector<16xf32>, vector<16xf32>
      }
      %scan3A_243 = arith.constant 19 : i32
      %swap3A_244 = arith.constant 0 : i32
      %swap3A_245 = arith.index_cast %swap3A_244 : i32 to index
      %swap3A_246 = arith.constant 112 : index
      %swap3A_247 = tpu.vector_load %arg10[%swap3A_245, %swap3A_246] {strides = array<i32>} : memref<4x128xf32, #tpu.memory_space<vmem>>, vector<1x16xf32>,
      %swap3A_248 = vector.shape_cast %swap3A_247 : vector<1x16xf32> to vector<16xf32>
      %swap3A_249 = vector.shape_cast %scan3A_242#0 : vector<16xf32> to vector<1x16xf32>
      tpu.vector_store %arg10[%swap3A_245, %swap3A_246], %swap3A_249 {strides = array<i32>} : memref<4x128xf32, #tpu.memory_space<vmem>>, vector<1x16xf32>,
      %swap3A_250 = arith.constant 0 : i32
      %swap3A_251 = arith.index_cast %swap3A_250 : i32 to index
      %swap3A_252 = arith.constant 112 : index
      %swap3A_253 = tpu.vector_load %arg11[%swap3A_251, %swap3A_252] {strides = array<i32>} : memref<4x128xf32, #tpu.memory_space<vmem>>, vector<1x16xf32>,
      %swap3A_254 = vector.shape_cast %swap3A_253 : vector<1x16xf32> to vector<16xf32>
      %swap3A_255 = vector.shape_cast %scan3A_242#1 : vector<16xf32> to vector<1x16xf32>
      tpu.vector_store %arg11[%swap3A_251, %swap3A_252], %swap3A_255 {strides = array<i32>} : memref<4x128xf32, #tpu.memory_space<vmem>>, vector<1x16xf32>,
      %swap3A_256 = arith.constant 0 : i32
      %swap3A_257 = arith.index_cast %swap3A_256 : i32 to index
      %swap3A_258 = arith.constant 112 : index
      %swap3A_259 = tpu.vector_load %arg12[%swap3A_257, %swap3A_258] {strides = array<i32>} : memref<4x128xf32, #tpu.memory_space<vmem>>, vector<1x16xf32>,
      %swap3A_260 = vector.shape_cast %swap3A_259 : vector<1x16xf32> to vector<16xf32>
      %swap3A_261 = vector.shape_cast %scan3A_242#2 : vector<16xf32> to vector<1x16xf32>
      tpu.vector_store %arg12[%swap3A_257, %swap3A_258], %swap3A_261 {strides = array<i32>} : memref<4x128xf32, #tpu.memory_space<vmem>>, vector<1x16xf32>,
      %get3A_262 = arith.constant 20 : i32
      %get3A_263 = arith.index_cast %get3A_262 : i32 to index
      %get3A_264 = arith.constant 0 : index
      %get3A_265 = tpu.vector_load %arg8[%get3A_263, %get3A_264] {strides = array<i32>} : memref<80x128xf32, #tpu.memory_space<vmem>>, vector<1x16xf32>,
      %get3A_266 = vector.shape_cast %get3A_265 : vector<1x16xf32> to vector<16xf32>
      %mul3A_267 = arith.mulf %get3A_266, %get3A_266 : vector<16xf32>
      %scan3A_268 = arith.constant 1 : i32
      %scan3A_269 = arith.constant 19 : i32
      %scan3A_270 = arith.addi %scan3A_268, %scan3A_269 : i32
      %scan3A_271 = arith.constant 1 : i32
      %scan3A_272:3 = scf.for %scan3A_982 = %scan3A_268 to %scan3A_270 step %scan3A_271 iter_args(%scan3A_983 = %get3A_266, %scan3A_984 = %get3A_266, %scan3A_985 = %mul3A_267) -> (vector<16xf32>, vector<16xf32>, vector<16xf32>)  : i32 {
        %add3A_986 = arith.constant 20 : i32
        %add3A_987 = arith.addi %add3A_986, %scan3A_982 : i32
        %get3A_988 = arith.index_cast %add3A_987 : i32 to index
        %get3A_989 = arith.constant 0 : index
        %get3A_990 = tpu.vector_load %arg8[%get3A_988, %get3A_989] {strides = array<i32>} : memref<80x128xf32, #tpu.memory_space<vmem>>, vector<1x16xf32>,
        %get3A_991 = vector.shape_cast %get3A_990 : vector<1x16xf32> to vector<16xf32>
        %max3A = arith.maximumf %scan3A_983, %get3A_991 : vector<16xf32>
        %add3A_992 = arith.addf %scan3A_984, %get3A_991 : vector<16xf32>
        %mul3A_993 = arith.mulf %get3A_991, %get3A_991 : vector<16xf32>
        %add3A_994 = arith.addf %scan3A_985, %mul3A_993 : vector<16xf32>
        scf.yield %max3A, %add3A_992, %add3A_994 : vector<16xf32>, vector<16xf32>, vector<16xf32>
      }
      %scan3A_273 = arith.constant 19 : i32
      %swap3A_274 = arith.constant 1 : i32
      %swap3A_275 = arith.index_cast %swap3A_274 : i32 to index
      %swap3A_276 = arith.constant 0 : index
      %swap3A_277 = tpu.vector_load %arg10[%swap3A_275, %swap3A_276] {strides = array<i32>} : memref<4x128xf32, #tpu.memory_space<vmem>>, vector<1x16xf32>,
      %swap3A_278 = vector.shape_cast %swap3A_277 : vector<1x16xf32> to vector<16xf32>
      %swap3A_279 = vector.shape_cast %scan3A_272#0 : vector<16xf32> to vector<1x16xf32>
      tpu.vector_store %arg10[%swap3A_275, %swap3A_276], %swap3A_279 {strides = array<i32>} : memref<4x128xf32, #tpu.memory_space<vmem>>, vector<1x16xf32>,
      %swap3A_280 = arith.constant 1 : i32
      %swap3A_281 = arith.index_cast %swap3A_280 : i32 to index
      %swap3A_282 = arith.constant 0 : index
      %swap3A_283 = tpu.vector_load %arg11[%swap3A_281, %swap3A_282] {strides = array<i32>} : memref<4x128xf32, #tpu.memory_space<vmem>>, vector<1x16xf32>,
      %swap3A_284 = vector.shape_cast %swap3A_283 : vector<1x16xf32> to vector<16xf32>
      %swap3A_285 = vector.shape_cast %scan3A_272#1 : vector<16xf32> to vector<1x16xf32>
      tpu.vector_store %arg11[%swap3A_281, %swap3A_282], %swap3A_285 {strides = array<i32>} : memref<4x128xf32, #tpu.memory_space<vmem>>, vector<1x16xf32>,
      %swap3A_286 = arith.constant 1 : i32
      %swap3A_287 = arith.index_cast %swap3A_286 : i32 to index
      %swap3A_288 = arith.constant 0 : index
      %swap3A_289 = tpu.vector_load %arg12[%swap3A_287, %swap3A_288] {strides = array<i32>} : memref<4x128xf32, #tpu.memory_space<vmem>>, vector<1x16xf32>,
      %swap3A_290 = vector.shape_cast %swap3A_289 : vector<1x16xf32> to vector<16xf32>
      %swap3A_291 = vector.shape_cast %scan3A_272#2 : vector<16xf32> to vector<1x16xf32>
      tpu.vector_store %arg12[%swap3A_287, %swap3A_288], %swap3A_291 {strides = array<i32>} : memref<4x128xf32, #tpu.memory_space<vmem>>, vector<1x16xf32>,
      %get3A_292 = arith.constant 20 : i32
      %get3A_293 = arith.index_cast %get3A_292 : i32 to index
      %get3A_294 = arith.constant 16 : index
      %get3A_295 = tpu.vector_load %arg8[%get3A_293, %get3A_294] {strides = array<i32>} : memref<80x128xf32, #tpu.memory_space<vmem>>, vector<1x16xf32>,
      %get3A_296 = vector.shape_cast %get3A_295 : vector<1x16xf32> to vector<16xf32>
      %mul3A_297 = arith.mulf %get3A_296, %get3A_296 : vector<16xf32>
      %scan3A_298 = arith.constant 1 : i32
      %scan3A_299 = arith.constant 19 : i32
      %scan3A_300 = arith.addi %scan3A_298, %scan3A_299 : i32
      %scan3A_301 = arith.constant 1 : i32
      %scan3A_302:3 = scf.for %scan3A_982 = %scan3A_298 to %scan3A_300 step %scan3A_301 iter_args(%scan3A_983 = %get3A_296, %scan3A_984 = %get3A_296, %scan3A_985 = %mul3A_297) -> (vector<16xf32>, vector<16xf32>, vector<16xf32>)  : i32 {
        %add3A_986 = arith.constant 20 : i32
        %add3A_987 = arith.addi %add3A_986, %scan3A_982 : i32
        %get3A_988 = arith.index_cast %add3A_987 : i32 to index
        %get3A_989 = arith.constant 16 : index
        %get3A_990 = tpu.vector_load %arg8[%get3A_988, %get3A_989] {strides = array<i32>} : memref<80x128xf32, #tpu.memory_space<vmem>>, vector<1x16xf32>,
        %get3A_991 = vector.shape_cast %get3A_990 : vector<1x16xf32> to vector<16xf32>
        %max3A = arith.maximumf %scan3A_983, %get3A_991 : vector<16xf32>
        %add3A_992 = arith.addf %scan3A_984, %get3A_991 : vector<16xf32>
        %mul3A_993 = arith.mulf %get3A_991, %get3A_991 : vector<16xf32>
        %add3A_994 = arith.addf %scan3A_985, %mul3A_993 : vector<16xf32>
        scf.yield %max3A, %add3A_992, %add3A_994 : vector<16xf32>, vector<16xf32>, vector<16xf32>
      }
      %scan3A_303 = arith.constant 19 : i32
      %swap3A_304 = arith.constant 1 : i32
      %swap3A_305 = arith.index_cast %swap3A_304 : i32 to index
      %swap3A_306 = arith.constant 16 : index
      %swap3A_307 = tpu.vector_load %arg10[%swap3A_305, %swap3A_306] {strides = array<i32>} : memref<4x128xf32, #tpu.memory_space<vmem>>, vector<1x16xf32>,
      %swap3A_308 = vector.shape_cast %swap3A_307 : vector<1x16xf32> to vector<16xf32>
      %swap3A_309 = vector.shape_cast %scan3A_302#0 : vector<16xf32> to vector<1x16xf32>
      tpu.vector_store %arg10[%swap3A_305, %swap3A_306], %swap3A_309 {strides = array<i32>} : memref<4x128xf32, #tpu.memory_space<vmem>>, vector<1x16xf32>,
      %swap3A_310 = arith.constant 1 : i32
      %swap3A_311 = arith.index_cast %swap3A_310 : i32 to index
      %swap3A_312 = arith.constant 16 : index
      %swap3A_313 = tpu.vector_load %arg11[%swap3A_311, %swap3A_312] {strides = array<i32>} : memref<4x128xf32, #tpu.memory_space<vmem>>, vector<1x16xf32>,
      %swap3A_314 = vector.shape_cast %swap3A_313 : vector<1x16xf32> to vector<16xf32>
      %swap3A_315 = vector.shape_cast %scan3A_302#1 : vector<16xf32> to vector<1x16xf32>
      tpu.vector_store %arg11[%swap3A_311, %swap3A_312], %swap3A_315 {strides = array<i32>} : memref<4x128xf32, #tpu.memory_space<vmem>>, vector<1x16xf32>,
      %swap3A_316 = arith.constant 1 : i32
      %swap3A_317 = arith.index_cast %swap3A_316 : i32 to index
      %swap3A_318 = arith.constant 16 : index
      %swap3A_319 = tpu.vector_load %arg12[%swap3A_317, %swap3A_318] {strides = array<i32>} : memref<4x128xf32, #tpu.memory_space<vmem>>, vector<1x16xf32>,
      %swap3A_320 = vector.shape_cast %swap3A_319 : vector<1x16xf32> to vector<16xf32>
      %swap3A_321 = vector.shape_cast %scan3A_302#2 : vector<16xf32> to vector<1x16xf32>
      tpu.vector_store %arg12[%swap3A_317, %swap3A_318], %swap3A_321 {strides = array<i32>} : memref<4x128xf32, #tpu.memory_space<vmem>>, vector<1x16xf32>,
      %get3A_322 = arith.constant 20 : i32
      %get3A_323 = arith.index_cast %get3A_322 : i32 to index
      %get3A_324 = arith.constant 32 : index
      %get3A_325 = tpu.vector_load %arg8[%get3A_323, %get3A_324] {strides = array<i32>} : memref<80x128xf32, #tpu.memory_space<vmem>>, vector<1x16xf32>,
      %get3A_326 = vector.shape_cast %get3A_325 : vector<1x16xf32> to vector<16xf32>
      %mul3A_327 = arith.mulf %get3A_326, %get3A_326 : vector<16xf32>
      %scan3A_328 = arith.constant 1 : i32
      %scan3A_329 = arith.constant 19 : i32
      %scan3A_330 = arith.addi %scan3A_328, %scan3A_329 : i32
      %scan3A_331 = arith.constant 1 : i32
      %scan3A_332:3 = scf.for %scan3A_982 = %scan3A_328 to %scan3A_330 step %scan3A_331 iter_args(%scan3A_983 = %get3A_326, %scan3A_984 = %get3A_326, %scan3A_985 = %mul3A_327) -> (vector<16xf32>, vector<16xf32>, vector<16xf32>)  : i32 {
        %add3A_986 = arith.constant 20 : i32
        %add3A_987 = arith.addi %add3A_986, %scan3A_982 : i32
        %get3A_988 = arith.index_cast %add3A_987 : i32 to index
        %get3A_989 = arith.constant 32 : index
        %get3A_990 = tpu.vector_load %arg8[%get3A_988, %get3A_989] {strides = array<i32>} : memref<80x128xf32, #tpu.memory_space<vmem>>, vector<1x16xf32>,
        %get3A_991 = vector.shape_cast %get3A_990 : vector<1x16xf32> to vector<16xf32>
        %max3A = arith.maximumf %scan3A_983, %get3A_991 : vector<16xf32>
        %add3A_992 = arith.addf %scan3A_984, %get3A_991 : vector<16xf32>
        %mul3A_993 = arith.mulf %get3A_991, %get3A_991 : vector<16xf32>
        %add3A_994 = arith.addf %scan3A_985, %mul3A_993 : vector<16xf32>
        scf.yield %max3A, %add3A_992, %add3A_994 : vector<16xf32>, vector<16xf32>, vector<16xf32>
      }
      %scan3A_333 = arith.constant 19 : i32
      %swap3A_334 = arith.constant 1 : i32
      %swap3A_335 = arith.index_cast %swap3A_334 : i32 to index
      %swap3A_336 = arith.constant 32 : index
      %swap3A_337 = tpu.vector_load %arg10[%swap3A_335, %swap3A_336] {strides = array<i32>} : memref<4x128xf32, #tpu.memory_space<vmem>>, vector<1x16xf32>,
      %swap3A_338 = vector.shape_cast %swap3A_337 : vector<1x16xf32> to vector<16xf32>
      %swap3A_339 = vector.shape_cast %scan3A_332#0 : vector<16xf32> to vector<1x16xf32>
      tpu.vector_store %arg10[%swap3A_335, %swap3A_336], %swap3A_339 {strides = array<i32>} : memref<4x128xf32, #tpu.memory_space<vmem>>, vector<1x16xf32>,
      %swap3A_340 = arith.constant 1 : i32
      %swap3A_341 = arith.index_cast %swap3A_340 : i32 to index
      %swap3A_342 = arith.constant 32 : index
      %swap3A_343 = tpu.vector_load %arg11[%swap3A_341, %swap3A_342] {strides = array<i32>} : memref<4x128xf32, #tpu.memory_space<vmem>>, vector<1x16xf32>,
      %swap3A_344 = vector.shape_cast %swap3A_343 : vector<1x16xf32> to vector<16xf32>
      %swap3A_345 = vector.shape_cast %scan3A_332#1 : vector<16xf32> to vector<1x16xf32>
      tpu.vector_store %arg11[%swap3A_341, %swap3A_342], %swap3A_345 {strides = array<i32>} : memref<4x128xf32, #tpu.memory_space<vmem>>, vector<1x16xf32>,
      %swap3A_346 = arith.constant 1 : i32
      %swap3A_347 = arith.index_cast %swap3A_346 : i32 to index
      %swap3A_348 = arith.constant 32 : index
      %swap3A_349 = tpu.vector_load %arg12[%swap3A_347, %swap3A_348] {strides = array<i32>} : memref<4x128xf32, #tpu.memory_space<vmem>>, vector<1x16xf32>,
      %swap3A_350 = vector.shape_cast %swap3A_349 : vector<1x16xf32> to vector<16xf32>
      %swap3A_351 = vector.shape_cast %scan3A_332#2 : vector<16xf32> to vector<1x16xf32>
      tpu.vector_store %arg12[%swap3A_347, %swap3A_348], %swap3A_351 {strides = array<i32>} : memref<4x128xf32, #tpu.memory_space<vmem>>, vector<1x16xf32>,
      %get3A_352 = arith.constant 20 : i32
      %get3A_353 = arith.index_cast %get3A_352 : i32 to index
      %get3A_354 = arith.constant 48 : index
      %get3A_355 = tpu.vector_load %arg8[%get3A_353, %get3A_354] {strides = array<i32>} : memref<80x128xf32, #tpu.memory_space<vmem>>, vector<1x16xf32>,
      %get3A_356 = vector.shape_cast %get3A_355 : vector<1x16xf32> to vector<16xf32>
      %mul3A_357 = arith.mulf %get3A_356, %get3A_356 : vector<16xf32>
      %scan3A_358 = arith.constant 1 : i32
      %scan3A_359 = arith.constant 19 : i32
      %scan3A_360 = arith.addi %scan3A_358, %scan3A_359 : i32
      %scan3A_361 = arith.constant 1 : i32
      %scan3A_362:3 = scf.for %scan3A_982 = %scan3A_358 to %scan3A_360 step %scan3A_361 iter_args(%scan3A_983 = %get3A_356, %scan3A_984 = %get3A_356, %scan3A_985 = %mul3A_357) -> (vector<16xf32>, vector<16xf32>, vector<16xf32>)  : i32 {
        %add3A_986 = arith.constant 20 : i32
        %add3A_987 = arith.addi %add3A_986, %scan3A_982 : i32
        %get3A_988 = arith.index_cast %add3A_987 : i32 to index
        %get3A_989 = arith.constant 48 : index
        %get3A_990 = tpu.vector_load %arg8[%get3A_988, %get3A_989] {strides = array<i32>} : memref<80x128xf32, #tpu.memory_space<vmem>>, vector<1x16xf32>,
        %get3A_991 = vector.shape_cast %get3A_990 : vector<1x16xf32> to vector<16xf32>
        %max3A = arith.maximumf %scan3A_983, %get3A_991 : vector<16xf32>
        %add3A_992 = arith.addf %scan3A_984, %get3A_991 : vector<16xf32>
        %mul3A_993 = arith.mulf %get3A_991, %get3A_991 : vector<16xf32>
        %add3A_994 = arith.addf %scan3A_985, %mul3A_993 : vector<16xf32>
        scf.yield %max3A, %add3A_992, %add3A_994 : vector<16xf32>, vector<16xf32>, vector<16xf32>
      }
      %scan3A_363 = arith.constant 19 : i32
      %swap3A_364 = arith.constant 1 : i32
      %swap3A_365 = arith.index_cast %swap3A_364 : i32 to index
      %swap3A_366 = arith.constant 48 : index
      %swap3A_367 = tpu.vector_load %arg10[%swap3A_365, %swap3A_366] {strides = array<i32>} : memref<4x128xf32, #tpu.memory_space<vmem>>, vector<1x16xf32>,
      %swap3A_368 = vector.shape_cast %swap3A_367 : vector<1x16xf32> to vector<16xf32>
      %swap3A_369 = vector.shape_cast %scan3A_362#0 : vector<16xf32> to vector<1x16xf32>
      tpu.vector_store %arg10[%swap3A_365, %swap3A_366], %swap3A_369 {strides = array<i32>} : memref<4x128xf32, #tpu.memory_space<vmem>>, vector<1x16xf32>,
      %swap3A_370 = arith.constant 1 : i32
      %swap3A_371 = arith.index_cast %swap3A_370 : i32 to index
      %swap3A_372 = arith.constant 48 : index
      %swap3A_373 = tpu.vector_load %arg11[%swap3A_371, %swap3A_372] {strides = array<i32>} : memref<4x128xf32, #tpu.memory_space<vmem>>, vector<1x16xf32>,
      %swap3A_374 = vector.shape_cast %swap3A_373 : vector<1x16xf32> to vector<16xf32>
      %swap3A_375 = vector.shape_cast %scan3A_362#1 : vector<16xf32> to vector<1x16xf32>
      tpu.vector_store %arg11[%swap3A_371, %swap3A_372], %swap3A_375 {strides = array<i32>} : memref<4x128xf32, #tpu.memory_space<vmem>>, vector<1x16xf32>,
      %swap3A_376 = arith.constant 1 : i32
      %swap3A_377 = arith.index_cast %swap3A_376 : i32 to index
      %swap3A_378 = arith.constant 48 : index
      %swap3A_379 = tpu.vector_load %arg12[%swap3A_377, %swap3A_378] {strides = array<i32>} : memref<4x128xf32, #tpu.memory_space<vmem>>, vector<1x16xf32>,
      %swap3A_380 = vector.shape_cast %swap3A_379 : vector<1x16xf32> to vector<16xf32>
      %swap3A_381 = vector.shape_cast %scan3A_362#2 : vector<16xf32> to vector<1x16xf32>
      tpu.vector_store %arg12[%swap3A_377, %swap3A_378], %swap3A_381 {strides = array<i32>} : memref<4x128xf32, #tpu.memory_space<vmem>>, vector<1x16xf32>,
      %get3A_382 = arith.constant 20 : i32
      %get3A_383 = arith.index_cast %get3A_382 : i32 to index
      %get3A_384 = arith.constant 64 : index
      %get3A_385 = tpu.vector_load %arg8[%get3A_383, %get3A_384] {strides = array<i32>} : memref<80x128xf32, #tpu.memory_space<vmem>>, vector<1x16xf32>,
      %get3A_386 = vector.shape_cast %get3A_385 : vector<1x16xf32> to vector<16xf32>
      %mul3A_387 = arith.mulf %get3A_386, %get3A_386 : vector<16xf32>
      %scan3A_388 = arith.constant 1 : i32
      %scan3A_389 = arith.constant 19 : i32
      %scan3A_390 = arith.addi %scan3A_388, %scan3A_389 : i32
      %scan3A_391 = arith.constant 1 : i32
      %scan3A_392:3 = scf.for %scan3A_982 = %scan3A_388 to %scan3A_390 step %scan3A_391 iter_args(%scan3A_983 = %get3A_386, %scan3A_984 = %get3A_386, %scan3A_985 = %mul3A_387) -> (vector<16xf32>, vector<16xf32>, vector<16xf32>)  : i32 {
        %add3A_986 = arith.constant 20 : i32
        %add3A_987 = arith.addi %add3A_986, %scan3A_982 : i32
        %get3A_988 = arith.index_cast %add3A_987 : i32 to index
        %get3A_989 = arith.constant 64 : index
        %get3A_990 = tpu.vector_load %arg8[%get3A_988, %get3A_989] {strides = array<i32>} : memref<80x128xf32, #tpu.memory_space<vmem>>, vector<1x16xf32>,
        %get3A_991 = vector.shape_cast %get3A_990 : vector<1x16xf32> to vector<16xf32>
        %max3A = arith.maximumf %scan3A_983, %get3A_991 : vector<16xf32>
        %add3A_992 = arith.addf %scan3A_984, %get3A_991 : vector<16xf32>
        %mul3A_993 = arith.mulf %get3A_991, %get3A_991 : vector<16xf32>
        %add3A_994 = arith.addf %scan3A_985, %mul3A_993 : vector<16xf32>
        scf.yield %max3A, %add3A_992, %add3A_994 : vector<16xf32>, vector<16xf32>, vector<16xf32>
      }
      %scan3A_393 = arith.constant 19 : i32
      %swap3A_394 = arith.constant 1 : i32
      %swap3A_395 = arith.index_cast %swap3A_394 : i32 to index
      %swap3A_396 = arith.constant 64 : index
      %swap3A_397 = tpu.vector_load %arg10[%swap3A_395, %swap3A_396] {strides = array<i32>} : memref<4x128xf32, #tpu.memory_space<vmem>>, vector<1x16xf32>,
      %swap3A_398 = vector.shape_cast %swap3A_397 : vector<1x16xf32> to vector<16xf32>
      %swap3A_399 = vector.shape_cast %scan3A_392#0 : vector<16xf32> to vector<1x16xf32>
      tpu.vector_store %arg10[%swap3A_395, %swap3A_396], %swap3A_399 {strides = array<i32>} : memref<4x128xf32, #tpu.memory_space<vmem>>, vector<1x16xf32>,
      %swap3A_400 = arith.constant 1 : i32
      %swap3A_401 = arith.index_cast %swap3A_400 : i32 to index
      %swap3A_402 = arith.constant 64 : index
      %swap3A_403 = tpu.vector_load %arg11[%swap3A_401, %swap3A_402] {strides = array<i32>} : memref<4x128xf32, #tpu.memory_space<vmem>>, vector<1x16xf32>,
      %swap3A_404 = vector.shape_cast %swap3A_403 : vector<1x16xf32> to vector<16xf32>
      %swap3A_405 = vector.shape_cast %scan3A_392#1 : vector<16xf32> to vector<1x16xf32>
      tpu.vector_store %arg11[%swap3A_401, %swap3A_402], %swap3A_405 {strides = array<i32>} : memref<4x128xf32, #tpu.memory_space<vmem>>, vector<1x16xf32>,
      %swap3A_406 = arith.constant 1 : i32
      %swap3A_407 = arith.index_cast %swap3A_406 : i32 to index
      %swap3A_408 = arith.constant 64 : index
      %swap3A_409 = tpu.vector_load %arg12[%swap3A_407, %swap3A_408] {strides = array<i32>} : memref<4x128xf32, #tpu.memory_space<vmem>>, vector<1x16xf32>,
      %swap3A_410 = vector.shape_cast %swap3A_409 : vector<1x16xf32> to vector<16xf32>
      %swap3A_411 = vector.shape_cast %scan3A_392#2 : vector<16xf32> to vector<1x16xf32>
      tpu.vector_store %arg12[%swap3A_407, %swap3A_408], %swap3A_411 {strides = array<i32>} : memref<4x128xf32, #tpu.memory_space<vmem>>, vector<1x16xf32>,
      %get3A_412 = arith.constant 20 : i32
      %get3A_413 = arith.index_cast %get3A_412 : i32 to index
      %get3A_414 = arith.constant 80 : index
      %get3A_415 = tpu.vector_load %arg8[%get3A_413, %get3A_414] {strides = array<i32>} : memref<80x128xf32, #tpu.memory_space<vmem>>, vector<1x16xf32>,
      %get3A_416 = vector.shape_cast %get3A_415 : vector<1x16xf32> to vector<16xf32>
      %mul3A_417 = arith.mulf %get3A_416, %get3A_416 : vector<16xf32>
      %scan3A_418 = arith.constant 1 : i32
      %scan3A_419 = arith.constant 19 : i32
      %scan3A_420 = arith.addi %scan3A_418, %scan3A_419 : i32
      %scan3A_421 = arith.constant 1 : i32
      %scan3A_422:3 = scf.for %scan3A_982 = %scan3A_418 to %scan3A_420 step %scan3A_421 iter_args(%scan3A_983 = %get3A_416, %scan3A_984 = %get3A_416, %scan3A_985 = %mul3A_417) -> (vector<16xf32>, vector<16xf32>, vector<16xf32>)  : i32 {
        %add3A_986 = arith.constant 20 : i32
        %add3A_987 = arith.addi %add3A_986, %scan3A_982 : i32
        %get3A_988 = arith.index_cast %add3A_987 : i32 to index
        %get3A_989 = arith.constant 80 : index
        %get3A_990 = tpu.vector_load %arg8[%get3A_988, %get3A_989] {strides = array<i32>} : memref<80x128xf32, #tpu.memory_space<vmem>>, vector<1x16xf32>,
        %get3A_991 = vector.shape_cast %get3A_990 : vector<1x16xf32> to vector<16xf32>
        %max3A = arith.maximumf %scan3A_983, %get3A_991 : vector<16xf32>
        %add3A_992 = arith.addf %scan3A_984, %get3A_991 : vector<16xf32>
        %mul3A_993 = arith.mulf %get3A_991, %get3A_991 : vector<16xf32>
        %add3A_994 = arith.addf %scan3A_985, %mul3A_993 : vector<16xf32>
        scf.yield %max3A, %add3A_992, %add3A_994 : vector<16xf32>, vector<16xf32>, vector<16xf32>
      }
      %scan3A_423 = arith.constant 19 : i32
      %swap3A_424 = arith.constant 1 : i32
      %swap3A_425 = arith.index_cast %swap3A_424 : i32 to index
      %swap3A_426 = arith.constant 80 : index
      %swap3A_427 = tpu.vector_load %arg10[%swap3A_425, %swap3A_426] {strides = array<i32>} : memref<4x128xf32, #tpu.memory_space<vmem>>, vector<1x16xf32>,
      %swap3A_428 = vector.shape_cast %swap3A_427 : vector<1x16xf32> to vector<16xf32>
      %swap3A_429 = vector.shape_cast %scan3A_422#0 : vector<16xf32> to vector<1x16xf32>
      tpu.vector_store %arg10[%swap3A_425, %swap3A_426], %swap3A_429 {strides = array<i32>} : memref<4x128xf32, #tpu.memory_space<vmem>>, vector<1x16xf32>,
      %swap3A_430 = arith.constant 1 : i32
      %swap3A_431 = arith.index_cast %swap3A_430 : i32 to index
      %swap3A_432 = arith.constant 80 : index
      %swap3A_433 = tpu.vector_load %arg11[%swap3A_431, %swap3A_432] {strides = array<i32>} : memref<4x128xf32, #tpu.memory_space<vmem>>, vector<1x16xf32>,
      %swap3A_434 = vector.shape_cast %swap3A_433 : vector<1x16xf32> to vector<16xf32>
      %swap3A_435 = vector.shape_cast %scan3A_422#1 : vector<16xf32> to vector<1x16xf32>
      tpu.vector_store %arg11[%swap3A_431, %swap3A_432], %swap3A_435 {strides = array<i32>} : memref<4x128xf32, #tpu.memory_space<vmem>>, vector<1x16xf32>,
      %swap3A_436 = arith.constant 1 : i32
      %swap3A_437 = arith.index_cast %swap3A_436 : i32 to index
      %swap3A_438 = arith.constant 80 : index
      %swap3A_439 = tpu.vector_load %arg12[%swap3A_437, %swap3A_438] {strides = array<i32>} : memref<4x128xf32, #tpu.memory_space<vmem>>, vector<1x16xf32>,
      %swap3A_440 = vector.shape_cast %swap3A_439 : vector<1x16xf32> to vector<16xf32>
      %swap3A_441 = vector.shape_cast %scan3A_422#2 : vector<16xf32> to vector<1x16xf32>
      tpu.vector_store %arg12[%swap3A_437, %swap3A_438], %swap3A_441 {strides = array<i32>} : memref<4x128xf32, #tpu.memory_space<vmem>>, vector<1x16xf32>,
      %get3A_442 = arith.constant 20 : i32
      %get3A_443 = arith.index_cast %get3A_442 : i32 to index
      %get3A_444 = arith.constant 96 : index
      %get3A_445 = tpu.vector_load %arg8[%get3A_443, %get3A_444] {strides = array<i32>} : memref<80x128xf32, #tpu.memory_space<vmem>>, vector<1x16xf32>,
      %get3A_446 = vector.shape_cast %get3A_445 : vector<1x16xf32> to vector<16xf32>
      %mul3A_447 = arith.mulf %get3A_446, %get3A_446 : vector<16xf32>
      %scan3A_448 = arith.constant 1 : i32
      %scan3A_449 = arith.constant 19 : i32
      %scan3A_450 = arith.addi %scan3A_448, %scan3A_449 : i32
      %scan3A_451 = arith.constant 1 : i32
      %scan3A_452:3 = scf.for %scan3A_982 = %scan3A_448 to %scan3A_450 step %scan3A_451 iter_args(%scan3A_983 = %get3A_446, %scan3A_984 = %get3A_446, %scan3A_985 = %mul3A_447) -> (vector<16xf32>, vector<16xf32>, vector<16xf32>)  : i32 {
        %add3A_986 = arith.constant 20 : i32
        %add3A_987 = arith.addi %add3A_986, %scan3A_982 : i32
        %get3A_988 = arith.index_cast %add3A_987 : i32 to index
        %get3A_989 = arith.constant 96 : index
        %get3A_990 = tpu.vector_load %arg8[%get3A_988, %get3A_989] {strides = array<i32>} : memref<80x128xf32, #tpu.memory_space<vmem>>, vector<1x16xf32>,
        %get3A_991 = vector.shape_cast %get3A_990 : vector<1x16xf32> to vector<16xf32>
        %max3A = arith.maximumf %scan3A_983, %get3A_991 : vector<16xf32>
        %add3A_992 = arith.addf %scan3A_984, %get3A_991 : vector<16xf32>
        %mul3A_993 = arith.mulf %get3A_991, %get3A_991 : vector<16xf32>
        %add3A_994 = arith.addf %scan3A_985, %mul3A_993 : vector<16xf32>
        scf.yield %max3A, %add3A_992, %add3A_994 : vector<16xf32>, vector<16xf32>, vector<16xf32>
      }
      %scan3A_453 = arith.constant 19 : i32
      %swap3A_454 = arith.constant 1 : i32
      %swap3A_455 = arith.index_cast %swap3A_454 : i32 to index
      %swap3A_456 = arith.constant 96 : index
      %swap3A_457 = tpu.vector_load %arg10[%swap3A_455, %swap3A_456] {strides = array<i32>} : memref<4x128xf32, #tpu.memory_space<vmem>>, vector<1x16xf32>,
      %swap3A_458 = vector.shape_cast %swap3A_457 : vector<1x16xf32> to vector<16xf32>
      %swap3A_459 = vector.shape_cast %scan3A_452#0 : vector<16xf32> to vector<1x16xf32>
      tpu.vector_store %arg10[%swap3A_455, %swap3A_456], %swap3A_459 {strides = array<i32>} : memref<4x128xf32, #tpu.memory_space<vmem>>, vector<1x16xf32>,
      %swap3A_460 = arith.constant 1 : i32
      %swap3A_461 = arith.index_cast %swap3A_460 : i32 to index
      %swap3A_462 = arith.constant 96 : index
      %swap3A_463 = tpu.vector_load %arg11[%swap3A_461, %swap3A_462] {strides = array<i32>} : memref<4x128xf32, #tpu.memory_space<vmem>>, vector<1x16xf32>,
      %swap3A_464 = vector.shape_cast %swap3A_463 : vector<1x16xf32> to vector<16xf32>
      %swap3A_465 = vector.shape_cast %scan3A_452#1 : vector<16xf32> to vector<1x16xf32>
      tpu.vector_store %arg11[%swap3A_461, %swap3A_462], %swap3A_465 {strides = array<i32>} : memref<4x128xf32, #tpu.memory_space<vmem>>, vector<1x16xf32>,
      %swap3A_466 = arith.constant 1 : i32
      %swap3A_467 = arith.index_cast %swap3A_466 : i32 to index
      %swap3A_468 = arith.constant 96 : index
      %swap3A_469 = tpu.vector_load %arg12[%swap3A_467, %swap3A_468] {strides = array<i32>} : memref<4x128xf32, #tpu.memory_space<vmem>>, vector<1x16xf32>,
      %swap3A_470 = vector.shape_cast %swap3A_469 : vector<1x16xf32> to vector<16xf32>
      %swap3A_471 = vector.shape_cast %scan3A_452#2 : vector<16xf32> to vector<1x16xf32>
      tpu.vector_store %arg12[%swap3A_467, %swap3A_468], %swap3A_471 {strides = array<i32>} : memref<4x128xf32, #tpu.memory_space<vmem>>, vector<1x16xf32>,
      %get3A_472 = arith.constant 20 : i32
      %get3A_473 = arith.index_cast %get3A_472 : i32 to index
      %get3A_474 = arith.constant 112 : index
      %get3A_475 = tpu.vector_load %arg8[%get3A_473, %get3A_474] {strides = array<i32>} : memref<80x128xf32, #tpu.memory_space<vmem>>, vector<1x16xf32>,
      %get3A_476 = vector.shape_cast %get3A_475 : vector<1x16xf32> to vector<16xf32>
      %mul3A_477 = arith.mulf %get3A_476, %get3A_476 : vector<16xf32>
      %scan3A_478 = arith.constant 1 : i32
      %scan3A_479 = arith.constant 19 : i32
      %scan3A_480 = arith.addi %scan3A_478, %scan3A_479 : i32
      %scan3A_481 = arith.constant 1 : i32
      %scan3A_482:3 = scf.for %scan3A_982 = %scan3A_478 to %scan3A_480 step %scan3A_481 iter_args(%scan3A_983 = %get3A_476, %scan3A_984 = %get3A_476, %scan3A_985 = %mul3A_477) -> (vector<16xf32>, vector<16xf32>, vector<16xf32>)  : i32 {
        %add3A_986 = arith.constant 20 : i32
        %add3A_987 = arith.addi %add3A_986, %scan3A_982 : i32
        %get3A_988 = arith.index_cast %add3A_987 : i32 to index
        %get3A_989 = arith.constant 112 : index
        %get3A_990 = tpu.vector_load %arg8[%get3A_988, %get3A_989] {strides = array<i32>} : memref<80x128xf32, #tpu.memory_space<vmem>>, vector<1x16xf32>,
        %get3A_991 = vector.shape_cast %get3A_990 : vector<1x16xf32> to vector<16xf32>
        %max3A = arith.maximumf %scan3A_983, %get3A_991 : vector<16xf32>
        %add3A_992 = arith.addf %scan3A_984, %get3A_991 : vector<16xf32>
        %mul3A_993 = arith.mulf %get3A_991, %get3A_991 : vector<16xf32>
        %add3A_994 = arith.addf %scan3A_985, %mul3A_993 : vector<16xf32>
        scf.yield %max3A, %add3A_992, %add3A_994 : vector<16xf32>, vector<16xf32>, vector<16xf32>
      }
      %scan3A_483 = arith.constant 19 : i32
      %swap3A_484 = arith.constant 1 : i32
      %swap3A_485 = arith.index_cast %swap3A_484 : i32 to index
      %swap3A_486 = arith.constant 112 : index
      %swap3A_487 = tpu.vector_load %arg10[%swap3A_485, %swap3A_486] {strides = array<i32>} : memref<4x128xf32, #tpu.memory_space<vmem>>, vector<1x16xf32>,
      %swap3A_488 = vector.shape_cast %swap3A_487 : vector<1x16xf32> to vector<16xf32>
      %swap3A_489 = vector.shape_cast %scan3A_482#0 : vector<16xf32> to vector<1x16xf32>
      tpu.vector_store %arg10[%swap3A_485, %swap3A_486], %swap3A_489 {strides = array<i32>} : memref<4x128xf32, #tpu.memory_space<vmem>>, vector<1x16xf32>,
      %swap3A_490 = arith.constant 1 : i32
      %swap3A_491 = arith.index_cast %swap3A_490 : i32 to index
      %swap3A_492 = arith.constant 112 : index
      %swap3A_493 = tpu.vector_load %arg11[%swap3A_491, %swap3A_492] {strides = array<i32>} : memref<4x128xf32, #tpu.memory_space<vmem>>, vector<1x16xf32>,
      %swap3A_494 = vector.shape_cast %swap3A_493 : vector<1x16xf32> to vector<16xf32>
      %swap3A_495 = vector.shape_cast %scan3A_482#1 : vector<16xf32> to vector<1x16xf32>
      tpu.vector_store %arg11[%swap3A_491, %swap3A_492], %swap3A_495 {strides = array<i32>} : memref<4x128xf32, #tpu.memory_space<vmem>>, vector<1x16xf32>,
      %swap3A_496 = arith.constant 1 : i32
      %swap3A_497 = arith.index_cast %swap3A_496 : i32 to index
      %swap3A_498 = arith.constant 112 : index
      %swap3A_499 = tpu.vector_load %arg12[%swap3A_497, %swap3A_498] {strides = array<i32>} : memref<4x128xf32, #tpu.memory_space<vmem>>, vector<1x16xf32>,
      %swap3A_500 = vector.shape_cast %swap3A_499 : vector<1x16xf32> to vector<16xf32>
      %swap3A_501 = vector.shape_cast %scan3A_482#2 : vector<16xf32> to vector<1x16xf32>
      tpu.vector_store %arg12[%swap3A_497, %swap3A_498], %swap3A_501 {strides = array<i32>} : memref<4x128xf32, #tpu.memory_space<vmem>>, vector<1x16xf32>,
      %get3A_502 = arith.constant 40 : i32
      %get3A_503 = arith.index_cast %get3A_502 : i32 to index
      %get3A_504 = arith.constant 0 : index
      %get3A_505 = tpu.vector_load %arg8[%get3A_503, %get3A_504] {strides = array<i32>} : memref<80x128xf32, #tpu.memory_space<vmem>>, vector<1x16xf32>,
      %get3A_506 = vector.shape_cast %get3A_505 : vector<1x16xf32> to vector<16xf32>
      %mul3A_507 = arith.mulf %get3A_506, %get3A_506 : vector<16xf32>
      %scan3A_508 = arith.constant 1 : i32
      %scan3A_509 = arith.constant 19 : i32
      %scan3A_510 = arith.addi %scan3A_508, %scan3A_509 : i32
      %scan3A_511 = arith.constant 1 : i32
      %scan3A_512:3 = scf.for %scan3A_982 = %scan3A_508 to %scan3A_510 step %scan3A_511 iter_args(%scan3A_983 = %get3A_506, %scan3A_984 = %get3A_506, %scan3A_985 = %mul3A_507) -> (vector<16xf32>, vector<16xf32>, vector<16xf32>)  : i32 {
        %add3A_986 = arith.constant 40 : i32
        %add3A_987 = arith.addi %add3A_986, %scan3A_982 : i32
        %get3A_988 = arith.index_cast %add3A_987 : i32 to index
        %get3A_989 = arith.constant 0 : index
        %get3A_990 = tpu.vector_load %arg8[%get3A_988, %get3A_989] {strides = array<i32>} : memref<80x128xf32, #tpu.memory_space<vmem>>, vector<1x16xf32>,
        %get3A_991 = vector.shape_cast %get3A_990 : vector<1x16xf32> to vector<16xf32>
        %max3A = arith.maximumf %scan3A_983, %get3A_991 : vector<16xf32>
        %add3A_992 = arith.addf %scan3A_984, %get3A_991 : vector<16xf32>
        %mul3A_993 = arith.mulf %get3A_991, %get3A_991 : vector<16xf32>
        %add3A_994 = arith.addf %scan3A_985, %mul3A_993 : vector<16xf32>
        scf.yield %max3A, %add3A_992, %add3A_994 : vector<16xf32>, vector<16xf32>, vector<16xf32>
      }
      %scan3A_513 = arith.constant 19 : i32
      %swap3A_514 = arith.constant 2 : i32
      %swap3A_515 = arith.index_cast %swap3A_514 : i32 to index
      %swap3A_516 = arith.constant 0 : index
      %swap3A_517 = tpu.vector_load %arg10[%swap3A_515, %swap3A_516] {strides = array<i32>} : memref<4x128xf32, #tpu.memory_space<vmem>>, vector<1x16xf32>,
      %swap3A_518 = vector.shape_cast %swap3A_517 : vector<1x16xf32> to vector<16xf32>
      %swap3A_519 = vector.shape_cast %scan3A_512#0 : vector<16xf32> to vector<1x16xf32>
      tpu.vector_store %arg10[%swap3A_515, %swap3A_516], %swap3A_519 {strides = array<i32>} : memref<4x128xf32, #tpu.memory_space<vmem>>, vector<1x16xf32>,
      %swap3A_520 = arith.constant 2 : i32
      %swap3A_521 = arith.index_cast %swap3A_520 : i32 to index
      %swap3A_522 = arith.constant 0 : index
      %swap3A_523 = tpu.vector_load %arg11[%swap3A_521, %swap3A_522] {strides = array<i32>} : memref<4x128xf32, #tpu.memory_space<vmem>>, vector<1x16xf32>,
      %swap3A_524 = vector.shape_cast %swap3A_523 : vector<1x16xf32> to vector<16xf32>
      %swap3A_525 = vector.shape_cast %scan3A_512#1 : vector<16xf32> to vector<1x16xf32>
      tpu.vector_store %arg11[%swap3A_521, %swap3A_522], %swap3A_525 {strides = array<i32>} : memref<4x128xf32, #tpu.memory_space<vmem>>, vector<1x16xf32>,
      %swap3A_526 = arith.constant 2 : i32
      %swap3A_527 = arith.index_cast %swap3A_526 : i32 to index
      %swap3A_528 = arith.constant 0 : index
      %swap3A_529 = tpu.vector_load %arg12[%swap3A_527, %swap3A_528] {strides = array<i32>} : memref<4x128xf32, #tpu.memory_space<vmem>>, vector<1x16xf32>,
      %swap3A_530 = vector.shape_cast %swap3A_529 : vector<1x16xf32> to vector<16xf32>
      %swap3A_531 = vector.shape_cast %scan3A_512#2 : vector<16xf32> to vector<1x16xf32>
      tpu.vector_store %arg12[%swap3A_527, %swap3A_528], %swap3A_531 {strides = array<i32>} : memref<4x128xf32, #tpu.memory_space<vmem>>, vector<1x16xf32>,
      %get3A_532 = arith.constant 40 : i32
      %get3A_533 = arith.index_cast %get3A_532 : i32 to index
      %get3A_534 = arith.constant 16 : index
      %get3A_535 = tpu.vector_load %arg8[%get3A_533, %get3A_534] {strides = array<i32>} : memref<80x128xf32, #tpu.memory_space<vmem>>, vector<1x16xf32>,
      %get3A_536 = vector.shape_cast %get3A_535 : vector<1x16xf32> to vector<16xf32>
      %mul3A_537 = arith.mulf %get3A_536, %get3A_536 : vector<16xf32>
      %scan3A_538 = arith.constant 1 : i32
      %scan3A_539 = arith.constant 19 : i32
      %scan3A_540 = arith.addi %scan3A_538, %scan3A_539 : i32
      %scan3A_541 = arith.constant 1 : i32
      %scan3A_542:3 = scf.for %scan3A_982 = %scan3A_538 to %scan3A_540 step %scan3A_541 iter_args(%scan3A_983 = %get3A_536, %scan3A_984 = %get3A_536, %scan3A_985 = %mul3A_537) -> (vector<16xf32>, vector<16xf32>, vector<16xf32>)  : i32 {
        %add3A_986 = arith.constant 40 : i32
        %add3A_987 = arith.addi %add3A_986, %scan3A_982 : i32
        %get3A_988 = arith.index_cast %add3A_987 : i32 to index
        %get3A_989 = arith.constant 16 : index
        %get3A_990 = tpu.vector_load %arg8[%get3A_988, %get3A_989] {strides = array<i32>} : memref<80x128xf32, #tpu.memory_space<vmem>>, vector<1x16xf32>,
        %get3A_991 = vector.shape_cast %get3A_990 : vector<1x16xf32> to vector<16xf32>
        %max3A = arith.maximumf %scan3A_983, %get3A_991 : vector<16xf32>
        %add3A_992 = arith.addf %scan3A_984, %get3A_991 : vector<16xf32>
        %mul3A_993 = arith.mulf %get3A_991, %get3A_991 : vector<16xf32>
        %add3A_994 = arith.addf %scan3A_985, %mul3A_993 : vector<16xf32>
        scf.yield %max3A, %add3A_992, %add3A_994 : vector<16xf32>, vector<16xf32>, vector<16xf32>
      }
      %scan3A_543 = arith.constant 19 : i32
      %swap3A_544 = arith.constant 2 : i32
      %swap3A_545 = arith.index_cast %swap3A_544 : i32 to index
      %swap3A_546 = arith.constant 16 : index
      %swap3A_547 = tpu.vector_load %arg10[%swap3A_545, %swap3A_546] {strides = array<i32>} : memref<4x128xf32, #tpu.memory_space<vmem>>, vector<1x16xf32>,
      %swap3A_548 = vector.shape_cast %swap3A_547 : vector<1x16xf32> to vector<16xf32>
      %swap3A_549 = vector.shape_cast %scan3A_542#0 : vector<16xf32> to vector<1x16xf32>
      tpu.vector_store %arg10[%swap3A_545, %swap3A_546], %swap3A_549 {strides = array<i32>} : memref<4x128xf32, #tpu.memory_space<vmem>>, vector<1x16xf32>,
      %swap3A_550 = arith.constant 2 : i32
      %swap3A_551 = arith.index_cast %swap3A_550 : i32 to index
      %swap3A_552 = arith.constant 16 : index
      %swap3A_553 = tpu.vector_load %arg11[%swap3A_551, %swap3A_552] {strides = array<i32>} : memref<4x128xf32, #tpu.memory_space<vmem>>, vector<1x16xf32>,
      %swap3A_554 = vector.shape_cast %swap3A_553 : vector<1x16xf32> to vector<16xf32>
      %swap3A_555 = vector.shape_cast %scan3A_542#1 : vector<16xf32> to vector<1x16xf32>
      tpu.vector_store %arg11[%swap3A_551, %swap3A_552], %swap3A_555 {strides = array<i32>} : memref<4x128xf32, #tpu.memory_space<vmem>>, vector<1x16xf32>,
      %swap3A_556 = arith.constant 2 : i32
      %swap3A_557 = arith.index_cast %swap3A_556 : i32 to index
      %swap3A_558 = arith.constant 16 : index
      %swap3A_559 = tpu.vector_load %arg12[%swap3A_557, %swap3A_558] {strides = array<i32>} : memref<4x128xf32, #tpu.memory_space<vmem>>, vector<1x16xf32>,
      %swap3A_560 = vector.shape_cast %swap3A_559 : vector<1x16xf32> to vector<16xf32>
      %swap3A_561 = vector.shape_cast %scan3A_542#2 : vector<16xf32> to vector<1x16xf32>
      tpu.vector_store %arg12[%swap3A_557, %swap3A_558], %swap3A_561 {strides = array<i32>} : memref<4x128xf32, #tpu.memory_space<vmem>>, vector<1x16xf32>,
      %get3A_562 = arith.constant 40 : i32
      %get3A_563 = arith.index_cast %get3A_562 : i32 to index
      %get3A_564 = arith.constant 32 : index
      %get3A_565 = tpu.vector_load %arg8[%get3A_563, %get3A_564] {strides = array<i32>} : memref<80x128xf32, #tpu.memory_space<vmem>>, vector<1x16xf32>,
      %get3A_566 = vector.shape_cast %get3A_565 : vector<1x16xf32> to vector<16xf32>
      %mul3A_567 = arith.mulf %get3A_566, %get3A_566 : vector<16xf32>
      %scan3A_568 = arith.constant 1 : i32
      %scan3A_569 = arith.constant 19 : i32
      %scan3A_570 = arith.addi %scan3A_568, %scan3A_569 : i32
      %scan3A_571 = arith.constant 1 : i32
      %scan3A_572:3 = scf.for %scan3A_982 = %scan3A_568 to %scan3A_570 step %scan3A_571 iter_args(%scan3A_983 = %get3A_566, %scan3A_984 = %get3A_566, %scan3A_985 = %mul3A_567) -> (vector<16xf32>, vector<16xf32>, vector<16xf32>)  : i32 {
        %add3A_986 = arith.constant 40 : i32
        %add3A_987 = arith.addi %add3A_986, %scan3A_982 : i32
        %get3A_988 = arith.index_cast %add3A_987 : i32 to index
        %get3A_989 = arith.constant 32 : index
        %get3A_990 = tpu.vector_load %arg8[%get3A_988, %get3A_989] {strides = array<i32>} : memref<80x128xf32, #tpu.memory_space<vmem>>, vector<1x16xf32>,
        %get3A_991 = vector.shape_cast %get3A_990 : vector<1x16xf32> to vector<16xf32>
        %max3A = arith.maximumf %scan3A_983, %get3A_991 : vector<16xf32>
        %add3A_992 = arith.addf %scan3A_984, %get3A_991 : vector<16xf32>
        %mul3A_993 = arith.mulf %get3A_991, %get3A_991 : vector<16xf32>
        %add3A_994 = arith.addf %scan3A_985, %mul3A_993 : vector<16xf32>
        scf.yield %max3A, %add3A_992, %add3A_994 : vector<16xf32>, vector<16xf32>, vector<16xf32>
      }
      %scan3A_573 = arith.constant 19 : i32
      %swap3A_574 = arith.constant 2 : i32
      %swap3A_575 = arith.index_cast %swap3A_574 : i32 to index
      %swap3A_576 = arith.constant 32 : index
      %swap3A_577 = tpu.vector_load %arg10[%swap3A_575, %swap3A_576] {strides = array<i32>} : memref<4x128xf32, #tpu.memory_space<vmem>>, vector<1x16xf32>,
      %swap3A_578 = vector.shape_cast %swap3A_577 : vector<1x16xf32> to vector<16xf32>
      %swap3A_579 = vector.shape_cast %scan3A_572#0 : vector<16xf32> to vector<1x16xf32>
      tpu.vector_store %arg10[%swap3A_575, %swap3A_576], %swap3A_579 {strides = array<i32>} : memref<4x128xf32, #tpu.memory_space<vmem>>, vector<1x16xf32>,
      %swap3A_580 = arith.constant 2 : i32
      %swap3A_581 = arith.index_cast %swap3A_580 : i32 to index
      %swap3A_582 = arith.constant 32 : index
      %swap3A_583 = tpu.vector_load %arg11[%swap3A_581, %swap3A_582] {strides = array<i32>} : memref<4x128xf32, #tpu.memory_space<vmem>>, vector<1x16xf32>,
      %swap3A_584 = vector.shape_cast %swap3A_583 : vector<1x16xf32> to vector<16xf32>
      %swap3A_585 = vector.shape_cast %scan3A_572#1 : vector<16xf32> to vector<1x16xf32>
      tpu.vector_store %arg11[%swap3A_581, %swap3A_582], %swap3A_585 {strides = array<i32>} : memref<4x128xf32, #tpu.memory_space<vmem>>, vector<1x16xf32>,
      %swap3A_586 = arith.constant 2 : i32
      %swap3A_587 = arith.index_cast %swap3A_586 : i32 to index
      %swap3A_588 = arith.constant 32 : index
      %swap3A_589 = tpu.vector_load %arg12[%swap3A_587, %swap3A_588] {strides = array<i32>} : memref<4x128xf32, #tpu.memory_space<vmem>>, vector<1x16xf32>,
      %swap3A_590 = vector.shape_cast %swap3A_589 : vector<1x16xf32> to vector<16xf32>
      %swap3A_591 = vector.shape_cast %scan3A_572#2 : vector<16xf32> to vector<1x16xf32>
      tpu.vector_store %arg12[%swap3A_587, %swap3A_588], %swap3A_591 {strides = array<i32>} : memref<4x128xf32, #tpu.memory_space<vmem>>, vector<1x16xf32>,
      %get3A_592 = arith.constant 40 : i32
      %get3A_593 = arith.index_cast %get3A_592 : i32 to index
      %get3A_594 = arith.constant 48 : index
      %get3A_595 = tpu.vector_load %arg8[%get3A_593, %get3A_594] {strides = array<i32>} : memref<80x128xf32, #tpu.memory_space<vmem>>, vector<1x16xf32>,
      %get3A_596 = vector.shape_cast %get3A_595 : vector<1x16xf32> to vector<16xf32>
      %mul3A_597 = arith.mulf %get3A_596, %get3A_596 : vector<16xf32>
      %scan3A_598 = arith.constant 1 : i32
      %scan3A_599 = arith.constant 19 : i32
      %scan3A_600 = arith.addi %scan3A_598, %scan3A_599 : i32
      %scan3A_601 = arith.constant 1 : i32
      %scan3A_602:3 = scf.for %scan3A_982 = %scan3A_598 to %scan3A_600 step %scan3A_601 iter_args(%scan3A_983 = %get3A_596, %scan3A_984 = %get3A_596, %scan3A_985 = %mul3A_597) -> (vector<16xf32>, vector<16xf32>, vector<16xf32>)  : i32 {
        %add3A_986 = arith.constant 40 : i32
        %add3A_987 = arith.addi %add3A_986, %scan3A_982 : i32
        %get3A_988 = arith.index_cast %add3A_987 : i32 to index
        %get3A_989 = arith.constant 48 : index
        %get3A_990 = tpu.vector_load %arg8[%get3A_988, %get3A_989] {strides = array<i32>} : memref<80x128xf32, #tpu.memory_space<vmem>>, vector<1x16xf32>,
        %get3A_991 = vector.shape_cast %get3A_990 : vector<1x16xf32> to vector<16xf32>
        %max3A = arith.maximumf %scan3A_983, %get3A_991 : vector<16xf32>
        %add3A_992 = arith.addf %scan3A_984, %get3A_991 : vector<16xf32>
        %mul3A_993 = arith.mulf %get3A_991, %get3A_991 : vector<16xf32>
        %add3A_994 = arith.addf %scan3A_985, %mul3A_993 : vector<16xf32>
        scf.yield %max3A, %add3A_992, %add3A_994 : vector<16xf32>, vector<16xf32>, vector<16xf32>
      }
      %scan3A_603 = arith.constant 19 : i32
      %swap3A_604 = arith.constant 2 : i32
      %swap3A_605 = arith.index_cast %swap3A_604 : i32 to index
      %swap3A_606 = arith.constant 48 : index
      %swap3A_607 = tpu.vector_load %arg10[%swap3A_605, %swap3A_606] {strides = array<i32>} : memref<4x128xf32, #tpu.memory_space<vmem>>, vector<1x16xf32>,
      %swap3A_608 = vector.shape_cast %swap3A_607 : vector<1x16xf32> to vector<16xf32>
      %swap3A_609 = vector.shape_cast %scan3A_602#0 : vector<16xf32> to vector<1x16xf32>
      tpu.vector_store %arg10[%swap3A_605, %swap3A_606], %swap3A_609 {strides = array<i32>} : memref<4x128xf32, #tpu.memory_space<vmem>>, vector<1x16xf32>,
      %swap3A_610 = arith.constant 2 : i32
      %swap3A_611 = arith.index_cast %swap3A_610 : i32 to index
      %swap3A_612 = arith.constant 48 : index
      %swap3A_613 = tpu.vector_load %arg11[%swap3A_611, %swap3A_612] {strides = array<i32>} : memref<4x128xf32, #tpu.memory_space<vmem>>, vector<1x16xf32>,
      %swap3A_614 = vector.shape_cast %swap3A_613 : vector<1x16xf32> to vector<16xf32>
      %swap3A_615 = vector.shape_cast %scan3A_602#1 : vector<16xf32> to vector<1x16xf32>
      tpu.vector_store %arg11[%swap3A_611, %swap3A_612], %swap3A_615 {strides = array<i32>} : memref<4x128xf32, #tpu.memory_space<vmem>>, vector<1x16xf32>,
      %swap3A_616 = arith.constant 2 : i32
      %swap3A_617 = arith.index_cast %swap3A_616 : i32 to index
      %swap3A_618 = arith.constant 48 : index
      %swap3A_619 = tpu.vector_load %arg12[%swap3A_617, %swap3A_618] {strides = array<i32>} : memref<4x128xf32, #tpu.memory_space<vmem>>, vector<1x16xf32>,
      %swap3A_620 = vector.shape_cast %swap3A_619 : vector<1x16xf32> to vector<16xf32>
      %swap3A_621 = vector.shape_cast %scan3A_602#2 : vector<16xf32> to vector<1x16xf32>
      tpu.vector_store %arg12[%swap3A_617, %swap3A_618], %swap3A_621 {strides = array<i32>} : memref<4x128xf32, #tpu.memory_space<vmem>>, vector<1x16xf32>,
      %get3A_622 = arith.constant 40 : i32
      %get3A_623 = arith.index_cast %get3A_622 : i32 to index
      %get3A_624 = arith.constant 64 : index
      %get3A_625 = tpu.vector_load %arg8[%get3A_623, %get3A_624] {strides = array<i32>} : memref<80x128xf32, #tpu.memory_space<vmem>>, vector<1x16xf32>,
      %get3A_626 = vector.shape_cast %get3A_625 : vector<1x16xf32> to vector<16xf32>
      %mul3A_627 = arith.mulf %get3A_626, %get3A_626 : vector<16xf32>
      %scan3A_628 = arith.constant 1 : i32
      %scan3A_629 = arith.constant 19 : i32
      %scan3A_630 = arith.addi %scan3A_628, %scan3A_629 : i32
      %scan3A_631 = arith.constant 1 : i32
      %scan3A_632:3 = scf.for %scan3A_982 = %scan3A_628 to %scan3A_630 step %scan3A_631 iter_args(%scan3A_983 = %get3A_626, %scan3A_984 = %get3A_626, %scan3A_985 = %mul3A_627) -> (vector<16xf32>, vector<16xf32>, vector<16xf32>)  : i32 {
        %add3A_986 = arith.constant 40 : i32
        %add3A_987 = arith.addi %add3A_986, %scan3A_982 : i32
        %get3A_988 = arith.index_cast %add3A_987 : i32 to index
        %get3A_989 = arith.constant 64 : index
        %get3A_990 = tpu.vector_load %arg8[%get3A_988, %get3A_989] {strides = array<i32>} : memref<80x128xf32, #tpu.memory_space<vmem>>, vector<1x16xf32>,
        %get3A_991 = vector.shape_cast %get3A_990 : vector<1x16xf32> to vector<16xf32>
        %max3A = arith.maximumf %scan3A_983, %get3A_991 : vector<16xf32>
        %add3A_992 = arith.addf %scan3A_984, %get3A_991 : vector<16xf32>
        %mul3A_993 = arith.mulf %get3A_991, %get3A_991 : vector<16xf32>
        %add3A_994 = arith.addf %scan3A_985, %mul3A_993 : vector<16xf32>
        scf.yield %max3A, %add3A_992, %add3A_994 : vector<16xf32>, vector<16xf32>, vector<16xf32>
      }
      %scan3A_633 = arith.constant 19 : i32
      %swap3A_634 = arith.constant 2 : i32
      %swap3A_635 = arith.index_cast %swap3A_634 : i32 to index
      %swap3A_636 = arith.constant 64 : index
      %swap3A_637 = tpu.vector_load %arg10[%swap3A_635, %swap3A_636] {strides = array<i32>} : memref<4x128xf32, #tpu.memory_space<vmem>>, vector<1x16xf32>,
      %swap3A_638 = vector.shape_cast %swap3A_637 : vector<1x16xf32> to vector<16xf32>
      %swap3A_639 = vector.shape_cast %scan3A_632#0 : vector<16xf32> to vector<1x16xf32>
      tpu.vector_store %arg10[%swap3A_635, %swap3A_636], %swap3A_639 {strides = array<i32>} : memref<4x128xf32, #tpu.memory_space<vmem>>, vector<1x16xf32>,
      %swap3A_640 = arith.constant 2 : i32
      %swap3A_641 = arith.index_cast %swap3A_640 : i32 to index
      %swap3A_642 = arith.constant 64 : index
      %swap3A_643 = tpu.vector_load %arg11[%swap3A_641, %swap3A_642] {strides = array<i32>} : memref<4x128xf32, #tpu.memory_space<vmem>>, vector<1x16xf32>,
      %swap3A_644 = vector.shape_cast %swap3A_643 : vector<1x16xf32> to vector<16xf32>
      %swap3A_645 = vector.shape_cast %scan3A_632#1 : vector<16xf32> to vector<1x16xf32>
      tpu.vector_store %arg11[%swap3A_641, %swap3A_642], %swap3A_645 {strides = array<i32>} : memref<4x128xf32, #tpu.memory_space<vmem>>, vector<1x16xf32>,
      %swap3A_646 = arith.constant 2 : i32
      %swap3A_647 = arith.index_cast %swap3A_646 : i32 to index
      %swap3A_648 = arith.constant 64 : index
      %swap3A_649 = tpu.vector_load %arg12[%swap3A_647, %swap3A_648] {strides = array<i32>} : memref<4x128xf32, #tpu.memory_space<vmem>>, vector<1x16xf32>,
      %swap3A_650 = vector.shape_cast %swap3A_649 : vector<1x16xf32> to vector<16xf32>
      %swap3A_651 = vector.shape_cast %scan3A_632#2 : vector<16xf32> to vector<1x16xf32>
      tpu.vector_store %arg12[%swap3A_647, %swap3A_648], %swap3A_651 {strides = array<i32>} : memref<4x128xf32, #tpu.memory_space<vmem>>, vector<1x16xf32>,
      %get3A_652 = arith.constant 40 : i32
      %get3A_653 = arith.index_cast %get3A_652 : i32 to index
      %get3A_654 = arith.constant 80 : index
      %get3A_655 = tpu.vector_load %arg8[%get3A_653, %get3A_654] {strides = array<i32>} : memref<80x128xf32, #tpu.memory_space<vmem>>, vector<1x16xf32>,
      %get3A_656 = vector.shape_cast %get3A_655 : vector<1x16xf32> to vector<16xf32>
      %mul3A_657 = arith.mulf %get3A_656, %get3A_656 : vector<16xf32>
      %scan3A_658 = arith.constant 1 : i32
      %scan3A_659 = arith.constant 19 : i32
      %scan3A_660 = arith.addi %scan3A_658, %scan3A_659 : i32
      %scan3A_661 = arith.constant 1 : i32
      %scan3A_662:3 = scf.for %scan3A_982 = %scan3A_658 to %scan3A_660 step %scan3A_661 iter_args(%scan3A_983 = %get3A_656, %scan3A_984 = %get3A_656, %scan3A_985 = %mul3A_657) -> (vector<16xf32>, vector<16xf32>, vector<16xf32>)  : i32 {
        %add3A_986 = arith.constant 40 : i32
        %add3A_987 = arith.addi %add3A_986, %scan3A_982 : i32
        %get3A_988 = arith.index_cast %add3A_987 : i32 to index
        %get3A_989 = arith.constant 80 : index
        %get3A_990 = tpu.vector_load %arg8[%get3A_988, %get3A_989] {strides = array<i32>} : memref<80x128xf32, #tpu.memory_space<vmem>>, vector<1x16xf32>,
        %get3A_991 = vector.shape_cast %get3A_990 : vector<1x16xf32> to vector<16xf32>
        %max3A = arith.maximumf %scan3A_983, %get3A_991 : vector<16xf32>
        %add3A_992 = arith.addf %scan3A_984, %get3A_991 : vector<16xf32>
        %mul3A_993 = arith.mulf %get3A_991, %get3A_991 : vector<16xf32>
        %add3A_994 = arith.addf %scan3A_985, %mul3A_993 : vector<16xf32>
        scf.yield %max3A, %add3A_992, %add3A_994 : vector<16xf32>, vector<16xf32>, vector<16xf32>
      }
      %scan3A_663 = arith.constant 19 : i32
      %swap3A_664 = arith.constant 2 : i32
      %swap3A_665 = arith.index_cast %swap3A_664 : i32 to index
      %swap3A_666 = arith.constant 80 : index
      %swap3A_667 = tpu.vector_load %arg10[%swap3A_665, %swap3A_666] {strides = array<i32>} : memref<4x128xf32, #tpu.memory_space<vmem>>, vector<1x16xf32>,
      %swap3A_668 = vector.shape_cast %swap3A_667 : vector<1x16xf32> to vector<16xf32>
      %swap3A_669 = vector.shape_cast %scan3A_662#0 : vector<16xf32> to vector<1x16xf32>
      tpu.vector_store %arg10[%swap3A_665, %swap3A_666], %swap3A_669 {strides = array<i32>} : memref<4x128xf32, #tpu.memory_space<vmem>>, vector<1x16xf32>,
      %swap3A_670 = arith.constant 2 : i32
      %swap3A_671 = arith.index_cast %swap3A_670 : i32 to index
      %swap3A_672 = arith.constant 80 : index
      %swap3A_673 = tpu.vector_load %arg11[%swap3A_671, %swap3A_672] {strides = array<i32>} : memref<4x128xf32, #tpu.memory_space<vmem>>, vector<1x16xf32>,
      %swap3A_674 = vector.shape_cast %swap3A_673 : vector<1x16xf32> to vector<16xf32>
      %swap3A_675 = vector.shape_cast %scan3A_662#1 : vector<16xf32> to vector<1x16xf32>
      tpu.vector_store %arg11[%swap3A_671, %swap3A_672], %swap3A_675 {strides = array<i32>} : memref<4x128xf32, #tpu.memory_space<vmem>>, vector<1x16xf32>,
      %swap3A_676 = arith.constant 2 : i32
      %swap3A_677 = arith.index_cast %swap3A_676 : i32 to index
      %swap3A_678 = arith.constant 80 : index
      %swap3A_679 = tpu.vector_load %arg12[%swap3A_677, %swap3A_678] {strides = array<i32>} : memref<4x128xf32, #tpu.memory_space<vmem>>, vector<1x16xf32>,
      %swap3A_680 = vector.shape_cast %swap3A_679 : vector<1x16xf32> to vector<16xf32>
      %swap3A_681 = vector.shape_cast %scan3A_662#2 : vector<16xf32> to vector<1x16xf32>
      tpu.vector_store %arg12[%swap3A_677, %swap3A_678], %swap3A_681 {strides = array<i32>} : memref<4x128xf32, #tpu.memory_space<vmem>>, vector<1x16xf32>,
      %get3A_682 = arith.constant 40 : i32
      %get3A_683 = arith.index_cast %get3A_682 : i32 to index
      %get3A_684 = arith.constant 96 : index
      %get3A_685 = tpu.vector_load %arg8[%get3A_683, %get3A_684] {strides = array<i32>} : memref<80x128xf32, #tpu.memory_space<vmem>>, vector<1x16xf32>,
      %get3A_686 = vector.shape_cast %get3A_685 : vector<1x16xf32> to vector<16xf32>
      %mul3A_687 = arith.mulf %get3A_686, %get3A_686 : vector<16xf32>
      %scan3A_688 = arith.constant 1 : i32
      %scan3A_689 = arith.constant 19 : i32
      %scan3A_690 = arith.addi %scan3A_688, %scan3A_689 : i32
      %scan3A_691 = arith.constant 1 : i32
      %scan3A_692:3 = scf.for %scan3A_982 = %scan3A_688 to %scan3A_690 step %scan3A_691 iter_args(%scan3A_983 = %get3A_686, %scan3A_984 = %get3A_686, %scan3A_985 = %mul3A_687) -> (vector<16xf32>, vector<16xf32>, vector<16xf32>)  : i32 {
        %add3A_986 = arith.constant 40 : i32
        %add3A_987 = arith.addi %add3A_986, %scan3A_982 : i32
        %get3A_988 = arith.index_cast %add3A_987 : i32 to index
        %get3A_989 = arith.constant 96 : index
        %get3A_990 = tpu.vector_load %arg8[%get3A_988, %get3A_989] {strides = array<i32>} : memref<80x128xf32, #tpu.memory_space<vmem>>, vector<1x16xf32>,
        %get3A_991 = vector.shape_cast %get3A_990 : vector<1x16xf32> to vector<16xf32>
        %max3A = arith.maximumf %scan3A_983, %get3A_991 : vector<16xf32>
        %add3A_992 = arith.addf %scan3A_984, %get3A_991 : vector<16xf32>
        %mul3A_993 = arith.mulf %get3A_991, %get3A_991 : vector<16xf32>
        %add3A_994 = arith.addf %scan3A_985, %mul3A_993 : vector<16xf32>
        scf.yield %max3A, %add3A_992, %add3A_994 : vector<16xf32>, vector<16xf32>, vector<16xf32>
      }
      %scan3A_693 = arith.constant 19 : i32
      %swap3A_694 = arith.constant 2 : i32
      %swap3A_695 = arith.index_cast %swap3A_694 : i32 to index
      %swap3A_696 = arith.constant 96 : index
      %swap3A_697 = tpu.vector_load %arg10[%swap3A_695, %swap3A_696] {strides = array<i32>} : memref<4x128xf32, #tpu.memory_space<vmem>>, vector<1x16xf32>,
      %swap3A_698 = vector.shape_cast %swap3A_697 : vector<1x16xf32> to vector<16xf32>
      %swap3A_699 = vector.shape_cast %scan3A_692#0 : vector<16xf32> to vector<1x16xf32>
      tpu.vector_store %arg10[%swap3A_695, %swap3A_696], %swap3A_699 {strides = array<i32>} : memref<4x128xf32, #tpu.memory_space<vmem>>, vector<1x16xf32>,
      %swap3A_700 = arith.constant 2 : i32
      %swap3A_701 = arith.index_cast %swap3A_700 : i32 to index
      %swap3A_702 = arith.constant 96 : index
      %swap3A_703 = tpu.vector_load %arg11[%swap3A_701, %swap3A_702] {strides = array<i32>} : memref<4x128xf32, #tpu.memory_space<vmem>>, vector<1x16xf32>,
      %swap3A_704 = vector.shape_cast %swap3A_703 : vector<1x16xf32> to vector<16xf32>
      %swap3A_705 = vector.shape_cast %scan3A_692#1 : vector<16xf32> to vector<1x16xf32>
      tpu.vector_store %arg11[%swap3A_701, %swap3A_702], %swap3A_705 {strides = array<i32>} : memref<4x128xf32, #tpu.memory_space<vmem>>, vector<1x16xf32>,
      %swap3A_706 = arith.constant 2 : i32
      %swap3A_707 = arith.index_cast %swap3A_706 : i32 to index
      %swap3A_708 = arith.constant 96 : index
      %swap3A_709 = tpu.vector_load %arg12[%swap3A_707, %swap3A_708] {strides = array<i32>} : memref<4x128xf32, #tpu.memory_space<vmem>>, vector<1x16xf32>,
      %swap3A_710 = vector.shape_cast %swap3A_709 : vector<1x16xf32> to vector<16xf32>
      %swap3A_711 = vector.shape_cast %scan3A_692#2 : vector<16xf32> to vector<1x16xf32>
      tpu.vector_store %arg12[%swap3A_707, %swap3A_708], %swap3A_711 {strides = array<i32>} : memref<4x128xf32, #tpu.memory_space<vmem>>, vector<1x16xf32>,
      %get3A_712 = arith.constant 40 : i32
      %get3A_713 = arith.index_cast %get3A_712 : i32 to index
      %get3A_714 = arith.constant 112 : index
      %get3A_715 = tpu.vector_load %arg8[%get3A_713, %get3A_714] {strides = array<i32>} : memref<80x128xf32, #tpu.memory_space<vmem>>, vector<1x16xf32>,
      %get3A_716 = vector.shape_cast %get3A_715 : vector<1x16xf32> to vector<16xf32>
      %mul3A_717 = arith.mulf %get3A_716, %get3A_716 : vector<16xf32>
      %scan3A_718 = arith.constant 1 : i32
      %scan3A_719 = arith.constant 19 : i32
      %scan3A_720 = arith.addi %scan3A_718, %scan3A_719 : i32
      %scan3A_721 = arith.constant 1 : i32
      %scan3A_722:3 = scf.for %scan3A_982 = %scan3A_718 to %scan3A_720 step %scan3A_721 iter_args(%scan3A_983 = %get3A_716, %scan3A_984 = %get3A_716, %scan3A_985 = %mul3A_717) -> (vector<16xf32>, vector<16xf32>, vector<16xf32>)  : i32 {
        %add3A_986 = arith.constant 40 : i32
        %add3A_987 = arith.addi %add3A_986, %scan3A_982 : i32
        %get3A_988 = arith.index_cast %add3A_987 : i32 to index
        %get3A_989 = arith.constant 112 : index
        %get3A_990 = tpu.vector_load %arg8[%get3A_988, %get3A_989] {strides = array<i32>} : memref<80x128xf32, #tpu.memory_space<vmem>>, vector<1x16xf32>,
        %get3A_991 = vector.shape_cast %get3A_990 : vector<1x16xf32> to vector<16xf32>
        %max3A = arith.maximumf %scan3A_983, %get3A_991 : vector<16xf32>
        %add3A_992 = arith.addf %scan3A_984, %get3A_991 : vector<16xf32>
        %mul3A_993 = arith.mulf %get3A_991, %get3A_991 : vector<16xf32>
        %add3A_994 = arith.addf %scan3A_985, %mul3A_993 : vector<16xf32>
        scf.yield %max3A, %add3A_992, %add3A_994 : vector<16xf32>, vector<16xf32>, vector<16xf32>
      }
      %scan3A_723 = arith.constant 19 : i32
      %swap3A_724 = arith.constant 2 : i32
      %swap3A_725 = arith.index_cast %swap3A_724 : i32 to index
      %swap3A_726 = arith.constant 112 : index
      %swap3A_727 = tpu.vector_load %arg10[%swap3A_725, %swap3A_726] {strides = array<i32>} : memref<4x128xf32, #tpu.memory_space<vmem>>, vector<1x16xf32>,
      %swap3A_728 = vector.shape_cast %swap3A_727 : vector<1x16xf32> to vector<16xf32>
      %swap3A_729 = vector.shape_cast %scan3A_722#0 : vector<16xf32> to vector<1x16xf32>
      tpu.vector_store %arg10[%swap3A_725, %swap3A_726], %swap3A_729 {strides = array<i32>} : memref<4x128xf32, #tpu.memory_space<vmem>>, vector<1x16xf32>,
      %swap3A_730 = arith.constant 2 : i32
      %swap3A_731 = arith.index_cast %swap3A_730 : i32 to index
      %swap3A_732 = arith.constant 112 : index
      %swap3A_733 = tpu.vector_load %arg11[%swap3A_731, %swap3A_732] {strides = array<i32>} : memref<4x128xf32, #tpu.memory_space<vmem>>, vector<1x16xf32>,
      %swap3A_734 = vector.shape_cast %swap3A_733 : vector<1x16xf32> to vector<16xf32>
      %swap3A_735 = vector.shape_cast %scan3A_722#1 : vector<16xf32> to vector<1x16xf32>
      tpu.vector_store %arg11[%swap3A_731, %swap3A_732], %swap3A_735 {strides = array<i32>} : memref<4x128xf32, #tpu.memory_space<vmem>>, vector<1x16xf32>,
      %swap3A_736 = arith.constant 2 : i32
      %swap3A_737 = arith.index_cast %swap3A_736 : i32 to index
      %swap3A_738 = arith.constant 112 : index
      %swap3A_739 = tpu.vector_load %arg12[%swap3A_737, %swap3A_738] {strides = array<i32>} : memref<4x128xf32, #tpu.memory_space<vmem>>, vector<1x16xf32>,
      %swap3A_740 = vector.shape_cast %swap3A_739 : vector<1x16xf32> to vector<16xf32>
      %swap3A_741 = vector.shape_cast %scan3A_722#2 : vector<16xf32> to vector<1x16xf32>
      tpu.vector_store %arg12[%swap3A_737, %swap3A_738], %swap3A_741 {strides = array<i32>} : memref<4x128xf32, #tpu.memory_space<vmem>>, vector<1x16xf32>,
      %get3A_742 = arith.constant 60 : i32
      %get3A_743 = arith.index_cast %get3A_742 : i32 to index
      %get3A_744 = arith.constant 0 : index
      %get3A_745 = tpu.vector_load %arg8[%get3A_743, %get3A_744] {strides = array<i32>} : memref<80x128xf32, #tpu.memory_space<vmem>>, vector<1x16xf32>,
      %get3A_746 = vector.shape_cast %get3A_745 : vector<1x16xf32> to vector<16xf32>
      %mul3A_747 = arith.mulf %get3A_746, %get3A_746 : vector<16xf32>
      %scan3A_748 = arith.constant 1 : i32
      %scan3A_749 = arith.constant 19 : i32
      %scan3A_750 = arith.addi %scan3A_748, %scan3A_749 : i32
      %scan3A_751 = arith.constant 1 : i32
      %scan3A_752:3 = scf.for %scan3A_982 = %scan3A_748 to %scan3A_750 step %scan3A_751 iter_args(%scan3A_983 = %get3A_746, %scan3A_984 = %get3A_746, %scan3A_985 = %mul3A_747) -> (vector<16xf32>, vector<16xf32>, vector<16xf32>)  : i32 {
        %add3A_986 = arith.constant 60 : i32
        %add3A_987 = arith.addi %add3A_986, %scan3A_982 : i32
        %get3A_988 = arith.index_cast %add3A_987 : i32 to index
        %get3A_989 = arith.constant 0 : index
        %get3A_990 = tpu.vector_load %arg8[%get3A_988, %get3A_989] {strides = array<i32>} : memref<80x128xf32, #tpu.memory_space<vmem>>, vector<1x16xf32>,
        %get3A_991 = vector.shape_cast %get3A_990 : vector<1x16xf32> to vector<16xf32>
        %max3A = arith.maximumf %scan3A_983, %get3A_991 : vector<16xf32>
        %add3A_992 = arith.addf %scan3A_984, %get3A_991 : vector<16xf32>
        %mul3A_993 = arith.mulf %get3A_991, %get3A_991 : vector<16xf32>
        %add3A_994 = arith.addf %scan3A_985, %mul3A_993 : vector<16xf32>
        scf.yield %max3A, %add3A_992, %add3A_994 : vector<16xf32>, vector<16xf32>, vector<16xf32>
      }
      %scan3A_753 = arith.constant 19 : i32
      %swap3A_754 = arith.constant 3 : i32
      %swap3A_755 = arith.index_cast %swap3A_754 : i32 to index
      %swap3A_756 = arith.constant 0 : index
      %swap3A_757 = tpu.vector_load %arg10[%swap3A_755, %swap3A_756] {strides = array<i32>} : memref<4x128xf32, #tpu.memory_space<vmem>>, vector<1x16xf32>,
      %swap3A_758 = vector.shape_cast %swap3A_757 : vector<1x16xf32> to vector<16xf32>
      %swap3A_759 = vector.shape_cast %scan3A_752#0 : vector<16xf32> to vector<1x16xf32>
      tpu.vector_store %arg10[%swap3A_755, %swap3A_756], %swap3A_759 {strides = array<i32>} : memref<4x128xf32, #tpu.memory_space<vmem>>, vector<1x16xf32>,
      %swap3A_760 = arith.constant 3 : i32
      %swap3A_761 = arith.index_cast %swap3A_760 : i32 to index
      %swap3A_762 = arith.constant 0 : index
      %swap3A_763 = tpu.vector_load %arg11[%swap3A_761, %swap3A_762] {strides = array<i32>} : memref<4x128xf32, #tpu.memory_space<vmem>>, vector<1x16xf32>,
      %swap3A_764 = vector.shape_cast %swap3A_763 : vector<1x16xf32> to vector<16xf32>
      %swap3A_765 = vector.shape_cast %scan3A_752#1 : vector<16xf32> to vector<1x16xf32>
      tpu.vector_store %arg11[%swap3A_761, %swap3A_762], %swap3A_765 {strides = array<i32>} : memref<4x128xf32, #tpu.memory_space<vmem>>, vector<1x16xf32>,
      %swap3A_766 = arith.constant 3 : i32
      %swap3A_767 = arith.index_cast %swap3A_766 : i32 to index
      %swap3A_768 = arith.constant 0 : index
      %swap3A_769 = tpu.vector_load %arg12[%swap3A_767, %swap3A_768] {strides = array<i32>} : memref<4x128xf32, #tpu.memory_space<vmem>>, vector<1x16xf32>,
      %swap3A_770 = vector.shape_cast %swap3A_769 : vector<1x16xf32> to vector<16xf32>
      %swap3A_771 = vector.shape_cast %scan3A_752#2 : vector<16xf32> to vector<1x16xf32>
      tpu.vector_store %arg12[%swap3A_767, %swap3A_768], %swap3A_771 {strides = array<i32>} : memref<4x128xf32, #tpu.memory_space<vmem>>, vector<1x16xf32>,
      %get3A_772 = arith.constant 60 : i32
      %get3A_773 = arith.index_cast %get3A_772 : i32 to index
      %get3A_774 = arith.constant 16 : index
      %get3A_775 = tpu.vector_load %arg8[%get3A_773, %get3A_774] {strides = array<i32>} : memref<80x128xf32, #tpu.memory_space<vmem>>, vector<1x16xf32>,
      %get3A_776 = vector.shape_cast %get3A_775 : vector<1x16xf32> to vector<16xf32>
      %mul3A_777 = arith.mulf %get3A_776, %get3A_776 : vector<16xf32>
      %scan3A_778 = arith.constant 1 : i32
      %scan3A_779 = arith.constant 19 : i32
      %scan3A_780 = arith.addi %scan3A_778, %scan3A_779 : i32
      %scan3A_781 = arith.constant 1 : i32
      %scan3A_782:3 = scf.for %scan3A_982 = %scan3A_778 to %scan3A_780 step %scan3A_781 iter_args(%scan3A_983 = %get3A_776, %scan3A_984 = %get3A_776, %scan3A_985 = %mul3A_777) -> (vector<16xf32>, vector<16xf32>, vector<16xf32>)  : i32 {
        %add3A_986 = arith.constant 60 : i32
        %add3A_987 = arith.addi %add3A_986, %scan3A_982 : i32
        %get3A_988 = arith.index_cast %add3A_987 : i32 to index
        %get3A_989 = arith.constant 16 : index
        %get3A_990 = tpu.vector_load %arg8[%get3A_988, %get3A_989] {strides = array<i32>} : memref<80x128xf32, #tpu.memory_space<vmem>>, vector<1x16xf32>,
        %get3A_991 = vector.shape_cast %get3A_990 : vector<1x16xf32> to vector<16xf32>
        %max3A = arith.maximumf %scan3A_983, %get3A_991 : vector<16xf32>
        %add3A_992 = arith.addf %scan3A_984, %get3A_991 : vector<16xf32>
        %mul3A_993 = arith.mulf %get3A_991, %get3A_991 : vector<16xf32>
        %add3A_994 = arith.addf %scan3A_985, %mul3A_993 : vector<16xf32>
        scf.yield %max3A, %add3A_992, %add3A_994 : vector<16xf32>, vector<16xf32>, vector<16xf32>
      }
      %scan3A_783 = arith.constant 19 : i32
      %swap3A_784 = arith.constant 3 : i32
      %swap3A_785 = arith.index_cast %swap3A_784 : i32 to index
      %swap3A_786 = arith.constant 16 : index
      %swap3A_787 = tpu.vector_load %arg10[%swap3A_785, %swap3A_786] {strides = array<i32>} : memref<4x128xf32, #tpu.memory_space<vmem>>, vector<1x16xf32>,
      %swap3A_788 = vector.shape_cast %swap3A_787 : vector<1x16xf32> to vector<16xf32>
      %swap3A_789 = vector.shape_cast %scan3A_782#0 : vector<16xf32> to vector<1x16xf32>
      tpu.vector_store %arg10[%swap3A_785, %swap3A_786], %swap3A_789 {strides = array<i32>} : memref<4x128xf32, #tpu.memory_space<vmem>>, vector<1x16xf32>,
      %swap3A_790 = arith.constant 3 : i32
      %swap3A_791 = arith.index_cast %swap3A_790 : i32 to index
      %swap3A_792 = arith.constant 16 : index
      %swap3A_793 = tpu.vector_load %arg11[%swap3A_791, %swap3A_792] {strides = array<i32>} : memref<4x128xf32, #tpu.memory_space<vmem>>, vector<1x16xf32>,
      %swap3A_794 = vector.shape_cast %swap3A_793 : vector<1x16xf32> to vector<16xf32>
      %swap3A_795 = vector.shape_cast %scan3A_782#1 : vector<16xf32> to vector<1x16xf32>
      tpu.vector_store %arg11[%swap3A_791, %swap3A_792], %swap3A_795 {strides = array<i32>} : memref<4x128xf32, #tpu.memory_space<vmem>>, vector<1x16xf32>,
      %swap3A_796 = arith.constant 3 : i32
      %swap3A_797 = arith.index_cast %swap3A_796 : i32 to index
      %swap3A_798 = arith.constant 16 : index
      %swap3A_799 = tpu.vector_load %arg12[%swap3A_797, %swap3A_798] {strides = array<i32>} : memref<4x128xf32, #tpu.memory_space<vmem>>, vector<1x16xf32>,
      %swap3A_800 = vector.shape_cast %swap3A_799 : vector<1x16xf32> to vector<16xf32>
      %swap3A_801 = vector.shape_cast %scan3A_782#2 : vector<16xf32> to vector<1x16xf32>
      tpu.vector_store %arg12[%swap3A_797, %swap3A_798], %swap3A_801 {strides = array<i32>} : memref<4x128xf32, #tpu.memory_space<vmem>>, vector<1x16xf32>,
      %get3A_802 = arith.constant 60 : i32
      %get3A_803 = arith.index_cast %get3A_802 : i32 to index
      %get3A_804 = arith.constant 32 : index
      %get3A_805 = tpu.vector_load %arg8[%get3A_803, %get3A_804] {strides = array<i32>} : memref<80x128xf32, #tpu.memory_space<vmem>>, vector<1x16xf32>,
      %get3A_806 = vector.shape_cast %get3A_805 : vector<1x16xf32> to vector<16xf32>
      %mul3A_807 = arith.mulf %get3A_806, %get3A_806 : vector<16xf32>
      %scan3A_808 = arith.constant 1 : i32
      %scan3A_809 = arith.constant 19 : i32
      %scan3A_810 = arith.addi %scan3A_808, %scan3A_809 : i32
      %scan3A_811 = arith.constant 1 : i32
      %scan3A_812:3 = scf.for %scan3A_982 = %scan3A_808 to %scan3A_810 step %scan3A_811 iter_args(%scan3A_983 = %get3A_806, %scan3A_984 = %get3A_806, %scan3A_985 = %mul3A_807) -> (vector<16xf32>, vector<16xf32>, vector<16xf32>)  : i32 {
        %add3A_986 = arith.constant 60 : i32
        %add3A_987 = arith.addi %add3A_986, %scan3A_982 : i32
        %get3A_988 = arith.index_cast %add3A_987 : i32 to index
        %get3A_989 = arith.constant 32 : index
        %get3A_990 = tpu.vector_load %arg8[%get3A_988, %get3A_989] {strides = array<i32>} : memref<80x128xf32, #tpu.memory_space<vmem>>, vector<1x16xf32>,
        %get3A_991 = vector.shape_cast %get3A_990 : vector<1x16xf32> to vector<16xf32>
        %max3A = arith.maximumf %scan3A_983, %get3A_991 : vector<16xf32>
        %add3A_992 = arith.addf %scan3A_984, %get3A_991 : vector<16xf32>
        %mul3A_993 = arith.mulf %get3A_991, %get3A_991 : vector<16xf32>
        %add3A_994 = arith.addf %scan3A_985, %mul3A_993 : vector<16xf32>
        scf.yield %max3A, %add3A_992, %add3A_994 : vector<16xf32>, vector<16xf32>, vector<16xf32>
      }
      %scan3A_813 = arith.constant 19 : i32
      %swap3A_814 = arith.constant 3 : i32
      %swap3A_815 = arith.index_cast %swap3A_814 : i32 to index
      %swap3A_816 = arith.constant 32 : index
      %swap3A_817 = tpu.vector_load %arg10[%swap3A_815, %swap3A_816] {strides = array<i32>} : memref<4x128xf32, #tpu.memory_space<vmem>>, vector<1x16xf32>,
      %swap3A_818 = vector.shape_cast %swap3A_817 : vector<1x16xf32> to vector<16xf32>
      %swap3A_819 = vector.shape_cast %scan3A_812#0 : vector<16xf32> to vector<1x16xf32>
      tpu.vector_store %arg10[%swap3A_815, %swap3A_816], %swap3A_819 {strides = array<i32>} : memref<4x128xf32, #tpu.memory_space<vmem>>, vector<1x16xf32>,
      %swap3A_820 = arith.constant 3 : i32
      %swap3A_821 = arith.index_cast %swap3A_820 : i32 to index
      %swap3A_822 = arith.constant 32 : index
      %swap3A_823 = tpu.vector_load %arg11[%swap3A_821, %swap3A_822] {strides = array<i32>} : memref<4x128xf32, #tpu.memory_space<vmem>>, vector<1x16xf32>,
      %swap3A_824 = vector.shape_cast %swap3A_823 : vector<1x16xf32> to vector<16xf32>
      %swap3A_825 = vector.shape_cast %scan3A_812#1 : vector<16xf32> to vector<1x16xf32>
      tpu.vector_store %arg11[%swap3A_821, %swap3A_822], %swap3A_825 {strides = array<i32>} : memref<4x128xf32, #tpu.memory_space<vmem>>, vector<1x16xf32>,
      %swap3A_826 = arith.constant 3 : i32
      %swap3A_827 = arith.index_cast %swap3A_826 : i32 to index
      %swap3A_828 = arith.constant 32 : index
      %swap3A_829 = tpu.vector_load %arg12[%swap3A_827, %swap3A_828] {strides = array<i32>} : memref<4x128xf32, #tpu.memory_space<vmem>>, vector<1x16xf32>,
      %swap3A_830 = vector.shape_cast %swap3A_829 : vector<1x16xf32> to vector<16xf32>
      %swap3A_831 = vector.shape_cast %scan3A_812#2 : vector<16xf32> to vector<1x16xf32>
      tpu.vector_store %arg12[%swap3A_827, %swap3A_828], %swap3A_831 {strides = array<i32>} : memref<4x128xf32, #tpu.memory_space<vmem>>, vector<1x16xf32>,
      %get3A_832 = arith.constant 60 : i32
      %get3A_833 = arith.index_cast %get3A_832 : i32 to index
      %get3A_834 = arith.constant 48 : index
      %get3A_835 = tpu.vector_load %arg8[%get3A_833, %get3A_834] {strides = array<i32>} : memref<80x128xf32, #tpu.memory_space<vmem>>, vector<1x16xf32>,
      %get3A_836 = vector.shape_cast %get3A_835 : vector<1x16xf32> to vector<16xf32>
      %mul3A_837 = arith.mulf %get3A_836, %get3A_836 : vector<16xf32>
      %scan3A_838 = arith.constant 1 : i32
      %scan3A_839 = arith.constant 19 : i32
      %scan3A_840 = arith.addi %scan3A_838, %scan3A_839 : i32
      %scan3A_841 = arith.constant 1 : i32
      %scan3A_842:3 = scf.for %scan3A_982 = %scan3A_838 to %scan3A_840 step %scan3A_841 iter_args(%scan3A_983 = %get3A_836, %scan3A_984 = %get3A_836, %scan3A_985 = %mul3A_837) -> (vector<16xf32>, vector<16xf32>, vector<16xf32>)  : i32 {
        %add3A_986 = arith.constant 60 : i32
        %add3A_987 = arith.addi %add3A_986, %scan3A_982 : i32
        %get3A_988 = arith.index_cast %add3A_987 : i32 to index
        %get3A_989 = arith.constant 48 : index
        %get3A_990 = tpu.vector_load %arg8[%get3A_988, %get3A_989] {strides = array<i32>} : memref<80x128xf32, #tpu.memory_space<vmem>>, vector<1x16xf32>,
        %get3A_991 = vector.shape_cast %get3A_990 : vector<1x16xf32> to vector<16xf32>
        %max3A = arith.maximumf %scan3A_983, %get3A_991 : vector<16xf32>
        %add3A_992 = arith.addf %scan3A_984, %get3A_991 : vector<16xf32>
        %mul3A_993 = arith.mulf %get3A_991, %get3A_991 : vector<16xf32>
        %add3A_994 = arith.addf %scan3A_985, %mul3A_993 : vector<16xf32>
        scf.yield %max3A, %add3A_992, %add3A_994 : vector<16xf32>, vector<16xf32>, vector<16xf32>
      }
      %scan3A_843 = arith.constant 19 : i32
      %swap3A_844 = arith.constant 3 : i32
      %swap3A_845 = arith.index_cast %swap3A_844 : i32 to index
      %swap3A_846 = arith.constant 48 : index
      %swap3A_847 = tpu.vector_load %arg10[%swap3A_845, %swap3A_846] {strides = array<i32>} : memref<4x128xf32, #tpu.memory_space<vmem>>, vector<1x16xf32>,
      %swap3A_848 = vector.shape_cast %swap3A_847 : vector<1x16xf32> to vector<16xf32>
      %swap3A_849 = vector.shape_cast %scan3A_842#0 : vector<16xf32> to vector<1x16xf32>
      tpu.vector_store %arg10[%swap3A_845, %swap3A_846], %swap3A_849 {strides = array<i32>} : memref<4x128xf32, #tpu.memory_space<vmem>>, vector<1x16xf32>,
      %swap3A_850 = arith.constant 3 : i32
      %swap3A_851 = arith.index_cast %swap3A_850 : i32 to index
      %swap3A_852 = arith.constant 48 : index
      %swap3A_853 = tpu.vector_load %arg11[%swap3A_851, %swap3A_852] {strides = array<i32>} : memref<4x128xf32, #tpu.memory_space<vmem>>, vector<1x16xf32>,
      %swap3A_854 = vector.shape_cast %swap3A_853 : vector<1x16xf32> to vector<16xf32>
      %swap3A_855 = vector.shape_cast %scan3A_842#1 : vector<16xf32> to vector<1x16xf32>
      tpu.vector_store %arg11[%swap3A_851, %swap3A_852], %swap3A_855 {strides = array<i32>} : memref<4x128xf32, #tpu.memory_space<vmem>>, vector<1x16xf32>,
      %swap3A_856 = arith.constant 3 : i32
      %swap3A_857 = arith.index_cast %swap3A_856 : i32 to index
      %swap3A_858 = arith.constant 48 : index
      %swap3A_859 = tpu.vector_load %arg12[%swap3A_857, %swap3A_858] {strides = array<i32>} : memref<4x128xf32, #tpu.memory_space<vmem>>, vector<1x16xf32>,
      %swap3A_860 = vector.shape_cast %swap3A_859 : vector<1x16xf32> to vector<16xf32>
      %swap3A_861 = vector.shape_cast %scan3A_842#2 : vector<16xf32> to vector<1x16xf32>
      tpu.vector_store %arg12[%swap3A_857, %swap3A_858], %swap3A_861 {strides = array<i32>} : memref<4x128xf32, #tpu.memory_space<vmem>>, vector<1x16xf32>,
      %get3A_862 = arith.constant 60 : i32
      %get3A_863 = arith.index_cast %get3A_862 : i32 to index
      %get3A_864 = arith.constant 64 : index
      %get3A_865 = tpu.vector_load %arg8[%get3A_863, %get3A_864] {strides = array<i32>} : memref<80x128xf32, #tpu.memory_space<vmem>>, vector<1x16xf32>,
      %get3A_866 = vector.shape_cast %get3A_865 : vector<1x16xf32> to vector<16xf32>
      %mul3A_867 = arith.mulf %get3A_866, %get3A_866 : vector<16xf32>
      %scan3A_868 = arith.constant 1 : i32
      %scan3A_869 = arith.constant 19 : i32
      %scan3A_870 = arith.addi %scan3A_868, %scan3A_869 : i32
      %scan3A_871 = arith.constant 1 : i32
      %scan3A_872:3 = scf.for %scan3A_982 = %scan3A_868 to %scan3A_870 step %scan3A_871 iter_args(%scan3A_983 = %get3A_866, %scan3A_984 = %get3A_866, %scan3A_985 = %mul3A_867) -> (vector<16xf32>, vector<16xf32>, vector<16xf32>)  : i32 {
        %add3A_986 = arith.constant 60 : i32
        %add3A_987 = arith.addi %add3A_986, %scan3A_982 : i32
        %get3A_988 = arith.index_cast %add3A_987 : i32 to index
        %get3A_989 = arith.constant 64 : index
        %get3A_990 = tpu.vector_load %arg8[%get3A_988, %get3A_989] {strides = array<i32>} : memref<80x128xf32, #tpu.memory_space<vmem>>, vector<1x16xf32>,
        %get3A_991 = vector.shape_cast %get3A_990 : vector<1x16xf32> to vector<16xf32>
        %max3A = arith.maximumf %scan3A_983, %get3A_991 : vector<16xf32>
        %add3A_992 = arith.addf %scan3A_984, %get3A_991 : vector<16xf32>
        %mul3A_993 = arith.mulf %get3A_991, %get3A_991 : vector<16xf32>
        %add3A_994 = arith.addf %scan3A_985, %mul3A_993 : vector<16xf32>
        scf.yield %max3A, %add3A_992, %add3A_994 : vector<16xf32>, vector<16xf32>, vector<16xf32>
      }
      %scan3A_873 = arith.constant 19 : i32
      %swap3A_874 = arith.constant 3 : i32
      %swap3A_875 = arith.index_cast %swap3A_874 : i32 to index
      %swap3A_876 = arith.constant 64 : index
      %swap3A_877 = tpu.vector_load %arg10[%swap3A_875, %swap3A_876] {strides = array<i32>} : memref<4x128xf32, #tpu.memory_space<vmem>>, vector<1x16xf32>,
      %swap3A_878 = vector.shape_cast %swap3A_877 : vector<1x16xf32> to vector<16xf32>
      %swap3A_879 = vector.shape_cast %scan3A_872#0 : vector<16xf32> to vector<1x16xf32>
      tpu.vector_store %arg10[%swap3A_875, %swap3A_876], %swap3A_879 {strides = array<i32>} : memref<4x128xf32, #tpu.memory_space<vmem>>, vector<1x16xf32>,
      %swap3A_880 = arith.constant 3 : i32
      %swap3A_881 = arith.index_cast %swap3A_880 : i32 to index
      %swap3A_882 = arith.constant 64 : index
      %swap3A_883 = tpu.vector_load %arg11[%swap3A_881, %swap3A_882] {strides = array<i32>} : memref<4x128xf32, #tpu.memory_space<vmem>>, vector<1x16xf32>,
      %swap3A_884 = vector.shape_cast %swap3A_883 : vector<1x16xf32> to vector<16xf32>
      %swap3A_885 = vector.shape_cast %scan3A_872#1 : vector<16xf32> to vector<1x16xf32>
      tpu.vector_store %arg11[%swap3A_881, %swap3A_882], %swap3A_885 {strides = array<i32>} : memref<4x128xf32, #tpu.memory_space<vmem>>, vector<1x16xf32>,
      %swap3A_886 = arith.constant 3 : i32
      %swap3A_887 = arith.index_cast %swap3A_886 : i32 to index
      %swap3A_888 = arith.constant 64 : index
      %swap3A_889 = tpu.vector_load %arg12[%swap3A_887, %swap3A_888] {strides = array<i32>} : memref<4x128xf32, #tpu.memory_space<vmem>>, vector<1x16xf32>,
      %swap3A_890 = vector.shape_cast %swap3A_889 : vector<1x16xf32> to vector<16xf32>
      %swap3A_891 = vector.shape_cast %scan3A_872#2 : vector<16xf32> to vector<1x16xf32>
      tpu.vector_store %arg12[%swap3A_887, %swap3A_888], %swap3A_891 {strides = array<i32>} : memref<4x128xf32, #tpu.memory_space<vmem>>, vector<1x16xf32>,
      %get3A_892 = arith.constant 60 : i32
      %get3A_893 = arith.index_cast %get3A_892 : i32 to index
      %get3A_894 = arith.constant 80 : index
      %get3A_895 = tpu.vector_load %arg8[%get3A_893, %get3A_894] {strides = array<i32>} : memref<80x128xf32, #tpu.memory_space<vmem>>, vector<1x16xf32>,
      %get3A_896 = vector.shape_cast %get3A_895 : vector<1x16xf32> to vector<16xf32>
      %mul3A_897 = arith.mulf %get3A_896, %get3A_896 : vector<16xf32>
      %scan3A_898 = arith.constant 1 : i32
      %scan3A_899 = arith.constant 19 : i32
      %scan3A_900 = arith.addi %scan3A_898, %scan3A_899 : i32
      %scan3A_901 = arith.constant 1 : i32
      %scan3A_902:3 = scf.for %scan3A_982 = %scan3A_898 to %scan3A_900 step %scan3A_901 iter_args(%scan3A_983 = %get3A_896, %scan3A_984 = %get3A_896, %scan3A_985 = %mul3A_897) -> (vector<16xf32>, vector<16xf32>, vector<16xf32>)  : i32 {
        %add3A_986 = arith.constant 60 : i32
        %add3A_987 = arith.addi %add3A_986, %scan3A_982 : i32
        %get3A_988 = arith.index_cast %add3A_987 : i32 to index
        %get3A_989 = arith.constant 80 : index
        %get3A_990 = tpu.vector_load %arg8[%get3A_988, %get3A_989] {strides = array<i32>} : memref<80x128xf32, #tpu.memory_space<vmem>>, vector<1x16xf32>,
        %get3A_991 = vector.shape_cast %get3A_990 : vector<1x16xf32> to vector<16xf32>
        %max3A = arith.maximumf %scan3A_983, %get3A_991 : vector<16xf32>
        %add3A_992 = arith.addf %scan3A_984, %get3A_991 : vector<16xf32>
        %mul3A_993 = arith.mulf %get3A_991, %get3A_991 : vector<16xf32>
        %add3A_994 = arith.addf %scan3A_985, %mul3A_993 : vector<16xf32>
        scf.yield %max3A, %add3A_992, %add3A_994 : vector<16xf32>, vector<16xf32>, vector<16xf32>
      }
      %scan3A_903 = arith.constant 19 : i32
      %swap3A_904 = arith.constant 3 : i32
      %swap3A_905 = arith.index_cast %swap3A_904 : i32 to index
      %swap3A_906 = arith.constant 80 : index
      %swap3A_907 = tpu.vector_load %arg10[%swap3A_905, %swap3A_906] {strides = array<i32>} : memref<4x128xf32, #tpu.memory_space<vmem>>, vector<1x16xf32>,
      %swap3A_908 = vector.shape_cast %swap3A_907 : vector<1x16xf32> to vector<16xf32>
      %swap3A_909 = vector.shape_cast %scan3A_902#0 : vector<16xf32> to vector<1x16xf32>
      tpu.vector_store %arg10[%swap3A_905, %swap3A_906], %swap3A_909 {strides = array<i32>} : memref<4x128xf32, #tpu.memory_space<vmem>>, vector<1x16xf32>,
      %swap3A_910 = arith.constant 3 : i32
      %swap3A_911 = arith.index_cast %swap3A_910 : i32 to index
      %swap3A_912 = arith.constant 80 : index
      %swap3A_913 = tpu.vector_load %arg11[%swap3A_911, %swap3A_912] {strides = array<i32>} : memref<4x128xf32, #tpu.memory_space<vmem>>, vector<1x16xf32>,
      %swap3A_914 = vector.shape_cast %swap3A_913 : vector<1x16xf32> to vector<16xf32>
      %swap3A_915 = vector.shape_cast %scan3A_902#1 : vector<16xf32> to vector<1x16xf32>
      tpu.vector_store %arg11[%swap3A_911, %swap3A_912], %swap3A_915 {strides = array<i32>} : memref<4x128xf32, #tpu.memory_space<vmem>>, vector<1x16xf32>,
      %swap3A_916 = arith.constant 3 : i32
      %swap3A_917 = arith.index_cast %swap3A_916 : i32 to index
      %swap3A_918 = arith.constant 80 : index
      %swap3A_919 = tpu.vector_load %arg12[%swap3A_917, %swap3A_918] {strides = array<i32>} : memref<4x128xf32, #tpu.memory_space<vmem>>, vector<1x16xf32>,
      %swap3A_920 = vector.shape_cast %swap3A_919 : vector<1x16xf32> to vector<16xf32>
      %swap3A_921 = vector.shape_cast %scan3A_902#2 : vector<16xf32> to vector<1x16xf32>
      tpu.vector_store %arg12[%swap3A_917, %swap3A_918], %swap3A_921 {strides = array<i32>} : memref<4x128xf32, #tpu.memory_space<vmem>>, vector<1x16xf32>,
      %get3A_922 = arith.constant 60 : i32
      %get3A_923 = arith.index_cast %get3A_922 : i32 to index
      %get3A_924 = arith.constant 96 : index
      %get3A_925 = tpu.vector_load %arg8[%get3A_923, %get3A_924] {strides = array<i32>} : memref<80x128xf32, #tpu.memory_space<vmem>>, vector<1x16xf32>,
      %get3A_926 = vector.shape_cast %get3A_925 : vector<1x16xf32> to vector<16xf32>
      %mul3A_927 = arith.mulf %get3A_926, %get3A_926 : vector<16xf32>
      %scan3A_928 = arith.constant 1 : i32
      %scan3A_929 = arith.constant 19 : i32
      %scan3A_930 = arith.addi %scan3A_928, %scan3A_929 : i32
      %scan3A_931 = arith.constant 1 : i32
      %scan3A_932:3 = scf.for %scan3A_982 = %scan3A_928 to %scan3A_930 step %scan3A_931 iter_args(%scan3A_983 = %get3A_926, %scan3A_984 = %get3A_926, %scan3A_985 = %mul3A_927) -> (vector<16xf32>, vector<16xf32>, vector<16xf32>)  : i32 {
        %add3A_986 = arith.constant 60 : i32
        %add3A_987 = arith.addi %add3A_986, %scan3A_982 : i32
        %get3A_988 = arith.index_cast %add3A_987 : i32 to index
        %get3A_989 = arith.constant 96 : index
        %get3A_990 = tpu.vector_load %arg8[%get3A_988, %get3A_989] {strides = array<i32>} : memref<80x128xf32, #tpu.memory_space<vmem>>, vector<1x16xf32>,
        %get3A_991 = vector.shape_cast %get3A_990 : vector<1x16xf32> to vector<16xf32>
        %max3A = arith.maximumf %scan3A_983, %get3A_991 : vector<16xf32>
        %add3A_992 = arith.addf %scan3A_984, %get3A_991 : vector<16xf32>
        %mul3A_993 = arith.mulf %get3A_991, %get3A_991 : vector<16xf32>
        %add3A_994 = arith.addf %scan3A_985, %mul3A_993 : vector<16xf32>
        scf.yield %max3A, %add3A_992, %add3A_994 : vector<16xf32>, vector<16xf32>, vector<16xf32>
      }
      %scan3A_933 = arith.constant 19 : i32
      %swap3A_934 = arith.constant 3 : i32
      %swap3A_935 = arith.index_cast %swap3A_934 : i32 to index
      %swap3A_936 = arith.constant 96 : index
      %swap3A_937 = tpu.vector_load %arg10[%swap3A_935, %swap3A_936] {strides = array<i32>} : memref<4x128xf32, #tpu.memory_space<vmem>>, vector<1x16xf32>,
      %swap3A_938 = vector.shape_cast %swap3A_937 : vector<1x16xf32> to vector<16xf32>
      %swap3A_939 = vector.shape_cast %scan3A_932#0 : vector<16xf32> to vector<1x16xf32>
      tpu.vector_store %arg10[%swap3A_935, %swap3A_936], %swap3A_939 {strides = array<i32>} : memref<4x128xf32, #tpu.memory_space<vmem>>, vector<1x16xf32>,
      %swap3A_940 = arith.constant 3 : i32
      %swap3A_941 = arith.index_cast %swap3A_940 : i32 to index
      %swap3A_942 = arith.constant 96 : index
      %swap3A_943 = tpu.vector_load %arg11[%swap3A_941, %swap3A_942] {strides = array<i32>} : memref<4x128xf32, #tpu.memory_space<vmem>>, vector<1x16xf32>,
      %swap3A_944 = vector.shape_cast %swap3A_943 : vector<1x16xf32> to vector<16xf32>
      %swap3A_945 = vector.shape_cast %scan3A_932#1 : vector<16xf32> to vector<1x16xf32>
      tpu.vector_store %arg11[%swap3A_941, %swap3A_942], %swap3A_945 {strides = array<i32>} : memref<4x128xf32, #tpu.memory_space<vmem>>, vector<1x16xf32>,
      %swap3A_946 = arith.constant 3 : i32
      %swap3A_947 = arith.index_cast %swap3A_946 : i32 to index
      %swap3A_948 = arith.constant 96 : index
      %swap3A_949 = tpu.vector_load %arg12[%swap3A_947, %swap3A_948] {strides = array<i32>} : memref<4x128xf32, #tpu.memory_space<vmem>>, vector<1x16xf32>,
      %swap3A_950 = vector.shape_cast %swap3A_949 : vector<1x16xf32> to vector<16xf32>
      %swap3A_951 = vector.shape_cast %scan3A_932#2 : vector<16xf32> to vector<1x16xf32>
      tpu.vector_store %arg12[%swap3A_947, %swap3A_948], %swap3A_951 {strides = array<i32>} : memref<4x128xf32, #tpu.memory_space<vmem>>, vector<1x16xf32>,
      %get3A_952 = arith.constant 60 : i32
      %get3A_953 = arith.index_cast %get3A_952 : i32 to index
      %get3A_954 = arith.constant 112 : index
      %get3A_955 = tpu.vector_load %arg8[%get3A_953, %get3A_954] {strides = array<i32>} : memref<80x128xf32, #tpu.memory_space<vmem>>, vector<1x16xf32>,
      %get3A_956 = vector.shape_cast %get3A_955 : vector<1x16xf32> to vector<16xf32>
      %mul3A_957 = arith.mulf %get3A_956, %get3A_956 : vector<16xf32>
      %scan3A_958 = arith.constant 1 : i32
      %scan3A_959 = arith.constant 19 : i32
      %scan3A_960 = arith.addi %scan3A_958, %scan3A_959 : i32
      %scan3A_961 = arith.constant 1 : i32
      %scan3A_962:3 = scf.for %scan3A_982 = %scan3A_958 to %scan3A_960 step %scan3A_961 iter_args(%scan3A_983 = %get3A_956, %scan3A_984 = %get3A_956, %scan3A_985 = %mul3A_957) -> (vector<16xf32>, vector<16xf32>, vector<16xf32>)  : i32 {
        %add3A_986 = arith.constant 60 : i32
        %add3A_987 = arith.addi %add3A_986, %scan3A_982 : i32
        %get3A_988 = arith.index_cast %add3A_987 : i32 to index
        %get3A_989 = arith.constant 112 : index
        %get3A_990 = tpu.vector_load %arg8[%get3A_988, %get3A_989] {strides = array<i32>} : memref<80x128xf32, #tpu.memory_space<vmem>>, vector<1x16xf32>,
        %get3A_991 = vector.shape_cast %get3A_990 : vector<1x16xf32> to vector<16xf32>
        %max3A = arith.maximumf %scan3A_983, %get3A_991 : vector<16xf32>
        %add3A_992 = arith.addf %scan3A_984, %get3A_991 : vector<16xf32>
        %mul3A_993 = arith.mulf %get3A_991, %get3A_991 : vector<16xf32>
        %add3A_994 = arith.addf %scan3A_985, %mul3A_993 : vector<16xf32>
        scf.yield %max3A, %add3A_992, %add3A_994 : vector<16xf32>, vector<16xf32>, vector<16xf32>
      }
      %scan3A_963 = arith.constant 19 : i32
      %swap3A_964 = arith.constant 3 : i32
      %swap3A_965 = arith.index_cast %swap3A_964 : i32 to index
      %swap3A_966 = arith.constant 112 : index
      %swap3A_967 = tpu.vector_load %arg10[%swap3A_965, %swap3A_966] {strides = array<i32>} : memref<4x128xf32, #tpu.memory_space<vmem>>, vector<1x16xf32>,
      %swap3A_968 = vector.shape_cast %swap3A_967 : vector<1x16xf32> to vector<16xf32>
      %swap3A_969 = vector.shape_cast %scan3A_962#0 : vector<16xf32> to vector<1x16xf32>
      tpu.vector_store %arg10[%swap3A_965, %swap3A_966], %swap3A_969 {strides = array<i32>} : memref<4x128xf32, #tpu.memory_space<vmem>>, vector<1x16xf32>,
      %swap3A_970 = arith.constant 3 : i32
      %swap3A_971 = arith.index_cast %swap3A_970 : i32 to index
      %swap3A_972 = arith.constant 112 : index
      %swap3A_973 = tpu.vector_load %arg11[%swap3A_971, %swap3A_972] {strides = array<i32>} : memref<4x128xf32, #tpu.memory_space<vmem>>, vector<1x16xf32>,
      %swap3A_974 = vector.shape_cast %swap3A_973 : vector<1x16xf32> to vector<16xf32>
      %swap3A_975 = vector.shape_cast %scan3A_962#1 : vector<16xf32> to vector<1x16xf32>
      tpu.vector_store %arg11[%swap3A_971, %swap3A_972], %swap3A_975 {strides = array<i32>} : memref<4x128xf32, #tpu.memory_space<vmem>>, vector<1x16xf32>,
      %swap3A_976 = arith.constant 3 : i32
      %swap3A_977 = arith.index_cast %swap3A_976 : i32 to index
      %swap3A_978 = arith.constant 112 : index
      %swap3A_979 = tpu.vector_load %arg12[%swap3A_977, %swap3A_978] {strides = array<i32>} : memref<4x128xf32, #tpu.memory_space<vmem>>, vector<1x16xf32>,
      %swap3A_980 = vector.shape_cast %swap3A_979 : vector<1x16xf32> to vector<16xf32>
      %swap3A_981 = vector.shape_cast %scan3A_962#2 : vector<16xf32> to vector<1x16xf32>
      tpu.vector_store %arg12[%swap3A_977, %swap3A_978], %swap3A_981 {strides = array<i32>} : memref<4x128xf32, #tpu.memory_space<vmem>>, vector<1x16xf32>,
      "tpu.region"() ({
        %run_scoped3A = tpu.sem_alloc : memref<!tpu.dma_semaphore, #tpu.memory_space<semaphore_mem>>
        %dma_start3A_982 = arith.constant 0 : i32
        %dma_start3A_983 = tpu.memref_slice %arg4[%add3A_23, %dma_start3A_982] : memref<16384x128xf32, #tpu.memory_space<hbm>> -> memref<4x128xf32, #tpu.memory_space<hbm>>
        %dma_start3A_984 = arith.constant 0 : i32
        %dma_start3A_985 = tpu.memref_slice %arg4[%add3A_23, %dma_start3A_984] : memref<16384x128xf32, #tpu.memory_space<hbm>> -> memref<4x128xf32, #tpu.memory_space<hbm>>
        tpu.enqueue_dma source(%arg10 : memref<4x128xf32, #tpu.memory_space<vmem>>) target(%dma_start3A_985 : memref<4x128xf32, #tpu.memory_space<hbm>>) target_semaphore(%run_scoped3A : memref<!tpu.dma_semaphore, #tpu.memory_space<semaphore_mem>>)
        %dma_wait3A_986 = arith.constant 0 : i32
        %dma_wait3A_987 = tpu.memref_slice %arg4[%add3A_23, %dma_wait3A_986] : memref<16384x128xf32, #tpu.memory_space<hbm>> -> memref<4x128xf32, #tpu.memory_space<hbm>>
        %dma_wait3A_988 = arith.constant 0 : i32
        %dma_wait3A_989 = tpu.memref_slice %arg4[%add3A_23, %dma_wait3A_988] : memref<16384x128xf32, #tpu.memory_space<hbm>> -> memref<4x128xf32, #tpu.memory_space<hbm>>
        tpu.wait_dma2 semaphore(%run_scoped3A : memref<!tpu.dma_semaphore, #tpu.memory_space<semaphore_mem>>) src(%arg10 : memref<4x128xf32, #tpu.memory_space<vmem>>) dst(%dma_wait3A_989 : memref<4x128xf32, #tpu.memory_space<hbm>>)
        tpu.yield
      }) : () -> ()
      "tpu.region"() ({
        %run_scoped3A = tpu.sem_alloc : memref<!tpu.dma_semaphore, #tpu.memory_space<semaphore_mem>>
        %dma_start3A_982 = arith.constant 0 : i32
        %dma_start3A_983 = tpu.memref_slice %arg5[%add3A_23, %dma_start3A_982] : memref<16384x128xf32, #tpu.memory_space<hbm>> -> memref<4x128xf32, #tpu.memory_space<hbm>>
        %dma_start3A_984 = arith.constant 0 : i32
        %dma_start3A_985 = tpu.memref_slice %arg5[%add3A_23, %dma_start3A_984] : memref<16384x128xf32, #tpu.memory_space<hbm>> -> memref<4x128xf32, #tpu.memory_space<hbm>>
        tpu.enqueue_dma source(%arg11 : memref<4x128xf32, #tpu.memory_space<vmem>>) target(%dma_start3A_985 : memref<4x128xf32, #tpu.memory_space<hbm>>) target_semaphore(%run_scoped3A : memref<!tpu.dma_semaphore, #tpu.memory_space<semaphore_mem>>)
        %dma_wait3A_986 = arith.constant 0 : i32
        %dma_wait3A_987 = tpu.memref_slice %arg5[%add3A_23, %dma_wait3A_986] : memref<16384x128xf32, #tpu.memory_space<hbm>> -> memref<4x128xf32, #tpu.memory_space<hbm>>
        %dma_wait3A_988 = arith.constant 0 : i32
        %dma_wait3A_989 = tpu.memref_slice %arg5[%add3A_23, %dma_wait3A_988] : memref<16384x128xf32, #tpu.memory_space<hbm>> -> memref<4x128xf32, #tpu.memory_space<hbm>>
        tpu.wait_dma2 semaphore(%run_scoped3A : memref<!tpu.dma_semaphore, #tpu.memory_space<semaphore_mem>>) src(%arg11 : memref<4x128xf32, #tpu.memory_space<vmem>>) dst(%dma_wait3A_989 : memref<4x128xf32, #tpu.memory_space<hbm>>)
        tpu.yield
      }) : () -> ()
      "tpu.region"() ({
        %run_scoped3A = tpu.sem_alloc : memref<!tpu.dma_semaphore, #tpu.memory_space<semaphore_mem>>
        %dma_start3A_982 = arith.constant 0 : i32
        %dma_start3A_983 = tpu.memref_slice %arg6[%add3A_23, %dma_start3A_982] : memref<16384x128xf32, #tpu.memory_space<hbm>> -> memref<4x128xf32, #tpu.memory_space<hbm>>
        %dma_start3A_984 = arith.constant 0 : i32
        %dma_start3A_985 = tpu.memref_slice %arg6[%add3A_23, %dma_start3A_984] : memref<16384x128xf32, #tpu.memory_space<hbm>> -> memref<4x128xf32, #tpu.memory_space<hbm>>
        tpu.enqueue_dma source(%arg12 : memref<4x128xf32, #tpu.memory_space<vmem>>) target(%dma_start3A_985 : memref<4x128xf32, #tpu.memory_space<hbm>>) target_semaphore(%run_scoped3A : memref<!tpu.dma_semaphore, #tpu.memory_space<semaphore_mem>>)
        %dma_wait3A_986 = arith.constant 0 : i32
        %dma_wait3A_987 = tpu.memref_slice %arg6[%add3A_23, %dma_wait3A_986] : memref<16384x128xf32, #tpu.memory_space<hbm>> -> memref<4x128xf32, #tpu.memory_space<hbm>>
        %dma_wait3A_988 = arith.constant 0 : i32
        %dma_wait3A_989 = tpu.memref_slice %arg6[%add3A_23, %dma_wait3A_988] : memref<16384x128xf32, #tpu.memory_space<hbm>> -> memref<4x128xf32, #tpu.memory_space<hbm>>
        tpu.wait_dma2 semaphore(%run_scoped3A : memref<!tpu.dma_semaphore, #tpu.memory_space<semaphore_mem>>) src(%arg12 : memref<4x128xf32, #tpu.memory_space<vmem>>) dst(%dma_wait3A_989 : memref<4x128xf32, #tpu.memory_space<hbm>>)
        tpu.yield
      }) : () -> ()
    }
    %scan3A_7 = arith.constant 128 : i32
    return
  }
}

module attributes {stable_mosaic.version = 14 : i64} {
  func.func @_prep1_body(%arg0: i32, %arg1: i32, %arg2: memref<1x512x16xf32, #tpu.memory_space<vmem>>, %arg3: memref<1x16x2048xf32, #tpu.memory_space<vmem>>, %arg4: memref<512x20xi32, #tpu.memory_space<vmem>>) attributes {dimension_semantics = [#tpu.dimension_semantics<arbitrary>, #tpu.dimension_semantics<arbitrary>], iteration_bounds = array<i64: 8, 4>, scalar_prefetch = 0 : i64, scratch_operands = 0 : i64, tpu.core_type = #tpu.core_type<tc>, window_params = [{transform_indices = @transform_0, window_bounds = array<i64: 1, 512, 16>}, {transform_indices = @transform_1, window_bounds = array<i64: 1, 16, 2048>}, {transform_indices = @transform_2, window_bounds = array<i64: 512, 20>}]} {
    %get3A = arith.constant 0 : index
    %get3A_0 = arith.constant 0 : index
    %get3A_1 = arith.constant 0 : index
    %get3A_2 = vector.load %arg2[%get3A, %get3A_0, %get3A_1] : memref<1x512x16xf32, #tpu.memory_space<vmem>>, vector<1x512x16xf32>
    %get3A_3 = vector.shape_cast %get3A_2 : vector<1x512x16xf32> to vector<512x16xf32>
    %get3A_4 = arith.constant 0 : index
    %get3A_5 = arith.constant 0 : index
    %get3A_6 = arith.constant 0 : index
    %get3A_7 = vector.load %arg3[%get3A_4, %get3A_5, %get3A_6] : memref<1x16x2048xf32, #tpu.memory_space<vmem>>, vector<1x16x2048xf32>
    %get3A_8 = vector.shape_cast %get3A_7 : vector<1x16x2048xf32> to vector<16x2048xf32>
    %convert_element_type3A = arith.truncf %get3A_3 : vector<512x16xf32> to vector<512x16xbf16>
    %convert_element_type3A_9 = arith.truncf %get3A_8 : vector<16x2048xf32> to vector<16x2048xbf16>
    %dot_general3A = arith.constant dense<0.000000e+00> : vector<512x2048xf32>
    %dot_general3A_10 = tpu.matmul %convert_element_type3A, %convert_element_type3A_9, %dot_general3A {dimension_numbers = #tpu.dot_dimension_numbers<[1], [0], [0], [1], [0, 0, 1, 1], [], []>, transpose_lhs_hint = false} : vector<512x16xbf16>, vector<16x2048xbf16>, vector<512x2048xf32> -> vector<512x2048xf32>
    %mul3A = arith.mulf %get3A_3, %get3A_3 : vector<512x16xf32>
    %reduce_sum3A = arith.constant dense<0.000000e+00> : vector<512xf32>
    %reduce_sum3A_11 = vector.multi_reduction <add>, %mul3A, %reduce_sum3A [1] : vector<512x16xf32> to vector<512xf32>
    %broadcast_in_dim3A = vector.shape_cast %reduce_sum3A_11 : vector<512xf32> to vector<512x1xf32>
    %mul3A_12 = arith.mulf %get3A_8, %get3A_8 : vector<16x2048xf32>
    %reduce_sum3A_13 = arith.constant dense<0.000000e+00> : vector<2048xf32>
    %reduce_sum3A_14 = vector.multi_reduction <add>, %mul3A_12, %reduce_sum3A_13 [0] : vector<16x2048xf32> to vector<2048xf32>
    %broadcast_in_dim3A_15 = vector.shape_cast %reduce_sum3A_14 : vector<2048xf32> to vector<1x2048xf32>
    %mul3A_16 = arith.constant 2.000000e+00 : f32
    %mul3A_17 = vector.broadcast %mul3A_16 : f32 to vector<512x2048xf32>
    %mul3A_18 = arith.mulf %mul3A_17, %dot_general3A_10 : vector<512x2048xf32>
    %sub3A = vector.broadcast %broadcast_in_dim3A : vector<512x1xf32> to vector<512x2048xf32>
    %sub3A_19 = arith.subf %mul3A_18, %sub3A : vector<512x2048xf32>
    %sub3A_20 = vector.broadcast %broadcast_in_dim3A_15 : vector<1x2048xf32> to vector<512x2048xf32>
    %sub3A_21 = arith.subf %sub3A_19, %sub3A_20 : vector<512x2048xf32>
    %mul3A_22 = arith.constant 2048 : i32
    %mul3A_23 = arith.muli %arg0, %mul3A_22 : i32
    %iota3A = tpu.iota {dimensions = array<i32: 1>} : vector<512x2048xi32>
    %reduce_max3A = arith.constant dense<0xFF800000> : vector<512xf32>
    %reduce_max3A_24 = vector.multi_reduction <maximumf>, %sub3A_21, %reduce_max3A [1] : vector<512x2048xf32> to vector<512xf32>
    %broadcast_in_dim3A_25 = vector.shape_cast %reduce_max3A_24 : vector<512xf32> to vector<512x1xf32>
    %eq3A = vector.broadcast %broadcast_in_dim3A_25 : vector<512x1xf32> to vector<512x2048xf32>
    %eq3A_26 = arith.cmpf oeq, %sub3A_21, %eq3A : vector<512x2048xf32>
    %jit3A = arith.constant 2048 : i32
    %broadcast_in_dim3A_27 = vector.broadcast %jit3A : i32 to vector<512x2048xi32>
    %select_n3A = arith.select %eq3A_26, %iota3A, %broadcast_in_dim3A_27 : vector<512x2048xi1>, vector<512x2048xi32>
    %reduce_min3A = arith.constant dense<2147483647> : vector<512xi32>
    %reduce_min3A_28 = vector.multi_reduction <minsi>, %select_n3A, %reduce_min3A [1] : vector<512x2048xi32> to vector<512xi32>
    %broadcast_in_dim3A_29 = vector.shape_cast %reduce_min3A_28 : vector<512xi32> to vector<512x1xi32>
    %eq3A_30 = vector.broadcast %broadcast_in_dim3A_29 : vector<512x1xi32> to vector<512x2048xi32>
    %eq3A_31 = arith.cmpi eq, %iota3A, %eq3A_30 : vector<512x2048xi32>
    %add3A = vector.broadcast %mul3A_23 : i32 to vector<512x1xi32>
    %add3A_32 = arith.addi %broadcast_in_dim3A_29, %add3A : vector<512x1xi32>
    %jit3A_33 = arith.constant -3.000000e+38 : f32
    %broadcast_in_dim3A_34 = vector.broadcast %jit3A_33 : f32 to vector<512x2048xf32>
    %select_n3A_35 = arith.select %eq3A_31, %broadcast_in_dim3A_34, %sub3A_21 : vector<512x2048xi1>, vector<512x2048xf32>
    %reduce_max3A_36 = arith.constant dense<0xFF800000> : vector<512xf32>
    %reduce_max3A_37 = vector.multi_reduction <maximumf>, %select_n3A_35, %reduce_max3A_36 [1] : vector<512x2048xf32> to vector<512xf32>
    %broadcast_in_dim3A_38 = vector.shape_cast %reduce_max3A_37 : vector<512xf32> to vector<512x1xf32>
    %eq3A_39 = vector.broadcast %broadcast_in_dim3A_38 : vector<512x1xf32> to vector<512x2048xf32>
    %eq3A_40 = arith.cmpf oeq, %select_n3A_35, %eq3A_39 : vector<512x2048xf32>
    %jit3A_41 = arith.constant 2048 : i32
    %broadcast_in_dim3A_42 = vector.broadcast %jit3A_41 : i32 to vector<512x2048xi32>
    %select_n3A_43 = arith.select %eq3A_40, %iota3A, %broadcast_in_dim3A_42 : vector<512x2048xi1>, vector<512x2048xi32>
    %reduce_min3A_44 = arith.constant dense<2147483647> : vector<512xi32>
    %reduce_min3A_45 = vector.multi_reduction <minsi>, %select_n3A_43, %reduce_min3A_44 [1] : vector<512x2048xi32> to vector<512xi32>
    %broadcast_in_dim3A_46 = vector.shape_cast %reduce_min3A_45 : vector<512xi32> to vector<512x1xi32>
    %eq3A_47 = vector.broadcast %broadcast_in_dim3A_46 : vector<512x1xi32> to vector<512x2048xi32>
    %eq3A_48 = arith.cmpi eq, %iota3A, %eq3A_47 : vector<512x2048xi32>
    %add3A_49 = vector.broadcast %mul3A_23 : i32 to vector<512x1xi32>
    %add3A_50 = arith.addi %broadcast_in_dim3A_46, %add3A_49 : vector<512x1xi32>
    %jit3A_51 = arith.constant -3.000000e+38 : f32
    %broadcast_in_dim3A_52 = vector.broadcast %jit3A_51 : f32 to vector<512x2048xf32>
    %select_n3A_53 = arith.select %eq3A_48, %broadcast_in_dim3A_52, %select_n3A_35 : vector<512x2048xi1>, vector<512x2048xf32>
    %reduce_max3A_54 = arith.constant dense<0xFF800000> : vector<512xf32>
    %reduce_max3A_55 = vector.multi_reduction <maximumf>, %select_n3A_53, %reduce_max3A_54 [1] : vector<512x2048xf32> to vector<512xf32>
    %broadcast_in_dim3A_56 = vector.shape_cast %reduce_max3A_55 : vector<512xf32> to vector<512x1xf32>
    %eq3A_57 = vector.broadcast %broadcast_in_dim3A_56 : vector<512x1xf32> to vector<512x2048xf32>
    %eq3A_58 = arith.cmpf oeq, %select_n3A_53, %eq3A_57 : vector<512x2048xf32>
    %jit3A_59 = arith.constant 2048 : i32
    %broadcast_in_dim3A_60 = vector.broadcast %jit3A_59 : i32 to vector<512x2048xi32>
    %select_n3A_61 = arith.select %eq3A_58, %iota3A, %broadcast_in_dim3A_60 : vector<512x2048xi1>, vector<512x2048xi32>
    %reduce_min3A_62 = arith.constant dense<2147483647> : vector<512xi32>
    %reduce_min3A_63 = vector.multi_reduction <minsi>, %select_n3A_61, %reduce_min3A_62 [1] : vector<512x2048xi32> to vector<512xi32>
    %broadcast_in_dim3A_64 = vector.shape_cast %reduce_min3A_63 : vector<512xi32> to vector<512x1xi32>
    %eq3A_65 = vector.broadcast %broadcast_in_dim3A_64 : vector<512x1xi32> to vector<512x2048xi32>
    %eq3A_66 = arith.cmpi eq, %iota3A, %eq3A_65 : vector<512x2048xi32>
    %add3A_67 = vector.broadcast %mul3A_23 : i32 to vector<512x1xi32>
    %add3A_68 = arith.addi %broadcast_in_dim3A_64, %add3A_67 : vector<512x1xi32>
    %jit3A_69 = arith.constant -3.000000e+38 : f32
    %broadcast_in_dim3A_70 = vector.broadcast %jit3A_69 : f32 to vector<512x2048xf32>
    %select_n3A_71 = arith.select %eq3A_66, %broadcast_in_dim3A_70, %select_n3A_53 : vector<512x2048xi1>, vector<512x2048xf32>
    %reduce_max3A_72 = arith.constant dense<0xFF800000> : vector<512xf32>
    %reduce_max3A_73 = vector.multi_reduction <maximumf>, %select_n3A_71, %reduce_max3A_72 [1] : vector<512x2048xf32> to vector<512xf32>
    %broadcast_in_dim3A_74 = vector.shape_cast %reduce_max3A_73 : vector<512xf32> to vector<512x1xf32>
    %eq3A_75 = vector.broadcast %broadcast_in_dim3A_74 : vector<512x1xf32> to vector<512x2048xf32>
    %eq3A_76 = arith.cmpf oeq, %select_n3A_71, %eq3A_75 : vector<512x2048xf32>
    %jit3A_77 = arith.constant 2048 : i32
    %broadcast_in_dim3A_78 = vector.broadcast %jit3A_77 : i32 to vector<512x2048xi32>
    %select_n3A_79 = arith.select %eq3A_76, %iota3A, %broadcast_in_dim3A_78 : vector<512x2048xi1>, vector<512x2048xi32>
    %reduce_min3A_80 = arith.constant dense<2147483647> : vector<512xi32>
    %reduce_min3A_81 = vector.multi_reduction <minsi>, %select_n3A_79, %reduce_min3A_80 [1] : vector<512x2048xi32> to vector<512xi32>
    %broadcast_in_dim3A_82 = vector.shape_cast %reduce_min3A_81 : vector<512xi32> to vector<512x1xi32>
    %eq3A_83 = vector.broadcast %broadcast_in_dim3A_82 : vector<512x1xi32> to vector<512x2048xi32>
    %eq3A_84 = arith.cmpi eq, %iota3A, %eq3A_83 : vector<512x2048xi32>
    %add3A_85 = vector.broadcast %mul3A_23 : i32 to vector<512x1xi32>
    %add3A_86 = arith.addi %broadcast_in_dim3A_82, %add3A_85 : vector<512x1xi32>
    %jit3A_87 = arith.constant -3.000000e+38 : f32
    %broadcast_in_dim3A_88 = vector.broadcast %jit3A_87 : f32 to vector<512x2048xf32>
    %select_n3A_89 = arith.select %eq3A_84, %broadcast_in_dim3A_88, %select_n3A_71 : vector<512x2048xi1>, vector<512x2048xf32>
    %reduce_max3A_90 = arith.constant dense<0xFF800000> : vector<512xf32>
    %reduce_max3A_91 = vector.multi_reduction <maximumf>, %select_n3A_89, %reduce_max3A_90 [1] : vector<512x2048xf32> to vector<512xf32>
    %broadcast_in_dim3A_92 = vector.shape_cast %reduce_max3A_91 : vector<512xf32> to vector<512x1xf32>
    %eq3A_93 = vector.broadcast %broadcast_in_dim3A_92 : vector<512x1xf32> to vector<512x2048xf32>
    %eq3A_94 = arith.cmpf oeq, %select_n3A_89, %eq3A_93 : vector<512x2048xf32>
    %jit3A_95 = arith.constant 2048 : i32
    %broadcast_in_dim3A_96 = vector.broadcast %jit3A_95 : i32 to vector<512x2048xi32>
    %select_n3A_97 = arith.select %eq3A_94, %iota3A, %broadcast_in_dim3A_96 : vector<512x2048xi1>, vector<512x2048xi32>
    %reduce_min3A_98 = arith.constant dense<2147483647> : vector<512xi32>
    %reduce_min3A_99 = vector.multi_reduction <minsi>, %select_n3A_97, %reduce_min3A_98 [1] : vector<512x2048xi32> to vector<512xi32>
    %broadcast_in_dim3A_100 = vector.shape_cast %reduce_min3A_99 : vector<512xi32> to vector<512x1xi32>
    %eq3A_101 = vector.broadcast %broadcast_in_dim3A_100 : vector<512x1xi32> to vector<512x2048xi32>
    %eq3A_102 = arith.cmpi eq, %iota3A, %eq3A_101 : vector<512x2048xi32>
    %add3A_103 = vector.broadcast %mul3A_23 : i32 to vector<512x1xi32>
    %add3A_104 = arith.addi %broadcast_in_dim3A_100, %add3A_103 : vector<512x1xi32>
    %jit3A_105 = arith.constant -3.000000e+38 : f32
    %broadcast_in_dim3A_106 = vector.broadcast %jit3A_105 : f32 to vector<512x2048xf32>
    %select_n3A_107 = arith.select %eq3A_102, %broadcast_in_dim3A_106, %select_n3A_89 : vector<512x2048xi1>, vector<512x2048xf32>
    %reduce_max3A_108 = arith.constant dense<0xFF800000> : vector<512xf32>
    %reduce_max3A_109 = vector.multi_reduction <maximumf>, %select_n3A_107, %reduce_max3A_108 [1] : vector<512x2048xf32> to vector<512xf32>
    %broadcast_in_dim3A_110 = vector.shape_cast %reduce_max3A_109 : vector<512xf32> to vector<512x1xf32>
    %eq3A_111 = vector.broadcast %broadcast_in_dim3A_110 : vector<512x1xf32> to vector<512x2048xf32>
    %eq3A_112 = arith.cmpf oeq, %select_n3A_107, %eq3A_111 : vector<512x2048xf32>
    %jit3A_113 = arith.constant 2048 : i32
    %broadcast_in_dim3A_114 = vector.broadcast %jit3A_113 : i32 to vector<512x2048xi32>
    %select_n3A_115 = arith.select %eq3A_112, %iota3A, %broadcast_in_dim3A_114 : vector<512x2048xi1>, vector<512x2048xi32>
    %reduce_min3A_116 = arith.constant dense<2147483647> : vector<512xi32>
    %reduce_min3A_117 = vector.multi_reduction <minsi>, %select_n3A_115, %reduce_min3A_116 [1] : vector<512x2048xi32> to vector<512xi32>
    %broadcast_in_dim3A_118 = vector.shape_cast %reduce_min3A_117 : vector<512xi32> to vector<512x1xi32>
    %eq3A_119 = vector.broadcast %broadcast_in_dim3A_118 : vector<512x1xi32> to vector<512x2048xi32>
    %eq3A_120 = arith.cmpi eq, %iota3A, %eq3A_119 : vector<512x2048xi32>
    %add3A_121 = vector.broadcast %mul3A_23 : i32 to vector<512x1xi32>
    %add3A_122 = arith.addi %broadcast_in_dim3A_118, %add3A_121 : vector<512x1xi32>
    %jit3A_123 = arith.constant -3.000000e+38 : f32
    %broadcast_in_dim3A_124 = vector.broadcast %jit3A_123 : f32 to vector<512x2048xf32>
    %select_n3A_125 = arith.select %eq3A_120, %broadcast_in_dim3A_124, %select_n3A_107 : vector<512x2048xi1>, vector<512x2048xf32>
    %reduce_max3A_126 = arith.constant dense<0xFF800000> : vector<512xf32>
    %reduce_max3A_127 = vector.multi_reduction <maximumf>, %select_n3A_125, %reduce_max3A_126 [1] : vector<512x2048xf32> to vector<512xf32>
    %broadcast_in_dim3A_128 = vector.shape_cast %reduce_max3A_127 : vector<512xf32> to vector<512x1xf32>
    %eq3A_129 = vector.broadcast %broadcast_in_dim3A_128 : vector<512x1xf32> to vector<512x2048xf32>
    %eq3A_130 = arith.cmpf oeq, %select_n3A_125, %eq3A_129 : vector<512x2048xf32>
    %jit3A_131 = arith.constant 2048 : i32
    %broadcast_in_dim3A_132 = vector.broadcast %jit3A_131 : i32 to vector<512x2048xi32>
    %select_n3A_133 = arith.select %eq3A_130, %iota3A, %broadcast_in_dim3A_132 : vector<512x2048xi1>, vector<512x2048xi32>
    %reduce_min3A_134 = arith.constant dense<2147483647> : vector<512xi32>
    %reduce_min3A_135 = vector.multi_reduction <minsi>, %select_n3A_133, %reduce_min3A_134 [1] : vector<512x2048xi32> to vector<512xi32>
    %broadcast_in_dim3A_136 = vector.shape_cast %reduce_min3A_135 : vector<512xi32> to vector<512x1xi32>
    %eq3A_137 = vector.broadcast %broadcast_in_dim3A_136 : vector<512x1xi32> to vector<512x2048xi32>
    %eq3A_138 = arith.cmpi eq, %iota3A, %eq3A_137 : vector<512x2048xi32>
    %add3A_139 = vector.broadcast %mul3A_23 : i32 to vector<512x1xi32>
    %add3A_140 = arith.addi %broadcast_in_dim3A_136, %add3A_139 : vector<512x1xi32>
    %jit3A_141 = arith.constant -3.000000e+38 : f32
    %broadcast_in_dim3A_142 = vector.broadcast %jit3A_141 : f32 to vector<512x2048xf32>
    %select_n3A_143 = arith.select %eq3A_138, %broadcast_in_dim3A_142, %select_n3A_125 : vector<512x2048xi1>, vector<512x2048xf32>
    %reduce_max3A_144 = arith.constant dense<0xFF800000> : vector<512xf32>
    %reduce_max3A_145 = vector.multi_reduction <maximumf>, %select_n3A_143, %reduce_max3A_144 [1] : vector<512x2048xf32> to vector<512xf32>
    %broadcast_in_dim3A_146 = vector.shape_cast %reduce_max3A_145 : vector<512xf32> to vector<512x1xf32>
    %eq3A_147 = vector.broadcast %broadcast_in_dim3A_146 : vector<512x1xf32> to vector<512x2048xf32>
    %eq3A_148 = arith.cmpf oeq, %select_n3A_143, %eq3A_147 : vector<512x2048xf32>
    %jit3A_149 = arith.constant 2048 : i32
    %broadcast_in_dim3A_150 = vector.broadcast %jit3A_149 : i32 to vector<512x2048xi32>
    %select_n3A_151 = arith.select %eq3A_148, %iota3A, %broadcast_in_dim3A_150 : vector<512x2048xi1>, vector<512x2048xi32>
    %reduce_min3A_152 = arith.constant dense<2147483647> : vector<512xi32>
    %reduce_min3A_153 = vector.multi_reduction <minsi>, %select_n3A_151, %reduce_min3A_152 [1] : vector<512x2048xi32> to vector<512xi32>
    %broadcast_in_dim3A_154 = vector.shape_cast %reduce_min3A_153 : vector<512xi32> to vector<512x1xi32>
    %eq3A_155 = vector.broadcast %broadcast_in_dim3A_154 : vector<512x1xi32> to vector<512x2048xi32>
    %eq3A_156 = arith.cmpi eq, %iota3A, %eq3A_155 : vector<512x2048xi32>
    %add3A_157 = vector.broadcast %mul3A_23 : i32 to vector<512x1xi32>
    %add3A_158 = arith.addi %broadcast_in_dim3A_154, %add3A_157 : vector<512x1xi32>
    %jit3A_159 = arith.constant -3.000000e+38 : f32
    %broadcast_in_dim3A_160 = vector.broadcast %jit3A_159 : f32 to vector<512x2048xf32>
    %select_n3A_161 = arith.select %eq3A_156, %broadcast_in_dim3A_160, %select_n3A_143 : vector<512x2048xi1>, vector<512x2048xf32>
    %reduce_max3A_162 = arith.constant dense<0xFF800000> : vector<512xf32>
    %reduce_max3A_163 = vector.multi_reduction <maximumf>, %select_n3A_161, %reduce_max3A_162 [1] : vector<512x2048xf32> to vector<512xf32>
    %broadcast_in_dim3A_164 = vector.shape_cast %reduce_max3A_163 : vector<512xf32> to vector<512x1xf32>
    %eq3A_165 = vector.broadcast %broadcast_in_dim3A_164 : vector<512x1xf32> to vector<512x2048xf32>
    %eq3A_166 = arith.cmpf oeq, %select_n3A_161, %eq3A_165 : vector<512x2048xf32>
    %jit3A_167 = arith.constant 2048 : i32
    %broadcast_in_dim3A_168 = vector.broadcast %jit3A_167 : i32 to vector<512x2048xi32>
    %select_n3A_169 = arith.select %eq3A_166, %iota3A, %broadcast_in_dim3A_168 : vector<512x2048xi1>, vector<512x2048xi32>
    %reduce_min3A_170 = arith.constant dense<2147483647> : vector<512xi32>
    %reduce_min3A_171 = vector.multi_reduction <minsi>, %select_n3A_169, %reduce_min3A_170 [1] : vector<512x2048xi32> to vector<512xi32>
    %broadcast_in_dim3A_172 = vector.shape_cast %reduce_min3A_171 : vector<512xi32> to vector<512x1xi32>
    %eq3A_173 = vector.broadcast %broadcast_in_dim3A_172 : vector<512x1xi32> to vector<512x2048xi32>
    %eq3A_174 = arith.cmpi eq, %iota3A, %eq3A_173 : vector<512x2048xi32>
    %add3A_175 = vector.broadcast %mul3A_23 : i32 to vector<512x1xi32>
    %add3A_176 = arith.addi %broadcast_in_dim3A_172, %add3A_175 : vector<512x1xi32>
    %jit3A_177 = arith.constant -3.000000e+38 : f32
    %broadcast_in_dim3A_178 = vector.broadcast %jit3A_177 : f32 to vector<512x2048xf32>
    %select_n3A_179 = arith.select %eq3A_174, %broadcast_in_dim3A_178, %select_n3A_161 : vector<512x2048xi1>, vector<512x2048xf32>
    %reduce_max3A_180 = arith.constant dense<0xFF800000> : vector<512xf32>
    %reduce_max3A_181 = vector.multi_reduction <maximumf>, %select_n3A_179, %reduce_max3A_180 [1] : vector<512x2048xf32> to vector<512xf32>
    %broadcast_in_dim3A_182 = vector.shape_cast %reduce_max3A_181 : vector<512xf32> to vector<512x1xf32>
    %eq3A_183 = vector.broadcast %broadcast_in_dim3A_182 : vector<512x1xf32> to vector<512x2048xf32>
    %eq3A_184 = arith.cmpf oeq, %select_n3A_179, %eq3A_183 : vector<512x2048xf32>
    %jit3A_185 = arith.constant 2048 : i32
    %broadcast_in_dim3A_186 = vector.broadcast %jit3A_185 : i32 to vector<512x2048xi32>
    %select_n3A_187 = arith.select %eq3A_184, %iota3A, %broadcast_in_dim3A_186 : vector<512x2048xi1>, vector<512x2048xi32>
    %reduce_min3A_188 = arith.constant dense<2147483647> : vector<512xi32>
    %reduce_min3A_189 = vector.multi_reduction <minsi>, %select_n3A_187, %reduce_min3A_188 [1] : vector<512x2048xi32> to vector<512xi32>
    %broadcast_in_dim3A_190 = vector.shape_cast %reduce_min3A_189 : vector<512xi32> to vector<512x1xi32>
    %eq3A_191 = vector.broadcast %broadcast_in_dim3A_190 : vector<512x1xi32> to vector<512x2048xi32>
    %eq3A_192 = arith.cmpi eq, %iota3A, %eq3A_191 : vector<512x2048xi32>
    %add3A_193 = vector.broadcast %mul3A_23 : i32 to vector<512x1xi32>
    %add3A_194 = arith.addi %broadcast_in_dim3A_190, %add3A_193 : vector<512x1xi32>
    %jit3A_195 = arith.constant -3.000000e+38 : f32
    %broadcast_in_dim3A_196 = vector.broadcast %jit3A_195 : f32 to vector<512x2048xf32>
    %select_n3A_197 = arith.select %eq3A_192, %broadcast_in_dim3A_196, %select_n3A_179 : vector<512x2048xi1>, vector<512x2048xf32>
    %reduce_max3A_198 = arith.constant dense<0xFF800000> : vector<512xf32>
    %reduce_max3A_199 = vector.multi_reduction <maximumf>, %select_n3A_197, %reduce_max3A_198 [1] : vector<512x2048xf32> to vector<512xf32>
    %broadcast_in_dim3A_200 = vector.shape_cast %reduce_max3A_199 : vector<512xf32> to vector<512x1xf32>
    %eq3A_201 = vector.broadcast %broadcast_in_dim3A_200 : vector<512x1xf32> to vector<512x2048xf32>
    %eq3A_202 = arith.cmpf oeq, %select_n3A_197, %eq3A_201 : vector<512x2048xf32>
    %jit3A_203 = arith.constant 2048 : i32
    %broadcast_in_dim3A_204 = vector.broadcast %jit3A_203 : i32 to vector<512x2048xi32>
    %select_n3A_205 = arith.select %eq3A_202, %iota3A, %broadcast_in_dim3A_204 : vector<512x2048xi1>, vector<512x2048xi32>
    %reduce_min3A_206 = arith.constant dense<2147483647> : vector<512xi32>
    %reduce_min3A_207 = vector.multi_reduction <minsi>, %select_n3A_205, %reduce_min3A_206 [1] : vector<512x2048xi32> to vector<512xi32>
    %broadcast_in_dim3A_208 = vector.shape_cast %reduce_min3A_207 : vector<512xi32> to vector<512x1xi32>
    %eq3A_209 = vector.broadcast %broadcast_in_dim3A_208 : vector<512x1xi32> to vector<512x2048xi32>
    %eq3A_210 = arith.cmpi eq, %iota3A, %eq3A_209 : vector<512x2048xi32>
    %add3A_211 = vector.broadcast %mul3A_23 : i32 to vector<512x1xi32>
    %add3A_212 = arith.addi %broadcast_in_dim3A_208, %add3A_211 : vector<512x1xi32>
    %jit3A_213 = arith.constant -3.000000e+38 : f32
    %broadcast_in_dim3A_214 = vector.broadcast %jit3A_213 : f32 to vector<512x2048xf32>
    %select_n3A_215 = arith.select %eq3A_210, %broadcast_in_dim3A_214, %select_n3A_197 : vector<512x2048xi1>, vector<512x2048xf32>
    %reduce_max3A_216 = arith.constant dense<0xFF800000> : vector<512xf32>
    %reduce_max3A_217 = vector.multi_reduction <maximumf>, %select_n3A_215, %reduce_max3A_216 [1] : vector<512x2048xf32> to vector<512xf32>
    %broadcast_in_dim3A_218 = vector.shape_cast %reduce_max3A_217 : vector<512xf32> to vector<512x1xf32>
    %eq3A_219 = vector.broadcast %broadcast_in_dim3A_218 : vector<512x1xf32> to vector<512x2048xf32>
    %eq3A_220 = arith.cmpf oeq, %select_n3A_215, %eq3A_219 : vector<512x2048xf32>
    %jit3A_221 = arith.constant 2048 : i32
    %broadcast_in_dim3A_222 = vector.broadcast %jit3A_221 : i32 to vector<512x2048xi32>
    %select_n3A_223 = arith.select %eq3A_220, %iota3A, %broadcast_in_dim3A_222 : vector<512x2048xi1>, vector<512x2048xi32>
    %reduce_min3A_224 = arith.constant dense<2147483647> : vector<512xi32>
    %reduce_min3A_225 = vector.multi_reduction <minsi>, %select_n3A_223, %reduce_min3A_224 [1] : vector<512x2048xi32> to vector<512xi32>
    %broadcast_in_dim3A_226 = vector.shape_cast %reduce_min3A_225 : vector<512xi32> to vector<512x1xi32>
    %eq3A_227 = vector.broadcast %broadcast_in_dim3A_226 : vector<512x1xi32> to vector<512x2048xi32>
    %eq3A_228 = arith.cmpi eq, %iota3A, %eq3A_227 : vector<512x2048xi32>
    %add3A_229 = vector.broadcast %mul3A_23 : i32 to vector<512x1xi32>
    %add3A_230 = arith.addi %broadcast_in_dim3A_226, %add3A_229 : vector<512x1xi32>
    %jit3A_231 = arith.constant -3.000000e+38 : f32
    %broadcast_in_dim3A_232 = vector.broadcast %jit3A_231 : f32 to vector<512x2048xf32>
    %select_n3A_233 = arith.select %eq3A_228, %broadcast_in_dim3A_232, %select_n3A_215 : vector<512x2048xi1>, vector<512x2048xf32>
    %reduce_max3A_234 = arith.constant dense<0xFF800000> : vector<512xf32>
    %reduce_max3A_235 = vector.multi_reduction <maximumf>, %select_n3A_233, %reduce_max3A_234 [1] : vector<512x2048xf32> to vector<512xf32>
    %broadcast_in_dim3A_236 = vector.shape_cast %reduce_max3A_235 : vector<512xf32> to vector<512x1xf32>
    %eq3A_237 = vector.broadcast %broadcast_in_dim3A_236 : vector<512x1xf32> to vector<512x2048xf32>
    %eq3A_238 = arith.cmpf oeq, %select_n3A_233, %eq3A_237 : vector<512x2048xf32>
    %jit3A_239 = arith.constant 2048 : i32
    %broadcast_in_dim3A_240 = vector.broadcast %jit3A_239 : i32 to vector<512x2048xi32>
    %select_n3A_241 = arith.select %eq3A_238, %iota3A, %broadcast_in_dim3A_240 : vector<512x2048xi1>, vector<512x2048xi32>
    %reduce_min3A_242 = arith.constant dense<2147483647> : vector<512xi32>
    %reduce_min3A_243 = vector.multi_reduction <minsi>, %select_n3A_241, %reduce_min3A_242 [1] : vector<512x2048xi32> to vector<512xi32>
    %broadcast_in_dim3A_244 = vector.shape_cast %reduce_min3A_243 : vector<512xi32> to vector<512x1xi32>
    %eq3A_245 = vector.broadcast %broadcast_in_dim3A_244 : vector<512x1xi32> to vector<512x2048xi32>
    %eq3A_246 = arith.cmpi eq, %iota3A, %eq3A_245 : vector<512x2048xi32>
    %add3A_247 = vector.broadcast %mul3A_23 : i32 to vector<512x1xi32>
    %add3A_248 = arith.addi %broadcast_in_dim3A_244, %add3A_247 : vector<512x1xi32>
    %jit3A_249 = arith.constant -3.000000e+38 : f32
    %broadcast_in_dim3A_250 = vector.broadcast %jit3A_249 : f32 to vector<512x2048xf32>
    %select_n3A_251 = arith.select %eq3A_246, %broadcast_in_dim3A_250, %select_n3A_233 : vector<512x2048xi1>, vector<512x2048xf32>
    %reduce_max3A_252 = arith.constant dense<0xFF800000> : vector<512xf32>
    %reduce_max3A_253 = vector.multi_reduction <maximumf>, %select_n3A_251, %reduce_max3A_252 [1] : vector<512x2048xf32> to vector<512xf32>
    %broadcast_in_dim3A_254 = vector.shape_cast %reduce_max3A_253 : vector<512xf32> to vector<512x1xf32>
    %eq3A_255 = vector.broadcast %broadcast_in_dim3A_254 : vector<512x1xf32> to vector<512x2048xf32>
    %eq3A_256 = arith.cmpf oeq, %select_n3A_251, %eq3A_255 : vector<512x2048xf32>
    %jit3A_257 = arith.constant 2048 : i32
    %broadcast_in_dim3A_258 = vector.broadcast %jit3A_257 : i32 to vector<512x2048xi32>
    %select_n3A_259 = arith.select %eq3A_256, %iota3A, %broadcast_in_dim3A_258 : vector<512x2048xi1>, vector<512x2048xi32>
    %reduce_min3A_260 = arith.constant dense<2147483647> : vector<512xi32>
    %reduce_min3A_261 = vector.multi_reduction <minsi>, %select_n3A_259, %reduce_min3A_260 [1] : vector<512x2048xi32> to vector<512xi32>
    %broadcast_in_dim3A_262 = vector.shape_cast %reduce_min3A_261 : vector<512xi32> to vector<512x1xi32>
    %eq3A_263 = vector.broadcast %broadcast_in_dim3A_262 : vector<512x1xi32> to vector<512x2048xi32>
    %eq3A_264 = arith.cmpi eq, %iota3A, %eq3A_263 : vector<512x2048xi32>
    %add3A_265 = vector.broadcast %mul3A_23 : i32 to vector<512x1xi32>
    %add3A_266 = arith.addi %broadcast_in_dim3A_262, %add3A_265 : vector<512x1xi32>
    %jit3A_267 = arith.constant -3.000000e+38 : f32
    %broadcast_in_dim3A_268 = vector.broadcast %jit3A_267 : f32 to vector<512x2048xf32>
    %select_n3A_269 = arith.select %eq3A_264, %broadcast_in_dim3A_268, %select_n3A_251 : vector<512x2048xi1>, vector<512x2048xf32>
    %reduce_max3A_270 = arith.constant dense<0xFF800000> : vector<512xf32>
    %reduce_max3A_271 = vector.multi_reduction <maximumf>, %select_n3A_269, %reduce_max3A_270 [1] : vector<512x2048xf32> to vector<512xf32>
    %broadcast_in_dim3A_272 = vector.shape_cast %reduce_max3A_271 : vector<512xf32> to vector<512x1xf32>
    %eq3A_273 = vector.broadcast %broadcast_in_dim3A_272 : vector<512x1xf32> to vector<512x2048xf32>
    %eq3A_274 = arith.cmpf oeq, %select_n3A_269, %eq3A_273 : vector<512x2048xf32>
    %jit3A_275 = arith.constant 2048 : i32
    %broadcast_in_dim3A_276 = vector.broadcast %jit3A_275 : i32 to vector<512x2048xi32>
    %select_n3A_277 = arith.select %eq3A_274, %iota3A, %broadcast_in_dim3A_276 : vector<512x2048xi1>, vector<512x2048xi32>
    %reduce_min3A_278 = arith.constant dense<2147483647> : vector<512xi32>
    %reduce_min3A_279 = vector.multi_reduction <minsi>, %select_n3A_277, %reduce_min3A_278 [1] : vector<512x2048xi32> to vector<512xi32>
    %broadcast_in_dim3A_280 = vector.shape_cast %reduce_min3A_279 : vector<512xi32> to vector<512x1xi32>
    %eq3A_281 = vector.broadcast %broadcast_in_dim3A_280 : vector<512x1xi32> to vector<512x2048xi32>
    %eq3A_282 = arith.cmpi eq, %iota3A, %eq3A_281 : vector<512x2048xi32>
    %add3A_283 = vector.broadcast %mul3A_23 : i32 to vector<512x1xi32>
    %add3A_284 = arith.addi %broadcast_in_dim3A_280, %add3A_283 : vector<512x1xi32>
    %jit3A_285 = arith.constant -3.000000e+38 : f32
    %broadcast_in_dim3A_286 = vector.broadcast %jit3A_285 : f32 to vector<512x2048xf32>
    %select_n3A_287 = arith.select %eq3A_282, %broadcast_in_dim3A_286, %select_n3A_269 : vector<512x2048xi1>, vector<512x2048xf32>
    %reduce_max3A_288 = arith.constant dense<0xFF800000> : vector<512xf32>
    %reduce_max3A_289 = vector.multi_reduction <maximumf>, %select_n3A_287, %reduce_max3A_288 [1] : vector<512x2048xf32> to vector<512xf32>
    %broadcast_in_dim3A_290 = vector.shape_cast %reduce_max3A_289 : vector<512xf32> to vector<512x1xf32>
    %eq3A_291 = vector.broadcast %broadcast_in_dim3A_290 : vector<512x1xf32> to vector<512x2048xf32>
    %eq3A_292 = arith.cmpf oeq, %select_n3A_287, %eq3A_291 : vector<512x2048xf32>
    %jit3A_293 = arith.constant 2048 : i32
    %broadcast_in_dim3A_294 = vector.broadcast %jit3A_293 : i32 to vector<512x2048xi32>
    %select_n3A_295 = arith.select %eq3A_292, %iota3A, %broadcast_in_dim3A_294 : vector<512x2048xi1>, vector<512x2048xi32>
    %reduce_min3A_296 = arith.constant dense<2147483647> : vector<512xi32>
    %reduce_min3A_297 = vector.multi_reduction <minsi>, %select_n3A_295, %reduce_min3A_296 [1] : vector<512x2048xi32> to vector<512xi32>
    %broadcast_in_dim3A_298 = vector.shape_cast %reduce_min3A_297 : vector<512xi32> to vector<512x1xi32>
    %eq3A_299 = vector.broadcast %broadcast_in_dim3A_298 : vector<512x1xi32> to vector<512x2048xi32>
    %eq3A_300 = arith.cmpi eq, %iota3A, %eq3A_299 : vector<512x2048xi32>
    %add3A_301 = vector.broadcast %mul3A_23 : i32 to vector<512x1xi32>
    %add3A_302 = arith.addi %broadcast_in_dim3A_298, %add3A_301 : vector<512x1xi32>
    %jit3A_303 = arith.constant -3.000000e+38 : f32
    %broadcast_in_dim3A_304 = vector.broadcast %jit3A_303 : f32 to vector<512x2048xf32>
    %select_n3A_305 = arith.select %eq3A_300, %broadcast_in_dim3A_304, %select_n3A_287 : vector<512x2048xi1>, vector<512x2048xf32>
    %reduce_max3A_306 = arith.constant dense<0xFF800000> : vector<512xf32>
    %reduce_max3A_307 = vector.multi_reduction <maximumf>, %select_n3A_305, %reduce_max3A_306 [1] : vector<512x2048xf32> to vector<512xf32>
    %broadcast_in_dim3A_308 = vector.shape_cast %reduce_max3A_307 : vector<512xf32> to vector<512x1xf32>
    %eq3A_309 = vector.broadcast %broadcast_in_dim3A_308 : vector<512x1xf32> to vector<512x2048xf32>
    %eq3A_310 = arith.cmpf oeq, %select_n3A_305, %eq3A_309 : vector<512x2048xf32>
    %jit3A_311 = arith.constant 2048 : i32
    %broadcast_in_dim3A_312 = vector.broadcast %jit3A_311 : i32 to vector<512x2048xi32>
    %select_n3A_313 = arith.select %eq3A_310, %iota3A, %broadcast_in_dim3A_312 : vector<512x2048xi1>, vector<512x2048xi32>
    %reduce_min3A_314 = arith.constant dense<2147483647> : vector<512xi32>
    %reduce_min3A_315 = vector.multi_reduction <minsi>, %select_n3A_313, %reduce_min3A_314 [1] : vector<512x2048xi32> to vector<512xi32>
    %broadcast_in_dim3A_316 = vector.shape_cast %reduce_min3A_315 : vector<512xi32> to vector<512x1xi32>
    %eq3A_317 = vector.broadcast %broadcast_in_dim3A_316 : vector<512x1xi32> to vector<512x2048xi32>
    %eq3A_318 = arith.cmpi eq, %iota3A, %eq3A_317 : vector<512x2048xi32>
    %add3A_319 = vector.broadcast %mul3A_23 : i32 to vector<512x1xi32>
    %add3A_320 = arith.addi %broadcast_in_dim3A_316, %add3A_319 : vector<512x1xi32>
    %jit3A_321 = arith.constant -3.000000e+38 : f32
    %broadcast_in_dim3A_322 = vector.broadcast %jit3A_321 : f32 to vector<512x2048xf32>
    %select_n3A_323 = arith.select %eq3A_318, %broadcast_in_dim3A_322, %select_n3A_305 : vector<512x2048xi1>, vector<512x2048xf32>
    %reduce_max3A_324 = arith.constant dense<0xFF800000> : vector<512xf32>
    %reduce_max3A_325 = vector.multi_reduction <maximumf>, %select_n3A_323, %reduce_max3A_324 [1] : vector<512x2048xf32> to vector<512xf32>
    %broadcast_in_dim3A_326 = vector.shape_cast %reduce_max3A_325 : vector<512xf32> to vector<512x1xf32>
    %eq3A_327 = vector.broadcast %broadcast_in_dim3A_326 : vector<512x1xf32> to vector<512x2048xf32>
    %eq3A_328 = arith.cmpf oeq, %select_n3A_323, %eq3A_327 : vector<512x2048xf32>
    %jit3A_329 = arith.constant 2048 : i32
    %broadcast_in_dim3A_330 = vector.broadcast %jit3A_329 : i32 to vector<512x2048xi32>
    %select_n3A_331 = arith.select %eq3A_328, %iota3A, %broadcast_in_dim3A_330 : vector<512x2048xi1>, vector<512x2048xi32>
    %reduce_min3A_332 = arith.constant dense<2147483647> : vector<512xi32>
    %reduce_min3A_333 = vector.multi_reduction <minsi>, %select_n3A_331, %reduce_min3A_332 [1] : vector<512x2048xi32> to vector<512xi32>
    %broadcast_in_dim3A_334 = vector.shape_cast %reduce_min3A_333 : vector<512xi32> to vector<512x1xi32>
    %eq3A_335 = vector.broadcast %broadcast_in_dim3A_334 : vector<512x1xi32> to vector<512x2048xi32>
    %eq3A_336 = arith.cmpi eq, %iota3A, %eq3A_335 : vector<512x2048xi32>
    %add3A_337 = vector.broadcast %mul3A_23 : i32 to vector<512x1xi32>
    %add3A_338 = arith.addi %broadcast_in_dim3A_334, %add3A_337 : vector<512x1xi32>
    %jit3A_339 = arith.constant -3.000000e+38 : f32
    %broadcast_in_dim3A_340 = vector.broadcast %jit3A_339 : f32 to vector<512x2048xf32>
    %select_n3A_341 = arith.select %eq3A_336, %broadcast_in_dim3A_340, %select_n3A_323 : vector<512x2048xi1>, vector<512x2048xf32>
    %reduce_max3A_342 = arith.constant dense<0xFF800000> : vector<512xf32>
    %reduce_max3A_343 = vector.multi_reduction <maximumf>, %select_n3A_341, %reduce_max3A_342 [1] : vector<512x2048xf32> to vector<512xf32>
    %broadcast_in_dim3A_344 = vector.shape_cast %reduce_max3A_343 : vector<512xf32> to vector<512x1xf32>
    %eq3A_345 = vector.broadcast %broadcast_in_dim3A_344 : vector<512x1xf32> to vector<512x2048xf32>
    %eq3A_346 = arith.cmpf oeq, %select_n3A_341, %eq3A_345 : vector<512x2048xf32>
    %jit3A_347 = arith.constant 2048 : i32
    %broadcast_in_dim3A_348 = vector.broadcast %jit3A_347 : i32 to vector<512x2048xi32>
    %select_n3A_349 = arith.select %eq3A_346, %iota3A, %broadcast_in_dim3A_348 : vector<512x2048xi1>, vector<512x2048xi32>
    %reduce_min3A_350 = arith.constant dense<2147483647> : vector<512xi32>
    %reduce_min3A_351 = vector.multi_reduction <minsi>, %select_n3A_349, %reduce_min3A_350 [1] : vector<512x2048xi32> to vector<512xi32>
    %broadcast_in_dim3A_352 = vector.shape_cast %reduce_min3A_351 : vector<512xi32> to vector<512x1xi32>
    %eq3A_353 = vector.broadcast %broadcast_in_dim3A_352 : vector<512x1xi32> to vector<512x2048xi32>
    %eq3A_354 = arith.cmpi eq, %iota3A, %eq3A_353 : vector<512x2048xi32>
    %add3A_355 = vector.broadcast %mul3A_23 : i32 to vector<512x1xi32>
    %add3A_356 = arith.addi %broadcast_in_dim3A_352, %add3A_355 : vector<512x1xi32>
    %jit3A_357 = arith.constant -3.000000e+38 : f32
    %broadcast_in_dim3A_358 = vector.broadcast %jit3A_357 : f32 to vector<512x2048xf32>
    %select_n3A_359 = arith.select %eq3A_354, %broadcast_in_dim3A_358, %select_n3A_341 : vector<512x2048xi1>, vector<512x2048xf32>
    %reduce_max3A_360 = arith.constant dense<0xFF800000> : vector<512xf32>
    %reduce_max3A_361 = vector.multi_reduction <maximumf>, %select_n3A_359, %reduce_max3A_360 [1] : vector<512x2048xf32> to vector<512xf32>
    %broadcast_in_dim3A_362 = vector.shape_cast %reduce_max3A_361 : vector<512xf32> to vector<512x1xf32>
    %eq3A_363 = vector.broadcast %broadcast_in_dim3A_362 : vector<512x1xf32> to vector<512x2048xf32>
    %eq3A_364 = arith.cmpf oeq, %select_n3A_359, %eq3A_363 : vector<512x2048xf32>
    %jit3A_365 = arith.constant 2048 : i32
    %broadcast_in_dim3A_366 = vector.broadcast %jit3A_365 : i32 to vector<512x2048xi32>
    %select_n3A_367 = arith.select %eq3A_364, %iota3A, %broadcast_in_dim3A_366 : vector<512x2048xi1>, vector<512x2048xi32>
    %reduce_min3A_368 = arith.constant dense<2147483647> : vector<512xi32>
    %reduce_min3A_369 = vector.multi_reduction <minsi>, %select_n3A_367, %reduce_min3A_368 [1] : vector<512x2048xi32> to vector<512xi32>
    %broadcast_in_dim3A_370 = vector.shape_cast %reduce_min3A_369 : vector<512xi32> to vector<512x1xi32>
    %add3A_371 = vector.broadcast %mul3A_23 : i32 to vector<512x1xi32>
    %add3A_372 = arith.addi %broadcast_in_dim3A_370, %add3A_371 : vector<512x1xi32>
    %concatenate3A = tpu.concatenate %add3A_32, %add3A_50, %add3A_68, %add3A_86, %add3A_104, %add3A_122, %add3A_140, %add3A_158, %add3A_176, %add3A_194, %add3A_212, %add3A_230, %add3A_248, %add3A_266, %add3A_284, %add3A_302, %add3A_320, %add3A_338, %add3A_356, %add3A_372 in 1 : vector<512x1xi32>, vector<512x1xi32>, vector<512x1xi32>, vector<512x1xi32>, vector<512x1xi32>, vector<512x1xi32>, vector<512x1xi32>, vector<512x1xi32>, vector<512x1xi32>, vector<512x1xi32>, vector<512x1xi32>, vector<512x1xi32>, vector<512x1xi32>, vector<512x1xi32>, vector<512x1xi32>, vector<512x1xi32>, vector<512x1xi32>, vector<512x1xi32>, vector<512x1xi32>, vector<512x1xi32> -> vector<512x20xi32>
    %swap3A = arith.constant 0 : index
    %swap3A_373 = arith.constant 0 : index
    %swap3A_374 = vector.load %arg4[%swap3A, %swap3A_373] : memref<512x20xi32, #tpu.memory_space<vmem>>, vector<512x20xi32>
    tpu.vector_store %arg4[%swap3A, %swap3A_373], %concatenate3A {strides = array<i32>} : memref<512x20xi32, #tpu.memory_space<vmem>>, vector<512x20xi32>,
    return
  }
  func.func @transform_0(%arg0: i32, %arg1: i32) -> (i32, i32, i32) {
    %c0_i32 = arith.constant 0 : i32
    %c0_i32_0 = arith.constant 0 : i32
    return %arg0, %arg1, %c0_i32 : i32, i32, i32
  }
  func.func @transform_1(%arg0: i32, %arg1: i32) -> (i32, i32, i32) {
    %c0_i32 = arith.constant 0 : i32
    %c0_i32_0 = arith.constant 0 : i32
    %c0_i32_1 = arith.constant 0 : i32
    return %arg0, %c0_i32, %c0_i32_0 : i32, i32, i32
  }
  func.func @transform_2(%arg0: i32, %arg1: i32) -> (i32, i32) {
    %mul3A = arith.constant 4 : i32
    %mul3A_0 = arith.muli %arg0, %mul3A : i32
    %add3A = arith.addi %mul3A_0, %arg1 : i32
    %c0_i32 = arith.constant 0 : i32
    %c0_i32_1 = arith.constant 0 : i32
    return %add3A, %c0_i32 : i32, i32
  }
}

module attributes {stable_mosaic.version = 14 : i64} {
  func.func @_conv1_body(%arg0: i32, %arg1: memref<1024x20x128xf32, #tpu.memory_space<vmem>>, %arg2: memref<1024x16xf32, #tpu.memory_space<vmem>>, %arg3: memref<32x128xf32, #tpu.memory_space<vmem>>, %arg4: memref<1024x128xf32, #tpu.memory_space<vmem>>, %arg5: memref<1x128xf32, #tpu.memory_space<vmem>>, %arg6: memref<1x128xf32, #tpu.memory_space<vmem>>, %arg7: memref<2x128xf32, #tpu.memory_space<vmem>>) attributes {dimension_semantics = [#tpu.dimension_semantics<arbitrary>], iteration_bounds = array<i64: 16>, scalar_prefetch = 0 : i64, scratch_operands = 1 : i64, tpu.core_type = #tpu.core_type<tc>, window_params = [{transform_indices = @transform_0, window_bounds = array<i64: 1024, 20, 128>}, {transform_indices = @transform_1, window_bounds = array<i64: 1024, 16>}, {pipeline_mode = #tpu.pipeline_mode<synchronous>, transform_indices = @transform_2, window_bounds = array<i64: 32, 128>}, {transform_indices = @transform_3, window_bounds = array<i64: 1024, 128>}, {pipeline_mode = #tpu.pipeline_mode<synchronous>, transform_indices = @transform_4, window_bounds = array<i64: 1, 128>}, {pipeline_mode = #tpu.pipeline_mode<synchronous>, transform_indices = @transform_5, window_bounds = array<i64: 1, 128>}]} {
    %eq3A = arith.constant 0 : i32
    %eq3A_0 = arith.cmpi eq, %arg0, %eq3A : i32
    %convert_element_type3A = arith.extui %eq3A_0 : i1 to i32
    %cond3A = arith.constant 0 : i32
    %cond3A_1 = arith.cmpi ne, %convert_element_type3A, %cond3A : i32
    scf.if %cond3A_1 {
      %broadcast_in_dim3A_53 = arith.constant 0.000000e+00 : f32
      %broadcast_in_dim3A_54 = vector.broadcast %broadcast_in_dim3A_53 : f32 to vector<2x128xf32>
      %swap3A_55 = arith.constant 0 : index
      %swap3A_56 = arith.constant 0 : index
      %swap3A_57 = vector.load %arg7[%swap3A_55, %swap3A_56] : memref<2x128xf32, #tpu.memory_space<vmem>>, vector<2x128xf32>
      tpu.vector_store %arg7[%swap3A_55, %swap3A_56], %broadcast_in_dim3A_54 {strides = array<i32>} : memref<2x128xf32, #tpu.memory_space<vmem>>, vector<2x128xf32>,
    } else {
    }
    %get3A = arith.constant 0 : index
    %get3A_2 = arith.constant 0 : index
    %get3A_3 = vector.load %arg2[%get3A, %get3A_2] : memref<1024x16xf32, #tpu.memory_space<vmem>>, vector<1024x16xf32>
    %convert_element_type3A_4 = arith.truncf %get3A_3 : vector<1024x16xf32> to vector<1024x16xbf16>
    %get3A_5 = arith.constant 0 : index
    %get3A_6 = arith.constant 0 : index
    %get3A_7 = vector.load %arg3[%get3A_5, %get3A_6] : memref<32x128xf32, #tpu.memory_space<vmem>>, vector<32x128xf32>
    %convert_element_type3A_8 = arith.truncf %get3A_7 : vector<32x128xf32> to vector<32x128xbf16>
    %get3A_9 = arith.constant 0 : index
    %get3A_10 = arith.constant 0 : index
    %get3A_11 = arith.constant 0 : index
    %get3A_12 = vector.load %arg1[%get3A_9, %get3A_10, %get3A_11] : memref<1024x20x128xf32, #tpu.memory_space<vmem>>, vector<1024x20x16xf32>
    %broadcast_in_dim3A = vector.shape_cast %get3A_3 : vector<1024x16xf32> to vector<1024x1x16xf32>
    %sub3A = vector.broadcast %broadcast_in_dim3A : vector<1024x1x16xf32> to vector<1024x20x16xf32>
    %sub3A_13 = arith.subf %get3A_12, %sub3A : vector<1024x20x16xf32>
    %broadcast_in_dim3A_14 = vector.shape_cast %convert_element_type3A_4 : vector<1024x16xbf16> to vector<1024x1x16xbf16>
    %broadcast_in_dim3A_15 = vector.shape_cast %broadcast_in_dim3A_14 : vector<1024x1x16xbf16> to vector<1024x1x16xbf16>
    %broadcast_in_dim3A_16 = vector.broadcast %broadcast_in_dim3A_15 : vector<1024x1x16xbf16> to vector<1024x20x16xbf16>
    %convert_element_type3A_17 = arith.truncf %sub3A_13 : vector<1024x20x16xf32> to vector<1024x20x16xbf16>
    %concatenate3A = tpu.concatenate %convert_element_type3A_17, %broadcast_in_dim3A_16 in 2 : vector<1024x20x16xbf16>, vector<1024x20x16xbf16> -> vector<1024x20x32xbf16>
    %reshape3A = vector.shape_cast %concatenate3A : vector<1024x20x32xbf16> to vector<20480x32xbf16>
    %dot_general3A = arith.constant dense<0.000000e+00> : vector<20480x128xf32>
    %dot_general3A_18 = tpu.matmul %reshape3A, %convert_element_type3A_8, %dot_general3A {dimension_numbers = #tpu.dot_dimension_numbers<[1], [0], [0], [1], [0, 0, 1, 1], [], []>, transpose_lhs_hint = false} : vector<20480x32xbf16>, vector<32x128xbf16>, vector<20480x128xf32> -> vector<20480x128xf32>
    %reduce_sum3A = arith.constant dense<0.000000e+00> : vector<128xf32>
    %reduce_sum3A_19 = vector.multi_reduction <add>, %dot_general3A_18, %reduce_sum3A [0] : vector<20480x128xf32> to vector<128xf32>
    %broadcast_in_dim3A_20 = vector.shape_cast %reduce_sum3A_19 : vector<128xf32> to vector<1x128xf32>
    %mul3A = arith.mulf %dot_general3A_18, %dot_general3A_18 : vector<20480x128xf32>
    %reduce_sum3A_21 = arith.constant dense<0.000000e+00> : vector<128xf32>
    %reduce_sum3A_22 = vector.multi_reduction <add>, %mul3A, %reduce_sum3A_21 [0] : vector<20480x128xf32> to vector<128xf32>
    %broadcast_in_dim3A_23 = vector.shape_cast %reduce_sum3A_22 : vector<128xf32> to vector<1x128xf32>
    %reshape3A_24 = vector.shape_cast %dot_general3A_18 : vector<20480x128xf32> to vector<1024x20x128xf32>
    %reduce_max3A = arith.constant dense<0xFF800000> : vector<1024x128xf32>
    %reduce_max3A_25 = vector.multi_reduction <maximumf>, %reshape3A_24, %reduce_max3A [1] : vector<1024x20x128xf32> to vector<1024x128xf32>
    %swap3A = arith.constant 0 : index
    %swap3A_26 = arith.constant 0 : index
    %swap3A_27 = vector.load %arg4[%swap3A, %swap3A_26] : memref<1024x128xf32, #tpu.memory_space<vmem>>, vector<1024x128xf32>
    tpu.vector_store %arg4[%swap3A, %swap3A_26], %reduce_max3A_25 {strides = array<i32>} : memref<1024x128xf32, #tpu.memory_space<vmem>>, vector<1024x128xf32>,
    %get3A_28 = arith.constant 0 : index
    %get3A_29 = arith.constant 0 : index
    %get3A_30 = vector.load %arg7[%get3A_28, %get3A_29] : memref<2x128xf32, #tpu.memory_space<vmem>>, vector<1x128xf32>
    %add3A = arith.addf %get3A_30, %broadcast_in_dim3A_20 : vector<1x128xf32>
    %swap3A_31 = arith.constant 0 : index
    %swap3A_32 = arith.constant 0 : index
    %swap3A_33 = vector.load %arg7[%swap3A_31, %swap3A_32] : memref<2x128xf32, #tpu.memory_space<vmem>>, vector<1x128xf32>
    tpu.vector_store %arg7[%swap3A_31, %swap3A_32], %add3A {strides = array<i32>} : memref<2x128xf32, #tpu.memory_space<vmem>>, vector<1x128xf32>,
    %get3A_34 = arith.constant 1 : index
    %get3A_35 = arith.constant 0 : index
    %get3A_36 = vector.load %arg7[%get3A_34, %get3A_35] : memref<2x128xf32, #tpu.memory_space<vmem>>, vector<1x128xf32>
    %add3A_37 = arith.addf %get3A_36, %broadcast_in_dim3A_23 : vector<1x128xf32>
    %swap3A_38 = arith.constant 1 : index
    %swap3A_39 = arith.constant 0 : index
    %swap3A_40 = vector.load %arg7[%swap3A_38, %swap3A_39] : memref<2x128xf32, #tpu.memory_space<vmem>>, vector<1x128xf32>
    tpu.vector_store %arg7[%swap3A_38, %swap3A_39], %add3A_37 {strides = array<i32>} : memref<2x128xf32, #tpu.memory_space<vmem>>, vector<1x128xf32>,
    %get3A_41 = arith.constant 0 : index
    %get3A_42 = arith.constant 0 : index
    %get3A_43 = vector.load %arg7[%get3A_41, %get3A_42] : memref<2x128xf32, #tpu.memory_space<vmem>>, vector<1x128xf32>
    %swap3A_44 = arith.constant 0 : index
    %swap3A_45 = arith.constant 0 : index
    %swap3A_46 = vector.load %arg5[%swap3A_44, %swap3A_45] : memref<1x128xf32, #tpu.memory_space<vmem>>, vector<1x128xf32>
    tpu.vector_store %arg5[%swap3A_44, %swap3A_45], %get3A_43 {strides = array<i32>} : memref<1x128xf32, #tpu.memory_space<vmem>>, vector<1x128xf32>,
    %get3A_47 = arith.constant 1 : index
    %get3A_48 = arith.constant 0 : index
    %get3A_49 = vector.load %arg7[%get3A_47, %get3A_48] : memref<2x128xf32, #tpu.memory_space<vmem>>, vector<1x128xf32>
    %swap3A_50 = arith.constant 0 : index
    %swap3A_51 = arith.constant 0 : index
    %swap3A_52 = vector.load %arg6[%swap3A_50, %swap3A_51] : memref<1x128xf32, #tpu.memory_space<vmem>>, vector<1x128xf32>
    tpu.vector_store %arg6[%swap3A_50, %swap3A_51], %get3A_49 {strides = array<i32>} : memref<1x128xf32, #tpu.memory_space<vmem>>, vector<1x128xf32>,
    return
  }
  func.func @transform_0(%arg0: i32) -> (i32, i32, i32) {
    %c0_i32 = arith.constant 0 : i32
    %c0_i32_0 = arith.constant 0 : i32
    %c0_i32_1 = arith.constant 0 : i32
    return %arg0, %c0_i32, %c0_i32_0 : i32, i32, i32
  }
  func.func @transform_1(%arg0: i32) -> (i32, i32) {
    %c0_i32 = arith.constant 0 : i32
    %c0_i32_0 = arith.constant 0 : i32
    return %arg0, %c0_i32 : i32, i32
  }
  func.func @transform_2(%arg0: i32) -> (i32, i32) {
    %c0_i32 = arith.constant 0 : i32
    %c0_i32_0 = arith.constant 0 : i32
    %c0_i32_1 = arith.constant 0 : i32
    return %c0_i32, %c0_i32_0 : i32, i32
  }
  func.func @transform_3(%arg0: i32) -> (i32, i32) {
    %c0_i32 = arith.constant 0 : i32
    %c0_i32_0 = arith.constant 0 : i32
    return %arg0, %c0_i32 : i32, i32
  }
  func.func @transform_4(%arg0: i32) -> (i32, i32) {
    %c0_i32 = arith.constant 0 : i32
    %c0_i32_0 = arith.constant 0 : i32
    %c0_i32_1 = arith.constant 0 : i32
    return %c0_i32, %c0_i32_0 : i32, i32
  }
  func.func @transform_5(%arg0: i32) -> (i32, i32) {
    %c0_i32 = arith.constant 0 : i32
    %c0_i32_0 = arith.constant 0 : i32
    %c0_i32_1 = arith.constant 0 : i32
    return %c0_i32, %c0_i32_0 : i32, i32
  }
}

module attributes {stable_mosaic.version = 14 : i64} {
  func.func @_norm1_body(%arg0: i32, %arg1: memref<512x128xf32, #tpu.memory_space<vmem>>, %arg2: memref<1x128xf32, #tpu.memory_space<vmem>>, %arg3: memref<1x128xf32, #tpu.memory_space<vmem>>, %arg4: memref<1x128xf32, #tpu.memory_space<vmem>>, %arg5: memref<1x128xf32, #tpu.memory_space<vmem>>, %arg6: memref<512x128xf32, #tpu.memory_space<vmem>>) attributes {dimension_semantics = [#tpu.dimension_semantics<arbitrary>], iteration_bounds = array<i64: 32>, scalar_prefetch = 0 : i64, scratch_operands = 0 : i64, tpu.core_type = #tpu.core_type<tc>, window_params = [{transform_indices = @transform_0, window_bounds = array<i64: 512, 128>}, {pipeline_mode = #tpu.pipeline_mode<synchronous>, transform_indices = @transform_1, window_bounds = array<i64: 1, 128>}, {pipeline_mode = #tpu.pipeline_mode<synchronous>, transform_indices = @transform_2, window_bounds = array<i64: 1, 128>}, {pipeline_mode = #tpu.pipeline_mode<synchronous>, transform_indices = @transform_3, window_bounds = array<i64: 1, 128>}, {pipeline_mode = #tpu.pipeline_mode<synchronous>, transform_indices = @transform_4, window_bounds = array<i64: 1, 128>}, {transform_indices = @transform_5, window_bounds = array<i64: 512, 128>}]} {
    %get3A = arith.constant 0 : index
    %get3A_0 = arith.constant 0 : index
    %get3A_1 = vector.load %arg2[%get3A, %get3A_0] : memref<1x128xf32, #tpu.memory_space<vmem>>, vector<1x128xf32>
    %div3A = arith.constant 3.276800e+05 : f32
    %div3A_2 = vector.broadcast %div3A : f32 to vector<1x128xf32>
    %div3A_3 = arith.divf %get3A_1, %div3A_2 : vector<1x128xf32>
    %get3A_4 = arith.constant 0 : index
    %get3A_5 = arith.constant 0 : index
    %get3A_6 = vector.load %arg3[%get3A_4, %get3A_5] : memref<1x128xf32, #tpu.memory_space<vmem>>, vector<1x128xf32>
    %div3A_7 = arith.constant 3.276800e+05 : f32
    %div3A_8 = vector.broadcast %div3A_7 : f32 to vector<1x128xf32>
    %div3A_9 = arith.divf %get3A_6, %div3A_8 : vector<1x128xf32>
    %mul3A = arith.mulf %div3A_3, %div3A_3 : vector<1x128xf32>
    %sub3A = arith.subf %div3A_9, %mul3A : vector<1x128xf32>
    %add3A = arith.constant 9.99999974E-6 : f32
    %add3A_10 = vector.broadcast %add3A : f32 to vector<1x128xf32>
    %add3A_11 = arith.addf %sub3A, %add3A_10 : vector<1x128xf32>
    %rsqrt3A = math.rsqrt %add3A_11 : vector<1x128xf32>
    %get3A_12 = arith.constant 0 : index
    %get3A_13 = arith.constant 0 : index
    %get3A_14 = vector.load %arg1[%get3A_12, %get3A_13] : memref<512x128xf32, #tpu.memory_space<vmem>>, vector<512x128xf32>
    %sub3A_15 = vector.broadcast %div3A_3 : vector<1x128xf32> to vector<512x128xf32>
    %sub3A_16 = arith.subf %get3A_14, %sub3A_15 : vector<512x128xf32>
    %mul3A_17 = vector.broadcast %rsqrt3A : vector<1x128xf32> to vector<512x128xf32>
    %mul3A_18 = arith.mulf %sub3A_16, %mul3A_17 : vector<512x128xf32>
    %get3A_19 = arith.constant 0 : index
    %get3A_20 = arith.constant 0 : index
    %get3A_21 = vector.load %arg4[%get3A_19, %get3A_20] : memref<1x128xf32, #tpu.memory_space<vmem>>, vector<1x128xf32>
    %mul3A_22 = vector.broadcast %get3A_21 : vector<1x128xf32> to vector<512x128xf32>
    %mul3A_23 = arith.mulf %mul3A_18, %mul3A_22 : vector<512x128xf32>
    %get3A_24 = arith.constant 0 : index
    %get3A_25 = arith.constant 0 : index
    %get3A_26 = vector.load %arg5[%get3A_24, %get3A_25] : memref<1x128xf32, #tpu.memory_space<vmem>>, vector<1x128xf32>
    %add3A_27 = vector.broadcast %get3A_26 : vector<1x128xf32> to vector<512x128xf32>
    %add3A_28 = arith.addf %mul3A_23, %add3A_27 : vector<512x128xf32>
    %gt3A = arith.constant 0.000000e+00 : f32
    %gt3A_29 = vector.broadcast %gt3A : f32 to vector<512x128xf32>
    %gt3A_30 = arith.cmpf ogt, %add3A_28, %gt3A_29 : vector<512x128xf32>
    %mul3A_31 = arith.constant 2.000000e-01 : f32
    %mul3A_32 = vector.broadcast %mul3A_31 : f32 to vector<512x128xf32>
    %mul3A_33 = arith.mulf %mul3A_32, %add3A_28 : vector<512x128xf32>
    %select_n3A = arith.select %gt3A_30, %add3A_28, %mul3A_33 : vector<512x128xi1>, vector<512x128xf32>
    %swap3A = arith.constant 0 : index
    %swap3A_34 = arith.constant 0 : index
    %swap3A_35 = vector.load %arg6[%swap3A, %swap3A_34] : memref<512x128xf32, #tpu.memory_space<vmem>>, vector<512x128xf32>
    tpu.vector_store %arg6[%swap3A, %swap3A_34], %select_n3A {strides = array<i32>} : memref<512x128xf32, #tpu.memory_space<vmem>>, vector<512x128xf32>,
    return
  }
  func.func @transform_0(%arg0: i32) -> (i32, i32) {
    %c0_i32 = arith.constant 0 : i32
    %c0_i32_0 = arith.constant 0 : i32
    return %arg0, %c0_i32 : i32, i32
  }
  func.func @transform_1(%arg0: i32) -> (i32, i32) {
    %c0_i32 = arith.constant 0 : i32
    %c0_i32_0 = arith.constant 0 : i32
    %c0_i32_1 = arith.constant 0 : i32
    return %c0_i32, %c0_i32_0 : i32, i32
  }
  func.func @transform_2(%arg0: i32) -> (i32, i32) {
    %c0_i32 = arith.constant 0 : i32
    %c0_i32_0 = arith.constant 0 : i32
    %c0_i32_1 = arith.constant 0 : i32
    return %c0_i32, %c0_i32_0 : i32, i32
  }
  func.func @transform_3(%arg0: i32) -> (i32, i32) {
    %c0_i32 = arith.constant 0 : i32
    %c0_i32_0 = arith.constant 0 : i32
    %c0_i32_1 = arith.constant 0 : i32
    return %c0_i32, %c0_i32_0 : i32, i32
  }
  func.func @transform_4(%arg0: i32) -> (i32, i32) {
    %c0_i32 = arith.constant 0 : i32
    %c0_i32_0 = arith.constant 0 : i32
    %c0_i32_1 = arith.constant 0 : i32
    return %c0_i32, %c0_i32_0 : i32, i32
  }
  func.func @transform_5(%arg0: i32) -> (i32, i32) {
    %c0_i32 = arith.constant 0 : i32
    %c0_i32_0 = arith.constant 0 : i32
    return %arg0, %c0_i32 : i32, i32
  }
}

module attributes {stable_mosaic.version = 14 : i64} {
  func.func @_prep2_body(%arg0: i32, %arg1: i32, %arg2: memref<1x512x128xf32, #tpu.memory_space<vmem>>, %arg3: memref<1x128x2048xf32, #tpu.memory_space<vmem>>, %arg4: memref<128x128xf32, #tpu.memory_space<vmem>>, %arg5: memref<128x128xf32, #tpu.memory_space<vmem>>, %arg6: memref<512x20xi32, #tpu.memory_space<vmem>>, %arg7: memref<512x128xf32, #tpu.memory_space<vmem>>, %arg8: memref<512x128xf32, #tpu.memory_space<vmem>>) attributes {dimension_semantics = [#tpu.dimension_semantics<arbitrary>, #tpu.dimension_semantics<arbitrary>], iteration_bounds = array<i64: 8, 4>, scalar_prefetch = 0 : i64, scratch_operands = 0 : i64, tpu.core_type = #tpu.core_type<tc>, window_params = [{transform_indices = @transform_0, window_bounds = array<i64: 1, 512, 128>}, {transform_indices = @transform_1, window_bounds = array<i64: 1, 128, 2048>}, {pipeline_mode = #tpu.pipeline_mode<synchronous>, transform_indices = @transform_2, window_bounds = array<i64: 128, 128>}, {pipeline_mode = #tpu.pipeline_mode<synchronous>, transform_indices = @transform_3, window_bounds = array<i64: 128, 128>}, {transform_indices = @transform_4, window_bounds = array<i64: 512, 20>}, {transform_indices = @transform_5, window_bounds = array<i64: 512, 128>}, {transform_indices = @transform_6, window_bounds = array<i64: 512, 128>}]} {
    %get3A = arith.constant 0 : index
    %get3A_0 = arith.constant 0 : index
    %get3A_1 = arith.constant 0 : index
    %get3A_2 = vector.load %arg2[%get3A, %get3A_0, %get3A_1] : memref<1x512x128xf32, #tpu.memory_space<vmem>>, vector<1x512x128xf32>
    %get3A_3 = vector.shape_cast %get3A_2 : vector<1x512x128xf32> to vector<512x128xf32>
    %get3A_4 = arith.constant 0 : index
    %get3A_5 = arith.constant 0 : index
    %get3A_6 = arith.constant 0 : index
    %get3A_7 = vector.load %arg3[%get3A_4, %get3A_5, %get3A_6] : memref<1x128x2048xf32, #tpu.memory_space<vmem>>, vector<1x128x2048xf32>
    %get3A_8 = vector.shape_cast %get3A_7 : vector<1x128x2048xf32> to vector<128x2048xf32>
    %convert_element_type3A = arith.truncf %get3A_3 : vector<512x128xf32> to vector<512x128xbf16>
    %get3A_9 = arith.constant 0 : index
    %get3A_10 = arith.constant 0 : index
    %get3A_11 = vector.load %arg4[%get3A_9, %get3A_10] : memref<128x128xf32, #tpu.memory_space<vmem>>, vector<128x128xf32>
    %convert_element_type3A_12 = arith.truncf %get3A_11 : vector<128x128xf32> to vector<128x128xbf16>
    %dot_general3A = arith.constant dense<0.000000e+00> : vector<512x128xf32>
    %dot_general3A_13 = tpu.matmul %convert_element_type3A, %convert_element_type3A_12, %dot_general3A {dimension_numbers = #tpu.dot_dimension_numbers<[1], [0], [0], [1], [0, 0, 1, 1], [], []>, transpose_lhs_hint = false} : vector<512x128xbf16>, vector<128x128xbf16>, vector<512x128xf32> -> vector<512x128xf32>
    %swap3A = arith.constant 0 : index
    %swap3A_14 = arith.constant 0 : index
    %swap3A_15 = vector.load %arg7[%swap3A, %swap3A_14] : memref<512x128xf32, #tpu.memory_space<vmem>>, vector<512x128xf32>
    tpu.vector_store %arg7[%swap3A, %swap3A_14], %dot_general3A_13 {strides = array<i32>} : memref<512x128xf32, #tpu.memory_space<vmem>>, vector<512x128xf32>,
    %get3A_16 = arith.constant 0 : index
    %get3A_17 = arith.constant 0 : index
    %get3A_18 = vector.load %arg5[%get3A_16, %get3A_17] : memref<128x128xf32, #tpu.memory_space<vmem>>, vector<128x128xf32>
    %convert_element_type3A_19 = arith.truncf %get3A_18 : vector<128x128xf32> to vector<128x128xbf16>
    %dot_general3A_20 = arith.constant dense<0.000000e+00> : vector<512x128xf32>
    %dot_general3A_21 = tpu.matmul %convert_element_type3A, %convert_element_type3A_19, %dot_general3A_20 {dimension_numbers = #tpu.dot_dimension_numbers<[1], [0], [0], [1], [0, 0, 1, 1], [], []>, transpose_lhs_hint = false} : vector<512x128xbf16>, vector<128x128xbf16>, vector<512x128xf32> -> vector<512x128xf32>
    %swap3A_22 = arith.constant 0 : index
    %swap3A_23 = arith.constant 0 : index
    %swap3A_24 = vector.load %arg8[%swap3A_22, %swap3A_23] : memref<512x128xf32, #tpu.memory_space<vmem>>, vector<512x128xf32>
    tpu.vector_store %arg8[%swap3A_22, %swap3A_23], %dot_general3A_21 {strides = array<i32>} : memref<512x128xf32, #tpu.memory_space<vmem>>, vector<512x128xf32>,
    %convert_element_type3A_25 = arith.truncf %get3A_3 : vector<512x128xf32> to vector<512x128xbf16>
    %convert_element_type3A_26 = arith.truncf %get3A_8 : vector<128x2048xf32> to vector<128x2048xbf16>
    %dot_general3A_27 = arith.constant dense<0.000000e+00> : vector<512x2048xf32>
    %dot_general3A_28 = tpu.matmul %convert_element_type3A_25, %convert_element_type3A_26, %dot_general3A_27 {dimension_numbers = #tpu.dot_dimension_numbers<[1], [0], [0], [1], [0, 0, 1, 1], [], []>, transpose_lhs_hint = false} : vector<512x128xbf16>, vector<128x2048xbf16>, vector<512x2048xf32> -> vector<512x2048xf32>
    %mul3A = arith.mulf %get3A_3, %get3A_3 : vector<512x128xf32>
    %reduce_sum3A = arith.constant dense<0.000000e+00> : vector<512xf32>
    %reduce_sum3A_29 = vector.multi_reduction <add>, %mul3A, %reduce_sum3A [1] : vector<512x128xf32> to vector<512xf32>
    %broadcast_in_dim3A = vector.shape_cast %reduce_sum3A_29 : vector<512xf32> to vector<512x1xf32>
    %mul3A_30 = arith.mulf %get3A_8, %get3A_8 : vector<128x2048xf32>
    %reduce_sum3A_31 = arith.constant dense<0.000000e+00> : vector<2048xf32>
    %reduce_sum3A_32 = vector.multi_reduction <add>, %mul3A_30, %reduce_sum3A_31 [0] : vector<128x2048xf32> to vector<2048xf32>
    %broadcast_in_dim3A_33 = vector.shape_cast %reduce_sum3A_32 : vector<2048xf32> to vector<1x2048xf32>
    %mul3A_34 = arith.constant 2.000000e+00 : f32
    %mul3A_35 = vector.broadcast %mul3A_34 : f32 to vector<512x2048xf32>
    %mul3A_36 = arith.mulf %mul3A_35, %dot_general3A_28 : vector<512x2048xf32>
    %sub3A = vector.broadcast %broadcast_in_dim3A : vector<512x1xf32> to vector<512x2048xf32>
    %sub3A_37 = arith.subf %mul3A_36, %sub3A : vector<512x2048xf32>
    %sub3A_38 = vector.broadcast %broadcast_in_dim3A_33 : vector<1x2048xf32> to vector<512x2048xf32>
    %sub3A_39 = arith.subf %sub3A_37, %sub3A_38 : vector<512x2048xf32>
    %mul3A_40 = arith.constant 2048 : i32
    %mul3A_41 = arith.muli %arg0, %mul3A_40 : i32
    %iota3A = tpu.iota {dimensions = array<i32: 1>} : vector<512x2048xi32>
    %reduce_max3A = arith.constant dense<0xFF800000> : vector<512xf32>
    %reduce_max3A_42 = vector.multi_reduction <maximumf>, %sub3A_39, %reduce_max3A [1] : vector<512x2048xf32> to vector<512xf32>
    %broadcast_in_dim3A_43 = vector.shape_cast %reduce_max3A_42 : vector<512xf32> to vector<512x1xf32>
    %eq3A = vector.broadcast %broadcast_in_dim3A_43 : vector<512x1xf32> to vector<512x2048xf32>
    %eq3A_44 = arith.cmpf oeq, %sub3A_39, %eq3A : vector<512x2048xf32>
    %jit3A = arith.constant 2048 : i32
    %broadcast_in_dim3A_45 = vector.broadcast %jit3A : i32 to vector<512x2048xi32>
    %select_n3A = arith.select %eq3A_44, %iota3A, %broadcast_in_dim3A_45 : vector<512x2048xi1>, vector<512x2048xi32>
    %reduce_min3A = arith.constant dense<2147483647> : vector<512xi32>
    %reduce_min3A_46 = vector.multi_reduction <minsi>, %select_n3A, %reduce_min3A [1] : vector<512x2048xi32> to vector<512xi32>
    %broadcast_in_dim3A_47 = vector.shape_cast %reduce_min3A_46 : vector<512xi32> to vector<512x1xi32>
    %eq3A_48 = vector.broadcast %broadcast_in_dim3A_47 : vector<512x1xi32> to vector<512x2048xi32>
    %eq3A_49 = arith.cmpi eq, %iota3A, %eq3A_48 : vector<512x2048xi32>
    %add3A = vector.broadcast %mul3A_41 : i32 to vector<512x1xi32>
    %add3A_50 = arith.addi %broadcast_in_dim3A_47, %add3A : vector<512x1xi32>
    %jit3A_51 = arith.constant -3.000000e+38 : f32
    %broadcast_in_dim3A_52 = vector.broadcast %jit3A_51 : f32 to vector<512x2048xf32>
    %select_n3A_53 = arith.select %eq3A_49, %broadcast_in_dim3A_52, %sub3A_39 : vector<512x2048xi1>, vector<512x2048xf32>
    %reduce_max3A_54 = arith.constant dense<0xFF800000> : vector<512xf32>
    %reduce_max3A_55 = vector.multi_reduction <maximumf>, %select_n3A_53, %reduce_max3A_54 [1] : vector<512x2048xf32> to vector<512xf32>
    %broadcast_in_dim3A_56 = vector.shape_cast %reduce_max3A_55 : vector<512xf32> to vector<512x1xf32>
    %eq3A_57 = vector.broadcast %broadcast_in_dim3A_56 : vector<512x1xf32> to vector<512x2048xf32>
    %eq3A_58 = arith.cmpf oeq, %select_n3A_53, %eq3A_57 : vector<512x2048xf32>
    %jit3A_59 = arith.constant 2048 : i32
    %broadcast_in_dim3A_60 = vector.broadcast %jit3A_59 : i32 to vector<512x2048xi32>
    %select_n3A_61 = arith.select %eq3A_58, %iota3A, %broadcast_in_dim3A_60 : vector<512x2048xi1>, vector<512x2048xi32>
    %reduce_min3A_62 = arith.constant dense<2147483647> : vector<512xi32>
    %reduce_min3A_63 = vector.multi_reduction <minsi>, %select_n3A_61, %reduce_min3A_62 [1] : vector<512x2048xi32> to vector<512xi32>
    %broadcast_in_dim3A_64 = vector.shape_cast %reduce_min3A_63 : vector<512xi32> to vector<512x1xi32>
    %eq3A_65 = vector.broadcast %broadcast_in_dim3A_64 : vector<512x1xi32> to vector<512x2048xi32>
    %eq3A_66 = arith.cmpi eq, %iota3A, %eq3A_65 : vector<512x2048xi32>
    %add3A_67 = vector.broadcast %mul3A_41 : i32 to vector<512x1xi32>
    %add3A_68 = arith.addi %broadcast_in_dim3A_64, %add3A_67 : vector<512x1xi32>
    %jit3A_69 = arith.constant -3.000000e+38 : f32
    %broadcast_in_dim3A_70 = vector.broadcast %jit3A_69 : f32 to vector<512x2048xf32>
    %select_n3A_71 = arith.select %eq3A_66, %broadcast_in_dim3A_70, %select_n3A_53 : vector<512x2048xi1>, vector<512x2048xf32>
    %reduce_max3A_72 = arith.constant dense<0xFF800000> : vector<512xf32>
    %reduce_max3A_73 = vector.multi_reduction <maximumf>, %select_n3A_71, %reduce_max3A_72 [1] : vector<512x2048xf32> to vector<512xf32>
    %broadcast_in_dim3A_74 = vector.shape_cast %reduce_max3A_73 : vector<512xf32> to vector<512x1xf32>
    %eq3A_75 = vector.broadcast %broadcast_in_dim3A_74 : vector<512x1xf32> to vector<512x2048xf32>
    %eq3A_76 = arith.cmpf oeq, %select_n3A_71, %eq3A_75 : vector<512x2048xf32>
    %jit3A_77 = arith.constant 2048 : i32
    %broadcast_in_dim3A_78 = vector.broadcast %jit3A_77 : i32 to vector<512x2048xi32>
    %select_n3A_79 = arith.select %eq3A_76, %iota3A, %broadcast_in_dim3A_78 : vector<512x2048xi1>, vector<512x2048xi32>
    %reduce_min3A_80 = arith.constant dense<2147483647> : vector<512xi32>
    %reduce_min3A_81 = vector.multi_reduction <minsi>, %select_n3A_79, %reduce_min3A_80 [1] : vector<512x2048xi32> to vector<512xi32>
    %broadcast_in_dim3A_82 = vector.shape_cast %reduce_min3A_81 : vector<512xi32> to vector<512x1xi32>
    %eq3A_83 = vector.broadcast %broadcast_in_dim3A_82 : vector<512x1xi32> to vector<512x2048xi32>
    %eq3A_84 = arith.cmpi eq, %iota3A, %eq3A_83 : vector<512x2048xi32>
    %add3A_85 = vector.broadcast %mul3A_41 : i32 to vector<512x1xi32>
    %add3A_86 = arith.addi %broadcast_in_dim3A_82, %add3A_85 : vector<512x1xi32>
    %jit3A_87 = arith.constant -3.000000e+38 : f32
    %broadcast_in_dim3A_88 = vector.broadcast %jit3A_87 : f32 to vector<512x2048xf32>
    %select_n3A_89 = arith.select %eq3A_84, %broadcast_in_dim3A_88, %select_n3A_71 : vector<512x2048xi1>, vector<512x2048xf32>
    %reduce_max3A_90 = arith.constant dense<0xFF800000> : vector<512xf32>
    %reduce_max3A_91 = vector.multi_reduction <maximumf>, %select_n3A_89, %reduce_max3A_90 [1] : vector<512x2048xf32> to vector<512xf32>
    %broadcast_in_dim3A_92 = vector.shape_cast %reduce_max3A_91 : vector<512xf32> to vector<512x1xf32>
    %eq3A_93 = vector.broadcast %broadcast_in_dim3A_92 : vector<512x1xf32> to vector<512x2048xf32>
    %eq3A_94 = arith.cmpf oeq, %select_n3A_89, %eq3A_93 : vector<512x2048xf32>
    %jit3A_95 = arith.constant 2048 : i32
    %broadcast_in_dim3A_96 = vector.broadcast %jit3A_95 : i32 to vector<512x2048xi32>
    %select_n3A_97 = arith.select %eq3A_94, %iota3A, %broadcast_in_dim3A_96 : vector<512x2048xi1>, vector<512x2048xi32>
    %reduce_min3A_98 = arith.constant dense<2147483647> : vector<512xi32>
    %reduce_min3A_99 = vector.multi_reduction <minsi>, %select_n3A_97, %reduce_min3A_98 [1] : vector<512x2048xi32> to vector<512xi32>
    %broadcast_in_dim3A_100 = vector.shape_cast %reduce_min3A_99 : vector<512xi32> to vector<512x1xi32>
    %eq3A_101 = vector.broadcast %broadcast_in_dim3A_100 : vector<512x1xi32> to vector<512x2048xi32>
    %eq3A_102 = arith.cmpi eq, %iota3A, %eq3A_101 : vector<512x2048xi32>
    %add3A_103 = vector.broadcast %mul3A_41 : i32 to vector<512x1xi32>
    %add3A_104 = arith.addi %broadcast_in_dim3A_100, %add3A_103 : vector<512x1xi32>
    %jit3A_105 = arith.constant -3.000000e+38 : f32
    %broadcast_in_dim3A_106 = vector.broadcast %jit3A_105 : f32 to vector<512x2048xf32>
    %select_n3A_107 = arith.select %eq3A_102, %broadcast_in_dim3A_106, %select_n3A_89 : vector<512x2048xi1>, vector<512x2048xf32>
    %reduce_max3A_108 = arith.constant dense<0xFF800000> : vector<512xf32>
    %reduce_max3A_109 = vector.multi_reduction <maximumf>, %select_n3A_107, %reduce_max3A_108 [1] : vector<512x2048xf32> to vector<512xf32>
    %broadcast_in_dim3A_110 = vector.shape_cast %reduce_max3A_109 : vector<512xf32> to vector<512x1xf32>
    %eq3A_111 = vector.broadcast %broadcast_in_dim3A_110 : vector<512x1xf32> to vector<512x2048xf32>
    %eq3A_112 = arith.cmpf oeq, %select_n3A_107, %eq3A_111 : vector<512x2048xf32>
    %jit3A_113 = arith.constant 2048 : i32
    %broadcast_in_dim3A_114 = vector.broadcast %jit3A_113 : i32 to vector<512x2048xi32>
    %select_n3A_115 = arith.select %eq3A_112, %iota3A, %broadcast_in_dim3A_114 : vector<512x2048xi1>, vector<512x2048xi32>
    %reduce_min3A_116 = arith.constant dense<2147483647> : vector<512xi32>
    %reduce_min3A_117 = vector.multi_reduction <minsi>, %select_n3A_115, %reduce_min3A_116 [1] : vector<512x2048xi32> to vector<512xi32>
    %broadcast_in_dim3A_118 = vector.shape_cast %reduce_min3A_117 : vector<512xi32> to vector<512x1xi32>
    %eq3A_119 = vector.broadcast %broadcast_in_dim3A_118 : vector<512x1xi32> to vector<512x2048xi32>
    %eq3A_120 = arith.cmpi eq, %iota3A, %eq3A_119 : vector<512x2048xi32>
    %add3A_121 = vector.broadcast %mul3A_41 : i32 to vector<512x1xi32>
    %add3A_122 = arith.addi %broadcast_in_dim3A_118, %add3A_121 : vector<512x1xi32>
    %jit3A_123 = arith.constant -3.000000e+38 : f32
    %broadcast_in_dim3A_124 = vector.broadcast %jit3A_123 : f32 to vector<512x2048xf32>
    %select_n3A_125 = arith.select %eq3A_120, %broadcast_in_dim3A_124, %select_n3A_107 : vector<512x2048xi1>, vector<512x2048xf32>
    %reduce_max3A_126 = arith.constant dense<0xFF800000> : vector<512xf32>
    %reduce_max3A_127 = vector.multi_reduction <maximumf>, %select_n3A_125, %reduce_max3A_126 [1] : vector<512x2048xf32> to vector<512xf32>
    %broadcast_in_dim3A_128 = vector.shape_cast %reduce_max3A_127 : vector<512xf32> to vector<512x1xf32>
    %eq3A_129 = vector.broadcast %broadcast_in_dim3A_128 : vector<512x1xf32> to vector<512x2048xf32>
    %eq3A_130 = arith.cmpf oeq, %select_n3A_125, %eq3A_129 : vector<512x2048xf32>
    %jit3A_131 = arith.constant 2048 : i32
    %broadcast_in_dim3A_132 = vector.broadcast %jit3A_131 : i32 to vector<512x2048xi32>
    %select_n3A_133 = arith.select %eq3A_130, %iota3A, %broadcast_in_dim3A_132 : vector<512x2048xi1>, vector<512x2048xi32>
    %reduce_min3A_134 = arith.constant dense<2147483647> : vector<512xi32>
    %reduce_min3A_135 = vector.multi_reduction <minsi>, %select_n3A_133, %reduce_min3A_134 [1] : vector<512x2048xi32> to vector<512xi32>
    %broadcast_in_dim3A_136 = vector.shape_cast %reduce_min3A_135 : vector<512xi32> to vector<512x1xi32>
    %eq3A_137 = vector.broadcast %broadcast_in_dim3A_136 : vector<512x1xi32> to vector<512x2048xi32>
    %eq3A_138 = arith.cmpi eq, %iota3A, %eq3A_137 : vector<512x2048xi32>
    %add3A_139 = vector.broadcast %mul3A_41 : i32 to vector<512x1xi32>
    %add3A_140 = arith.addi %broadcast_in_dim3A_136, %add3A_139 : vector<512x1xi32>
    %jit3A_141 = arith.constant -3.000000e+38 : f32
    %broadcast_in_dim3A_142 = vector.broadcast %jit3A_141 : f32 to vector<512x2048xf32>
    %select_n3A_143 = arith.select %eq3A_138, %broadcast_in_dim3A_142, %select_n3A_125 : vector<512x2048xi1>, vector<512x2048xf32>
    %reduce_max3A_144 = arith.constant dense<0xFF800000> : vector<512xf32>
    %reduce_max3A_145 = vector.multi_reduction <maximumf>, %select_n3A_143, %reduce_max3A_144 [1] : vector<512x2048xf32> to vector<512xf32>
    %broadcast_in_dim3A_146 = vector.shape_cast %reduce_max3A_145 : vector<512xf32> to vector<512x1xf32>
    %eq3A_147 = vector.broadcast %broadcast_in_dim3A_146 : vector<512x1xf32> to vector<512x2048xf32>
    %eq3A_148 = arith.cmpf oeq, %select_n3A_143, %eq3A_147 : vector<512x2048xf32>
    %jit3A_149 = arith.constant 2048 : i32
    %broadcast_in_dim3A_150 = vector.broadcast %jit3A_149 : i32 to vector<512x2048xi32>
    %select_n3A_151 = arith.select %eq3A_148, %iota3A, %broadcast_in_dim3A_150 : vector<512x2048xi1>, vector<512x2048xi32>
    %reduce_min3A_152 = arith.constant dense<2147483647> : vector<512xi32>
    %reduce_min3A_153 = vector.multi_reduction <minsi>, %select_n3A_151, %reduce_min3A_152 [1] : vector<512x2048xi32> to vector<512xi32>
    %broadcast_in_dim3A_154 = vector.shape_cast %reduce_min3A_153 : vector<512xi32> to vector<512x1xi32>
    %eq3A_155 = vector.broadcast %broadcast_in_dim3A_154 : vector<512x1xi32> to vector<512x2048xi32>
    %eq3A_156 = arith.cmpi eq, %iota3A, %eq3A_155 : vector<512x2048xi32>
    %add3A_157 = vector.broadcast %mul3A_41 : i32 to vector<512x1xi32>
    %add3A_158 = arith.addi %broadcast_in_dim3A_154, %add3A_157 : vector<512x1xi32>
    %jit3A_159 = arith.constant -3.000000e+38 : f32
    %broadcast_in_dim3A_160 = vector.broadcast %jit3A_159 : f32 to vector<512x2048xf32>
    %select_n3A_161 = arith.select %eq3A_156, %broadcast_in_dim3A_160, %select_n3A_143 : vector<512x2048xi1>, vector<512x2048xf32>
    %reduce_max3A_162 = arith.constant dense<0xFF800000> : vector<512xf32>
    %reduce_max3A_163 = vector.multi_reduction <maximumf>, %select_n3A_161, %reduce_max3A_162 [1] : vector<512x2048xf32> to vector<512xf32>
    %broadcast_in_dim3A_164 = vector.shape_cast %reduce_max3A_163 : vector<512xf32> to vector<512x1xf32>
    %eq3A_165 = vector.broadcast %broadcast_in_dim3A_164 : vector<512x1xf32> to vector<512x2048xf32>
    %eq3A_166 = arith.cmpf oeq, %select_n3A_161, %eq3A_165 : vector<512x2048xf32>
    %jit3A_167 = arith.constant 2048 : i32
    %broadcast_in_dim3A_168 = vector.broadcast %jit3A_167 : i32 to vector<512x2048xi32>
    %select_n3A_169 = arith.select %eq3A_166, %iota3A, %broadcast_in_dim3A_168 : vector<512x2048xi1>, vector<512x2048xi32>
    %reduce_min3A_170 = arith.constant dense<2147483647> : vector<512xi32>
    %reduce_min3A_171 = vector.multi_reduction <minsi>, %select_n3A_169, %reduce_min3A_170 [1] : vector<512x2048xi32> to vector<512xi32>
    %broadcast_in_dim3A_172 = vector.shape_cast %reduce_min3A_171 : vector<512xi32> to vector<512x1xi32>
    %eq3A_173 = vector.broadcast %broadcast_in_dim3A_172 : vector<512x1xi32> to vector<512x2048xi32>
    %eq3A_174 = arith.cmpi eq, %iota3A, %eq3A_173 : vector<512x2048xi32>
    %add3A_175 = vector.broadcast %mul3A_41 : i32 to vector<512x1xi32>
    %add3A_176 = arith.addi %broadcast_in_dim3A_172, %add3A_175 : vector<512x1xi32>
    %jit3A_177 = arith.constant -3.000000e+38 : f32
    %broadcast_in_dim3A_178 = vector.broadcast %jit3A_177 : f32 to vector<512x2048xf32>
    %select_n3A_179 = arith.select %eq3A_174, %broadcast_in_dim3A_178, %select_n3A_161 : vector<512x2048xi1>, vector<512x2048xf32>
    %reduce_max3A_180 = arith.constant dense<0xFF800000> : vector<512xf32>
    %reduce_max3A_181 = vector.multi_reduction <maximumf>, %select_n3A_179, %reduce_max3A_180 [1] : vector<512x2048xf32> to vector<512xf32>
    %broadcast_in_dim3A_182 = vector.shape_cast %reduce_max3A_181 : vector<512xf32> to vector<512x1xf32>
    %eq3A_183 = vector.broadcast %broadcast_in_dim3A_182 : vector<512x1xf32> to vector<512x2048xf32>
    %eq3A_184 = arith.cmpf oeq, %select_n3A_179, %eq3A_183 : vector<512x2048xf32>
    %jit3A_185 = arith.constant 2048 : i32
    %broadcast_in_dim3A_186 = vector.broadcast %jit3A_185 : i32 to vector<512x2048xi32>
    %select_n3A_187 = arith.select %eq3A_184, %iota3A, %broadcast_in_dim3A_186 : vector<512x2048xi1>, vector<512x2048xi32>
    %reduce_min3A_188 = arith.constant dense<2147483647> : vector<512xi32>
    %reduce_min3A_189 = vector.multi_reduction <minsi>, %select_n3A_187, %reduce_min3A_188 [1] : vector<512x2048xi32> to vector<512xi32>
    %broadcast_in_dim3A_190 = vector.shape_cast %reduce_min3A_189 : vector<512xi32> to vector<512x1xi32>
    %eq3A_191 = vector.broadcast %broadcast_in_dim3A_190 : vector<512x1xi32> to vector<512x2048xi32>
    %eq3A_192 = arith.cmpi eq, %iota3A, %eq3A_191 : vector<512x2048xi32>
    %add3A_193 = vector.broadcast %mul3A_41 : i32 to vector<512x1xi32>
    %add3A_194 = arith.addi %broadcast_in_dim3A_190, %add3A_193 : vector<512x1xi32>
    %jit3A_195 = arith.constant -3.000000e+38 : f32
    %broadcast_in_dim3A_196 = vector.broadcast %jit3A_195 : f32 to vector<512x2048xf32>
    %select_n3A_197 = arith.select %eq3A_192, %broadcast_in_dim3A_196, %select_n3A_179 : vector<512x2048xi1>, vector<512x2048xf32>
    %reduce_max3A_198 = arith.constant dense<0xFF800000> : vector<512xf32>
    %reduce_max3A_199 = vector.multi_reduction <maximumf>, %select_n3A_197, %reduce_max3A_198 [1] : vector<512x2048xf32> to vector<512xf32>
    %broadcast_in_dim3A_200 = vector.shape_cast %reduce_max3A_199 : vector<512xf32> to vector<512x1xf32>
    %eq3A_201 = vector.broadcast %broadcast_in_dim3A_200 : vector<512x1xf32> to vector<512x2048xf32>
    %eq3A_202 = arith.cmpf oeq, %select_n3A_197, %eq3A_201 : vector<512x2048xf32>
    %jit3A_203 = arith.constant 2048 : i32
    %broadcast_in_dim3A_204 = vector.broadcast %jit3A_203 : i32 to vector<512x2048xi32>
    %select_n3A_205 = arith.select %eq3A_202, %iota3A, %broadcast_in_dim3A_204 : vector<512x2048xi1>, vector<512x2048xi32>
    %reduce_min3A_206 = arith.constant dense<2147483647> : vector<512xi32>
    %reduce_min3A_207 = vector.multi_reduction <minsi>, %select_n3A_205, %reduce_min3A_206 [1] : vector<512x2048xi32> to vector<512xi32>
    %broadcast_in_dim3A_208 = vector.shape_cast %reduce_min3A_207 : vector<512xi32> to vector<512x1xi32>
    %eq3A_209 = vector.broadcast %broadcast_in_dim3A_208 : vector<512x1xi32> to vector<512x2048xi32>
    %eq3A_210 = arith.cmpi eq, %iota3A, %eq3A_209 : vector<512x2048xi32>
    %add3A_211 = vector.broadcast %mul3A_41 : i32 to vector<512x1xi32>
    %add3A_212 = arith.addi %broadcast_in_dim3A_208, %add3A_211 : vector<512x1xi32>
    %jit3A_213 = arith.constant -3.000000e+38 : f32
    %broadcast_in_dim3A_214 = vector.broadcast %jit3A_213 : f32 to vector<512x2048xf32>
    %select_n3A_215 = arith.select %eq3A_210, %broadcast_in_dim3A_214, %select_n3A_197 : vector<512x2048xi1>, vector<512x2048xf32>
    %reduce_max3A_216 = arith.constant dense<0xFF800000> : vector<512xf32>
    %reduce_max3A_217 = vector.multi_reduction <maximumf>, %select_n3A_215, %reduce_max3A_216 [1] : vector<512x2048xf32> to vector<512xf32>
    %broadcast_in_dim3A_218 = vector.shape_cast %reduce_max3A_217 : vector<512xf32> to vector<512x1xf32>
    %eq3A_219 = vector.broadcast %broadcast_in_dim3A_218 : vector<512x1xf32> to vector<512x2048xf32>
    %eq3A_220 = arith.cmpf oeq, %select_n3A_215, %eq3A_219 : vector<512x2048xf32>
    %jit3A_221 = arith.constant 2048 : i32
    %broadcast_in_dim3A_222 = vector.broadcast %jit3A_221 : i32 to vector<512x2048xi32>
    %select_n3A_223 = arith.select %eq3A_220, %iota3A, %broadcast_in_dim3A_222 : vector<512x2048xi1>, vector<512x2048xi32>
    %reduce_min3A_224 = arith.constant dense<2147483647> : vector<512xi32>
    %reduce_min3A_225 = vector.multi_reduction <minsi>, %select_n3A_223, %reduce_min3A_224 [1] : vector<512x2048xi32> to vector<512xi32>
    %broadcast_in_dim3A_226 = vector.shape_cast %reduce_min3A_225 : vector<512xi32> to vector<512x1xi32>
    %eq3A_227 = vector.broadcast %broadcast_in_dim3A_226 : vector<512x1xi32> to vector<512x2048xi32>
    %eq3A_228 = arith.cmpi eq, %iota3A, %eq3A_227 : vector<512x2048xi32>
    %add3A_229 = vector.broadcast %mul3A_41 : i32 to vector<512x1xi32>
    %add3A_230 = arith.addi %broadcast_in_dim3A_226, %add3A_229 : vector<512x1xi32>
    %jit3A_231 = arith.constant -3.000000e+38 : f32
    %broadcast_in_dim3A_232 = vector.broadcast %jit3A_231 : f32 to vector<512x2048xf32>
    %select_n3A_233 = arith.select %eq3A_228, %broadcast_in_dim3A_232, %select_n3A_215 : vector<512x2048xi1>, vector<512x2048xf32>
    %reduce_max3A_234 = arith.constant dense<0xFF800000> : vector<512xf32>
    %reduce_max3A_235 = vector.multi_reduction <maximumf>, %select_n3A_233, %reduce_max3A_234 [1] : vector<512x2048xf32> to vector<512xf32>
    %broadcast_in_dim3A_236 = vector.shape_cast %reduce_max3A_235 : vector<512xf32> to vector<512x1xf32>
    %eq3A_237 = vector.broadcast %broadcast_in_dim3A_236 : vector<512x1xf32> to vector<512x2048xf32>
    %eq3A_238 = arith.cmpf oeq, %select_n3A_233, %eq3A_237 : vector<512x2048xf32>
    %jit3A_239 = arith.constant 2048 : i32
    %broadcast_in_dim3A_240 = vector.broadcast %jit3A_239 : i32 to vector<512x2048xi32>
    %select_n3A_241 = arith.select %eq3A_238, %iota3A, %broadcast_in_dim3A_240 : vector<512x2048xi1>, vector<512x2048xi32>
    %reduce_min3A_242 = arith.constant dense<2147483647> : vector<512xi32>
    %reduce_min3A_243 = vector.multi_reduction <minsi>, %select_n3A_241, %reduce_min3A_242 [1] : vector<512x2048xi32> to vector<512xi32>
    %broadcast_in_dim3A_244 = vector.shape_cast %reduce_min3A_243 : vector<512xi32> to vector<512x1xi32>
    %eq3A_245 = vector.broadcast %broadcast_in_dim3A_244 : vector<512x1xi32> to vector<512x2048xi32>
    %eq3A_246 = arith.cmpi eq, %iota3A, %eq3A_245 : vector<512x2048xi32>
    %add3A_247 = vector.broadcast %mul3A_41 : i32 to vector<512x1xi32>
    %add3A_248 = arith.addi %broadcast_in_dim3A_244, %add3A_247 : vector<512x1xi32>
    %jit3A_249 = arith.constant -3.000000e+38 : f32
    %broadcast_in_dim3A_250 = vector.broadcast %jit3A_249 : f32 to vector<512x2048xf32>
    %select_n3A_251 = arith.select %eq3A_246, %broadcast_in_dim3A_250, %select_n3A_233 : vector<512x2048xi1>, vector<512x2048xf32>
    %reduce_max3A_252 = arith.constant dense<0xFF800000> : vector<512xf32>
    %reduce_max3A_253 = vector.multi_reduction <maximumf>, %select_n3A_251, %reduce_max3A_252 [1] : vector<512x2048xf32> to vector<512xf32>
    %broadcast_in_dim3A_254 = vector.shape_cast %reduce_max3A_253 : vector<512xf32> to vector<512x1xf32>
    %eq3A_255 = vector.broadcast %broadcast_in_dim3A_254 : vector<512x1xf32> to vector<512x2048xf32>
    %eq3A_256 = arith.cmpf oeq, %select_n3A_251, %eq3A_255 : vector<512x2048xf32>
    %jit3A_257 = arith.constant 2048 : i32
    %broadcast_in_dim3A_258 = vector.broadcast %jit3A_257 : i32 to vector<512x2048xi32>
    %select_n3A_259 = arith.select %eq3A_256, %iota3A, %broadcast_in_dim3A_258 : vector<512x2048xi1>, vector<512x2048xi32>
    %reduce_min3A_260 = arith.constant dense<2147483647> : vector<512xi32>
    %reduce_min3A_261 = vector.multi_reduction <minsi>, %select_n3A_259, %reduce_min3A_260 [1] : vector<512x2048xi32> to vector<512xi32>
    %broadcast_in_dim3A_262 = vector.shape_cast %reduce_min3A_261 : vector<512xi32> to vector<512x1xi32>
    %eq3A_263 = vector.broadcast %broadcast_in_dim3A_262 : vector<512x1xi32> to vector<512x2048xi32>
    %eq3A_264 = arith.cmpi eq, %iota3A, %eq3A_263 : vector<512x2048xi32>
    %add3A_265 = vector.broadcast %mul3A_41 : i32 to vector<512x1xi32>
    %add3A_266 = arith.addi %broadcast_in_dim3A_262, %add3A_265 : vector<512x1xi32>
    %jit3A_267 = arith.constant -3.000000e+38 : f32
    %broadcast_in_dim3A_268 = vector.broadcast %jit3A_267 : f32 to vector<512x2048xf32>
    %select_n3A_269 = arith.select %eq3A_264, %broadcast_in_dim3A_268, %select_n3A_251 : vector<512x2048xi1>, vector<512x2048xf32>
    %reduce_max3A_270 = arith.constant dense<0xFF800000> : vector<512xf32>
    %reduce_max3A_271 = vector.multi_reduction <maximumf>, %select_n3A_269, %reduce_max3A_270 [1] : vector<512x2048xf32> to vector<512xf32>
    %broadcast_in_dim3A_272 = vector.shape_cast %reduce_max3A_271 : vector<512xf32> to vector<512x1xf32>
    %eq3A_273 = vector.broadcast %broadcast_in_dim3A_272 : vector<512x1xf32> to vector<512x2048xf32>
    %eq3A_274 = arith.cmpf oeq, %select_n3A_269, %eq3A_273 : vector<512x2048xf32>
    %jit3A_275 = arith.constant 2048 : i32
    %broadcast_in_dim3A_276 = vector.broadcast %jit3A_275 : i32 to vector<512x2048xi32>
    %select_n3A_277 = arith.select %eq3A_274, %iota3A, %broadcast_in_dim3A_276 : vector<512x2048xi1>, vector<512x2048xi32>
    %reduce_min3A_278 = arith.constant dense<2147483647> : vector<512xi32>
    %reduce_min3A_279 = vector.multi_reduction <minsi>, %select_n3A_277, %reduce_min3A_278 [1] : vector<512x2048xi32> to vector<512xi32>
    %broadcast_in_dim3A_280 = vector.shape_cast %reduce_min3A_279 : vector<512xi32> to vector<512x1xi32>
    %eq3A_281 = vector.broadcast %broadcast_in_dim3A_280 : vector<512x1xi32> to vector<512x2048xi32>
    %eq3A_282 = arith.cmpi eq, %iota3A, %eq3A_281 : vector<512x2048xi32>
    %add3A_283 = vector.broadcast %mul3A_41 : i32 to vector<512x1xi32>
    %add3A_284 = arith.addi %broadcast_in_dim3A_280, %add3A_283 : vector<512x1xi32>
    %jit3A_285 = arith.constant -3.000000e+38 : f32
    %broadcast_in_dim3A_286 = vector.broadcast %jit3A_285 : f32 to vector<512x2048xf32>
    %select_n3A_287 = arith.select %eq3A_282, %broadcast_in_dim3A_286, %select_n3A_269 : vector<512x2048xi1>, vector<512x2048xf32>
    %reduce_max3A_288 = arith.constant dense<0xFF800000> : vector<512xf32>
    %reduce_max3A_289 = vector.multi_reduction <maximumf>, %select_n3A_287, %reduce_max3A_288 [1] : vector<512x2048xf32> to vector<512xf32>
    %broadcast_in_dim3A_290 = vector.shape_cast %reduce_max3A_289 : vector<512xf32> to vector<512x1xf32>
    %eq3A_291 = vector.broadcast %broadcast_in_dim3A_290 : vector<512x1xf32> to vector<512x2048xf32>
    %eq3A_292 = arith.cmpf oeq, %select_n3A_287, %eq3A_291 : vector<512x2048xf32>
    %jit3A_293 = arith.constant 2048 : i32
    %broadcast_in_dim3A_294 = vector.broadcast %jit3A_293 : i32 to vector<512x2048xi32>
    %select_n3A_295 = arith.select %eq3A_292, %iota3A, %broadcast_in_dim3A_294 : vector<512x2048xi1>, vector<512x2048xi32>
    %reduce_min3A_296 = arith.constant dense<2147483647> : vector<512xi32>
    %reduce_min3A_297 = vector.multi_reduction <minsi>, %select_n3A_295, %reduce_min3A_296 [1] : vector<512x2048xi32> to vector<512xi32>
    %broadcast_in_dim3A_298 = vector.shape_cast %reduce_min3A_297 : vector<512xi32> to vector<512x1xi32>
    %eq3A_299 = vector.broadcast %broadcast_in_dim3A_298 : vector<512x1xi32> to vector<512x2048xi32>
    %eq3A_300 = arith.cmpi eq, %iota3A, %eq3A_299 : vector<512x2048xi32>
    %add3A_301 = vector.broadcast %mul3A_41 : i32 to vector<512x1xi32>
    %add3A_302 = arith.addi %broadcast_in_dim3A_298, %add3A_301 : vector<512x1xi32>
    %jit3A_303 = arith.constant -3.000000e+38 : f32
    %broadcast_in_dim3A_304 = vector.broadcast %jit3A_303 : f32 to vector<512x2048xf32>
    %select_n3A_305 = arith.select %eq3A_300, %broadcast_in_dim3A_304, %select_n3A_287 : vector<512x2048xi1>, vector<512x2048xf32>
    %reduce_max3A_306 = arith.constant dense<0xFF800000> : vector<512xf32>
    %reduce_max3A_307 = vector.multi_reduction <maximumf>, %select_n3A_305, %reduce_max3A_306 [1] : vector<512x2048xf32> to vector<512xf32>
    %broadcast_in_dim3A_308 = vector.shape_cast %reduce_max3A_307 : vector<512xf32> to vector<512x1xf32>
    %eq3A_309 = vector.broadcast %broadcast_in_dim3A_308 : vector<512x1xf32> to vector<512x2048xf32>
    %eq3A_310 = arith.cmpf oeq, %select_n3A_305, %eq3A_309 : vector<512x2048xf32>
    %jit3A_311 = arith.constant 2048 : i32
    %broadcast_in_dim3A_312 = vector.broadcast %jit3A_311 : i32 to vector<512x2048xi32>
    %select_n3A_313 = arith.select %eq3A_310, %iota3A, %broadcast_in_dim3A_312 : vector<512x2048xi1>, vector<512x2048xi32>
    %reduce_min3A_314 = arith.constant dense<2147483647> : vector<512xi32>
    %reduce_min3A_315 = vector.multi_reduction <minsi>, %select_n3A_313, %reduce_min3A_314 [1] : vector<512x2048xi32> to vector<512xi32>
    %broadcast_in_dim3A_316 = vector.shape_cast %reduce_min3A_315 : vector<512xi32> to vector<512x1xi32>
    %eq3A_317 = vector.broadcast %broadcast_in_dim3A_316 : vector<512x1xi32> to vector<512x2048xi32>
    %eq3A_318 = arith.cmpi eq, %iota3A, %eq3A_317 : vector<512x2048xi32>
    %add3A_319 = vector.broadcast %mul3A_41 : i32 to vector<512x1xi32>
    %add3A_320 = arith.addi %broadcast_in_dim3A_316, %add3A_319 : vector<512x1xi32>
    %jit3A_321 = arith.constant -3.000000e+38 : f32
    %broadcast_in_dim3A_322 = vector.broadcast %jit3A_321 : f32 to vector<512x2048xf32>
    %select_n3A_323 = arith.select %eq3A_318, %broadcast_in_dim3A_322, %select_n3A_305 : vector<512x2048xi1>, vector<512x2048xf32>
    %reduce_max3A_324 = arith.constant dense<0xFF800000> : vector<512xf32>
    %reduce_max3A_325 = vector.multi_reduction <maximumf>, %select_n3A_323, %reduce_max3A_324 [1] : vector<512x2048xf32> to vector<512xf32>
    %broadcast_in_dim3A_326 = vector.shape_cast %reduce_max3A_325 : vector<512xf32> to vector<512x1xf32>
    %eq3A_327 = vector.broadcast %broadcast_in_dim3A_326 : vector<512x1xf32> to vector<512x2048xf32>
    %eq3A_328 = arith.cmpf oeq, %select_n3A_323, %eq3A_327 : vector<512x2048xf32>
    %jit3A_329 = arith.constant 2048 : i32
    %broadcast_in_dim3A_330 = vector.broadcast %jit3A_329 : i32 to vector<512x2048xi32>
    %select_n3A_331 = arith.select %eq3A_328, %iota3A, %broadcast_in_dim3A_330 : vector<512x2048xi1>, vector<512x2048xi32>
    %reduce_min3A_332 = arith.constant dense<2147483647> : vector<512xi32>
    %reduce_min3A_333 = vector.multi_reduction <minsi>, %select_n3A_331, %reduce_min3A_332 [1] : vector<512x2048xi32> to vector<512xi32>
    %broadcast_in_dim3A_334 = vector.shape_cast %reduce_min3A_333 : vector<512xi32> to vector<512x1xi32>
    %eq3A_335 = vector.broadcast %broadcast_in_dim3A_334 : vector<512x1xi32> to vector<512x2048xi32>
    %eq3A_336 = arith.cmpi eq, %iota3A, %eq3A_335 : vector<512x2048xi32>
    %add3A_337 = vector.broadcast %mul3A_41 : i32 to vector<512x1xi32>
    %add3A_338 = arith.addi %broadcast_in_dim3A_334, %add3A_337 : vector<512x1xi32>
    %jit3A_339 = arith.constant -3.000000e+38 : f32
    %broadcast_in_dim3A_340 = vector.broadcast %jit3A_339 : f32 to vector<512x2048xf32>
    %select_n3A_341 = arith.select %eq3A_336, %broadcast_in_dim3A_340, %select_n3A_323 : vector<512x2048xi1>, vector<512x2048xf32>
    %reduce_max3A_342 = arith.constant dense<0xFF800000> : vector<512xf32>
    %reduce_max3A_343 = vector.multi_reduction <maximumf>, %select_n3A_341, %reduce_max3A_342 [1] : vector<512x2048xf32> to vector<512xf32>
    %broadcast_in_dim3A_344 = vector.shape_cast %reduce_max3A_343 : vector<512xf32> to vector<512x1xf32>
    %eq3A_345 = vector.broadcast %broadcast_in_dim3A_344 : vector<512x1xf32> to vector<512x2048xf32>
    %eq3A_346 = arith.cmpf oeq, %select_n3A_341, %eq3A_345 : vector<512x2048xf32>
    %jit3A_347 = arith.constant 2048 : i32
    %broadcast_in_dim3A_348 = vector.broadcast %jit3A_347 : i32 to vector<512x2048xi32>
    %select_n3A_349 = arith.select %eq3A_346, %iota3A, %broadcast_in_dim3A_348 : vector<512x2048xi1>, vector<512x2048xi32>
    %reduce_min3A_350 = arith.constant dense<2147483647> : vector<512xi32>
    %reduce_min3A_351 = vector.multi_reduction <minsi>, %select_n3A_349, %reduce_min3A_350 [1] : vector<512x2048xi32> to vector<512xi32>
    %broadcast_in_dim3A_352 = vector.shape_cast %reduce_min3A_351 : vector<512xi32> to vector<512x1xi32>
    %eq3A_353 = vector.broadcast %broadcast_in_dim3A_352 : vector<512x1xi32> to vector<512x2048xi32>
    %eq3A_354 = arith.cmpi eq, %iota3A, %eq3A_353 : vector<512x2048xi32>
    %add3A_355 = vector.broadcast %mul3A_41 : i32 to vector<512x1xi32>
    %add3A_356 = arith.addi %broadcast_in_dim3A_352, %add3A_355 : vector<512x1xi32>
    %jit3A_357 = arith.constant -3.000000e+38 : f32
    %broadcast_in_dim3A_358 = vector.broadcast %jit3A_357 : f32 to vector<512x2048xf32>
    %select_n3A_359 = arith.select %eq3A_354, %broadcast_in_dim3A_358, %select_n3A_341 : vector<512x2048xi1>, vector<512x2048xf32>
    %reduce_max3A_360 = arith.constant dense<0xFF800000> : vector<512xf32>
    %reduce_max3A_361 = vector.multi_reduction <maximumf>, %select_n3A_359, %reduce_max3A_360 [1] : vector<512x2048xf32> to vector<512xf32>
    %broadcast_in_dim3A_362 = vector.shape_cast %reduce_max3A_361 : vector<512xf32> to vector<512x1xf32>
    %eq3A_363 = vector.broadcast %broadcast_in_dim3A_362 : vector<512x1xf32> to vector<512x2048xf32>
    %eq3A_364 = arith.cmpf oeq, %select_n3A_359, %eq3A_363 : vector<512x2048xf32>
    %jit3A_365 = arith.constant 2048 : i32
    %broadcast_in_dim3A_366 = vector.broadcast %jit3A_365 : i32 to vector<512x2048xi32>
    %select_n3A_367 = arith.select %eq3A_364, %iota3A, %broadcast_in_dim3A_366 : vector<512x2048xi1>, vector<512x2048xi32>
    %reduce_min3A_368 = arith.constant dense<2147483647> : vector<512xi32>
    %reduce_min3A_369 = vector.multi_reduction <minsi>, %select_n3A_367, %reduce_min3A_368 [1] : vector<512x2048xi32> to vector<512xi32>
    %broadcast_in_dim3A_370 = vector.shape_cast %reduce_min3A_369 : vector<512xi32> to vector<512x1xi32>
    %eq3A_371 = vector.broadcast %broadcast_in_dim3A_370 : vector<512x1xi32> to vector<512x2048xi32>
    %eq3A_372 = arith.cmpi eq, %iota3A, %eq3A_371 : vector<512x2048xi32>
    %add3A_373 = vector.broadcast %mul3A_41 : i32 to vector<512x1xi32>
    %add3A_374 = arith.addi %broadcast_in_dim3A_370, %add3A_373 : vector<512x1xi32>
    %jit3A_375 = arith.constant -3.000000e+38 : f32
    %broadcast_in_dim3A_376 = vector.broadcast %jit3A_375 : f32 to vector<512x2048xf32>
    %select_n3A_377 = arith.select %eq3A_372, %broadcast_in_dim3A_376, %select_n3A_359 : vector<512x2048xi1>, vector<512x2048xf32>
    %reduce_max3A_378 = arith.constant dense<0xFF800000> : vector<512xf32>
    %reduce_max3A_379 = vector.multi_reduction <maximumf>, %select_n3A_377, %reduce_max3A_378 [1] : vector<512x2048xf32> to vector<512xf32>
    %broadcast_in_dim3A_380 = vector.shape_cast %reduce_max3A_379 : vector<512xf32> to vector<512x1xf32>
    %eq3A_381 = vector.broadcast %broadcast_in_dim3A_380 : vector<512x1xf32> to vector<512x2048xf32>
    %eq3A_382 = arith.cmpf oeq, %select_n3A_377, %eq3A_381 : vector<512x2048xf32>
    %jit3A_383 = arith.constant 2048 : i32
    %broadcast_in_dim3A_384 = vector.broadcast %jit3A_383 : i32 to vector<512x2048xi32>
    %select_n3A_385 = arith.select %eq3A_382, %iota3A, %broadcast_in_dim3A_384 : vector<512x2048xi1>, vector<512x2048xi32>
    %reduce_min3A_386 = arith.constant dense<2147483647> : vector<512xi32>
    %reduce_min3A_387 = vector.multi_reduction <minsi>, %select_n3A_385, %reduce_min3A_386 [1] : vector<512x2048xi32> to vector<512xi32>
    %broadcast_in_dim3A_388 = vector.shape_cast %reduce_min3A_387 : vector<512xi32> to vector<512x1xi32>
    %add3A_389 = vector.broadcast %mul3A_41 : i32 to vector<512x1xi32>
    %add3A_390 = arith.addi %broadcast_in_dim3A_388, %add3A_389 : vector<512x1xi32>
    %concatenate3A = tpu.concatenate %add3A_50, %add3A_68, %add3A_86, %add3A_104, %add3A_122, %add3A_140, %add3A_158, %add3A_176, %add3A_194, %add3A_212, %add3A_230, %add3A_248, %add3A_266, %add3A_284, %add3A_302, %add3A_320, %add3A_338, %add3A_356, %add3A_374, %add3A_390 in 1 : vector<512x1xi32>, vector<512x1xi32>, vector<512x1xi32>, vector<512x1xi32>, vector<512x1xi32>, vector<512x1xi32>, vector<512x1xi32>, vector<512x1xi32>, vector<512x1xi32>, vector<512x1xi32>, vector<512x1xi32>, vector<512x1xi32>, vector<512x1xi32>, vector<512x1xi32>, vector<512x1xi32>, vector<512x1xi32>, vector<512x1xi32>, vector<512x1xi32>, vector<512x1xi32>, vector<512x1xi32> -> vector<512x20xi32>
    %swap3A_391 = arith.constant 0 : index
    %swap3A_392 = arith.constant 0 : index
    %swap3A_393 = vector.load %arg6[%swap3A_391, %swap3A_392] : memref<512x20xi32, #tpu.memory_space<vmem>>, vector<512x20xi32>
    tpu.vector_store %arg6[%swap3A_391, %swap3A_392], %concatenate3A {strides = array<i32>} : memref<512x20xi32, #tpu.memory_space<vmem>>, vector<512x20xi32>,
    return
  }
  func.func @transform_0(%arg0: i32, %arg1: i32) -> (i32, i32, i32) {
    %c0_i32 = arith.constant 0 : i32
    %c0_i32_0 = arith.constant 0 : i32
    return %arg0, %arg1, %c0_i32 : i32, i32, i32
  }
  func.func @transform_1(%arg0: i32, %arg1: i32) -> (i32, i32, i32) {
    %c0_i32 = arith.constant 0 : i32
    %c0_i32_0 = arith.constant 0 : i32
    %c0_i32_1 = arith.constant 0 : i32
    return %arg0, %c0_i32, %c0_i32_0 : i32, i32, i32
  }
  func.func @transform_2(%arg0: i32, %arg1: i32) -> (i32, i32) {
    %c0_i32 = arith.constant 0 : i32
    %c0_i32_0 = arith.constant 0 : i32
    %c0_i32_1 = arith.constant 0 : i32
    return %c0_i32, %c0_i32_0 : i32, i32
  }
  func.func @transform_3(%arg0: i32, %arg1: i32) -> (i32, i32) {
    %c0_i32 = arith.constant 0 : i32
    %c0_i32_0 = arith.constant 0 : i32
    %c0_i32_1 = arith.constant 0 : i32
    return %c0_i32, %c0_i32_0 : i32, i32
  }
  func.func @transform_4(%arg0: i32, %arg1: i32) -> (i32, i32) {
    %mul3A = arith.constant 4 : i32
    %mul3A_0 = arith.muli %arg0, %mul3A : i32
    %add3A = arith.addi %mul3A_0, %arg1 : i32
    %c0_i32 = arith.constant 0 : i32
    %c0_i32_1 = arith.constant 0 : i32
    return %add3A, %c0_i32 : i32, i32
  }
  func.func @transform_5(%arg0: i32, %arg1: i32) -> (i32, i32) {
    %mul3A = arith.constant 4 : i32
    %mul3A_0 = arith.muli %arg0, %mul3A : i32
    %add3A = arith.addi %mul3A_0, %arg1 : i32
    %c0_i32 = arith.constant 0 : i32
    %c0_i32_1 = arith.constant 0 : i32
    return %add3A, %c0_i32 : i32, i32
  }
  func.func @transform_6(%arg0: i32, %arg1: i32) -> (i32, i32) {
    %mul3A = arith.constant 4 : i32
    %mul3A_0 = arith.muli %arg0, %mul3A : i32
    %add3A = arith.addi %mul3A_0, %arg1 : i32
    %c0_i32 = arith.constant 0 : i32
    %c0_i32_1 = arith.constant 0 : i32
    return %add3A, %c0_i32 : i32, i32
  }
}

module attributes {stable_mosaic.version = 14 : i64} {
  func.func @_norm2_body(%arg0: i32, %arg1: i32, %arg2: memref<512x128xf32, #tpu.memory_space<vmem>>, %arg3: memref<512x128xf32, #tpu.memory_space<vmem>>, %arg4: memref<512x128xf32, #tpu.memory_space<vmem>>, %arg5: memref<512x128xf32, #tpu.memory_space<vmem>>, %arg6: memref<1x128xf32, #tpu.memory_space<vmem>>, %arg7: memref<1x128xf32, #tpu.memory_space<vmem>>, %arg8: memref<512x128xf32, #tpu.memory_space<vmem>>, %arg9: memref<8x128xf32, #tpu.memory_space<vmem>>) attributes {dimension_semantics = [#tpu.dimension_semantics<arbitrary>, #tpu.dimension_semantics<arbitrary>], iteration_bounds = array<i64: 2, 32>, scalar_prefetch = 0 : i64, scratch_operands = 1 : i64, tpu.core_type = #tpu.core_type<tc>, window_params = [{transform_indices = @transform_0, window_bounds = array<i64: 512, 128>}, {transform_indices = @transform_1, window_bounds = array<i64: 512, 128>}, {transform_indices = @transform_2, window_bounds = array<i64: 512, 128>}, {transform_indices = @transform_3, window_bounds = array<i64: 512, 128>}, {pipeline_mode = #tpu.pipeline_mode<synchronous>, transform_indices = @transform_4, window_bounds = array<i64: 1, 128>}, {pipeline_mode = #tpu.pipeline_mode<synchronous>, transform_indices = @transform_5, window_bounds = array<i64: 1, 128>}, {transform_indices = @transform_6, window_bounds = array<i64: 512, 128>}]} {
    %eq3A = arith.constant 0 : i32
    %eq3A_0 = arith.cmpi eq, %arg0, %eq3A : i32
    %eq3A_1 = arith.constant 0 : i32
    %eq3A_2 = arith.cmpi eq, %arg1, %eq3A_1 : i32
    %and3A = arith.andi %eq3A_0, %eq3A_2 : i1
    %convert_element_type3A = arith.extui %and3A : i1 to i32
    %cond3A = arith.constant 0 : i32
    %cond3A_3 = arith.cmpi ne, %convert_element_type3A, %cond3A : i32
    scf.if %cond3A_3 {
      %broadcast_in_dim3A = arith.constant 0.000000e+00 : f32
      %broadcast_in_dim3A_14 = vector.broadcast %broadcast_in_dim3A : f32 to vector<8x128xf32>
      %swap3A = arith.constant 0 : index
      %swap3A_15 = arith.constant 0 : index
      %swap3A_16 = vector.load %arg9[%swap3A, %swap3A_15] : memref<8x128xf32, #tpu.memory_space<vmem>>, vector<8x128xf32>
      tpu.vector_store %arg9[%swap3A, %swap3A_15], %broadcast_in_dim3A_14 {strides = array<i32>} : memref<8x128xf32, #tpu.memory_space<vmem>>, vector<8x128xf32>,
    } else {
    }
    %eq3A_4 = arith.constant 0 : i32
    %eq3A_5 = arith.cmpi eq, %arg0, %eq3A_4 : i32
    %convert_element_type3A_6 = arith.extui %eq3A_5 : i1 to i32
    %cond3A_7 = arith.constant 0 : i32
    %cond3A_8 = arith.cmpi ne, %convert_element_type3A_6, %cond3A_7 : i32
    scf.if %cond3A_8 {
      %get3A = arith.constant 0 : index
      %get3A_14 = arith.constant 0 : index
      %get3A_15 = vector.load %arg3[%get3A, %get3A_14] : memref<512x128xf32, #tpu.memory_space<vmem>>, vector<512x128xf32>
      %get3A_16 = arith.constant 0 : index
      %get3A_17 = arith.constant 0 : index
      %get3A_18 = vector.load %arg5[%get3A_16, %get3A_17] : memref<512x128xf32, #tpu.memory_space<vmem>>, vector<512x128xf32>
      %get3A_19 = arith.constant 0 : index
      %get3A_20 = arith.constant 0 : index
      %get3A_21 = vector.load %arg9[%get3A_19, %get3A_20] : memref<8x128xf32, #tpu.memory_space<vmem>>, vector<1x128xf32>
      %reduce_sum3A = arith.constant dense<0.000000e+00> : vector<128xf32>
      %reduce_sum3A_22 = vector.multi_reduction <add>, %get3A_15, %reduce_sum3A [0] : vector<512x128xf32> to vector<128xf32>
      %broadcast_in_dim3A = vector.shape_cast %reduce_sum3A_22 : vector<128xf32> to vector<1x128xf32>
      %add3A = arith.addf %get3A_21, %broadcast_in_dim3A : vector<1x128xf32>
      %swap3A = arith.constant 0 : index
      %swap3A_23 = arith.constant 0 : index
      %swap3A_24 = vector.load %arg9[%swap3A, %swap3A_23] : memref<8x128xf32, #tpu.memory_space<vmem>>, vector<1x128xf32>
      tpu.vector_store %arg9[%swap3A, %swap3A_23], %add3A {strides = array<i32>} : memref<8x128xf32, #tpu.memory_space<vmem>>, vector<1x128xf32>,
      %get3A_25 = arith.constant 1 : index
      %get3A_26 = arith.constant 0 : index
      %get3A_27 = vector.load %arg9[%get3A_25, %get3A_26] : memref<8x128xf32, #tpu.memory_space<vmem>>, vector<1x128xf32>
      %reduce_sum3A_28 = arith.constant dense<0.000000e+00> : vector<128xf32>
      %reduce_sum3A_29 = vector.multi_reduction <add>, %get3A_18, %reduce_sum3A_28 [0] : vector<512x128xf32> to vector<128xf32>
      %broadcast_in_dim3A_30 = vector.shape_cast %reduce_sum3A_29 : vector<128xf32> to vector<1x128xf32>
      %add3A_31 = arith.addf %get3A_27, %broadcast_in_dim3A_30 : vector<1x128xf32>
      %swap3A_32 = arith.constant 1 : index
      %swap3A_33 = arith.constant 0 : index
      %swap3A_34 = vector.load %arg9[%swap3A_32, %swap3A_33] : memref<8x128xf32, #tpu.memory_space<vmem>>, vector<1x128xf32>
      tpu.vector_store %arg9[%swap3A_32, %swap3A_33], %add3A_31 {strides = array<i32>} : memref<8x128xf32, #tpu.memory_space<vmem>>, vector<1x128xf32>,
      %get3A_35 = arith.constant 2 : index
      %get3A_36 = arith.constant 0 : index
      %get3A_37 = vector.load %arg9[%get3A_35, %get3A_36] : memref<8x128xf32, #tpu.memory_space<vmem>>, vector<1x128xf32>
      %mul3A = arith.mulf %get3A_18, %get3A_18 : vector<512x128xf32>
      %reduce_sum3A_38 = arith.constant dense<0.000000e+00> : vector<128xf32>
      %reduce_sum3A_39 = vector.multi_reduction <add>, %mul3A, %reduce_sum3A_38 [0] : vector<512x128xf32> to vector<128xf32>
      %broadcast_in_dim3A_40 = vector.shape_cast %reduce_sum3A_39 : vector<128xf32> to vector<1x128xf32>
      %add3A_41 = arith.addf %get3A_37, %broadcast_in_dim3A_40 : vector<1x128xf32>
      %swap3A_42 = arith.constant 2 : index
      %swap3A_43 = arith.constant 0 : index
      %swap3A_44 = vector.load %arg9[%swap3A_42, %swap3A_43] : memref<8x128xf32, #tpu.memory_space<vmem>>, vector<1x128xf32>
      tpu.vector_store %arg9[%swap3A_42, %swap3A_43], %add3A_41 {strides = array<i32>} : memref<8x128xf32, #tpu.memory_space<vmem>>, vector<1x128xf32>,
      %get3A_45 = arith.constant 3 : index
      %get3A_46 = arith.constant 0 : index
      %get3A_47 = vector.load %arg9[%get3A_45, %get3A_46] : memref<8x128xf32, #tpu.memory_space<vmem>>, vector<1x128xf32>
      %mul3A_48 = arith.mulf %get3A_18, %get3A_15 : vector<512x128xf32>
      %reduce_sum3A_49 = arith.constant dense<0.000000e+00> : vector<128xf32>
      %reduce_sum3A_50 = vector.multi_reduction <add>, %mul3A_48, %reduce_sum3A_49 [0] : vector<512x128xf32> to vector<128xf32>
      %broadcast_in_dim3A_51 = vector.shape_cast %reduce_sum3A_50 : vector<128xf32> to vector<1x128xf32>
      %add3A_52 = arith.addf %get3A_47, %broadcast_in_dim3A_51 : vector<1x128xf32>
      %swap3A_53 = arith.constant 3 : index
      %swap3A_54 = arith.constant 0 : index
      %swap3A_55 = vector.load %arg9[%swap3A_53, %swap3A_54] : memref<8x128xf32, #tpu.memory_space<vmem>>, vector<1x128xf32>
      tpu.vector_store %arg9[%swap3A_53, %swap3A_54], %add3A_52 {strides = array<i32>} : memref<8x128xf32, #tpu.memory_space<vmem>>, vector<1x128xf32>,
      %get3A_56 = arith.constant 4 : index
      %get3A_57 = arith.constant 0 : index
      %get3A_58 = vector.load %arg9[%get3A_56, %get3A_57] : memref<8x128xf32, #tpu.memory_space<vmem>>, vector<1x128xf32>
      %get3A_59 = arith.constant 0 : index
      %get3A_60 = arith.constant 0 : index
      %get3A_61 = vector.load %arg4[%get3A_59, %get3A_60] : memref<512x128xf32, #tpu.memory_space<vmem>>, vector<512x128xf32>
      %reduce_sum3A_62 = arith.constant dense<0.000000e+00> : vector<128xf32>
      %reduce_sum3A_63 = vector.multi_reduction <add>, %get3A_61, %reduce_sum3A_62 [0] : vector<512x128xf32> to vector<128xf32>
      %broadcast_in_dim3A_64 = vector.shape_cast %reduce_sum3A_63 : vector<128xf32> to vector<1x128xf32>
      %add3A_65 = arith.addf %get3A_58, %broadcast_in_dim3A_64 : vector<1x128xf32>
      %swap3A_66 = arith.constant 4 : index
      %swap3A_67 = arith.constant 0 : index
      %swap3A_68 = vector.load %arg9[%swap3A_66, %swap3A_67] : memref<8x128xf32, #tpu.memory_space<vmem>>, vector<1x128xf32>
      tpu.vector_store %arg9[%swap3A_66, %swap3A_67], %add3A_65 {strides = array<i32>} : memref<8x128xf32, #tpu.memory_space<vmem>>, vector<1x128xf32>,
    } else {
    }
    %eq3A_9 = arith.constant 1 : i32
    %eq3A_10 = arith.cmpi eq, %arg0, %eq3A_9 : i32
    %convert_element_type3A_11 = arith.extui %eq3A_10 : i1 to i32
    %cond3A_12 = arith.constant 0 : i32
    %cond3A_13 = arith.cmpi ne, %convert_element_type3A_11, %cond3A_12 : i32
    scf.if %cond3A_13 {
      %get3A = arith.constant 0 : index
      %get3A_14 = arith.constant 0 : index
      %get3A_15 = vector.load %arg9[%get3A, %get3A_14] : memref<8x128xf32, #tpu.memory_space<vmem>>, vector<1x128xf32>
      %get3A_16 = arith.constant 1 : index
      %get3A_17 = arith.constant 0 : index
      %get3A_18 = vector.load %arg9[%get3A_16, %get3A_17] : memref<8x128xf32, #tpu.memory_space<vmem>>, vector<1x128xf32>
      %mul3A = arith.constant 2.000000e+01 : f32
      %mul3A_19 = vector.broadcast %mul3A : f32 to vector<1x128xf32>
      %mul3A_20 = arith.mulf %mul3A_19, %get3A_18 : vector<1x128xf32>
      %add3A = arith.addf %get3A_15, %mul3A_20 : vector<1x128xf32>
      %get3A_21 = arith.constant 4 : index
      %get3A_22 = arith.constant 0 : index
      %get3A_23 = vector.load %arg9[%get3A_21, %get3A_22] : memref<8x128xf32, #tpu.memory_space<vmem>>, vector<1x128xf32>
      %get3A_24 = arith.constant 3 : index
      %get3A_25 = arith.constant 0 : index
      %get3A_26 = vector.load %arg9[%get3A_24, %get3A_25] : memref<8x128xf32, #tpu.memory_space<vmem>>, vector<1x128xf32>
      %mul3A_27 = arith.constant 2.000000e+00 : f32
      %mul3A_28 = vector.broadcast %mul3A_27 : f32 to vector<1x128xf32>
      %mul3A_29 = arith.mulf %mul3A_28, %get3A_26 : vector<1x128xf32>
      %add3A_30 = arith.addf %get3A_23, %mul3A_29 : vector<1x128xf32>
      %get3A_31 = arith.constant 2 : index
      %get3A_32 = arith.constant 0 : index
      %get3A_33 = vector.load %arg9[%get3A_31, %get3A_32] : memref<8x128xf32, #tpu.memory_space<vmem>>, vector<1x128xf32>
      %mul3A_34 = arith.constant 2.000000e+01 : f32
      %mul3A_35 = vector.broadcast %mul3A_34 : f32 to vector<1x128xf32>
      %mul3A_36 = arith.mulf %mul3A_35, %get3A_33 : vector<1x128xf32>
      %add3A_37 = arith.addf %add3A_30, %mul3A_36 : vector<1x128xf32>
      %div3A = arith.constant 3.276800e+05 : f32
      %div3A_38 = vector.broadcast %div3A : f32 to vector<1x128xf32>
      %div3A_39 = arith.divf %add3A, %div3A_38 : vector<1x128xf32>
      %div3A_40 = arith.constant 3.276800e+05 : f32
      %div3A_41 = vector.broadcast %div3A_40 : f32 to vector<1x128xf32>
      %div3A_42 = arith.divf %add3A_37, %div3A_41 : vector<1x128xf32>
      %mul3A_43 = arith.mulf %div3A_39, %div3A_39 : vector<1x128xf32>
      %sub3A = arith.subf %div3A_42, %mul3A_43 : vector<1x128xf32>
      %add3A_44 = arith.constant 9.99999974E-6 : f32
      %add3A_45 = vector.broadcast %add3A_44 : f32 to vector<1x128xf32>
      %add3A_46 = arith.addf %sub3A, %add3A_45 : vector<1x128xf32>
      %rsqrt3A = math.rsqrt %add3A_46 : vector<1x128xf32>
      %get3A_47 = arith.constant 0 : index
      %get3A_48 = arith.constant 0 : index
      %get3A_49 = vector.load %arg2[%get3A_47, %get3A_48] : memref<512x128xf32, #tpu.memory_space<vmem>>, vector<512x128xf32>
      %get3A_50 = arith.constant 0 : index
      %get3A_51 = arith.constant 0 : index
      %get3A_52 = vector.load %arg5[%get3A_50, %get3A_51] : memref<512x128xf32, #tpu.memory_space<vmem>>, vector<512x128xf32>
      %add3A_53 = arith.addf %get3A_49, %get3A_52 : vector<512x128xf32>
      %sub3A_54 = vector.broadcast %div3A_39 : vector<1x128xf32> to vector<512x128xf32>
      %sub3A_55 = arith.subf %add3A_53, %sub3A_54 : vector<512x128xf32>
      %mul3A_56 = vector.broadcast %rsqrt3A : vector<1x128xf32> to vector<512x128xf32>
      %mul3A_57 = arith.mulf %sub3A_55, %mul3A_56 : vector<512x128xf32>
      %get3A_58 = arith.constant 0 : index
      %get3A_59 = arith.constant 0 : index
      %get3A_60 = vector.load %arg6[%get3A_58, %get3A_59] : memref<1x128xf32, #tpu.memory_space<vmem>>, vector<1x128xf32>
      %mul3A_61 = vector.broadcast %get3A_60 : vector<1x128xf32> to vector<512x128xf32>
      %mul3A_62 = arith.mulf %mul3A_57, %mul3A_61 : vector<512x128xf32>
      %get3A_63 = arith.constant 0 : index
      %get3A_64 = arith.constant 0 : index
      %get3A_65 = vector.load %arg7[%get3A_63, %get3A_64] : memref<1x128xf32, #tpu.memory_space<vmem>>, vector<1x128xf32>
      %add3A_66 = vector.broadcast %get3A_65 : vector<1x128xf32> to vector<512x128xf32>
      %add3A_67 = arith.addf %mul3A_62, %add3A_66 : vector<512x128xf32>
      %gt3A = arith.constant 0.000000e+00 : f32
      %gt3A_68 = vector.broadcast %gt3A : f32 to vector<512x128xf32>
      %gt3A_69 = arith.cmpf ogt, %add3A_67, %gt3A_68 : vector<512x128xf32>
      %mul3A_70 = arith.constant 2.000000e-01 : f32
      %mul3A_71 = vector.broadcast %mul3A_70 : f32 to vector<512x128xf32>
      %mul3A_72 = arith.mulf %mul3A_71, %add3A_67 : vector<512x128xf32>
      %select_n3A = arith.select %gt3A_69, %add3A_67, %mul3A_72 : vector<512x128xi1>, vector<512x128xf32>
      %swap3A = arith.constant 0 : index
      %swap3A_73 = arith.constant 0 : index
      %swap3A_74 = vector.load %arg8[%swap3A, %swap3A_73] : memref<512x128xf32, #tpu.memory_space<vmem>>, vector<512x128xf32>
      tpu.vector_store %arg8[%swap3A, %swap3A_73], %select_n3A {strides = array<i32>} : memref<512x128xf32, #tpu.memory_space<vmem>>, vector<512x128xf32>,
    } else {
    }
    return
  }
  func.func @transform_0(%arg0: i32, %arg1: i32) -> (i32, i32) {
    %c0_i32 = arith.constant 0 : i32
    %c0_i32_0 = arith.constant 0 : i32
    return %arg1, %c0_i32 : i32, i32
  }
  func.func @transform_1(%arg0: i32, %arg1: i32) -> (i32, i32) {
    %c0_i32 = arith.constant 0 : i32
    %c0_i32_0 = arith.constant 0 : i32
    return %arg1, %c0_i32 : i32, i32
  }
  func.func @transform_2(%arg0: i32, %arg1: i32) -> (i32, i32) {
    %c0_i32 = arith.constant 0 : i32
    %c0_i32_0 = arith.constant 0 : i32
    return %arg1, %c0_i32 : i32, i32
  }
  func.func @transform_3(%arg0: i32, %arg1: i32) -> (i32, i32) {
    %c0_i32 = arith.constant 0 : i32
    %c0_i32_0 = arith.constant 0 : i32
    return %arg1, %c0_i32 : i32, i32
  }
  func.func @transform_4(%arg0: i32, %arg1: i32) -> (i32, i32) {
    %c0_i32 = arith.constant 0 : i32
    %c0_i32_0 = arith.constant 0 : i32
    %c0_i32_1 = arith.constant 0 : i32
    return %c0_i32, %c0_i32_0 : i32, i32
  }
  func.func @transform_5(%arg0: i32, %arg1: i32) -> (i32, i32) {
    %c0_i32 = arith.constant 0 : i32
    %c0_i32_0 = arith.constant 0 : i32
    %c0_i32_1 = arith.constant 0 : i32
    return %c0_i32, %c0_i32_0 : i32, i32
  }
  func.func @transform_6(%arg0: i32, %arg1: i32) -> (i32, i32) {
    %c0_i32 = arith.constant 0 : i32
    %c0_i32_0 = arith.constant 0 : i32
    return %arg1, %c0_i32 : i32, i32
  }
}

</mosaic_0001>

<sc_bundles>
// kernel: kernel.12.cloned.1.call-start
scs
__scs_entry_jumppad:
0x0: {  	(pc) =	sbr.rel $0x88, $3  }
0x1: {  	(tag) =	ssettag $0x0;
	lr =	simm.s32 $0x1  }
0x2: {  	[smem:$0x3F9A] =	sst lr;
	_ =	strace $0xD0000000  }
0x3: {  	_ = 	snop  }
0x4: {  	_ = 	snop  }
0x5: {  	_ = 	snop  }
0x6: {  	_ = 	snop  }
0x7: {  	_ = 	snop  }
__scs_overlays_trampoline_lowered:
0x8: {  	[smem:$0x3FA9] =	sst s0  }
0x9: {  	[smem:$0x3FAA] =	sst s1  }
0xa: {  	[smem:$0x3FAB] =	sst s2  }
0xb: {  	[smem:$0x3FAC] =	sst s3  }
0xc: {  	[smem:$0x3FAD] =	sst s4  }
0xd: {  	[smem:$0x3FAE] =	sst s5  }
0xe: {  	[smem:$0x3FAF] =	sst s6  }
0xf: {  	[smem:$0x3FB0] =	sst s7  }
0x10: {  	[smem:$0x3FB1] =	sst s8  }
0x11: {  	[smem:$0x3FB2] =	sst s9;
	s0 =	simm.s32 @!p0 $0x0  }
0x12: {  	s1 =	sld [smem:$0x3F98];
	s0 =	simm.s32 @p0 $0x1  }
0x13: {  	[smem:$0x3FB3] =	sst s0;
	s0 =	simm.s32 @!p1 $0x0  }
0x14: {  	s2 =	sld [smem:$0x3F97];
	s0 =	simm.s32 @p1 $0x1  }
0x15: {  	[smem:$0x3FB4] =	sst s0;
	s0 =	simm.s32 @!p2 $0x0  }
0x16: {  	s3 =	sld [smem:$0x3FDB];
	s0 =	simm.s32 @p2 $0x1  }
0x17: {  	s4 =	simm.s32 $0x1BF5;
	[smem:$0x3FB6] =	sst s0  }
0x18: {  	s0 =	sld [smem:$0x3F99];
	_ =	swait.ge [sflag:s4], $0x0  }
0x19: {  	s7 =	sld [smem:$0x3F9A]  }
0x1a: {  	s8 =	sadd.s32 $0xFFFFE003, lr  }
0x1b: {  	s9 =	sadd.s32 $0xFFFFFEF7, lr;
	s5 =	simm.s32 $0xFFFFFFFF;
	p2 =	slt.u32 s8, $0xFFFFF086  }
0x1c: {  	p1 =	slt.u32 s9, $0xF7A;
	s5 =	simm.s32 @!p2 $0x0  }
0x1d: {  	s5 =	simm.s32 @p1 $0x1;
	p0 =	seq.s32 s7, s2  }
0x1e: {  	s7 =	smul.u32 @!p0 $0xF7A, s2;
	p2 =	seq.s32 @!p0 s5, $0x0  }
0x1f: {  	s9 =	smul.u32 $0xF7A, s1;
	s8 =	simm.s32 @!p0 $0x1BF5;
	p2 =	por !p2, p0  }
0x20: {  	[sflag:s8] =	ssyncset.s32 @!p0 $0xFFFFF086;
	s6 =	sadd.s32 @!p0 s3, s7;
	s7 =	simm.s32 @!p0 $0x108  }
0x21: {  	s3 =	sadd.s32 s3, s9;
	s6 =	sadd.s32 @!p0 $0x88, s6;
	s7 =	simm.s32 @p2 $0x1082  }
0x22: {  	[simem:s7], [sflag:s8] =	dma.local @!p0 [hbm:s6], $0xF7A  }
0x23: {  	s9 =	sor.u32 $0xD0000000, s2;
	s6 =	simm.s32 $0x108;
	_ =	swait.ge @!p0 [sflag:s8], $0x0  }
0x24: {  	s3 =	sadd.s32 $0x88, s3;
	s6 =	simm.s32 @!p1 $0x1082;
	[sflag:s4] =	ssyncset.s32 $0xFFFFF086  }
0x25: {  	[simem:s6], [sflag:s4] =	dma.local [hbm:s3], $0xF7A  }
0x26: {  	[smem:$0x3F9A] =	sst s1;
	(tag) =	ssettag s2;
	_ =	strace s9  }
0x27: {  	s1 =	sld [smem:$0x3FAA]  }
0x28: {  	s2 =	sld [smem:$0x3FAB]  }
0x29: {  	s4 =	sld [smem:$0x3FAD]  }
0x2a: {  	p0 =	seq.s32 s5, $0x0;
	s5 =	sld [smem:$0x3FAE]  }
0x2b: {  	s6 =	sld [smem:$0x3FAF]  }
0x2c: {  	s7 =	sld [smem:$0x3FB0]  }
0x2d: {  	s3 =	simm.s32 $0x108;
	s8 =	sld [smem:$0x3FB1]  }
0x2e: {  	s3 =	simm.s32 @!p0 $0x1082;
	s9 =	sld [smem:$0x3FB2]  }
0x2f: {  	lr =	sadd.s32 s0, s3;
	s0 =	sld [smem:$0x3FA9]  }
0x30: {  	s3 =	sld [smem:$0x3FAC]  }
0x31: {  	[smem:$0x3FB5] =	sst s10  }
0x32: {  	s10 =	sld [smem:$0x3FB3];
	_ =	sdelay $0x3  }
0x33: {  	p0 =	seq.s32 s10, $0x1;
	s10 =	sld [smem:$0x3FB5];
	_ =	sdelay $0x3  }
0x34: {  	[smem:$0x3FB5] =	sst s10  }
0x35: {  	s10 =	sld [smem:$0x3FB4];
	_ =	sdelay $0x3  }
0x36: {  	p1 =	seq.s32 s10, $0x1;
	s10 =	sld [smem:$0x3FB5];
	_ =	sdelay $0x3  }
0x37: {  	[smem:$0x3FB5] =	sst s10  }
0x38: {  	s10 =	sld [smem:$0x3FB6]  }
0x39: {  	_ = 	snop;
	(pc) =	sbr.ind lr, $3  }
0x3a: {  	_ = 	snop  }
0x3b: {  	_ = 	snop  }
0x3c: {  	p2 =	seq.s32 s10, $0x1;
	s10 =	sld [smem:$0x3FB5]  }
0x3d: {  	_ =	shalt  }
0x3e: {  	_ =	shalt  }
0x3f: {  	_ =	shalt  }
0x40: {  	_ =	shalt  }
0x41: {  	_ =	shalt  }
0x42: {  	_ =	shalt  }
0x43: {  	_ =	shalt  }
0x44: {  	_ =	shalt  }
0x45: {  	_ =	shalt  }
0x46: {  	_ =	shalt  }
0x47: {  	_ =	shalt  }
0x48: {  	_ =	shalt  }
0x49: {  	_ =	shalt  }
0x4a: {  	_ =	shalt  }
0x4b: {  	_ =	shalt  }
0x4c: {  	_ =	shalt  }
0x4d: {  	_ =	shalt  }
0x4e: {  	_ =	shalt  }
0x4f: {  	_ =	shalt  }
0x50: {  	_ =	shalt  }
0x51: {  	_ =	shalt  }
0x52: {  	_ =	shalt  }
0x53: {  	_ =	shalt  }
0x54: {  	_ =	shalt  }
0x55: {  	_ =	shalt  }
0x56: {  	_ =	shalt  }
0x57: {  	_ =	shalt  }
0x58: {  	_ =	shalt  }
0x59: {  	_ =	shalt  }
0x5a: {  	_ =	shalt  }
0x5b: {  	_ =	shalt  }
0x5c: {  	_ =	shalt  }
0x5d: {  	_ =	shalt  }
0x5e: {  	_ =	shalt  }
0x5f: {  	_ =	shalt  }
0x60: {  	_ =	shalt  }
0x61: {  	_ =	shalt  }
0x62: {  	_ =	shalt  }
0x63: {  	_ =	shalt  }
0x64: {  	_ =	shalt  }
0x65: {  	_ =	shalt  }
0x66: {  	_ =	shalt  }
0x67: {  	_ =	shalt  }
0x68: {  	_ =	shalt  }
0x69: {  	_ =	shalt  }
0x6a: {  	_ =	shalt  }
0x6b: {  	_ =	shalt  }
0x6c: {  	_ =	shalt  }
0x6d: {  	_ =	shalt  }
0x6e: {  	_ =	shalt  }
0x6f: {  	_ =	shalt  }
0x70: {  	_ =	shalt  }
0x71: {  	_ =	shalt  }
0x72: {  	_ =	shalt  }
0x73: {  	_ =	shalt  }
0x74: {  	_ =	shalt  }
0x75: {  	_ =	shalt  }
0x76: {  	_ =	shalt  }
0x77: {  	_ =	shalt  }
0x78: {  	_ =	shalt  }
0x79: {  	_ =	shalt  }
0x7a: {  	_ =	shalt  }
0x7b: {  	_ =	shalt  }
0x7c: {  	_ =	shalt  }
0x7d: {  	_ =	shalt  }
0x7e: {  	_ =	shalt  }
0x7f: {  	_ =	shalt  }
0x80: {  	_ =	shalt  }
0x81: {  	_ =	shalt  }
0x82: {  	_ =	shalt  }
0x83: {  	_ =	shalt  }
0x84: {  	_ =	shalt  }
0x85: {  	_ =	shalt  }
0x86: {  	_ =	shalt  }
0x87: {  	_ =	shalt  }
.Lfunc_end0:
.L_simem_size_0:
called_computation.1_lowered:
.L_overlay_start_0:
0x88: {  	s2 =	sld [smem:$0x3FD9]  }
0x89: {  	s3 =	sld [smem:$0x3FFE];
	_ =	sdelay $0x1  }
0x8a: {  	s1 =	srdreg.scid  }
0x8b: {  	s0 =	sand.u32 $0x1, s1  }
0x8c: {  	s17 =	sshll.u32 s0, $0xA;
	s2 =	sadd.s32 s3, s2  }
0x8d: {  	s2 =	sadd.s32 s2, s17  }
0x8e: {  	[smem:$0x3FC1] =	sst s2  }
0x8f: {  	_ = 	snop  }
0x90: {  	s2 =	sld [smem:$0x3FD0];
	(tm) =	ssettm $0x1  }
0x91: {  	s18 =	sld [smem:$0x3FFB];
	_ =	sdelay $0x3  }
0x92: {  	_ =	strace s18  }
0x93: {  	s3 =	sld [smem:$0x3FFC];
	_ =	sdelay $0x3  }
0x94: {  	_ =	strace s3  }
0x95: {  	s3 =	sld [smem:$0x3FFD];
	_ =	sdelay $0x3  }
0x96: {  	_ =	strace s3  }
0x97: {  	_ =	strace $0x8FFFFFFF  }
0x98: {  	s19 =	sld [smem:$0x3FDB];
	_ =	sdelay $0x1  }
0x99: {  	s4 =	simm.s32 $_scs_section_size  }
0x9a: {  	s5 =	simm.s32 $_size__tile_overlayer_lowered;
	s6 =	simm.s32 $_tile_overlayer_lowered  }
0x9b: {  	s22 =	simm.s32 $0x1BFF;
	s21 =	sshll.u32 s6, $0x1;
	s3 =	sadd.s32 s4, s19  }
0x9c: {  	s7 =	simm.s32 $0x0;
	s20 =	sshll.u32 s5, $0x1;
	s5 =	sadd.s32 s21, s3  }
0x9d: {  	[timem:s7], [sflag:s22] =	dma.local [hbm:s5], s20  }
0x9e: {  	_ =	swait.ge [sflag:s22], s20  }
0x9f: {  	s4 =	ssub.s32 $0x0, s20;
	[sflag:s22] =	ssyncset.done $0x0  }
0xa0: {  	[sflag:s22] =	ssyncadd.s32 s4;
	_ =	sdelay $0x1  }
0xa1: {  	s23 =	simm.s32 $0x1B8B  }
0xa2: {  	_ =	swait.ge [sflag:s23], $0x1  }
0xa3: {  	[sflag:s23] =	ssyncset.done $0x0  }
0xa4: {  	s25 =	simm.s32 $0x1B8E;
	s24 =	sld [smem:$0x3FFE];
	[sflag:s23] =	ssyncadd.s32 $0xFFFFFFFF  }
0xa5: {  	s26 =	simm.s32 $execute0_lowered;
	[smem:$0x3FD2] =	sst s25  }
0xa6: {  	s5 =	sshll.u32 s26, $0x1;
	_ =	strace $0x80000049;
	[dreg:$0x1] =	wrdreg $0xFFFFFFFF  }
0xa7: {  	s28 =	simm.s32 $_size_execute0_lowered;
	s3 =	sadd.s32 s3, s5;
	[dreg:$0x0] =	wrdreg $0x0  }
0xa8: {  	s5 =	sshll.u32 s28, $0x1;
	[dreg:$0x2] =	wrdreg s3  }
0xa9: {  	[dreg:$0x3] =	wrdreg s5  }
0xaa: {  	[dreg:$0x4] =	wrdreg $0xC0  }
0xab: {  	_ =	task [dreg:s7], $0x5FFFF  }
0xac: {  	[dreg:$0x1] =	wrdreg $0xFFFFFFFF  }
0xad: {  	[dreg:$0x0] =	wrdreg $0x60  }
0xae: {  	[dreg:$0x2] =	wrdreg s2  }
0xaf: {  	[dreg:$0x3] =	wrdreg s24  }
0xb0: {  	[dreg:$0x4] =	wrdreg $0x9  }
0xb1: {  	_ =	task.clear_ibuf [dreg:s7], $0x5FFFF;
	_ =	strace $0x90000049  }
0xb2: {  	s29 =	simm.s32 $0x9;
	_ =	strace $0x8000004B  }
0xb3: {  	_ =	swait.ge [sflag:s29], $0x1  }
0xb4: {  	[sflag:s29] =	ssyncadd.s32 $0xFFFFFFFF  }
0xb5: {  	_ =	strace $0x9000004B  }
0xb6: {  	_ =	sfence  }
0xb7: {  	s30 =	sld [smem:$0x0];
	_ =	sdelay $0x2  }
0xb8: {  	s31 =	sshll.u32 s1, $0xD;
	s1 =	sshrl.u32 s1, $0x2  }
0xb9: {  	s3 =	sand.u32 $0x4000, s31;
	s1 =	sadd.s32 s1, s30  }
0xba: {  	s0 =	sor.u32 s3, s0;
	s1 =	sshll.u32 s1, $0x11  }
0xbb: {  	s0 =	sor.u32 s1, s0  }
0xbc: {  	s0 =	sadd.s32 $0x8F2B, s0  }
0xbd: {  	[sflag:s0] =	ssyncadd.remote.s32 $0x1  }
0xbe: {  	_ =	sfence.sel $0xFFFF  }
0xbf: {  	[dreg:$0x0] =	wrdreg $0xFFFFFFFF;
	(pc) =	sbr.abs _section_cstart, $3  }
0xc0: {  	[dreg:$0x1] =	wrdreg $0xFFFFFFFF  }
0xc1: {  	_ =	task.clear_ibuf [dreg:s7], $0x2FFFF;
	_ =	strace $0x9FFFFFFF  }
0xc2: {  	(tm) =	ssettm $0x7FFFFFFF  }
0xc3: {  	_ =	shalt  }
tec
execute0_lowered:
.L_overlay_start_1:
0x0: {  	(tag) =	ssettag $0x1  }
0x1: {  	s1 =	rddreg [dreg:$0x0]  }
0x2: {  	s4 =	rddreg [dreg:$0x1]  }
0x3: {  	s0 =	rddreg [dreg:$0x2]  }
0x4: {  	s5 =	srdreg.scid;
	s3 =	simm.s32 $0x0;
	s2 =	stileid.u32  }
0x5: {  	s10 =	simm.s32 $0x50;
	s11 =	simm.s32 $0x4000;
	s12 =	simm.s32 $0x1  }
0x6: {  	s13 =	simm.s32 $0x6800;
	s14 =	simm.s32 $0x6A00;
	s15 =	simm.s32 $0x6C00  }
0x7: {  	s16 =	simm.s32 $0x0;
	s5 =	sand.u32 $0x1, s5;
	[smem:$0x7FF] =	sst s3  }
0x8: {  	s6 =	sshll.u32 s2, $0xC;
	s30 =	sshll.u32 s2, $0xE;
	s7 =	sshll.u32 s5, $0xB  }
0x9: {  	_ =	strace $0x8000004A;
	s8 =	ssub.s32 $0x2, s5;
	s5 =	sshll.u32 s5, $0xD  }
0xa: {  	s6 =	sor.u32 s7, s6;
	s7 =	sadd.s32 s30, s4;
	s31 =	sshrl.u32 s8, $0x1  }
0xb: {  	s6 =	sadd.s32 s6, s4;
	s8 =	ssub.s32 s8, s31;
	s9 =	sadd.s32 s5, s7  }
0xc: {  	s4 =	sadd.s32 $0x3800, s6;
	s5 =	smax.u32 s8, $0x1;
	s6 =	sadd.s32 $0x83800, s9  }
0xd: {  	s7 =	sadd.s32 $0xC3800, s9;
	s8 =	sadd.s32 $0x103800, s9;
	s9 =	simm.s32 $0x2  }
.LBB2_1:
0xe: {  	[tilespmem:s3], [sflag:$0x2] =	stream.linear.gather [hbm4b:s4+s3], $0x4000, $0x38;
	[tilespmem:$0x6E00] =	vst v63  }
0xf: {  	_ =	swait.ge [sflag:s9], $0x4000  }
0x10: {  	[sflag:s9] =	ssyncset.done $0x0  }
0x11: {  	s17 =	simm.s32 $0x0;
	s18 =	simm.s32 $0x0;
	[sflag:s9] =	ssyncadd.s32 $0xFFFFC000  }
.LBB2_2:
0x12: {  	[tilespmem:s11], [sflag:$0x1] =	stream.indirect.gather [hbm4b:s1+s10], $0x80, s17, s10, $0xb8;
	[tilespmem:$0x6E00] =	vst v63  }
0x13: {  	_ =	swait.ge [sflag:s12], $0x2800  }
0x14: {  	[sflag:s12] =	ssyncset.done $0x0  }
0x15: {  	[sflag:s12] =	ssyncadd.s32 $0xFFFFD800  }
0x16: {  	v0 =	vld [tilespmem:$0x4000]  }
0x17: {  	v1 =	vld [tilespmem:$0x4080]  }
0x18: {  	v2 =	vld [tilespmem:$0x4100]  }
0x19: {  	v3 =	vld [tilespmem:$0x4180]  }
0x1a: {  	v7 =	vld [tilespmem:$0x4200]  }
0x1b: {  	v8 =	vld [tilespmem:$0x4280]  }
0x1c: {  	v9 =	vld [tilespmem:$0x4300]  }
0x1d: {  	v10 =	vld [tilespmem:$0x4380]  }
0x1e: {  	v11 =	vld [tilespmem:$0x4400]  }
0x1f: {  	v12 =	vld [tilespmem:$0x4480]  }
0x20: {  	v53 =	vld [tilespmem:$0x4500]  }
0x21: {  	v56 =	vld [tilespmem:$0x4580]  }
0x22: {  	v58 =	vld [tilespmem:$0x4600]  }
0x23: {  	v60 =	vld [tilespmem:$0x4680]  }
0x24: {  	v61 =	vld [tilespmem:$0x4700]  }
0x25: {  	v63 =	vld [tilespmem:$0x4010];
	v4 =	vmul.f32 v0, v0  }
0x26: {  	v20 =	vld [tilespmem:$0x4090];
	v5 =	vmul.f32 v1, v1;
	v46 =	vmul.f32 v2, v2  }
0x27: {  	v22 =	vld [tilespmem:$0x4110];
	v47 =	vmul.f32 v3, v3;
	v48 =	vmul.f32 v7, v7  }
0x28: {  	v24 =	vld [tilespmem:$0x4780];
	v49 =	vmul.f32 v8, v8;
	v50 =	vmul.f32 v9, v9  }
0x29: {  	v26 =	vld [tilespmem:$0x4190];
	v51 =	vmul.f32 v10, v10;
	v55 =	vmul.f32 v11, v11  }
0x2a: {  	v27 =	vld [tilespmem:$0x4800];
	v57 =	vmul.f32 v12, v12;
	v59 =	vmul.f32 v53, v53  }
0x2b: {  	v13 =	vld [tilespmem:$0x4210];
	v62 =	vmul.f32 v56, v56;
	v21 =	vmul.f32 v58, v58  }
0x2c: {  	v31 =	vld [tilespmem:$0x4880];
	v6 =	vadd.f32 v1, v0;
	v23 =	vmul.f32 v60, v60;
	v25 =	vmul.f32 v61, v61  }
0x2d: {  	v15 =	vld [tilespmem:$0x4290];
	v0 =	vmax.f32 v0, v1;
	v28 =	vmul.f32 v63, v63;
	v29 =	vmul.f32 v20, v20  }
0x2e: {  	v36 =	vld [tilespmem:$0x4310];
	v30 =	vadd.f32 v20, v63;
	v32 =	vmul.f32 v22, v22;
	v14 =	vmul.f32 v24, v24  }
0x2f: {  	v16 =	vld [tilespmem:$0x4900];
	v34 =	vmul.f32 v26, v26;
	v35 =	vmul.f32 v27, v27;
	v0 =	vmax.f32 v0, v2  }
0x30: {  	v39 =	vld [tilespmem:$0x4390];
	v4 =	vadd.f32 v5, v4;
	v6 =	vadd.f32 v2, v6;
	v0 =	vmax.f32 v0, v3  }
0x31: {  	v37 =	vmul.f32 v13, v13;
	v40 =	vmul.f32 v31, v31;
	v0 =	vmax.f32 v0, v7  }
0x32: {  	v42 =	vld [tilespmem:$0x4410];
	v4 =	vadd.f32 v46, v4;
	v6 =	vadd.f32 v3, v6;
	v0 =	vmax.f32 v0, v8  }
0x33: {  	v41 =	vmul.f32 v15, v15;
	v43 =	vmul.f32 v36, v36;
	v0 =	vmax.f32 v0, v9  }
0x34: {  	v4 =	vadd.f32 v47, v4;
	v6 =	vadd.f32 v7, v6;
	v0 =	vmax.f32 v0, v10  }
0x35: {  	v45 =	vmul.f32 v39, v39;
	v46 =	vmul.f32 v16, v16;
	v0 =	vmax.f32 v0, v11  }
0x36: {  	v4 =	vadd.f32 v48, v4;
	v6 =	vadd.f32 v8, v6;
	v0 =	vmax.f32 v0, v12  }
0x37: {  	v44 =	vld [tilespmem:$0x4490];
	v8 =	vadd.f32 v22, v30;
	v48 =	vmul.f32 v42, v42;
	v0 =	vmax.f32 v0, v53  }
0x38: {  	v4 =	vadd.f32 v49, v4;
	v6 =	vadd.f32 v9, v6;
	v0 =	vmax.f32 v0, v56  }
0x39: {  	v8 =	vadd.f32 v26, v8;
	v9 =	vmax.f32 v63, v20;
	v0 =	vmax.f32 v0, v58  }
0x3a: {  	v47 =	vld [tilespmem:$0x4510];
	v3 =	vmax.f32 v9, v22;
	v4 =	vadd.f32 v50, v4;
	v52 =	vadd.f32 v10, v6  }
0x3b: {  	v30 =	vld [tilespmem:$0x42A0];
	v0 =	vmax.f32 v0, v60;
	v38 =	vadd.f32 v13, v8;
	v3 =	vmax.f32 v3, v26  }
0x3c: {  	v49 =	vld [tilespmem:$0x4590];
	v50 =	vmul.f32 v44, v44;
	v0 =	vmax.f32 v0, v61;
	v54 =	vadd.f32 v51, v4  }
0x3d: {  	v63 =	vld [tilespmem:$0x41A0];
	v3 =	vmax.f32 v3, v13;
	v1 =	vadd.f32 v11, v52;
	v11 =	vadd.f32 v29, v28  }
0x3e: {  	v0 =	vmax.f32 v0, v24;
	v4 =	vadd.f32 v15, v38;
	v3 =	vmax.f32 v3, v15  }
0x3f: {  	v52 =	vmul.f32 v47, v47;
	v0 =	vmax.f32 v0, v27;
	v2 =	vadd.f32 v55, v54  }
0x40: {  	v17 =	vld [tilespmem:$0x4980];
	v3 =	vmax.f32 v3, v36;
	v1 =	vadd.f32 v12, v1;
	v33 =	vadd.f32 v32, v11  }
0x41: {  	v18 =	vld [tilespmem:$0x4890];
	v0 =	vmax.f32 v0, v31;
	v4 =	vadd.f32 v36, v4;
	v55 =	vmul.f32 v49, v49  }
0x42: {  	v20 =	vld [tilespmem:$0x43A0];
	v3 =	vmax.f32 v3, v39;
	v32 =	vmul.f32 v63, v63;
	v36 =	vmul.f32 v30, v30  }
0x43: {  	v51 =	vld [tilespmem:$0x4610];
	v0 =	vmax.f32 v0, v16;
	v2 =	vadd.f32 v57, v2;
	v1 =	vadd.f32 v53, v1  }
0x44: {  	v54 =	vld [tilespmem:$0x4020];
	v3 =	vmax.f32 v3, v42;
	v5 =	vadd.f32 v34, v33;
	v4 =	vadd.f32 v39, v4  }
0x45: {  	v38 =	vld [tilespmem:$0x4420];
	v0 =	vmax.f32 v0, v17;
	v3 =	vmax.f32 v3, v44;
	v57 =	vmul.f32 v17, v17  }
0x46: {  	v53 =	vld [tilespmem:$0x4690];
	v3 =	vmax.f32 v3, v47;
	v2 =	vadd.f32 v59, v2;
	v1 =	vadd.f32 v56, v1  }
0x47: {  	v5 =	vadd.f32 v37, v5;
	v4 =	vadd.f32 v42, v4;
	v3 =	vmax.f32 v3, v49  }
0x48: {  	v33 =	vld [tilespmem:$0x4320];
	v59 =	vmul.f32 v51, v51;
	v37 =	vmul.f32 v18, v18;
	v3 =	vmax.f32 v3, v51  }
0x49: {  	v56 =	vld [tilespmem:$0x40A0];
	v22 =	vmul.f32 v54, v54;
	v2 =	vadd.f32 v62, v2;
	v1 =	vadd.f32 v58, v1  }
0x4a: {  	v34 =	vld [tilespmem:$0x4910];
	v5 =	vadd.f32 v41, v5;
	v4 =	vadd.f32 v44, v4;
	v41 =	vmul.f32 v20, v20  }
0x4b: {  	v42 =	vld [tilespmem:$0x4520];
	v44 =	vmul.f32 v38, v38;
	v3 =	vmax.f32 v3, v53;
	v2 =	vadd.f32 v21, v2  }
0x4c: {  	v58 =	vld [tilespmem:$0x4710];
	v62 =	vmul.f32 v53, v53;
	v1 =	vadd.f32 v60, v1;
	v5 =	vadd.f32 v43, v5  }
0x4d: {  	v39 =	vmul.f32 v33, v33;
	v4 =	vadd.f32 v47, v4;
	v2 =	vadd.f32 v23, v2  }
0x4e: {  	v60 =	vld [tilespmem:$0x4120];
	v6 =	vmax.f32 v54, v56;
	v1 =	vadd.f32 v61, v1;
	v5 =	vadd.f32 v45, v5  }
0x4f: {  	v43 =	vld [tilespmem:$0x4990];
	v4 =	vadd.f32 v49, v4;
	v23 =	vmul.f32 v56, v56;
	v45 =	vmul.f32 v34, v34  }
0x50: {  	v49 =	vmul.f32 v42, v42;
	v2 =	vadd.f32 v25, v2;
	v1 =	vadd.f32 v24, v1  }
0x51: {  	v61 =	vld [tilespmem:$0x4790];
	v3 =	vmax.f32 v3, v58;
	v5 =	vadd.f32 v48, v5;
	v4 =	vadd.f32 v51, v4  }
0x52: {  	v26 =	vld [tilespmem:$0x4220];
	v24 =	vmul.f32 v58, v58;
	v25 =	vadd.f32 v56, v54;
	v8 =	vadd.f32 v23, v22  }
0x53: {  	v28 =	vmul.f32 v60, v60;
	v6 =	vmax.f32 v6, v60;
	v2 =	vadd.f32 v14, v2  }
0x54: {  	v56 =	vmul.f32 v43, v43;
	v1 =	vadd.f32 v27, v1;
	v5 =	vadd.f32 v50, v5  }
0x55: {  	v4 =	vadd.f32 v53, v4;
	v29 =	vadd.f32 v60, v25;
	v6 =	vmax.f32 v6, v63  }
0x56: {  	v48 =	vld [tilespmem:$0x4620];
	v8 =	vadd.f32 v28, v8;
	v3 =	vmax.f32 v3, v61;
	v2 =	vadd.f32 v35, v2  }
0x57: {  	v27 =	vld [tilespmem:$0x4810];
	v6 =	vmax.f32 v6, v26;
	v1 =	vadd.f32 v31, v1;
	v5 =	vadd.f32 v52, v5  }
0x58: {  	v50 =	vld [tilespmem:$0x46A0];
	v4 =	vadd.f32 v58, v4;
	v31 =	vmul.f32 v61, v61;
	v7 =	vadd.f32 v63, v29  }
0x59: {  	v53 =	vld [tilespmem:$0x40B0];
	v35 =	vmul.f32 v26, v26;
	v6 =	vmax.f32 v6, v30;
	v8 =	vadd.f32 v32, v8  }
0x5a: {  	v60 =	vld [tilespmem:$0x41B0];
	v6 =	vmax.f32 v6, v33;
	v2 =	vadd.f32 v40, v2;
	v1 =	vadd.f32 v16, v1  }
0x5b: {  	v54 =	vmul.f32 v48, v48;
	v5 =	vadd.f32 v55, v5;
	v4 =	vadd.f32 v61, v4  }
0x5c: {  	v52 =	vld [tilespmem:$0x4030];
	v7 =	vadd.f32 v26, v7;
	v6 =	vmax.f32 v6, v20;
	v3 =	vmax.f32 v3, v27  }
0x5d: {  	v19 =	vmul.f32 v27, v27;
	v8 =	vadd.f32 v35, v8;
	v6 =	vmax.f32 v6, v38  }
0x5e: {  	v58 =	vmul.f32 v50, v50;
	v63 =	vmul.f32 v53, v53;
	v2 =	vadd.f32 v46, v2  }
0x5f: {  	v40 =	vld [tilespmem:$0x44A0];
	v32 =	vmul.f32 v60, v60;
	v1 =	vadd.f32 v17, v1;
	v5 =	vadd.f32 v59, v5  }
0x60: {  	v61 =	vld [tilespmem:$0x4820];
	v4 =	vadd.f32 v27, v4;
	v7 =	vadd.f32 v30, v7;
	v3 =	vmax.f32 v3, v18  }
0x61: {  	v26 =	vld [tilespmem:$0x4230];
	v8 =	vadd.f32 v36, v8;
	v3 =	vmax.f32 v3, v34;
	v25 =	vadd.f32 v53, v52  }
0x62: {  	v55 =	vld [tilespmem:$0x4720];
	v14 =	vmax.f32 v52, v53;
	v2 =	vadd.f32 v57, v2;
	v5 =	vadd.f32 v62, v5  }
0x63: {  	v46 =	vld [tilespmem:$0x45A0];
	v4 =	vadd.f32 v18, v4;
	v7 =	vadd.f32 v33, v7;
	v3 =	vmax.f32 v3, v43  }
0x64: {  	v59 =	vld [tilespmem:$0x47A0];
	v62 =	vmul.f32 v52, v52;
	v8 =	vadd.f32 v39, v8;
	v47 =	vmul.f32 v40, v40  }
0x65: {  	v6 =	vmax.f32 v6, v40;
	v35 =	vmul.f32 v61, v61;
	v5 =	vadd.f32 v24, v5  }
0x66: {  	v57 =	vld [tilespmem:$0x4130];
	v36 =	vmul.f32 v26, v26;
	v4 =	vadd.f32 v34, v4;
	v7 =	vadd.f32 v20, v7  }
0x67: {  	v6 =	vmax.f32 v6, v42;
	v24 =	vmul.f32 v55, v55;
	v27 =	vadd.f32 v63, v62  }
0x68: {  	v21 =	vld [tilespmem:$0x48A0];
	v8 =	vadd.f32 v41, v8;
	v51 =	vmul.f32 v46, v46;
	v6 =	vmax.f32 v6, v46  }
0x69: {  	v29 =	vmul.f32 v59, v59;
	v5 =	vadd.f32 v31, v5;
	v7 =	vadd.f32 v38, v7  }
0x6a: {  	v34 =	vld [tilespmem:$0x4330];
	v4 =	vadd.f32 v43, v4;
	v6 =	vmax.f32 v6, v48;
	v8 =	vadd.f32 v44, v8  }
0x6b: {  	v6 =	vmax.f32 v6, v50;
	v28 =	vmul.f32 v57, v57;
	v30 =	vadd.f32 v57, v25  }
0x6c: {  	v31 =	vld [tilespmem:$0x42B0];
	v13 =	vmax.f32 v14, v57;
	v5 =	vadd.f32 v19, v5;
	v7 =	vadd.f32 v40, v7  }
0x6d: {  	v38 =	vld [tilespmem:$0x43B0];
	v6 =	vmax.f32 v6, v55;
	v40 =	vmul.f32 v21, v21;
	v11 =	vmax.f32 v13, v60  }
0x6e: {  	v22 =	vld [tilespmem:$0x4920];
	v8 =	vadd.f32 v47, v8;
	v12 =	vadd.f32 v28, v27;
	v6 =	vmax.f32 v6, v59  }
0x6f: {  	v23 =	vld [tilespmem:$0x4430];
	v33 =	vadd.f32 v60, v30;
	v41 =	vmul.f32 v34, v34;
	v5 =	vadd.f32 v37, v5  }
0x70: {  	v62 =	vld [tilespmem:$0x41C0];
	v11 =	vmax.f32 v11, v26;
	v7 =	vadd.f32 v42, v7;
	v8 =	vadd.f32 v49, v8  }
0x71: {  	v43 =	vld [tilespmem:$0x49A0];
	v6 =	vmax.f32 v6, v61;
	v12 =	vadd.f32 v32, v12;
	v37 =	vadd.f32 v26, v33  }
0x72: {  	v63 =	vld [tilespmem:$0x4830];
	v39 =	vmul.f32 v31, v31;
	v6 =	vmax.f32 v6, v21;
	v44 =	vmul.f32 v38, v38  }
0x73: {  	v47 =	vld [tilespmem:$0x45B0];
	v11 =	vmax.f32 v11, v31;
	v5 =	vadd.f32 v45, v5;
	v7 =	vadd.f32 v46, v7  }
0x74: {  	v42 =	vld [tilespmem:$0x44B0];
	v6 =	vmax.f32 v6, v22;
	v46 =	vmul.f32 v23, v23;
	v8 =	vadd.f32 v51, v8  }
0x75: {  	v60 =	vld [tilespmem:$0x47B0];
	v11 =	vmax.f32 v11, v34;
	v12 =	vadd.f32 v36, v12;
	v9 =	vadd.f32 v31, v37  }
0x76: {  	v49 =	vld [tilespmem:$0x4630];
	v6 =	vmax.f32 v6, v43;
	v10 =	vmax.f32 v11, v38;
	v36 =	vmul.f32 v62, v62  }
0x77: {  	v45 =	vld [tilespmem:$0x4530];
	v37 =	vmul.f32 v63, v63;
	v7 =	vadd.f32 v48, v7;
	v5 =	vadd.f32 v56, v5  }
0x78: {  	v32 =	vld [tilespmem:$0x48B0];
	v10 =	vmax.f32 v10, v23;
	v53 =	vmul.f32 v47, v47;
	v8 =	vadd.f32 v54, v8  }
0x79: {  	v31 =	vld [tilespmem:$0x4240];
	v12 =	vadd.f32 v39, v12;
	v9 =	vadd.f32 v34, v9;
	v48 =	vmul.f32 v42, v42  }
0x7a: {  	v51 =	vld [tilespmem:$0x46B0];
	v10 =	vmax.f32 v10, v42;
	v34 =	vmul.f32 v60, v60;
	v7 =	vadd.f32 v50, v7  }
0x7b: {  	v56 =	vld [tilespmem:$0x40C0];
	v57 =	vmul.f32 v49, v49;
	v8 =	vadd.f32 v58, v8;
	v12 =	vadd.f32 v41, v12  }
0x7c: {  	v54 =	vld [tilespmem:$0x4040];
	v9 =	vadd.f32 v38, v9;
	v50 =	vmul.f32 v45, v45;
	v10 =	vmax.f32 v10, v45  }
0x7d: {  	v41 =	vmul.f32 v32, v32;
	v7 =	vadd.f32 v55, v7;
	v55 =	vmul.f32 v43, v43  }
0x7e: {  	v52 =	vld [tilespmem:$0x4730];
	v10 =	vmax.f32 v10, v47;
	v39 =	vmul.f32 v31, v31;
	v8 =	vadd.f32 v24, v8  }
0x7f: {  	v58 =	vld [tilespmem:$0x4140];
	v12 =	vadd.f32 v44, v12;
	v9 =	vadd.f32 v23, v9;
	v10 =	vmax.f32 v10, v49  }
0x80: {  	v38 =	vld [tilespmem:$0x4340];
	v7 =	vadd.f32 v59, v7;
	v59 =	vmul.f32 v51, v51;
	v10 =	vmax.f32 v10, v51  }
0x81: {  	v28 =	vmul.f32 v54, v54;
	v30 =	vadd.f32 v56, v54;
	v8 =	vadd.f32 v29, v8  }
0x82: {  	v18 =	vmax.f32 v54, v56;
	v12 =	vadd.f32 v46, v12;
	v9 =	vadd.f32 v42, v9  }
0x83: {  	v29 =	vmul.f32 v56, v56;
	v10 =	vmax.f32 v10, v52;
	v7 =	vadd.f32 v61, v7  }
0x84: {  	v24 =	vld [tilespmem:$0x42C0];
	v61 =	vmul.f32 v52, v52;
	v33 =	vmul.f32 v58, v58;
	v10 =	vmax.f32 v10, v60  }
0x85: {  	v11 =	vadd.f32 v58, v30;
	v44 =	vmul.f32 v38, v38;
	v8 =	vadd.f32 v35, v8  }
0x86: {  	v13 =	vmax.f32 v18, v58;
	v12 =	vadd.f32 v48, v12;
	v9 =	vadd.f32 v45, v9  }
0x87: {  	v20 =	vadd.f32 v29, v28;
	v10 =	vmax.f32 v10, v63;
	v7 =	vadd.f32 v21, v7  }
0x88: {  	v25 =	vld [tilespmem:$0x4930];
	v13 =	vmax.f32 v13, v62;
	v11 =	vadd.f32 v62, v11;
	v8 =	vadd.f32 v40, v8  }
0x89: {  	v42 =	vmul.f32 v24, v24;
	v12 =	vadd.f32 v50, v12;
	v9 =	vadd.f32 v47, v9  }
0x8a: {  	v26 =	vld [tilespmem:$0x49B0];
	v10 =	vmax.f32 v10, v32;
	v35 =	vadd.f32 v33, v20;
	v7 =	vadd.f32 v22, v7  }
0x8b: {  	v40 =	vld [tilespmem:$0x43C0];
	v22 =	vmul.f32 v22, v22;
	v11 =	vadd.f32 v31, v11;
	v12 =	vadd.f32 v53, v12  }
0x8c: {  	v13 =	vmax.f32 v13, v31;
	v47 =	vld [tilespmem:$0x44C0];
	v9 =	vadd.f32 v49, v9;
	v15 =	vadd.f32 v36, v35  }
0x8d: {  	v10 =	vmax.f32 v10, v25;
	v50 =	vld [tilespmem:$0x4540];
	v8 =	vadd.f32 v22, v8;
	v7 =	vadd.f32 v43, v7  }
0x8e: {  	v13 =	vmax.f32 v13, v24;
	v53 =	vld [tilespmem:$0x45C0];
	v11 =	vadd.f32 v24, v11;
	v12 =	vadd.f32 v57, v12  }
0x8f: {  	v31 =	vmul.f32 v26, v26;
	v43 =	vld [tilespmem:$0x4440];
	v9 =	vadd.f32 v51, v9;
	v15 =	vadd.f32 v39, v15  }
0x90: {  	v49 =	vmul.f32 v25, v25;
	v8 =	vadd.f32 v55, v8;
	v46 =	vadd.f32 v38, v11  }
0x91: {  	v57 =	vld [tilespmem:$0x4640];
	v48 =	vmul.f32 v40, v40;
	v54 =	vmul.f32 v47, v47;
	v55 =	vmax.f32 v13, v38  }
0x92: {  	v36 =	vld [tilespmem:$0x47C0];
	v58 =	vmul.f32 v50, v50;
	v12 =	vadd.f32 v59, v12;
	v9 =	vadd.f32 v52, v9  }
0x93: {  	v27 =	vld [tilespmem:$0x48C0];
	v15 =	vadd.f32 v42, v15;
	v14 =	vmax.f32 v55, v40;
	v62 =	vmul.f32 v53, v53  }
0x94: {  	v59 =	vld [tilespmem:$0x46C0];
	v12 =	vadd.f32 v61, v12;
	v9 =	vadd.f32 v60, v9;
	v14 =	vmax.f32 v14, v43  }
0x95: {  	v15 =	vadd.f32 v44, v15;
	v51 =	vmul.f32 v43, v43;
	v60 =	vld [tilespmem:$0x4050];
	v11 =	vmax.f32 v14, v47  }
0x96: {  	v44 =	vld [tilespmem:$0x4840];
	v33 =	vmul.f32 v57, v57;
	v12 =	vadd.f32 v34, v12;
	v9 =	vadd.f32 v63, v9  }
0x97: {  	v15 =	vadd.f32 v48, v15;
	v63 =	vld [tilespmem:$0x40D0];
	v11 =	vmax.f32 v11, v50;
	v48 =	vmul.f32 v36, v36  }
0x98: {  	v29 =	vld [tilespmem:$0x43D0];
	v20 =	vmax.f32 v11, v53;
	v12 =	vadd.f32 v37, v12;
	v9 =	vadd.f32 v32, v9  }
0x99: {  	v34 =	vld [tilespmem:$0x4150];
	v15 =	vadd.f32 v51, v15;
	v35 =	vmax.f32 v20, v57;
	v37 =	vmul.f32 v59, v59  }
0x9a: {  	v38 =	vld [tilespmem:$0x41D0];
	v39 =	vmul.f32 v60, v60;
	v12 =	vadd.f32 v41, v12;
	v45 =	vadd.f32 v25, v9  }
0x9b: {  	v32 =	vld [tilespmem:$0x4740];
	v28 =	vmul.f32 v44, v44;
	v9 =	vadd.f32 v40, v46;
	v15 =	vadd.f32 v54, v15  }
0x9c: {  	v23 =	vld [tilespmem:$0x4060];
	v54 =	vmul.f32 v27, v27;
	v40 =	vmul.f32 v63, v63;
	v42 =	vadd.f32 v63, v60  }
0x9d: {  	v55 =	vld [tilespmem:$0x4450];
	v16 =	vmax.f32 v60, v63;
	v12 =	vadd.f32 v49, v12;
	v52 =	vadd.f32 v43, v9  }
0x9e: {  	v51 =	vld [tilespmem:$0x4940];
	v9 =	vmax.f32 v10, v26;
	v10 =	vadd.f32 v26, v45;
	v45 =	vmul.f32 v34, v34  }
0x9f: {  	v24 =	vld [tilespmem:$0x40E0];
	v61 =	vadd.f32 v58, v15;
	v49 =	vmul.f32 v38, v38;
	v58 =	vmul.f32 v29, v29  }
0xa0: {  	v60 =	vld [tilespmem:$0x49C0];
	v16 =	vmax.f32 v16, v34;
	v41 =	vmul.f32 v32, v32;
	v21 =	vadd.f32 v40, v39  }
0xa1: {  	v63 =	vld [tilespmem:$0x45D0];
	v46 =	vadd.f32 v34, v42;
	v16 =	vmax.f32 v16, v38;
	v56 =	vadd.f32 v47, v52  }
0xa2: {  	v43 =	vld [tilespmem:$0x4250];
	v14 =	vadd.f32 v62, v61;
	v11 =	vadd.f32 v31, v12;
	v12 =	vmax.f32 v35, v59  }
0xa3: {  	v20 =	vld [tilespmem:$0x4160];
	v61 =	vmul.f32 v55, v55;
	v62 =	vmul.f32 v51, v51;
	v21 =	vadd.f32 v45, v21  }
0xa4: {  	v12 =	vmax.f32 v12, v32;
	v15 =	vadd.f32 v38, v46;
	v46 =	vadd.f32 v24, v23  }
0xa5: {  	v47 =	vld [tilespmem:$0x42D0];
	v13 =	vadd.f32 v50, v56;
	v14 =	vadd.f32 v33, v14;
	v12 =	vmax.f32 v12, v36  }
0xa6: {  	v34 =	vmul.f32 v63, v63;
	v38 =	vmul.f32 v60, v60;
	v21 =	vadd.f32 v49, v21  }
0xa7: {  	v40 =	vld [tilespmem:$0x47D0];
	v52 =	vmul.f32 v43, v43;
	v12 =	vmax.f32 v12, v44;
	v15 =	vadd.f32 v43, v15  }
0xa8: {  	v50 =	vld [tilespmem:$0x4350];
	v16 =	vmax.f32 v16, v43;
	v43 =	vmul.f32 v23, v23;
	v49 =	vmul.f32 v20, v20  }
0xa9: {  	v33 =	vld [tilespmem:$0x46D0];
	v23 =	vmax.f32 v23, v24;
	v13 =	vadd.f32 v53, v13;
	v14 =	vadd.f32 v37, v14  }
0xaa: {  	v12 =	vmax.f32 v12, v27;
	v21 =	vadd.f32 v52, v21;
	v53 =	vmul.f32 v47, v47  }
0xab: {  	v42 =	vld [tilespmem:$0x4850];
	v15 =	vadd.f32 v47, v15;
	v12 =	vmax.f32 v12, v51;
	v16 =	vmax.f32 v16, v47  }
0xac: {  	v37 =	vld [tilespmem:$0x4750];
	v13 =	vadd.f32 v57, v13;
	v14 =	vadd.f32 v41, v14;
	v12 =	vmax.f32 v12, v60  }
0xad: {  	v57 =	vld [tilespmem:$0x44D0];
	v21 =	vadd.f32 v53, v21;
	v56 =	vmul.f32 v50, v50;
	v15 =	vadd.f32 v50, v15  }
0xae: {  	v41 =	vld [tilespmem:$0x41E0];
	v16 =	vmax.f32 v16, v50;
	v39 =	vmul.f32 v33, v33;
	v50 =	vmul.f32 v40, v40  }
0xaf: {  	v30 =	vld [tilespmem:$0x4650];
	v13 =	vadd.f32 v59, v13;
	v14 =	vadd.f32 v48, v14;
	v16 =	vmax.f32 v16, v29  }
0xb0: {  	v59 =	vld [tilespmem:$0x4550];
	v21 =	vadd.f32 v56, v21;
	v15 =	vadd.f32 v29, v15;
	v16 =	vmax.f32 v16, v55  }
0xb1: {  	v47 =	vld [tilespmem:$0x4260];
	v45 =	vmul.f32 v37, v37;
	v13 =	vadd.f32 v32, v13;
	v14 =	vadd.f32 v28, v14  }
0xb2: {  	v56 =	vmul.f32 v42, v42;
	v21 =	vadd.f32 v58, v21;
	v15 =	vadd.f32 v55, v15  }
0xb3: {  	v25 =	vmul.f32 v57, v57;
	v16 =	vmax.f32 v16, v57;
	v53 =	vmul.f32 v41, v41  }
0xb4: {  	v13 =	vadd.f32 v36, v13;
	v14 =	vadd.f32 v54, v14;
	v36 =	vmul.f32 v30, v30  }
0xb5: {  	v55 =	vld [tilespmem:$0x4360];
	v21 =	vadd.f32 v61, v21;
	v15 =	vadd.f32 v57, v15;
	v32 =	vmul.f32 v59, v59  }
0xb6: {  	v16 =	vmax.f32 v16, v59;
	v57 =	vmul.f32 v47, v47;
	v13 =	vadd.f32 v44, v13  }
0xb7: {  	v14 =	vadd.f32 v62, v14;
	v16 =	vmax.f32 v16, v63;
	v44 =	vmul.f32 v24, v24  }
0xb8: {  	v31 =	vadd.f32 v25, v21;
	v15 =	vadd.f32 v59, v15;
	v16 =	vmax.f32 v16, v30  }
0xb9: {  	v52 =	vld [tilespmem:$0x42E0];
	v13 =	vadd.f32 v27, v13;
	v14 =	vadd.f32 v38, v14;
	v16 =	vmax.f32 v16, v33  }
0xba: {  	v28 =	vld [tilespmem:$0x40F0];
	v48 =	vadd.f32 v44, v43;
	v62 =	vmul.f32 v55, v55;
	v19 =	vadd.f32 v32, v31  }
0xbb: {  	v25 =	vld [tilespmem:$0x4070];
	v15 =	vadd.f32 v63, v15;
	v16 =	vmax.f32 v16, v37;
	v13 =	vadd.f32 v51, v13  }
0xbc: {  	v44 =	vld [tilespmem:$0x4660];
	v51 =	vadd.f32 v20, v46;
	v21 =	vadd.f32 v49, v48;
	v16 =	vmax.f32 v16, v40  }
0xbd: {  	v31 =	vld [tilespmem:$0x4950];
	v20 =	vmax.f32 v23, v20;
	v35 =	vadd.f32 v34, v19;
	v15 =	vadd.f32 v30, v15  }
0xbe: {  	v59 =	vld [tilespmem:$0x43E0];
	v16 =	vmax.f32 v16, v42;
	v20 =	vmax.f32 v20, v41;
	v13 =	vadd.f32 v60, v13  }
0xbf: {  	v30 =	vld [tilespmem:$0x48D0];
	v54 =	vadd.f32 v41, v51;
	v21 =	vadd.f32 v53, v21;
	v60 =	vmul.f32 v52, v52  }
0xc0: {  	v32 =	vld [tilespmem:$0x4460];
	v20 =	vmax.f32 v20, v47;
	v17 =	vadd.f32 v36, v35;
	v15 =	vadd.f32 v33, v15  }
0xc1: {  	v63 =	vld [tilespmem:$0x44E0];
	v43 =	vmax.f32 v20, v52;
	v51 =	vmul.f32 v44, v44;
	v58 =	vadd.f32 v47, v54  }
0xc2: {  	v41 =	vld [tilespmem:$0x45E0];
	v21 =	vadd.f32 v57, v21;
	v38 =	vmul.f32 v31, v31;
	v57 =	vadd.f32 v28, v25  }
0xc3: {  	v33 =	vld [tilespmem:$0x49D0];
	v17 =	vadd.f32 v39, v17;
	v15 =	vadd.f32 v37, v15;
	v37 =	vmul.f32 v59, v59  }
0xc4: {  	v34 =	vld [tilespmem:$0x4370];
	v16 =	vmax.f32 v16, v30;
	v18 =	vadd.f32 v52, v58;
	v21 =	vadd.f32 v60, v21  }
0xc5: {  	v47 =	vld [tilespmem:$0x46E0];
	v61 =	vmul.f32 v30, v30;
	v17 =	vadd.f32 v45, v17;
	v15 =	vadd.f32 v40, v15  }
0xc6: {  	v39 =	vld [tilespmem:$0x4560];
	v16 =	vmax.f32 v16, v31;
	v40 =	vmul.f32 v32, v32;
	v45 =	vmax.f32 v43, v55  }
0xc7: {  	v48 =	vmul.f32 v41, v41;
	v18 =	vadd.f32 v55, v18;
	v36 =	vadd.f32 v62, v21  }
0xc8: {  	v19 =	vmax.f32 v45, v59;
	v49 =	vmul.f32 v33, v33;
	v55 =	vmul.f32 v25, v25  }
0xc9: {  	v22 =	vld [tilespmem:$0x41F0];
	v45 =	vmul.f32 v34, v34;
	v25 =	vmax.f32 v25, v28;
	v17 =	vadd.f32 v50, v17  }
0xca: {  	v24 =	vld [tilespmem:$0x4170];
	v15 =	vadd.f32 v42, v15;
	v42 =	vmul.f32 v63, v63;
	v19 =	vmax.f32 v19, v32  }
0xcb: {  	v54 =	vld [tilespmem:$0x47E0];
	v53 =	vmul.f32 v47, v47;
	v18 =	vadd.f32 v59, v18;
	v46 =	vmul.f32 v39, v39  }
0xcc: {  	v50 =	vld [tilespmem:$0x4760];
	v19 =	vmax.f32 v19, v63;
	v17 =	vadd.f32 v56, v17;
	v15 =	vadd.f32 v30, v15  }
0xcd: {  	v19 =	vmax.f32 v19, v39;
	v56 =	vmul.f32 v28, v28;
	v18 =	vadd.f32 v32, v18  }
0xce: {  	v19 =	vmax.f32 v19, v41;
	v17 =	vadd.f32 v61, v17;
	v30 =	vadd.f32 v31, v15  }
0xcf: {  	v60 =	vld [tilespmem:$0x4860];
	v15 =	vadd.f32 v37, v36;
	v19 =	vmax.f32 v19, v44;
	v61 =	vmul.f32 v24, v24  }
0xd0: {  	v58 =	vld [tilespmem:$0x4270];
	v29 =	vadd.f32 v56, v55;
	v36 =	vmul.f32 v22, v22;
	v37 =	vmul.f32 v54, v54  }
0xd1: {  	v18 =	vadd.f32 v63, v18;
	v19 =	vmax.f32 v19, v47;
	v59 =	vmul.f32 v50, v50  }
0xd2: {  	v62 =	vld [tilespmem:$0x42F0];
	v17 =	vadd.f32 v38, v17;
	v21 =	vadd.f32 v40, v15;
	v15 =	vmax.f32 v16, v33  }
0xd3: {  	v63 =	vld [tilespmem:$0x48E0];
	v16 =	vadd.f32 v33, v30;
	v19 =	vmax.f32 v19, v50;
	v29 =	vadd.f32 v61, v29  }
0xd4: {  	v35 =	vld [tilespmem:$0x4960];
	v40 =	vmul.f32 v60, v60;
	v18 =	vadd.f32 v39, v18;
	v21 =	vadd.f32 v42, v21  }
0xd5: {  	v39 =	vmul.f32 v58, v58;
	v17 =	vadd.f32 v49, v17;
	v38 =	vadd.f32 v36, v29;
	v36 =	vld [tilespmem:$0x49E0]  }
0xd6: {  	v19 =	vmax.f32 v19, v54;
	v18 =	vadd.f32 v41, v18;
	v41 =	vld [tilespmem:$0x43F0];
	v21 =	vadd.f32 v46, v21  }
0xd7: {  	v43 =	vld [tilespmem:$0x4470];
	v42 =	vmul.f32 v62, v62;
	v19 =	vmax.f32 v19, v60;
	v23 =	vadd.f32 v39, v38  }
0xd8: {  	v30 =	vld [tilespmem:$0x4A00];
	v19 =	vmax.f32 v19, v63;
	v18 =	vadd.f32 v44, v18;
	v21 =	vadd.f32 v48, v21  }
0xd9: {  	v44 =	vmul.f32 v63, v63;
	v19 =	vmax.f32 v19, v35;
	v23 =	vadd.f32 v42, v23  }
0xda: {  	v31 =	vld [tilespmem:$0x4A80];
	v18 =	vadd.f32 v47, v18;
	v38 =	vmul.f32 v36, v36;
	v52 =	vadd.f32 v51, v21  }
0xdb: {  	v46 =	vld [tilespmem:$0x44F0];
	v21 =	vadd.f32 v24, v57;
	v23 =	vadd.f32 v45, v23;
	v47 =	vmul.f32 v41, v41  }
0xdc: {  	v51 =	vmul.f32 v43, v43;
	v24 =	vmax.f32 v25, v24;
	v18 =	vadd.f32 v50, v18  }
0xdd: {  	v45 =	vmul.f32 v30, v30;
	v20 =	vadd.f32 v53, v52;
	v21 =	vadd.f32 v22, v21  }
0xde: {  	v50 =	vld [tilespmem:$0x4570];
	v23 =	vadd.f32 v47, v23;
	v52 =	vmul.f32 v35, v35;
	v22 =	vmax.f32 v24, v22  }
0xdf: {  	v56 =	vld [tilespmem:$0x4670];
	v47 =	vadd.f32 v31, v30;
	v30 =	vmax.f32 v30, v31;
	v18 =	vadd.f32 v54, v18  }
0xe0: {  	v53 =	vld [tilespmem:$0x45F0];
	v54 =	vmul.f32 v46, v46;
	v22 =	vmax.f32 v22, v58;
	v20 =	vadd.f32 v59, v20  }
0xe1: {  	v21 =	vadd.f32 v58, v21;
	v23 =	vadd.f32 v51, v23;
	v22 =	vmax.f32 v22, v62  }
0xe2: {  	v18 =	vadd.f32 v60, v18;
	v58 =	vmax.f32 v22, v34;
	v20 =	vadd.f32 v37, v20  }
0xe3: {  	v60 =	vld [tilespmem:$0x46F0];
	v21 =	vadd.f32 v62, v21;
	v23 =	vadd.f32 v54, v23;
	v57 =	vmul.f32 v50, v50  }
0xe4: {  	v61 =	vmax.f32 v58, v41;
	v37 =	vmul.f32 v56, v56;
	v18 =	vadd.f32 v63, v18  }
0xe5: {  	v62 =	vmul.f32 v53, v53;
	v63 =	vld [tilespmem:$0x4770];
	v20 =	vadd.f32 v40, v20;
	v21 =	vadd.f32 v34, v21  }
0xe6: {  	v39 =	vld [tilespmem:$0x47F0];
	v27 =	vmax.f32 v61, v43;
	v23 =	vadd.f32 v57, v23;
	v48 =	vadd.f32 v35, v18  }
0xe7: {  	v33 =	vld [tilespmem:$0x4A90];
	v27 =	vmax.f32 v27, v46;
	v20 =	vadd.f32 v44, v20;
	v49 =	vadd.f32 v41, v21  }
0xe8: {  	v61 =	vld [tilespmem:$0x4E00];
	v23 =	vadd.f32 v62, v23;
	v21 =	vmax.f32 v27, v50;
	v40 =	vmul.f32 v60, v60  }
0xe9: {  	v41 =	vld [tilespmem:$0x4B00];
	v21 =	vmax.f32 v21, v53;
	v18 =	vadd.f32 v43, v49;
	v20 =	vadd.f32 v52, v20  }
0xea: {  	v44 =	vld [tilespmem:$0x4870];
	v23 =	vadd.f32 v37, v23;
	v21 =	vmax.f32 v21, v56;
	v42 =	vmul.f32 v63, v63  }
0xeb: {  	v62 =	vld [tilespmem:$0x49F0];
	v49 =	vmul.f32 v39, v39;
	v21 =	vmax.f32 v21, v60;
	v55 =	vadd.f32 v46, v18  }
0xec: {  	v43 =	vld [tilespmem:$0x4B80];
	v18 =	vmax.f32 v19, v36;
	v19 =	vadd.f32 v36, v48;
	v20 =	vadd.f32 v38, v20  }
0xed: {  	v52 =	vld [tilespmem:$0x4C80];
	v23 =	vadd.f32 v40, v23;
	v46 =	vmul.f32 v31, v31;
	v21 =	vmax.f32 v21, v63  }
0xee: {  	v48 =	vld [tilespmem:$0x4C00];
	v51 =	vmul.f32 v41, v41;
	v21 =	vmax.f32 v21, v39;
	v24 =	vadd.f32 v41, v47  }
0xef: {  	v40 =	vld [tilespmem:$0x4F00];
	v25 =	vmax.f32 v30, v41;
	v59 =	vadd.f32 v50, v55;
	v23 =	vadd.f32 v42, v23  }
0xf0: {  	v37 =	vld [tilespmem:$0x4D00];
	v32 =	vadd.f32 v46, v45;
	v21 =	vmax.f32 v21, v44;
	v55 =	vmul.f32 v44, v44  }
0xf1: {  	v50 =	vld [tilespmem:$0x48F0];
	v42 =	vmul.f32 v61, v61;
	v54 =	vmul.f32 v43, v43;
	v24 =	vadd.f32 v43, v24  }
0xf2: {  	v30 =	vld [tilespmem:$0x4B10];
	v25 =	vmax.f32 v25, v43;
	v22 =	vadd.f32 v53, v59;
	v23 =	vadd.f32 v49, v23  }
0xf3: {  	v46 =	vld [tilespmem:$0x5080];
	v32 =	vadd.f32 v51, v32;
	v57 =	vmul.f32 v48, v48;
	v24 =	vadd.f32 v48, v24  }
0xf4: {  	v43 =	vld [tilespmem:$0x4F80];
	v25 =	vmax.f32 v25, v48;
	v47 =	vmul.f32 v40, v40;
	v22 =	vadd.f32 v56, v22  }
0xf5: {  	v53 =	vld [tilespmem:$0x4970];
	v48 =	vmul.f32 v62, v62;
	v56 =	vadd.f32 v54, v32;
	v23 =	vadd.f32 v55, v23  }
0xf6: {  	v59 =	vld [tilespmem:$0x4D80];
	v25 =	vmax.f32 v25, v52;
	v55 =	vmul.f32 v33, v33;
	v58 =	vmul.f32 v50, v50  }
0xf7: {  	v21 =	vmax.f32 v21, v50;
	v24 =	vadd.f32 v52, v24;
	v25 =	vmax.f32 v25, v37  }
0xf8: {  	v38 =	vld [tilespmem:$0x4E80];
	v22 =	vadd.f32 v60, v22;
	v28 =	vadd.f32 v57, v56;
	v60 =	vmul.f32 v52, v52  }
0xf9: {  	v32 =	vld [tilespmem:$0x4A10];
	v49 =	vmul.f32 v43, v43;
	v52 =	vmul.f32 v46, v46;
	v23 =	vadd.f32 v58, v23  }
0xfa: {  	v21 =	vmax.f32 v21, v53;
	v34 =	vmul.f32 v53, v53;
	v24 =	vadd.f32 v37, v24  }
0xfb: {  	v51 =	vld [tilespmem:$0x5100];
	v25 =	vmax.f32 v25, v59;
	v58 =	vmul.f32 v30, v30;
	v22 =	vadd.f32 v63, v22  }
0xfc: {  	v28 =	vadd.f32 v60, v28;
	v63 =	vmul.f32 v37, v37;
	v21 =	vmax.f32 v21, v62  }
0xfd: {  	v25 =	vmax.f32 v25, v61;
	v23 =	vadd.f32 v34, v23;
	v24 =	vadd.f32 v59, v24  }
0xfe: {  	v25 =	vmax.f32 v25, v38;
	v54 =	vmul.f32 v32, v32;
	v56 =	vadd.f32 v33, v32  }
0xff: {  	v45 =	vld [tilespmem:$0x5000];
	v32 =	vmax.f32 v32, v33;
	v22 =	vadd.f32 v39, v22;
	v28 =	vadd.f32 v63, v28  }
0x100: {  	v39 =	vmul.f32 v59, v59;
	v25 =	vmax.f32 v25, v40;
	v59 =	vmul.f32 v51, v51  }
0x101: {  	v34 =	vld [tilespmem:$0x4B90];
	v24 =	vadd.f32 v61, v24;
	v23 =	vadd.f32 v48, v23;
	v25 =	vmax.f32 v25, v43  }
0x102: {  	v35 =	vadd.f32 v55, v54;
	v31 =	vadd.f32 v30, v56;
	v30 =	vmax.f32 v32, v30  }
0x103: {  	v37 =	vld [tilespmem:$0x4C10];
	v22 =	vadd.f32 v44, v22;
	v41 =	vadd.f32 v39, v28;
	v44 =	vmul.f32 v38, v38  }
0x104: {  	v57 =	vld [tilespmem:$0x5200];
	v25 =	vmax.f32 v25, v45;
	v24 =	vadd.f32 v38, v24;
	v60 =	vadd.f32 v58, v35  }
0x105: {  	v39 =	vld [tilespmem:$0x4C90];
	v25 =	vmax.f32 v25, v46;
	v22 =	vadd.f32 v50, v22;
	v26 =	vadd.f32 v42, v41  }
0x106: {  	v63 =	vld [tilespmem:$0x4D10];
	v50 =	vmul.f32 v45, v45;
	v25 =	vmax.f32 v25, v51;
	v61 =	vmul.f32 v34, v34  }
0x107: {  	v56 =	vld [tilespmem:$0x5380];
	v31 =	vadd.f32 v34, v31;
	v30 =	vmax.f32 v30, v34;
	v24 =	vadd.f32 v40, v24  }
0x108: {  	v41 =	vld [tilespmem:$0x5300];
	v30 =	vmax.f32 v30, v37;
	v22 =	vadd.f32 v53, v22;
	v26 =	vadd.f32 v44, v26  }
0x109: {  	v55 =	vld [tilespmem:$0x4F90];
	v29 =	vadd.f32 v61, v60;
	v44 =	vmul.f32 v37, v37;
	v24 =	vadd.f32 v43, v24  }
0x10a: {  	v53 =	vld [tilespmem:$0x5180];
	v48 =	vmul.f32 v39, v39;
	v60 =	vmax.f32 v30, v39;
	v22 =	vadd.f32 v62, v22  }
0x10b: {  	v26 =	vadd.f32 v47, v26;
	v47 =	vmul.f32 v57, v57;
	v29 =	vadd.f32 v44, v29  }
0x10c: {  	[tilespmem:$0x6A00] =	vst v1;
	v40 =	vld [tilespmem:$0x5280];
	v1 =	vmax.f32 v60, v63;
	v44 =	vmul.f32 v56, v56;
	v24 =	vadd.f32 v45, v24  }
0x10d: {  	v60 =	vld [tilespmem:$0x5310];
	v45 =	vadd.f32 v37, v31;
	v58 =	vmul.f32 v41, v41;
	v26 =	vadd.f32 v49, v26  }
0x10e: {  	v38 =	vld [tilespmem:$0x5110];
	v37 =	vmul.f32 v55, v55;
	v29 =	vadd.f32 v48, v29;
	v24 =	vadd.f32 v46, v24  }
0x10f: {  	v49 =	vld [tilespmem:$0x4E10];
	v62 =	vmul.f32 v53, v53;
	v25 =	vmax.f32 v25, v53;
	v27 =	vadd.f32 v39, v45  }
0x110: {  	v46 =	vld [tilespmem:$0x4D90];
	v26 =	vadd.f32 v50, v26;
	v25 =	vmax.f32 v25, v57;
	v50 =	vmul.f32 v63, v63  }
0x111: {  	v42 =	vld [tilespmem:$0x4E90];
	v24 =	vadd.f32 v51, v24;
	v25 =	vmax.f32 v25, v40;
	v51 =	vmul.f32 v40, v40  }
0x112: {  	v27 =	vadd.f32 v63, v27;
	v34 =	vmul.f32 v60, v60;
	v26 =	vadd.f32 v52, v26  }
0x113: {  	v43 =	vld [tilespmem:$0x5190];
	v29 =	vadd.f32 v50, v29;
	v25 =	vmax.f32 v25, v41;
	v24 =	vadd.f32 v53, v24  }
0x114: {  	[tilespmem:$0x6A10] =	vst v4;
	v63 =	vld [tilespmem:$0x5090];
	v54 =	vmul.f32 v49, v49;
	v4 =	vmax.f32 v25, v56;
	v26 =	vadd.f32 v59, v26  }
0x115: {  	v53 =	vld [tilespmem:$0x4F10];
	v52 =	vmul.f32 v46, v46;
	v27 =	vadd.f32 v46, v27;
	v1 =	vmax.f32 v1, v46  }
0x116: {  	v59 =	vld [tilespmem:$0x5010];
	v46 =	vmul.f32 v38, v38;
	v24 =	vadd.f32 v57, v24;
	v57 =	vmul.f32 v42, v42  }
0x117: {  	v1 =	vmax.f32 v1, v49;
	v26 =	vadd.f32 v62, v26;
	v29 =	vadd.f32 v52, v29  }
0x118: {  	v48 =	vld [tilespmem:$0x4BA0];
	v27 =	vadd.f32 v49, v27;
	v1 =	vmax.f32 v1, v42;
	v24 =	vadd.f32 v40, v24  }
0x119: {  	v45 =	vld [tilespmem:$0x4B20];
	v52 =	vmul.f32 v43, v43;
	v26 =	vadd.f32 v47, v26;
	v29 =	vadd.f32 v54, v29  }
0x11a: {  	v49 =	vld [tilespmem:$0x5290];
	v27 =	vadd.f32 v42, v27;
	v61 =	vmul.f32 v53, v53;
	v1 =	vmax.f32 v1, v53  }
0x11b: {  	v40 =	vld [tilespmem:$0x4A20];
	v42 =	vmul.f32 v63, v63;
	v24 =	vadd.f32 v41, v24;
	v39 =	vmul.f32 v59, v59  }
0x11c: {  	v47 =	vld [tilespmem:$0x5210];
	v1 =	vmax.f32 v1, v55;
	v26 =	vadd.f32 v51, v26;
	v29 =	vadd.f32 v57, v29  }
0x11d: {  	[tilespmem:$0x6820] =	vst v6;
	v54 =	vld [tilespmem:$0x4C20];
	v62 =	vadd.f32 v53, v27;
	v1 =	vmax.f32 v1, v59;
	v6 =	vadd.f32 v56, v24  }
0x11e: {  	[tilespmem:$0x6800] =	vst v0;
	v41 =	vld [tilespmem:$0x4AA0];
	v1 =	vmax.f32 v1, v63;
	v56 =	vmul.f32 v45, v45;
	v0 =	vadd.f32 v58, v26  }
0x11f: {  	[tilespmem:$0x6C00] =	vst v2;
	v32 =	vld [tilespmem:$0x4DA0];
	v25 =	vmul.f32 v49, v49;
	v33 =	vadd.f32 v61, v29;
	v2 =	vadd.f32 v55, v62  }
0x120: {  	v28 =	vld [tilespmem:$0x52A0];
	v1 =	vmax.f32 v1, v38;
	v50 =	vmul.f32 v40, v40;
	v61 =	vmul.f32 v48, v48  }
0x121: {  	[tilespmem:$0x6810] =	vst v3;
	v29 =	vld [tilespmem:$0x5390];
	v1 =	vmax.f32 v1, v43;
	v57 =	vmul.f32 v47, v47;
	v3 =	vadd.f32 v37, v33  }
0x122: {  	v35 =	vld [tilespmem:$0x4E20];
	v30 =	vmul.f32 v54, v54;
	v2 =	vadd.f32 v59, v2;
	v0 =	vadd.f32 v44, v0  }
0x123: {  	v51 =	vmul.f32 v41, v41;
	v53 =	vadd.f32 v41, v40;
	v59 =	vld [tilespmem:$0x4CA0];
	v1 =	vmax.f32 v1, v47  }
0x124: {  	v37 =	vld [tilespmem:$0x4EA0];
	v40 =	vmax.f32 v40, v41;
	v1 =	vmax.f32 v1, v49;
	v3 =	vadd.f32 v39, v3  }
0x125: {  	[tilespmem:$0x6C10] =	vst v5;
	v41 =	vld [tilespmem:$0x4F20];
	v2 =	vadd.f32 v63, v2;
	v55 =	vadd.f32 v51, v50;
	v1 =	vmax.f32 v1, v60  }
0x126: {  	[tilespmem:$0x6A20] =	vst v7;
	v58 =	vadd.f32 v45, v53;
	v63 =	vld [tilespmem:$0x4D20];
	v1 =	vmax.f32 v1, v29;
	v3 =	vadd.f32 v42, v3  }
0x127: {  	[tilespmem:$0x6C20] =	vst v8;
	v51 =	vld [tilespmem:$0x5020];
	v39 =	vmul.f32 v29, v29;
	v2 =	vadd.f32 v38, v2;
	v7 =	vadd.f32 v56, v55  }
0x128: {  	[tilespmem:$0x6830] =	vst v9;
	v53 =	vld [tilespmem:$0x50A0];
	v62 =	vadd.f32 v48, v58;
	v38 =	vmul.f32 v32, v32;
	v42 =	vmax.f32 v40, v45  }
0x129: {  	[tilespmem:$0x6A30] =	vst v10;
	v40 =	vmul.f32 v28, v28;
	v33 =	vmul.f32 v59, v59;
	v45 =	vmax.f32 v42, v48  }
0x12a: {  	[tilespmem:$0x6C30] =	vst v11;
	v50 =	vmul.f32 v37, v37;
	v3 =	vadd.f32 v46, v3;
	v2 =	vadd.f32 v43, v2  }
0x12b: {  	[tilespmem:$0x6C60] =	vst v20;
	v58 =	vld [tilespmem:$0x51A0];
	v56 =	vmul.f32 v41, v41;
	v7 =	vadd.f32 v61, v7;
	v31 =	vadd.f32 v54, v62  }
0x12c: {  	[tilespmem:$0x6A70] =	vst v22;
	v43 =	vmul.f32 v35, v35;
	v48 =	vmax.f32 v45, v54;
	v36 =	vmul.f32 v63, v63  }
0x12d: {  	v22 =	vld [tilespmem:$0x4BB0];
	[tilespmem:$0x6890] =	vst v1;
	v1 =	vmax.f32 v48, v59;
	v62 =	vmul.f32 v51, v51;
	v20 =	vmul.f32 v53, v53  }
0x12e: {  	[tilespmem:$0x6840] =	vst v12;
	v61 =	vld [tilespmem:$0x4AB0];
	v3 =	vadd.f32 v52, v3;
	v2 =	vadd.f32 v47, v2;
	v54 =	vmax.f32 v1, v63  }
0x12f: {  	[tilespmem:$0x6C80] =	vst v0;
	v7 =	vadd.f32 v30, v7;
	v5 =	vadd.f32 v59, v31;
	v47 =	vld [tilespmem:$0x4FA0];
	v0 =	vmax.f32 v54, v32  }
0x130: {  	[tilespmem:$0x6C40] =	vst v14;
	v30 =	vmul.f32 v58, v58;
	v3 =	vadd.f32 v57, v3;
	v2 =	vadd.f32 v49, v2  }
0x131: {  	[tilespmem:$0x6C70] =	vst v23;
	v23 =	vld [tilespmem:$0x5220];
	v7 =	vadd.f32 v33, v7;
	v5 =	vadd.f32 v63, v5;
	v0 =	vmax.f32 v0, v35  }
0x132: {  	[tilespmem:$0x6A40] =	vst v13;
	v57 =	vld [tilespmem:$0x5120];
	v33 =	vmul.f32 v22, v22;
	v3 =	vadd.f32 v25, v3;
	v2 =	vadd.f32 v60, v2  }
0x133: {  	[tilespmem:$0x6850] =	vst v15;
	v63 =	vld [tilespmem:$0x4B30];
	v0 =	vmax.f32 v0, v37;
	v7 =	vadd.f32 v36, v7;
	v5 =	vadd.f32 v32, v5  }
0x134: {  	[tilespmem:$0x6A50] =	vst v16;
	v27 =	vld [tilespmem:$0x4C30];
	v0 =	vmax.f32 v0, v41;
	v25 =	vmul.f32 v61, v61;
	v59 =	vmul.f32 v47, v47  }
0x135: {  	[tilespmem:$0x6C50] =	vst v17;
	v60 =	vld [tilespmem:$0x4A30];
	v0 =	vmax.f32 v0, v47;
	v3 =	vadd.f32 v34, v3;
	v2 =	vadd.f32 v29, v2  }
0x136: {  	[tilespmem:$0x6860] =	vst v18;
	v7 =	vadd.f32 v38, v7;
	v46 =	vadd.f32 v35, v5;
	v0 =	vmax.f32 v0, v51  }
0x137: {  	[tilespmem:$0x6870] =	vst v21;
	v31 =	vld [tilespmem:$0x4CB0];
	v34 =	vmul.f32 v23, v23;
	v0 =	vmax.f32 v0, v53;
	v21 =	vmul.f32 v57, v57  }
0x138: {  	[tilespmem:$0x6A60] =	vst v19;
	v29 =	vmul.f32 v63, v63;
	v44 =	vadd.f32 v39, v3;
	v49 =	vadd.f32 v43, v7  }
0x139: {  	[tilespmem:$0x6880] =	vst v4;
	v35 =	vld [tilespmem:$0x4D30];
	v52 =	vadd.f32 v37, v46;
	v0 =	vmax.f32 v0, v57;
	v37 =	vmul.f32 v27, v27  }
0x13a: {  	[tilespmem:$0x6A80] =	vst v6;
	v36 =	vld [tilespmem:$0x5320];
	v24 =	vmul.f32 v60, v60;
	v26 =	vadd.f32 v61, v60;
	v0 =	vmax.f32 v0, v58  }
0x13b: {  	[tilespmem:$0x6A90] =	vst v2;
	v9 =	vmax.f32 v60, v61;
	v55 =	vadd.f32 v50, v49;
	v2 =	vadd.f32 v41, v52  }
0x13c: {  	v39 =	vld [tilespmem:$0x4DB0];
	[tilespmem:$0x6C90] =	vst v44;
	v0 =	vmax.f32 v0, v23;
	v41 =	vmul.f32 v31, v31;
	v5 =	vmax.f32 v9, v63  }
0x13d: {  	v11 =	vadd.f32 v25, v24;
	v6 =	vadd.f32 v63, v26;
	v0 =	vmax.f32 v0, v28;
	v42 =	vld [tilespmem:$0x4E30]  }
0x13e: {  	v43 =	vmul.f32 v35, v35;
	v44 =	vld [tilespmem:$0x4EB0];
	v5 =	vmax.f32 v5, v22;
	v1 =	vadd.f32 v56, v55  }
0x13f: {  	v45 =	vld [tilespmem:$0x53A0];
	v2 =	vadd.f32 v47, v2;
	v0 =	vmax.f32 v0, v36;
	v32 =	vadd.f32 v29, v11  }
0x140: {  	v48 =	vld [tilespmem:$0x4F30];
	v47 =	vmul.f32 v36, v36;
	v6 =	vadd.f32 v22, v6;
	v1 =	vadd.f32 v59, v1  }
0x141: {  	v60 =	vld [tilespmem:$0x4A40];
	v52 =	vmax.f32 v5, v27;
	v2 =	vadd.f32 v51, v2;
	v8 =	vadd.f32 v33, v32  }
0x142: {  	v63 =	vld [tilespmem:$0x4AC0];
	v46 =	vmul.f32 v39, v39;
	v38 =	vadd.f32 v27, v6;
	v1 =	vadd.f32 v62, v1  }
0x143: {  	v24 =	vld [tilespmem:$0x5130];
	v2 =	vadd.f32 v53, v2;
	v50 =	vmul.f32 v42, v42;
	v8 =	vadd.f32 v37, v8  }
0x144: {  	v55 =	vld [tilespmem:$0x5030];
	v54 =	vmul.f32 v44, v44;
	v3 =	vadd.f32 v31, v38;
	v1 =	vadd.f32 v20, v1  }
0x145: {  	v26 =	vld [tilespmem:$0x4B40];
	v0 =	vmax.f32 v0, v45;
	v2 =	vadd.f32 v57, v2;
	v8 =	vadd.f32 v41, v8  }
0x146: {  	v53 =	vld [tilespmem:$0x4FB0];
	v56 =	vmul.f32 v48, v48;
	v3 =	vadd.f32 v35, v3;
	v1 =	vadd.f32 v21, v1  }
0x147: {  	v32 =	vmul.f32 v63, v63;
	v2 =	vadd.f32 v58, v2;
	v8 =	vadd.f32 v43, v8  }
0x148: {  	v33 =	vmul.f32 v24, v24;
	v57 =	vld [tilespmem:$0x50B0];
	v3 =	vadd.f32 v39, v3;
	v1 =	vadd.f32 v30, v1  }
0x149: {  	v25 =	vmul.f32 v55, v55;
	v41 =	vld [tilespmem:$0x52B0];
	v2 =	vadd.f32 v23, v2;
	v49 =	vadd.f32 v46, v8  }
0x14a: {  	v37 =	vmul.f32 v26, v26;
	v3 =	vadd.f32 v42, v3;
	v1 =	vadd.f32 v34, v1  }
0x14b: {  	v62 =	vmul.f32 v53, v53;
	v2 =	vadd.f32 v28, v2;
	v34 =	vadd.f32 v63, v60  }
0x14c: {  	v23 =	vmul.f32 v45, v45;
	v28 =	vld [tilespmem:$0x51B0];
	v7 =	vadd.f32 v50, v49;
	v3 =	vadd.f32 v44, v3  }
0x14d: {  	v30 =	vld [tilespmem:$0x4BC0];
	v29 =	vmul.f32 v57, v57;
	v1 =	vadd.f32 v40, v1;
	v2 =	vadd.f32 v36, v2  }
0x14e: {  	v43 =	vld [tilespmem:$0x4D40];
	v49 =	vmul.f32 v41, v41;
	v38 =	vadd.f32 v26, v34;
	v7 =	vadd.f32 v54, v7  }
0x14f: {  	v3 =	vadd.f32 v48, v3;
	v51 =	vadd.f32 v47, v1;
	v1 =	vmax.f32 v52, v31  }
0x150: {  	v36 =	vld [tilespmem:$0x5230];
	v58 =	vadd.f32 v45, v2;
	v31 =	vmul.f32 v60, v60;
	v1 =	vmax.f32 v1, v35  }
0x151: {  	v50 =	vld [tilespmem:$0x4E40];
	v61 =	vadd.f32 v56, v7;
	v3 =	vadd.f32 v53, v3;
	v40 =	vmul.f32 v28, v28  }
0x152: {  	v52 =	vld [tilespmem:$0x4EC0];
	v7 =	vadd.f32 v30, v38;
	v6 =	vmax.f32 v1, v39;
	v27 =	vadd.f32 v23, v51  }
0x153: {  	v35 =	vld [tilespmem:$0x4C40];
	v12 =	vadd.f32 v32, v31;
	v51 =	vmul.f32 v43, v43;
	v59 =	vmax.f32 v6, v42  }
0x154: {  	v47 =	vld [tilespmem:$0x4DC0];
	v6 =	vadd.f32 v62, v61;
	v3 =	vadd.f32 v55, v3;
	v42 =	vmul.f32 v30, v30  }
0x155: {  	v39 =	vld [tilespmem:$0x4CC0];
	v46 =	vmul.f32 v36, v36;
	v2 =	vmax.f32 v59, v44;
	v12 =	vadd.f32 v37, v12  }
0x156: {  	[tilespmem:$0x1FFB0] =	vst v58;
	v58 =	vld [tilespmem:$0x53B0];
	v59 =	vmul.f32 v50, v50;
	v2 =	vmax.f32 v2, v48;
	v6 =	vadd.f32 v25, v6  }
0x157: {  	v3 =	vadd.f32 v57, v3;
	v62 =	vmul.f32 v52, v52;
	v5 =	vmax.f32 v2, v53  }
0x158: {  	v44 =	vld [tilespmem:$0x5330];
	v12 =	vadd.f32 v42, v12;
	v45 =	vmul.f32 v35, v35;
	v7 =	vadd.f32 v35, v7  }
0x159: {  	v25 =	vld [tilespmem:$0x50C0];
	v53 =	vmul.f32 v47, v47;
	v5 =	vmax.f32 v5, v55;
	v6 =	vadd.f32 v29, v6  }
0x15a: {  	[tilespmem:$0x1FFC0] =	vst v27;
	v27 =	vld [tilespmem:$0x4A50];
	v3 =	vadd.f32 v24, v3;
	v48 =	vmul.f32 v39, v39;
	v55 =	vmax.f32 v60, v63  }
0x15b: {  	v63 =	vld [tilespmem:$0x5040];
	v8 =	vmul.f32 v58, v58;
	v5 =	vmax.f32 v5, v57;
	v12 =	vadd.f32 v45, v12  }
0x15c: {  	v29 =	vld [tilespmem:$0x4AD0];
	v7 =	vadd.f32 v39, v7;
	v5 =	vmax.f32 v5, v24;
	v6 =	vadd.f32 v33, v6  }
0x15d: {  	v3 =	vadd.f32 v28, v3;
	v60 =	vmul.f32 v44, v44;
	v5 =	vmax.f32 v5, v28  }
0x15e: {  	v57 =	vld [tilespmem:$0x4F40];
	v12 =	vadd.f32 v48, v12;
	v7 =	vadd.f32 v43, v7;
	v34 =	vmul.f32 v25, v25  }
0x15f: {  	v33 =	vld [tilespmem:$0x4B50];
	v6 =	vadd.f32 v40, v6;
	v5 =	vmax.f32 v5, v36;
	v3 =	vadd.f32 v36, v3  }
0x160: {  	v45 =	vld [tilespmem:$0x4C50];
	v5 =	vmax.f32 v5, v41;
	v12 =	vadd.f32 v51, v12;
	v56 =	vadd.f32 v47, v7  }
0x161: {  	v61 =	vld [tilespmem:$0x4FC0];
	v31 =	vmul.f32 v63, v63;
	v42 =	vmul.f32 v29, v29;
	v15 =	vmax.f32 v27, v29  }
0x162: {  	v6 =	vadd.f32 v46, v6;
	v3 =	vadd.f32 v41, v3;
	v5 =	vmax.f32 v5, v44  }
0x163: {  	v21 =	vmul.f32 v57, v57;
	v41 =	vmul.f32 v27, v27;
	v12 =	vadd.f32 v53, v12  }
0x164: {  	v40 =	vld [tilespmem:$0x5240];
	v4 =	vadd.f32 v50, v56;
	v22 =	vmax.f32 v5, v58;
	v46 =	vmul.f32 v33, v33  }
0x165: {  	v32 =	vld [tilespmem:$0x5140];
	v56 =	vmul.f32 v45, v45;
	v11 =	vmax.f32 v15, v33;
	v6 =	vadd.f32 v49, v6  }
0x166: {  	v53 =	vld [tilespmem:$0x4D50];
	v54 =	vadd.f32 v44, v3;
	v3 =	vmax.f32 v55, v26;
	v26 =	vmul.f32 v61, v61  }
0x167: {  	v44 =	vadd.f32 v29, v27;
	v49 =	vld [tilespmem:$0x4CD0];
	v3 =	vmax.f32 v3, v30;
	v12 =	vadd.f32 v59, v12  }
0x168: {  	v55 =	vld [tilespmem:$0x5340];
	v4 =	vadd.f32 v52, v4;
	v3 =	vmax.f32 v3, v35;
	v6 =	vadd.f32 v60, v6  }
0x169: {  	v28 =	vadd.f32 v58, v54;
	v35 =	vld [tilespmem:$0x51C0];
	v48 =	vadd.f32 v33, v44;
	v54 =	vmul.f32 v40, v40  }
0x16a: {  	v58 =	vld [tilespmem:$0x4DD0];
	v3 =	vmax.f32 v3, v39;
	v12 =	vadd.f32 v62, v12;
	v24 =	vadd.f32 v57, v4  }
0x16b: {  	v39 =	vld [tilespmem:$0x4BD0];
	v10 =	vmax.f32 v3, v43;
	v36 =	vadd.f32 v8, v6;
	v43 =	vmul.f32 v32, v32  }
0x16c: {  	v62 =	vmul.f32 v53, v53;
	v23 =	vmax.f32 v10, v47;
	v12 =	vadd.f32 v21, v12  }
0x16d: {  	v2 =	vld [tilespmem:$0x4F50];
	v10 =	vadd.f32 v61, v24;
	v59 =	vmul.f32 v49, v49;
	v5 =	vmax.f32 v23, v50  }
0x16e: {  	[tilespmem:$0x1FFD0] =	vst v22;
	v22 =	vmul.f32 v55, v55;
	v5 =	vmax.f32 v5, v52;
	v30 =	vadd.f32 v26, v12  }
0x16f: {  	v50 =	vld [tilespmem:$0x52C0];
	v10 =	vadd.f32 v63, v10;
	v12 =	vadd.f32 v42, v41;
	v47 =	vmul.f32 v35, v35  }
0x170: {  	[tilespmem:$0x1FFF0] =	vst v36;
	v36 =	vld [tilespmem:$0x4A60];
	v1 =	vmul.f32 v58, v58;
	v5 =	vmax.f32 v5, v57;
	v51 =	vmul.f32 v39, v39  }
0x171: {  	[tilespmem:$0x1FFA0] =	vst v0;
	v0 =	vld [tilespmem:$0x53C0];
	v52 =	vadd.f32 v39, v48;
	v5 =	vmax.f32 v5, v61;
	v7 =	vadd.f32 v31, v30  }
0x172: {  	v42 =	vld [tilespmem:$0x51D0];
	v38 =	vadd.f32 v25, v10;
	v12 =	vadd.f32 v46, v12;
	v31 =	vmul.f32 v2, v2  }
0x173: {  	v27 =	vld [tilespmem:$0x4FD0];
	v9 =	vmax.f32 v5, v63;
	v57 =	vadd.f32 v45, v52;
	v7 =	vadd.f32 v34, v7  }
0x174: {  	v61 =	vld [tilespmem:$0x4E50];
	v37 =	vmax.f32 v9, v25;
	v8 =	vadd.f32 v32, v38;
	v12 =	vadd.f32 v51, v12  }
0x175: {  	v30 =	vld [tilespmem:$0x5050];
	v60 =	vmul.f32 v50, v50;
	v25 =	vmax.f32 v11, v39;
	v46 =	vmul.f32 v36, v36  }
0x176: {  	v63 =	vld [tilespmem:$0x4ED0];
	v6 =	vmax.f32 v37, v32;
	v10 =	vadd.f32 v49, v57;
	v37 =	vmul.f32 v0, v0  }
0x177: {  	v38 =	vld [tilespmem:$0x4AE0];
	v52 =	vmul.f32 v42, v42;
	v7 =	vadd.f32 v43, v7;
	v8 =	vadd.f32 v35, v8  }
0x178: {  	v6 =	vmax.f32 v6, v35;
	v12 =	vadd.f32 v56, v12;
	v35 =	vmul.f32 v27, v27  }
0x179: {  	v34 =	vld [tilespmem:$0x5150];
	v6 =	vmax.f32 v6, v40;
	v10 =	vadd.f32 v53, v10;
	v3 =	vmul.f32 v61, v61  }
0x17a: {  	v44 =	vld [tilespmem:$0x4BE0];
	v39 =	vmul.f32 v30, v30;
	v7 =	vadd.f32 v47, v7;
	v8 =	vadd.f32 v40, v8  }
0x17b: {  	v32 =	vld [tilespmem:$0x50D0];
	v6 =	vmax.f32 v6, v50;
	v12 =	vadd.f32 v59, v12;
	v29 =	vmul.f32 v63, v63  }
0x17c: {  	v57 =	vld [tilespmem:$0x4D60];
	v6 =	vmax.f32 v6, v55;
	v10 =	vadd.f32 v58, v10;
	v48 =	vadd.f32 v38, v36  }
0x17d: {  	v40 =	vld [tilespmem:$0x4B60];
	v47 =	vmul.f32 v38, v38;
	v7 =	vadd.f32 v54, v7;
	v8 =	vadd.f32 v50, v8  }
0x17e: {  	v43 =	vmul.f32 v34, v34;
	v12 =	vadd.f32 v62, v12;
	v26 =	vadd.f32 v61, v10  }
0x17f: {  	v6 =	vmax.f32 v6, v0;
	v20 =	vadd.f32 v47, v46;
	v7 =	vadd.f32 v60, v7  }
0x180: {  	v41 =	vmul.f32 v32, v32;
	v50 =	vld [tilespmem:$0x52D0];
	v8 =	vadd.f32 v55, v8;
	v12 =	vadd.f32 v1, v12  }
0x181: {  	v55 =	vmul.f32 v44, v44;
	v1 =	vmul.f32 v57, v57;
	v9 =	vadd.f32 v63, v26  }
0x182: {  	v51 =	vmul.f32 v40, v40;
	v14 =	vadd.f32 v40, v48;
	v24 =	vadd.f32 v22, v7  }
0x183: {  	[tilespmem:$0x1FFE0] =	vst v28;
	v7 =	vmax.f32 v25, v45;
	v28 =	vadd.f32 v3, v12;
	v9 =	vadd.f32 v2, v9  }
0x184: {  	v45 =	vld [tilespmem:$0x5250];
	v7 =	vmax.f32 v7, v49;
	v54 =	vadd.f32 v51, v20;
	v14 =	vadd.f32 v44, v14  }
0x185: {  	v62 =	vmul.f32 v50, v50;
	v17 =	vmax.f32 v7, v53;
	v11 =	vadd.f32 v29, v28  }
0x186: {  	v49 =	vld [tilespmem:$0x4C60];
	v7 =	vadd.f32 v0, v8;
	v33 =	vmax.f32 v17, v58;
	v9 =	vadd.f32 v27, v9  }
0x187: {  	v53 =	vld [tilespmem:$0x4CE0];
	v13 =	vadd.f32 v55, v54;
	v17 =	vmax.f32 v36, v38;
	v8 =	vmax.f32 v33, v61  }
0x188: {  	v0 =	vld [tilespmem:$0x4E60];
	v11 =	vadd.f32 v31, v11;
	v15 =	vmax.f32 v17, v40;
	v8 =	vmax.f32 v8, v63  }
0x189: {  	v47 =	vld [tilespmem:$0x51E0];
	v9 =	vadd.f32 v30, v9;
	v56 =	vmul.f32 v45, v45;
	v15 =	vmax.f32 v15, v44  }
0x18a: {  	v58 =	vld [tilespmem:$0x5350];
	v16 =	vmax.f32 v8, v2;
	v11 =	vadd.f32 v35, v11;
	v8 =	vadd.f32 v37, v24  }
0x18b: {  	v61 =	vld [tilespmem:$0x4DE0];
	v59 =	vmul.f32 v49, v49;
	v60 =	vadd.f32 v49, v14;
	v15 =	vmax.f32 v15, v49  }
0x18c: {  	v10 =	vmax.f32 v16, v27;
	v9 =	vadd.f32 v32, v9;
	v63 =	vmul.f32 v53, v53  }
0x18d: {  	v4 =	vld [tilespmem:$0x4EE0];
	v31 =	vmul.f32 v0, v0;
	v15 =	vmax.f32 v15, v53;
	v11 =	vadd.f32 v39, v11  }
0x18e: {  	v33 =	vld [tilespmem:$0x4FE0];
	v10 =	vmax.f32 v10, v30;
	v13 =	vadd.f32 v59, v13;
	v12 =	vadd.f32 v53, v60  }
0x18f: {  	v5 =	vld [tilespmem:$0x53D0];
	v29 =	vmul.f32 v58, v58;
	v35 =	vmax.f32 v15, v57;
	v59 =	vmul.f32 v47, v47  }
0x190: {  	v55 =	vld [tilespmem:$0x5260];
	v10 =	vmax.f32 v10, v32;
	v9 =	vadd.f32 v34, v9;
	v28 =	vmul.f32 v61, v61  }
0x191: {  	v37 =	vld [tilespmem:$0x5060];
	v14 =	vmax.f32 v35, v61;
	v11 =	vadd.f32 v41, v11;
	v10 =	vmax.f32 v10, v34  }
0x192: {  	v30 =	vld [tilespmem:$0x4F60];
	v13 =	vadd.f32 v63, v13;
	v3 =	vadd.f32 v57, v12;
	v34 =	vmul.f32 v4, v4  }
0x193: {  	v39 =	vld [tilespmem:$0x50E0];
	v14 =	vmax.f32 v14, v0;
	v41 =	vmul.f32 v33, v33;
	v10 =	vmax.f32 v10, v42  }
0x194: {  	v44 =	vld [tilespmem:$0x5160];
	v9 =	vadd.f32 v42, v9;
	v12 =	vmax.f32 v14, v4;
	v11 =	vadd.f32 v43, v11  }
0x195: {  	v40 =	vld [tilespmem:$0x4A70];
	v10 =	vmax.f32 v10, v45;
	v13 =	vadd.f32 v1, v13;
	v43 =	vmul.f32 v5, v5  }
0x196: {  	v46 =	vld [tilespmem:$0x4B70];
	v1 =	vmul.f32 v55, v55;
	v9 =	vadd.f32 v45, v9;
	v10 =	vmax.f32 v10, v50  }
0x197: {  	v42 =	vld [tilespmem:$0x4AF0];
	v38 =	vmul.f32 v30, v30;
	v12 =	vmax.f32 v12, v30;
	v45 =	vmul.f32 v37, v37  }
0x198: {  	v48 =	vmul.f32 v39, v39;
	v11 =	vadd.f32 v52, v11;
	v10 =	vmax.f32 v10, v58  }
0x199: {  	v49 =	vld [tilespmem:$0x4BF0];
	v13 =	vadd.f32 v28, v13;
	v12 =	vmax.f32 v12, v33;
	v52 =	vmul.f32 v44, v44  }
0x19a: {  	v9 =	vadd.f32 v50, v9;
	v12 =	vmax.f32 v12, v37;
	v50 =	vmul.f32 v40, v40  }
0x19b: {  	v11 =	vadd.f32 v56, v11;
	v13 =	vadd.f32 v31, v13;
	v12 =	vmax.f32 v12, v39  }
0x19c: {  	v51 =	vmul.f32 v42, v42;
	v53 =	vadd.f32 v42, v40;
	v56 =	vmul.f32 v46, v46  }
0x19d: {  	v54 =	vld [tilespmem:$0x4C70];
	v16 =	vmax.f32 v40, v42;
	v2 =	vadd.f32 v58, v9;
	v9 =	vadd.f32 v61, v3  }
0x19e: {  	v12 =	vmax.f32 v12, v44;
	v61 =	vmul.f32 v49, v49;
	v11 =	vadd.f32 v62, v11  }
0x19f: {  	v60 =	vld [tilespmem:$0x52E0];
	v16 =	vmax.f32 v16, v46;
	v13 =	vadd.f32 v34, v13;
	v22 =	vadd.f32 v51, v50  }
0x1a0: {  	v63 =	vld [tilespmem:$0x5360];
	v57 =	vadd.f32 v46, v53;
	v12 =	vmax.f32 v12, v47;
	v16 =	vmax.f32 v16, v49  }
0x1a1: {  	v58 =	vld [tilespmem:$0x4CF0];
	v32 =	vadd.f32 v0, v9;
	v9 =	vmax.f32 v10, v5;
	v10 =	vadd.f32 v5, v2  }
0x1a2: {  	v62 =	vld [tilespmem:$0x4D70];
	v0 =	vmul.f32 v54, v54;
	v12 =	vmax.f32 v12, v55;
	v11 =	vadd.f32 v29, v11  }
0x1a3: {  	v46 =	vld [tilespmem:$0x50F0];
	v16 =	vmax.f32 v16, v54;
	v13 =	vadd.f32 v38, v13;
	v22 =	vadd.f32 v56, v22  }
0x1a4: {  	v2 =	vld [tilespmem:$0x4DF0];
	v14 =	vadd.f32 v49, v57;
	v12 =	vmax.f32 v12, v60;
	v36 =	vadd.f32 v4, v32  }
0x1a5: {  	v5 =	vld [tilespmem:$0x4E70];
	v4 =	vmul.f32 v60, v60;
	v13 =	vadd.f32 v41, v13;
	v11 =	vadd.f32 v43, v11  }
0x1a6: {  	v35 =	vld [tilespmem:$0x4F70];
	v12 =	vmax.f32 v12, v63;
	v22 =	vadd.f32 v61, v22;
	v14 =	vadd.f32 v54, v14  }
0x1a7: {  	v40 =	vld [tilespmem:$0x4FF0];
	v3 =	vmul.f32 v58, v58;
	v42 =	vmax.f32 v16, v58;
	v15 =	vadd.f32 v30, v36  }
0x1a8: {  	v57 =	vld [tilespmem:$0x51F0];
	v32 =	vmul.f32 v62, v62;
	v56 =	vmul.f32 v46, v46;
	v13 =	vadd.f32 v45, v13  }
0x1a9: {  	v43 =	vld [tilespmem:$0x5070];
	v22 =	vadd.f32 v0, v22;
	v14 =	vadd.f32 v58, v14;
	v34 =	vmul.f32 v2, v2  }
0x1aa: {  	v36 =	vld [tilespmem:$0x53E0];
	v38 =	vmul.f32 v5, v5;
	v15 =	vadd.f32 v33, v15;
	v13 =	vadd.f32 v48, v13  }
0x1ab: {  	v45 =	vmul.f32 v35, v35;
	v22 =	vadd.f32 v3, v22;
	v14 =	vadd.f32 v62, v14  }
0x1ac: {  	v33 =	vld [tilespmem:$0x4EF0];
	v48 =	vmul.f32 v40, v40;
	v15 =	vadd.f32 v37, v15;
	v13 =	vadd.f32 v52, v13  }
0x1ad: {  	v24 =	vld [tilespmem:$0x5400];
	v3 =	vmul.f32 v57, v57;
	v22 =	vadd.f32 v32, v22;
	v14 =	vadd.f32 v2, v14  }
0x1ae: {  	v58 =	vld [tilespmem:$0x5580];
	v50 =	vmul.f32 v43, v43;
	v15 =	vadd.f32 v39, v15;
	v13 =	vadd.f32 v59, v13  }
0x1af: {  	v12 =	vmax.f32 v12, v36;
	v37 =	vadd.f32 v34, v22;
	v14 =	vadd.f32 v5, v14;
	v22 =	vld [tilespmem:$0x5480]  }
0x1b0: {  	v51 =	vld [tilespmem:$0x5170];
	v52 =	vmul.f32 v36, v36;
	v15 =	vadd.f32 v44, v15;
	v13 =	vadd.f32 v1, v13  }
0x1b1: {  	v0 =	vld [tilespmem:$0x5600];
	v41 =	vmul.f32 v33, v33;
	v20 =	vadd.f32 v38, v37;
	v14 =	vadd.f32 v33, v14  }
0x1b2: {  	v54 =	vld [tilespmem:$0x5500];
	v39 =	vmul.f32 v63, v63;
	v15 =	vadd.f32 v47, v15;
	v13 =	vadd.f32 v4, v13  }
0x1b3: {  	v37 =	vmul.f32 v58, v58;
	v44 =	vadd.f32 v41, v20;
	v14 =	vadd.f32 v35, v14  }
0x1b4: {  	v15 =	vadd.f32 v55, v15;
	v61 =	vmul.f32 v22, v22;
	v23 =	vadd.f32 v39, v13  }
0x1b5: {  	v41 =	vld [tilespmem:$0x5370];
	v13 =	vmax.f32 v42, v62;
	v17 =	vadd.f32 v45, v44;
	v14 =	vadd.f32 v40, v14  }
0x1b6: {  	v62 =	vmul.f32 v51, v51;
	v42 =	vmul.f32 v0, v0;
	v15 =	vadd.f32 v60, v15  }
0x1b7: {  	v13 =	vmax.f32 v13, v2;
	v60 =	vmul.f32 v24, v24;
	v2 =	vmul.f32 v54, v54  }
0x1b8: {  	v39 =	vld [tilespmem:$0x5700];
	v47 =	vmax.f32 v13, v5;
	v17 =	vadd.f32 v48, v17;
	v53 =	vadd.f32 v43, v14  }
0x1b9: {  	v59 =	vld [tilespmem:$0x5270];
	v14 =	vadd.f32 v52, v23;
	v15 =	vadd.f32 v63, v15;
	v49 =	vmax.f32 v47, v33  }
0x1ba: {  	v5 =	vld [tilespmem:$0x5680];
	v63 =	vadd.f32 v22, v24;
	v1 =	vadd.f32 v61, v60;
	v31 =	vmul.f32 v41, v41  }
0x1bb: {  	v48 =	vld [tilespmem:$0x5880];
	v22 =	vmax.f32 v24, v22;
	v55 =	vadd.f32 v50, v17;
	v20 =	vadd.f32 v46, v53  }
0x1bc: {  	v22 =	vmax.f32 v22, v54;
	v13 =	vadd.f32 v36, v15;
	v15 =	vmax.f32 v49, v35  }
0x1bd: {  	v61 =	vld [tilespmem:$0x5B00];
	v4 =	vadd.f32 v54, v63;
	v47 =	vmul.f32 v39, v39;
	v54 =	vmax.f32 v22, v58  }
0x1be: {  	v15 =	vmax.f32 v15, v40;
	v16 =	vadd.f32 v56, v55;
	v19 =	vadd.f32 v51, v20  }
0x1bf: {  	v36 =	vld [tilespmem:$0x52F0];
	v20 =	vadd.f32 v2, v1;
	v40 =	vmul.f32 v59, v59;
	v15 =	vmax.f32 v15, v43  }
0x1c0: {  	v49 =	vld [tilespmem:$0x53F0];
	v38 =	vadd.f32 v58, v4;
	v44 =	vmul.f32 v5, v5;
	v56 =	vmul.f32 v48, v48  }
0x1c1: {  	v55 =	vld [tilespmem:$0x5980];
	v15 =	vmax.f32 v15, v46;
	v16 =	vadd.f32 v62, v16;
	v19 =	vadd.f32 v57, v19  }
0x1c2: {  	v43 =	vld [tilespmem:$0x5780];
	v20 =	vadd.f32 v37, v20;
	v4 =	vmul.f32 v61, v61;
	v15 =	vmax.f32 v15, v51  }
0x1c3: {  	v18 =	vadd.f32 v0, v38;
	v15 =	vmax.f32 v15, v57;
	v16 =	vadd.f32 v3, v16  }
0x1c4: {  	v46 =	vld [tilespmem:$0x5800];
	v17 =	vadd.f32 v59, v19;
	v20 =	vadd.f32 v42, v20;
	v45 =	vmul.f32 v36, v36  }
0x1c5: {  	v51 =	vld [tilespmem:$0x5900];
	v63 =	vmul.f32 v49, v49;
	v15 =	vmax.f32 v15, v59;
	v18 =	vadd.f32 v5, v18  }
0x1c6: {  	v62 =	vmul.f32 v55, v55;
	v16 =	vadd.f32 v40, v16;
	v15 =	vmax.f32 v15, v36  }
0x1c7: {  	v57 =	vld [tilespmem:$0x5A00];
	v17 =	vadd.f32 v36, v17;
	v20 =	vadd.f32 v44, v20;
	v50 =	vmul.f32 v43, v43  }
0x1c8: {  	v59 =	vld [tilespmem:$0x5A80];
	v15 =	vmax.f32 v15, v41;
	v18 =	vadd.f32 v39, v18;
	v16 =	vadd.f32 v45, v16  }
0x1c9: {  	v3 =	vld [tilespmem:$0x5B80];
	v52 =	vmul.f32 v46, v46;
	v17 =	vadd.f32 v41, v17;
	v20 =	vadd.f32 v47, v20  }
0x1ca: {  	v44 =	vld [tilespmem:$0x5C80];
	v15 =	vmax.f32 v15, v49;
	v58 =	vmul.f32 v51, v51;
	v18 =	vadd.f32 v43, v18  }
0x1cb: {  	v47 =	vld [tilespmem:$0x5690];
	v20 =	vadd.f32 v50, v20;
	v53 =	vadd.f32 v31, v16;
	v16 =	vmax.f32 v54, v0  }
0x1cc: {  	v1 =	vmul.f32 v57, v57;
	v0 =	vld [tilespmem:$0x5490];
	v18 =	vadd.f32 v46, v18;
	v16 =	vmax.f32 v16, v5  }
0x1cd: {  	v2 =	vmul.f32 v59, v59;
	v5 =	vld [tilespmem:$0x5590];
	v20 =	vadd.f32 v52, v20;
	v25 =	vmax.f32 v16, v39  }
0x1ce: {  	v16 =	vadd.f32 v49, v17;
	v39 =	vld [tilespmem:$0x5C00];
	v18 =	vadd.f32 v48, v18;
	v60 =	vmax.f32 v25, v43  }
0x1cf: {  	v25 =	vld [tilespmem:$0x5410];
	v20 =	vadd.f32 v56, v20;
	v17 =	vmax.f32 v60, v46;
	v46 =	vmul.f32 v3, v3  }
0x1d0: {  	v43 =	vld [tilespmem:$0x5610];
	v56 =	vmul.f32 v47, v47;
	v18 =	vadd.f32 v51, v18;
	v17 =	vmax.f32 v17, v48  }
0x1d1: {  	v54 =	vld [tilespmem:$0x5790];
	v41 =	vmul.f32 v0, v0;
	v20 =	vadd.f32 v58, v20;
	v24 =	vmax.f32 v17, v51  }
0x1d2: {  	v52 =	vld [tilespmem:$0x5D00];
	v17 =	vadd.f32 v63, v53;
	v49 =	vmul.f32 v5, v5;
	v18 =	vadd.f32 v55, v18  }
0x1d3: {  	v51 =	vld [tilespmem:$0x5710];
	v21 =	vmax.f32 v24, v55;
	v50 =	vmul.f32 v39, v39;
	v55 =	vmul.f32 v44, v44  }
0x1d4: {  	v24 =	vld [tilespmem:$0x5510];
	v20 =	vadd.f32 v62, v20;
	v21 =	vmax.f32 v21, v57;
	v40 =	vmul.f32 v25, v25  }
0x1d5: {  	v42 =	vadd.f32 v0, v25;
	v53 =	vmul.f32 v43, v43;
	v63 =	vmax.f32 v25, v0  }
0x1d6: {  	v62 =	vld [tilespmem:$0x5D80];
	v0 =	vmul.f32 v54, v54;
	v18 =	vadd.f32 v57, v18;
	v21 =	vmax.f32 v21, v59  }
0x1d7: {  	v20 =	vadd.f32 v1, v20;
	v21 =	vmax.f32 v21, v61;
	v29 =	vadd.f32 v41, v40  }
0x1d8: {  	v57 =	vld [tilespmem:$0x5810];
	v1 =	vmul.f32 v52, v52;
	v18 =	vadd.f32 v59, v18;
	v21 =	vmax.f32 v21, v3  }
0x1d9: {  	v26 =	vld [tilespmem:$0x5420];
	v58 =	vmul.f32 v51, v51;
	v20 =	vadd.f32 v2, v20;
	v45 =	vmul.f32 v24, v24  }
0x1da: {  	v30 =	vld [tilespmem:$0x54A0];
	v19 =	vadd.f32 v24, v42;
	v21 =	vmax.f32 v21, v39;
	v18 =	vadd.f32 v61, v18  }
0x1db: {  	v2 =	vld [tilespmem:$0x5910];
	v21 =	vmax.f32 v21, v44;
	v42 =	vmul.f32 v62, v62;
	v20 =	vadd.f32 v4, v20  }
0x1dc: {  	v61 =	vld [tilespmem:$0x5890];
	v48 =	vadd.f32 v45, v29;
	v19 =	vadd.f32 v5, v19;
	v21 =	vmax.f32 v21, v52  }
0x1dd: {  	v18 =	vadd.f32 v3, v18;
	v3 =	vmul.f32 v57, v57;
	v20 =	vadd.f32 v46, v20  }
0x1de: {  	v38 =	vld [tilespmem:$0x5A10];
	v23 =	vadd.f32 v49, v48;
	v19 =	vadd.f32 v43, v19;
	v48 =	vmul.f32 v26, v26  }
0x1df: {  	v49 =	vmul.f32 v30, v30;
	v18 =	vadd.f32 v39, v18;
	v20 =	vadd.f32 v50, v20  }
0x1e0: {  	v40 =	vld [tilespmem:$0x5A90];
	v39 =	vmul.f32 v2, v2;
	v23 =	vadd.f32 v53, v23;
	v19 =	vadd.f32 v47, v19  }
0x1e1: {  	v34 =	vmul.f32 v61, v61;
	v53 =	vld [tilespmem:$0x5C10];
	v29 =	vadd.f32 v49, v48;
	v18 =	vadd.f32 v44, v18  }
0x1e2: {  	v31 =	vld [tilespmem:$0x55A0];
	v23 =	vadd.f32 v56, v23;
	v60 =	vadd.f32 v51, v19;
	v19 =	vmax.f32 v63, v24  }
0x1e3: {  	v45 =	vld [tilespmem:$0x5520];
	v44 =	vmul.f32 v38, v38;
	v20 =	vadd.f32 v55, v20;
	v19 =	vmax.f32 v19, v5  }
0x1e4: {  	v46 =	vld [tilespmem:$0x5B90];
	v59 =	vadd.f32 v52, v18;
	v23 =	vadd.f32 v58, v23;
	v19 =	vmax.f32 v19, v43  }
0x1e5: {  	v56 =	vld [tilespmem:$0x56A0];
	v18 =	vadd.f32 v54, v60;
	v20 =	vadd.f32 v1, v20;
	v19 =	vmax.f32 v19, v47  }
0x1e6: {  	v5 =	vld [tilespmem:$0x5990];
	v47 =	vmul.f32 v40, v40;
	v63 =	vmul.f32 v53, v53;
	v23 =	vadd.f32 v0, v23  }
0x1e7: {  	v52 =	vld [tilespmem:$0x5620];
	v4 =	vadd.f32 v57, v18;
	v18 =	vmax.f32 v21, v62;
	v19 =	vmax.f32 v19, v51  }
0x1e8: {  	v43 =	vld [tilespmem:$0x5B10];
	v20 =	vadd.f32 v42, v20;
	v51 =	vadd.f32 v30, v26;
	v42 =	vmax.f32 v26, v30  }
0x1e9: {  	v60 =	vld [tilespmem:$0x5720];
	v22 =	vmax.f32 v19, v54;
	v19 =	vadd.f32 v62, v59;
	v54 =	vmul.f32 v45, v45  }
0x1ea: {  	v58 =	vld [tilespmem:$0x5C90];
	v59 =	vmul.f32 v31, v31;
	v1 =	vmul.f32 v56, v56;
	v23 =	vadd.f32 v3, v23  }
0x1eb: {  	v48 =	vld [tilespmem:$0x59A0];
	v37 =	vadd.f32 v61, v4;
	v22 =	vmax.f32 v22, v57;
	v41 =	vmul.f32 v5, v5  }
0x1ec: {  	v55 =	vadd.f32 v45, v51;
	v57 =	vmul.f32 v46, v46;
	v62 =	vmul.f32 v52, v52  }
0x1ed: {  	v22 =	vmax.f32 v22, v61;
	v50 =	vmul.f32 v43, v43;
	v29 =	vadd.f32 v54, v29  }
0x1ee: {  	v4 =	vmul.f32 v60, v60;
	v23 =	vadd.f32 v34, v23;
	v21 =	vadd.f32 v2, v37  }
0x1ef: {  	v33 =	vld [tilespmem:$0x5430];
	v22 =	vmax.f32 v22, v2;
	v24 =	vadd.f32 v31, v55;
	v2 =	vmul.f32 v58, v58  }
0x1f0: {  	v55 =	vmul.f32 v48, v48;
	v34 =	vld [tilespmem:$0x54B0];
	v29 =	vadd.f32 v59, v29;
	v21 =	vadd.f32 v5, v21  }
0x1f1: {  	v22 =	vmax.f32 v22, v5;
	v23 =	vadd.f32 v39, v23;
	v24 =	vadd.f32 v52, v24  }
0x1f2: {  	v22 =	vmax.f32 v22, v38;
	v29 =	vadd.f32 v62, v29;
	v21 =	vadd.f32 v38, v21  }
0x1f3: {  	v0 =	vld [tilespmem:$0x57A0];
	v22 =	vmax.f32 v22, v40;
	v23 =	vadd.f32 v41, v23;
	v24 =	vadd.f32 v56, v24  }
0x1f4: {  	v3 =	vld [tilespmem:$0x5820];
	v62 =	vmul.f32 v33, v33;
	v29 =	vadd.f32 v1, v29;
	v21 =	vadd.f32 v40, v21  }
0x1f5: {  	v5 =	vld [tilespmem:$0x58A0];
	v22 =	vmax.f32 v22, v43;
	v1 =	vadd.f32 v34, v33;
	v23 =	vadd.f32 v44, v23  }
0x1f6: {  	v61 =	vld [tilespmem:$0x5D10];
	v22 =	vmax.f32 v22, v46;
	v24 =	vadd.f32 v60, v24;
	v21 =	vadd.f32 v43, v21  }
0x1f7: {  	v33 =	vmax.f32 v33, v34;
	v22 =	vmax.f32 v22, v53;
	v44 =	vld [tilespmem:$0x5D90];
	v23 =	vadd.f32 v47, v23  }
0x1f8: {  	v40 =	vmul.f32 v0, v0;
	v24 =	vadd.f32 v0, v24;
	v43 =	vld [tilespmem:$0x5920];
	v21 =	vadd.f32 v46, v21  }
0x1f9: {  	v22 =	vmax.f32 v22, v58;
	v29 =	vadd.f32 v4, v29;
	v23 =	vadd.f32 v50, v23  }
0x1fa: {  	v49 =	vmul.f32 v5, v5;
	v24 =	vadd.f32 v3, v24;
	v21 =	vadd.f32 v53, v21  }
0x1fb: {  	v22 =	vmax.f32 v22, v61;
	v47 =	vmul.f32 v61, v61;
	v23 =	vadd.f32 v57, v23  }
0x1fc: {  	v46 =	vmul.f32 v3, v3;
	v24 =	vadd.f32 v5, v24;
	v53 =	vld [tilespmem:$0x5AA0];
	v21 =	vadd.f32 v58, v21  }
0x1fd: {  	v50 =	vld [tilespmem:$0x5A20];
	v30 =	vmul.f32 v44, v44;
	v51 =	vmul.f32 v43, v43;
	v23 =	vadd.f32 v63, v23  }
0x1fe: {  	v24 =	vadd.f32 v43, v24;
	v41 =	vadd.f32 v61, v21;
	v21 =	vmax.f32 v42, v45  }
0x1ff: {  	v63 =	vmul.f32 v34, v34;
	v45 =	vadd.f32 v40, v29;
	v21 =	vmax.f32 v21, v31  }
0x200: {  	v57 =	vld [tilespmem:$0x5B20];
	v23 =	vadd.f32 v2, v23;
	v24 =	vadd.f32 v48, v24;
	v21 =	vmax.f32 v21, v52  }
0x201: {  	v61 =	vld [tilespmem:$0x5C20];
	v59 =	vmul.f32 v53, v53;
	v28 =	vadd.f32 v46, v45;
	v21 =	vmax.f32 v21, v56  }
0x202: {  	v31 =	vld [tilespmem:$0x5530];
	v23 =	vadd.f32 v47, v23;
	v24 =	vadd.f32 v50, v24;
	v27 =	vmax.f32 v21, v60  }
0x203: {  	v38 =	vld [tilespmem:$0x5630];
	v28 =	vadd.f32 v49, v28;
	v21 =	vmax.f32 v22, v44;
	v22 =	vadd.f32 v44, v41  }
0x204: {  	v45 =	vld [tilespmem:$0x5CA0];
	v56 =	vmul.f32 v50, v50;
	v23 =	vadd.f32 v30, v23;
	v24 =	vadd.f32 v53, v24  }
0x205: {  	v60 =	vld [tilespmem:$0x5BA0];
	v30 =	vadd.f32 v63, v62;
	v52 =	vmax.f32 v27, v0;
	v0 =	vmul.f32 v57, v57  }
0x206: {  	v49 =	vmul.f32 v61, v61;
	v54 =	vmax.f32 v52, v3;
	v28 =	vadd.f32 v51, v28  }
0x207: {  	v27 =	vld [tilespmem:$0x55B0];
	v24 =	vadd.f32 v57, v24;
	v2 =	vmul.f32 v31, v31;
	v4 =	vadd.f32 v31, v1  }
0x208: {  	v40 =	vld [tilespmem:$0x5AB0];
	v51 =	vmul.f32 v38, v38;
	v31 =	vmax.f32 v33, v31;
	v32 =	vmax.f32 v54, v5  }
0x209: {  	v1 =	vld [tilespmem:$0x59B0];
	v26 =	vmax.f32 v32, v43;
	v28 =	vadd.f32 v55, v28;
	v30 =	vadd.f32 v2, v30  }
0x20a: {  	v5 =	vld [tilespmem:$0x56B0];
	v55 =	vmul.f32 v45, v45;
	v26 =	vmax.f32 v26, v48;
	v3 =	vmul.f32 v60, v60  }
0x20b: {  	v63 =	vld [tilespmem:$0x5930];
	v24 =	vadd.f32 v60, v24;
	v25 =	vmax.f32 v26, v50;
	v58 =	vadd.f32 v56, v28  }
0x20c: {  	v48 =	vld [tilespmem:$0x5730];
	v46 =	vmul.f32 v27, v27;
	v47 =	vadd.f32 v27, v4;
	v27 =	vmax.f32 v31, v27  }
0x20d: {  	v50 =	vld [tilespmem:$0x5D20];
	v25 =	vmax.f32 v25, v53;
	v24 =	vadd.f32 v61, v24;
	v27 =	vmax.f32 v27, v38  }
0x20e: {  	v56 =	vld [tilespmem:$0x5830];
	v44 =	vmul.f32 v1, v1;
	v26 =	vadd.f32 v59, v58;
	v25 =	vmax.f32 v25, v57  }
0x20f: {  	v43 =	vld [tilespmem:$0x5B30];
	v30 =	vadd.f32 v46, v30;
	v52 =	vadd.f32 v38, v47;
	v54 =	vmul.f32 v5, v5  }
0x210: {  	v53 =	vld [tilespmem:$0x57B0];
	v38 =	vmul.f32 v63, v63;
	v25 =	vmax.f32 v25, v60;
	v24 =	vadd.f32 v45, v24  }
0x211: {  	v58 =	vld [tilespmem:$0x58B0];
	v26 =	vadd.f32 v0, v26;
	v25 =	vmax.f32 v25, v61;
	v30 =	vadd.f32 v51, v30  }
0x212: {  	v59 =	vld [tilespmem:$0x5DA0];
	v28 =	vadd.f32 v5, v52;
	v57 =	vmul.f32 v48, v48;
	v25 =	vmax.f32 v25, v45  }
0x213: {  	v35 =	vld [tilespmem:$0x55C0];
	v39 =	vadd.f32 v50, v24;
	v62 =	vmul.f32 v50, v50;
	v0 =	vmul.f32 v56, v56  }
0x214: {  	v36 =	vld [tilespmem:$0x54C0];
	v26 =	vadd.f32 v3, v26;
	v30 =	vadd.f32 v54, v30;
	v25 =	vmax.f32 v25, v50  }
0x215: {  	v31 =	vld [tilespmem:$0x5540];
	v28 =	vadd.f32 v48, v28;
	v61 =	vmul.f32 v53, v53;
	v3 =	vmax.f32 v27, v5  }
0x216: {  	v51 =	vld [tilespmem:$0x5C30];
	v50 =	vmul.f32 v43, v43;
	v2 =	vmul.f32 v58, v58;
	v37 =	vmax.f32 v3, v48  }
0x217: {  	v5 =	vld [tilespmem:$0x5A30];
	v45 =	vmul.f32 v59, v59;
	v48 =	vmul.f32 v40, v40;
	v26 =	vadd.f32 v49, v26  }
0x218: {  	v60 =	vadd.f32 v57, v30;
	v28 =	vadd.f32 v53, v28;
	v29 =	vmax.f32 v37, v53  }
0x219: {  	v53 =	vmul.f32 v36, v36;
	v29 =	vmax.f32 v29, v56;
	v26 =	vadd.f32 v55, v26  }
0x21a: {  	v37 =	vld [tilespmem:$0x5440];
	v24 =	vadd.f32 v61, v60;
	v28 =	vadd.f32 v56, v28;
	v56 =	vmul.f32 v31, v31  }
0x21b: {  	v49 =	vld [tilespmem:$0x5BB0];
	v29 =	vmax.f32 v29, v58;
	v60 =	vmul.f32 v35, v35;
	v61 =	vmul.f32 v51, v51  }
0x21c: {  	v29 =	vmax.f32 v29, v63;
	v46 =	vmul.f32 v5, v5;
	v26 =	vadd.f32 v62, v26  }
0x21d: {  	v30 =	vadd.f32 v0, v24;
	v4 =	vadd.f32 v58, v28;
	v29 =	vmax.f32 v29, v1  }
0x21e: {  	v55 =	vld [tilespmem:$0x5CB0];
	v24 =	vmax.f32 v25, v59;
	v25 =	vadd.f32 v59, v39;
	v28 =	vmax.f32 v29, v5  }
0x21f: {  	v52 =	vmul.f32 v37, v37;
	v30 =	vadd.f32 v2, v30;
	v27 =	vadd.f32 v63, v4  }
0x220: {  	v54 =	vadd.f32 v36, v37;
	v57 =	vmul.f32 v49, v49;
	v36 =	vmax.f32 v37, v36  }
0x221: {  	v28 =	vmax.f32 v28, v40;
	v30 =	vadd.f32 v38, v30;
	v27 =	vadd.f32 v1, v27  }
0x222: {  	v58 =	vld [tilespmem:$0x56C0];
	v26 =	vadd.f32 v45, v26;
	v28 =	vmax.f32 v28, v43;
	v33 =	vadd.f32 v31, v54  }
0x223: {  	v62 =	vld [tilespmem:$0x5740];
	v2 =	vmul.f32 v55, v55;
	v30 =	vadd.f32 v44, v30;
	v27 =	vadd.f32 v5, v27  }
0x224: {  	v4 =	vld [tilespmem:$0x5840];
	v31 =	vmax.f32 v36, v31;
	v38 =	vadd.f32 v53, v52;
	v28 =	vmax.f32 v28, v49  }
0x225: {  	v31 =	vmax.f32 v31, v35;
	v47 =	vadd.f32 v46, v30;
	v27 =	vadd.f32 v40, v27;
	v40 =	vld [tilespmem:$0x5640]  }
0x226: {  	v1 =	vld [tilespmem:$0x57C0];
	v33 =	vadd.f32 v35, v33;
	v28 =	vmax.f32 v28, v51;
	v59 =	vadd.f32 v56, v38  }
0x227: {  	v3 =	vmul.f32 v58, v58;
	v44 =	vld [tilespmem:$0x5DB0];
	v29 =	vadd.f32 v48, v47;
	v27 =	vadd.f32 v43, v27  }
0x228: {  	v28 =	vmax.f32 v28, v55;
	v5 =	vmul.f32 v62, v62;
	v32 =	vadd.f32 v60, v59;
	v43 =	vld [tilespmem:$0x5D30]  }
0x229: {  	v56 =	vld [tilespmem:$0x59C0];
	v54 =	vmul.f32 v4, v4;
	v29 =	vadd.f32 v50, v29;
	v27 =	vadd.f32 v49, v27  }
0x22a: {  	v53 =	vld [tilespmem:$0x5940];
	v63 =	vmul.f32 v40, v40;
	v0 =	vadd.f32 v40, v33;
	v31 =	vmax.f32 v31, v40  }
0x22b: {  	v50 =	vld [tilespmem:$0x58C0];
	v29 =	vadd.f32 v57, v29;
	v27 =	vadd.f32 v51, v27;
	v51 =	vmul.f32 v1, v1  }
0x22c: {  	v31 =	vmax.f32 v31, v58;
	v32 =	vadd.f32 v63, v32;
	v30 =	vadd.f32 v58, v0  }
0x22d: {  	v60 =	vld [tilespmem:$0x5A40];
	v28 =	vmax.f32 v28, v43;
	v52 =	vmul.f32 v43, v43;
	v58 =	vmax.f32 v31, v62  }
0x22e: {  	v34 =	vld [tilespmem:$0x5450];
	v63 =	vmul.f32 v56, v56;
	v0 =	vmul.f32 v44, v44;
	v29 =	vadd.f32 v61, v29  }
0x22f: {  	v27 =	vadd.f32 v55, v27;
	v33 =	vmax.f32 v58, v1;
	v61 =	vmul.f32 v53, v53  }
0x230: {  	v39 =	vld [tilespmem:$0x55D0];
	v32 =	vadd.f32 v3, v32;
	v49 =	vadd.f32 v62, v30;
	v57 =	vmul.f32 v50, v50  }
0x231: {  	v35 =	vld [tilespmem:$0x54D0];
	v33 =	vmax.f32 v33, v4;
	v29 =	vadd.f32 v2, v29;
	v48 =	vadd.f32 v43, v27  }
0x232: {  	v62 =	vld [tilespmem:$0x5AC0];
	v30 =	vmax.f32 v33, v50;
	v2 =	vmul.f32 v60, v60;
	v32 =	vadd.f32 v5, v32  }
0x233: {  	v58 =	vld [tilespmem:$0x5750];
	v27 =	vadd.f32 v1, v49;
	v30 =	vmax.f32 v30, v53;
	v5 =	vmul.f32 v34, v34  }
0x234: {  	v1 =	vld [tilespmem:$0x5B40];
	v29 =	vadd.f32 v52, v29;
	v30 =	vmax.f32 v30, v56;
	v32 =	vadd.f32 v51, v32  }
0x235: {  	v38 =	vld [tilespmem:$0x5550];
	v55 =	vadd.f32 v4, v27;
	v27 =	vmax.f32 v28, v44;
	v28 =	vadd.f32 v44, v48  }
0x236: {  	v3 =	vld [tilespmem:$0x5BC0];
	v30 =	vmax.f32 v30, v60;
	v48 =	vmul.f32 v35, v35;
	v29 =	vadd.f32 v0, v29  }
0x237: {  	v52 =	vld [tilespmem:$0x5C40];
	v30 =	vmax.f32 v30, v62;
	v4 =	vmul.f32 v62, v62;
	v32 =	vadd.f32 v54, v32  }
0x238: {  	v51 =	vld [tilespmem:$0x5650];
	v0 =	vmul.f32 v58, v58;
	v59 =	vadd.f32 v50, v55;
	v50 =	vadd.f32 v35, v34  }
0x239: {  	v40 =	vadd.f32 v48, v5;
	v34 =	vmax.f32 v34, v35;
	v49 =	vmul.f32 v1, v1  }
0x23a: {  	v45 =	vld [tilespmem:$0x5CC0];
	v30 =	vmax.f32 v30, v1;
	v34 =	vmax.f32 v34, v38;
	v32 =	vadd.f32 v57, v32  }
0x23b: {  	v55 =	vld [tilespmem:$0x56D0];
	v31 =	vadd.f32 v53, v59;
	v53 =	vmul.f32 v38, v38;
	v54 =	vadd.f32 v38, v50  }
0x23c: {  	v57 =	vmul.f32 v39, v39;
	v30 =	vmax.f32 v30, v3;
	v34 =	vmax.f32 v34, v39  }
0x23d: {  	v59 =	vld [tilespmem:$0x5D40];
	v46 =	vmul.f32 v52, v52;
	v30 =	vmax.f32 v30, v52;
	v34 =	vmax.f32 v34, v51  }
0x23e: {  	v47 =	vld [tilespmem:$0x57D0];
	v32 =	vadd.f32 v61, v32;
	v31 =	vadd.f32 v56, v31;
	v56 =	vmul.f32 v3, v3  }
0x23f: {  	v40 =	vadd.f32 v53, v40;
	v33 =	vadd.f32 v39, v54;
	v30 =	vmax.f32 v30, v45  }
0x240: {  	v61 =	vmul.f32 v55, v55;
	v34 =	vmax.f32 v34, v55;
	v32 =	vadd.f32 v63, v32  }
0x241: {  	v31 =	vadd.f32 v60, v31;
	v40 =	vadd.f32 v57, v40;
	v60 =	vmul.f32 v51, v51;
	v63 =	vld [tilespmem:$0x5850]  }
0x242: {  	v41 =	vld [tilespmem:$0x5460];
	v33 =	vadd.f32 v51, v33;
	v34 =	vmax.f32 v34, v58;
	v30 =	vmax.f32 v30, v59  }
0x243: {  	v50 =	vld [tilespmem:$0x59D0];
	v34 =	vmax.f32 v34, v47;
	v32 =	vadd.f32 v2, v32;
	v31 =	vadd.f32 v62, v31  }
0x244: {  	v40 =	vadd.f32 v60, v40;
	v62 =	vmul.f32 v45, v45;
	v33 =	vadd.f32 v55, v33;
	v55 =	vld [tilespmem:$0x5AD0]  }
0x245: {  	v2 =	vmul.f32 v47, v47;
	v32 =	vadd.f32 v4, v32;
	v31 =	vadd.f32 v1, v31;
	v1 =	vld [tilespmem:$0x58D0]  }
0x246: {  	v40 =	vadd.f32 v61, v40;
	v33 =	vadd.f32 v58, v33;
	v4 =	vld [tilespmem:$0x5DC0];
	v48 =	vmul.f32 v63, v63  }
0x247: {  	v42 =	vld [tilespmem:$0x54E0];
	v34 =	vmax.f32 v34, v63;
	v32 =	vadd.f32 v49, v32;
	v31 =	vadd.f32 v3, v31  }
0x248: {  	v39 =	vld [tilespmem:$0x5560];
	v40 =	vadd.f32 v0, v40;
	v33 =	vadd.f32 v47, v33;
	v49 =	vmul.f32 v59, v59  }
0x249: {  	v3 =	vld [tilespmem:$0x5950];
	v0 =	vmul.f32 v41, v41;
	v32 =	vadd.f32 v56, v32;
	v31 =	vadd.f32 v52, v31  }
0x24a: {  	v61 =	vmul.f32 v55, v55;
	v5 =	vadd.f32 v2, v40;
	v33 =	vadd.f32 v63, v33  }
0x24b: {  	v56 =	vmul.f32 v50, v50;
	v51 =	vmul.f32 v1, v1;
	v30 =	vmax.f32 v30, v4  }
0x24c: {  	v52 =	vld [tilespmem:$0x5A50];
	v34 =	vmax.f32 v34, v1;
	v60 =	vmul.f32 v4, v4;
	v32 =	vadd.f32 v46, v32  }
0x24d: {  	v31 =	vadd.f32 v45, v31;
	v33 =	vadd.f32 v1, v33;
	v1 =	vmul.f32 v42, v42  }
0x24e: {  	v38 =	vadd.f32 v48, v5;
	v5 =	vmul.f32 v39, v39;
	v54 =	vmul.f32 v3, v3  }
0x24f: {  	v40 =	vld [tilespmem:$0x55E0];
	v34 =	vmax.f32 v34, v3;
	v32 =	vadd.f32 v62, v32;
	v31 =	vadd.f32 v59, v31  }
0x250: {  	v53 =	vadd.f32 v51, v38;
	v33 =	vadd.f32 v3, v33;
	v34 =	vmax.f32 v34, v50  }
0x251: {  	v47 =	vld [tilespmem:$0x5660];
	v3 =	vadd.f32 v42, v41;
	v41 =	vmax.f32 v41, v42;
	v58 =	vmul.f32 v52, v52  }
0x252: {  	v59 =	vld [tilespmem:$0x5B50];
	v34 =	vmax.f32 v34, v52;
	v32 =	vadd.f32 v49, v32;
	v37 =	vadd.f32 v54, v53  }
0x253: {  	v62 =	vld [tilespmem:$0x5BD0];
	v31 =	vadd.f32 v4, v31;
	v33 =	vadd.f32 v50, v33;
	v34 =	vmax.f32 v34, v55  }
0x254: {  	v63 =	vld [tilespmem:$0x5C50];
	v4 =	vadd.f32 v1, v0;
	v53 =	vadd.f32 v39, v3;
	v54 =	vmul.f32 v40, v40  }
0x255: {  	v46 =	vld [tilespmem:$0x56E0];
	v39 =	vmax.f32 v41, v39;
	v57 =	vadd.f32 v56, v37;
	v33 =	vadd.f32 v52, v33  }
0x256: {  	v49 =	vld [tilespmem:$0x5D50];
	v39 =	vmax.f32 v39, v40;
	v32 =	vadd.f32 v60, v32;
	v38 =	vadd.f32 v5, v4  }
0x257: {  	v50 =	vld [tilespmem:$0x5860];
	v39 =	vmax.f32 v39, v47;
	v34 =	vmax.f32 v34, v59;
	v2 =	vmul.f32 v59, v59  }
0x258: {  	v48 =	vld [tilespmem:$0x5CD0];
	v52 =	vmul.f32 v62, v62;
	v35 =	vadd.f32 v58, v57;
	v33 =	vadd.f32 v55, v33  }
0x259: {  	v56 =	vld [tilespmem:$0x5760];
	v34 =	vmax.f32 v34, v62;
	v55 =	vadd.f32 v40, v53;
	v57 =	vmul.f32 v63, v63  }
0x25a: {  	v38 =	vadd.f32 v54, v38;
	v58 =	vmul.f32 v47, v47;
	v53 =	vmax.f32 v39, v46  }
0x25b: {  	v60 =	vld [tilespmem:$0x57E0];
	v34 =	vmax.f32 v34, v63;
	v3 =	vmul.f32 v49, v49;
	v35 =	vadd.f32 v61, v35  }
0x25c: {  	v5 =	vmul.f32 v50, v50;
	v33 =	vadd.f32 v59, v33;
	v59 =	vadd.f32 v47, v55  }
0x25d: {  	v54 =	vld [tilespmem:$0x5A60];
	v38 =	vadd.f32 v58, v38;
	v61 =	vmul.f32 v46, v46;
	v34 =	vmax.f32 v34, v48  }
0x25e: {  	v40 =	vld [tilespmem:$0x5570];
	v34 =	vmax.f32 v34, v49;
	v55 =	vmax.f32 v53, v56;
	v35 =	vadd.f32 v2, v35  }
0x25f: {  	v0 =	vld [tilespmem:$0x58E0];
	v33 =	vadd.f32 v62, v33;
	v62 =	vmul.f32 v48, v48;
	v36 =	vadd.f32 v46, v59  }
0x260: {  	v4 =	vld [tilespmem:$0x5960];
	v38 =	vadd.f32 v61, v38;
	v2 =	vmul.f32 v60, v60;
	v37 =	vmax.f32 v55, v60  }
0x261: {  	v37 =	vmax.f32 v37, v50;
	v35 =	vadd.f32 v52, v35;
	v33 =	vadd.f32 v63, v33  }
0x262: {  	v51 =	vld [tilespmem:$0x5DD0];
	v61 =	vmul.f32 v54, v54;
	v63 =	vmul.f32 v56, v56;
	v36 =	vadd.f32 v56, v36  }
0x263: {  	v46 =	vld [tilespmem:$0x5470];
	v55 =	vmul.f32 v40, v40;
	v35 =	vadd.f32 v57, v35;
	v33 =	vadd.f32 v48, v33  }
0x264: {  	v58 =	vld [tilespmem:$0x5B60];
	v52 =	vmul.f32 v0, v0;
	v1 =	vadd.f32 v63, v38;
	v36 =	vadd.f32 v60, v36  }
0x265: {  	v45 =	vld [tilespmem:$0x54F0];
	v56 =	vmul.f32 v4, v4;
	v35 =	vadd.f32 v62, v35;
	v48 =	vadd.f32 v49, v33  }
0x266: {  	v37 =	vmax.f32 v37, v0;
	v57 =	vld [tilespmem:$0x5AE0];
	v33 =	vadd.f32 v2, v1;
	v36 =	vadd.f32 v50, v36  }
0x267: {  	v37 =	vmax.f32 v37, v4;
	v60 =	vmul.f32 v51, v51;
	v49 =	vld [tilespmem:$0x59E0];
	v35 =	vadd.f32 v3, v35  }
0x268: {  	v2 =	vmul.f32 v46, v46;
	v38 =	vadd.f32 v5, v33;
	v36 =	vadd.f32 v0, v36  }
0x269: {  	v44 =	vld [tilespmem:$0x55F0];
	v33 =	vmax.f32 v34, v51;
	v34 =	vadd.f32 v51, v48;
	v0 =	vmul.f32 v58, v58  }
0x26a: {  	v63 =	vld [tilespmem:$0x5BE0];
	v3 =	vmul.f32 v45, v45;
	v38 =	vadd.f32 v52, v38;
	v36 =	vadd.f32 v4, v36  }
0x26b: {  	v62 =	vmul.f32 v57, v57;
	v35 =	vadd.f32 v60, v35;
	v4 =	vadd.f32 v45, v46  }
0x26c: {  	v1 =	vld [tilespmem:$0x5C60];
	v47 =	vadd.f32 v3, v2;
	v45 =	vmax.f32 v46, v45;
	v59 =	vmul.f32 v49, v49  }
0x26d: {  	v52 =	vld [tilespmem:$0x5D60];
	v37 =	vmax.f32 v37, v49;
	v38 =	vadd.f32 v56, v38;
	v36 =	vadd.f32 v49, v36  }
0x26e: {  	v37 =	vmax.f32 v37, v54;
	v49 =	vld [tilespmem:$0x5670];
	v43 =	vadd.f32 v40, v4;
	v40 =	vmax.f32 v45, v40  }
0x26f: {  	v56 =	vmul.f32 v63, v63;
	v37 =	vmax.f32 v37, v57;
	v40 =	vmax.f32 v40, v44  }
0x270: {  	v5 =	vld [tilespmem:$0x5CE0];
	v38 =	vadd.f32 v59, v38;
	v36 =	vadd.f32 v54, v36;
	v37 =	vmax.f32 v37, v58  }
0x271: {  	v59 =	vmul.f32 v1, v1;
	v43 =	vadd.f32 v44, v43;
	v37 =	vmax.f32 v37, v63  }
0x272: {  	v51 =	vld [tilespmem:$0x56F0];
	v54 =	vmul.f32 v52, v52;
	v38 =	vadd.f32 v61, v38;
	v36 =	vadd.f32 v57, v36  }
0x273: {  	v57 =	vadd.f32 v55, v47;
	v37 =	vmax.f32 v37, v1;
	v61 =	vmul.f32 v49, v49  }
0x274: {  	v60 =	vld [tilespmem:$0x5770];
	v38 =	vadd.f32 v62, v38;
	v36 =	vadd.f32 v58, v36;
	v58 =	vmul.f32 v44, v44  }
0x275: {  	v37 =	vmax.f32 v37, v5;
	v40 =	vmax.f32 v40, v49;
	v62 =	vadd.f32 v49, v43  }
0x276: {  	v42 =	vld [tilespmem:$0x5870];
	v37 =	vmax.f32 v37, v52;
	v38 =	vadd.f32 v0, v38;
	v41 =	vadd.f32 v58, v57  }
0x277: {  	v43 =	vld [tilespmem:$0x57F0];
	v40 =	vmax.f32 v40, v51;
	v36 =	vadd.f32 v63, v36;
	v39 =	vadd.f32 v51, v62  }
0x278: {  	v4 =	vld [tilespmem:$0x58F0];
	v0 =	vmul.f32 v51, v51;
	v38 =	vadd.f32 v56, v38;
	v41 =	vadd.f32 v61, v41  }
0x279: {  	v55 =	vld [tilespmem:$0x5970];
	v63 =	vmul.f32 v5, v5;
	v36 =	vadd.f32 v1, v36;
	v3 =	vadd.f32 v60, v39  }
0x27a: {  	v58 =	vld [tilespmem:$0x59F0];
	v1 =	vmul.f32 v60, v60;
	v38 =	vadd.f32 v59, v38;
	v41 =	vadd.f32 v0, v41  }
0x27b: {  	v53 =	vld [tilespmem:$0x5DE0];
	v56 =	vmul.f32 v42, v42;
	v60 =	vmax.f32 v40, v60;
	v36 =	vadd.f32 v5, v36  }
0x27c: {  	v48 =	vld [tilespmem:$0x5F80];
	v5 =	vmul.f32 v43, v43;
	v38 =	vadd.f32 v63, v38;
	v41 =	vadd.f32 v1, v41  }
0x27d: {  	v62 =	vld [tilespmem:$0x5A70];
	v59 =	vmul.f32 v4, v4;
	v2 =	vadd.f32 v52, v36;
	v36 =	vadd.f32 v43, v3  }
0x27e: {  	v0 =	vld [tilespmem:$0x5AF0];
	v43 =	vmax.f32 v60, v43;
	v63 =	vmul.f32 v55, v55;
	v41 =	vadd.f32 v5, v41  }
0x27f: {  	v1 =	vmul.f32 v58, v58;
	v3 =	vld [tilespmem:$0x5B70];
	v38 =	vadd.f32 v54, v38;
	v57 =	vadd.f32 v42, v36  }
0x280: {  	v36 =	vmax.f32 v37, v53;
	v37 =	vadd.f32 v53, v2;
	v42 =	vmax.f32 v43, v42;
	v43 =	vld [tilespmem:$0x5E00]  }
0x281: {  	v44 =	vld [tilespmem:$0x5E80];
	v2 =	vmul.f32 v53, v53;
	v39 =	vmax.f32 v42, v4;
	v41 =	vadd.f32 v56, v41  }
0x282: {  	v47 =	vld [tilespmem:$0x5F00];
	v61 =	vadd.f32 v4, v57;
	v39 =	vmax.f32 v39, v55;
	v4 =	vmul.f32 v62, v62  }
0x283: {  	v5 =	vld [tilespmem:$0x5BF0];
	v38 =	vadd.f32 v2, v38;
	v56 =	vmul.f32 v0, v0;
	v39 =	vmax.f32 v39, v58  }
0x284: {  	v46 =	vld [tilespmem:$0x6100];
	v41 =	vadd.f32 v59, v41;
	v40 =	vadd.f32 v55, v61;
	v39 =	vmax.f32 v39, v62  }
0x285: {  	v45 =	vld [tilespmem:$0x6080];
	v59 =	vmul.f32 v3, v3;
	v39 =	vmax.f32 v39, v0;
	v57 =	vmul.f32 v43, v43  }
0x286: {  	v52 =	vld [tilespmem:$0x6000];
	v60 =	vadd.f32 v44, v43;
	v43 =	vmax.f32 v43, v44;
	v41 =	vadd.f32 v63, v41  }
0x287: {  	v61 =	vld [tilespmem:$0x5C70];
	v40 =	vadd.f32 v58, v40;
	v58 =	vmul.f32 v44, v44;
	v39 =	vmax.f32 v39, v3  }
0x288: {  	v43 =	vmax.f32 v43, v47;
	v63 =	vadd.f32 v47, v60;
	v39 =	vmax.f32 v39, v5  }
0x289: {  	v54 =	vld [tilespmem:$0x5CF0];
	v43 =	vmax.f32 v43, v48;
	v41 =	vadd.f32 v1, v41;
	v40 =	vadd.f32 v62, v40  }
0x28a: {  	v49 =	vadd.f32 v58, v57;
	v62 =	vmul.f32 v47, v47;
	v1 =	vmul.f32 v48, v48  }
0x28b: {  	v58 =	vmul.f32 v46, v46;
	v43 =	vmax.f32 v43, v52;
	v42 =	vadd.f32 v48, v63  }
0x28c: {  	v2 =	vld [tilespmem:$0x5D70];
	v39 =	vmax.f32 v39, v61;
	v55 =	vmul.f32 v61, v61;
	v43 =	vmax.f32 v43, v45  }
0x28d: {  	v41 =	vadd.f32 v4, v41;
	v40 =	vadd.f32 v0, v40;
	v0 =	vmul.f32 v5, v5  }
0x28e: {  	v57 =	vld [tilespmem:$0x6200];
	v49 =	vadd.f32 v62, v49;
	v4 =	vmul.f32 v45, v45;
	v39 =	vmax.f32 v39, v54  }
0x28f: {  	v62 =	vld [tilespmem:$0x5DF0];
	v43 =	vmax.f32 v43, v46;
	v42 =	vadd.f32 v52, v42;
	v41 =	vadd.f32 v56, v41  }
0x290: {  	v40 =	vadd.f32 v3, v40;
	v49 =	vadd.f32 v1, v49;
	v3 =	vmul.f32 v52, v52;
	v56 =	vld [tilespmem:$0x6180]  }
0x291: {  	v39 =	vmax.f32 v39, v2;
	v42 =	vadd.f32 v45, v42;
	v41 =	vadd.f32 v59, v41  }
0x292: {  	v1 =	vmul.f32 v2, v2;
	v40 =	vadd.f32 v5, v40;
	v49 =	vadd.f32 v3, v49  }
0x293: {  	v5 =	vmul.f32 v54, v54;
	v59 =	vld [tilespmem:$0x6280];
	v42 =	vadd.f32 v46, v42;
	v41 =	vadd.f32 v0, v41  }
0x294: {  	v50 =	vld [tilespmem:$0x5E10];
	v39 =	vmax.f32 v39, v62;
	v40 =	vadd.f32 v61, v40;
	v49 =	vadd.f32 v4, v49  }
0x295: {  	v61 =	vld [tilespmem:$0x6300];
	v0 =	vmul.f32 v57, v57;
	v60 =	vmul.f32 v56, v56;
	v42 =	vadd.f32 v56, v42  }
0x296: {  	v4 =	vld [tilespmem:$0x6400];
	v43 =	vmax.f32 v43, v56;
	v41 =	vadd.f32 v55, v41;
	v49 =	vadd.f32 v58, v49  }
0x297: {  	v51 =	vld [tilespmem:$0x5E90];
	v40 =	vadd.f32 v54, v40;
	v43 =	vmax.f32 v43, v57;
	v42 =	vadd.f32 v57, v42  }
0x298: {  	v56 =	vld [tilespmem:$0x6480];
	v3 =	vmul.f32 v59, v59;
	v41 =	vadd.f32 v5, v41;
	v63 =	vadd.f32 v60, v49  }
0x299: {  	v43 =	vmax.f32 v43, v59;
	v40 =	vadd.f32 v2, v40;
	v2 =	vld [tilespmem:$0x6380];
	v42 =	vadd.f32 v59, v42  }
0x29a: {  	v52 =	vmul.f32 v61, v61;
	v43 =	vmax.f32 v43, v61;
	v47 =	vadd.f32 v0, v63  }
0x29b: {  	v60 =	vld [tilespmem:$0x6500];
	v59 =	vmul.f32 v4, v4;
	v41 =	vadd.f32 v1, v41;
	v40 =	vadd.f32 v62, v40  }
0x29c: {  	v48 =	vld [tilespmem:$0x5F10];
	v0 =	vmul.f32 v50, v50;
	v1 =	vmul.f32 v51, v51;
	v42 =	vadd.f32 v61, v42  }
0x29d: {  	v61 =	vmul.f32 v62, v62;
	v62 =	vmul.f32 v56, v56;
	v5 =	vadd.f32 v3, v47  }
0x29e: {  	v55 =	vld [tilespmem:$0x6090];
	v3 =	vadd.f32 v51, v50;
	v50 =	vmax.f32 v50, v51;
	v42 =	vadd.f32 v2, v42  }
0x29f: {  	v57 =	vmul.f32 v2, v2;
	v43 =	vmax.f32 v43, v2;
	v46 =	vadd.f32 v52, v5  }
0x2a0: {  	v63 =	vld [tilespmem:$0x6580];
	v41 =	vadd.f32 v61, v41;
	v2 =	vmul.f32 v60, v60;
	v42 =	vadd.f32 v4, v42  }
0x2a1: {  	v49 =	vld [tilespmem:$0x5F90];
	v43 =	vmax.f32 v43, v4;
	v61 =	vadd.f32 v48, v3;
	v58 =	vadd.f32 v57, v46  }
0x2a2: {  	v45 =	vld [tilespmem:$0x6600];
	v5 =	vmul.f32 v48, v48;
	v4 =	vadd.f32 v1, v0;
	v42 =	vadd.f32 v56, v42  }
0x2a3: {  	v3 =	vmul.f32 v55, v55;
	v43 =	vmax.f32 v43, v56;
	v56 =	vld [tilespmem:$0x6010];
	v44 =	vadd.f32 v59, v58  }
0x2a4: {  	v53 =	vld [tilespmem:$0x6110];
	v43 =	vmax.f32 v43, v60;
	v47 =	vadd.f32 v5, v4;
	v42 =	vadd.f32 v60, v42  }
0x2a5: {  	v43 =	vmax.f32 v43, v63;
	v60 =	vmul.f32 v63, v63;
	v44 =	vadd.f32 v62, v44  }
0x2a6: {  	v57 =	vld [tilespmem:$0x6680];
	v62 =	vmul.f32 v49, v49;
	v42 =	vadd.f32 v63, v42;
	v63 =	vadd.f32 v49, v61  }
0x2a7: {  	v48 =	vmax.f32 v50, v48;
	v0 =	vmul.f32 v45, v45;
	v44 =	vadd.f32 v2, v44  }
0x2a8: {  	v51 =	vld [tilespmem:$0x6310];
	v47 =	vadd.f32 v62, v47;
	v1 =	vmul.f32 v56, v56;
	v2 =	vadd.f32 v56, v63  }
0x2a9: {  	v48 =	vmax.f32 v48, v49;
	v46 =	vld [tilespmem:$0x6190];
	v5 =	vmul.f32 v53, v53;
	v42 =	vadd.f32 v45, v42  }
0x2aa: {  	v58 =	vld [tilespmem:$0x6700];
	v43 =	vmax.f32 v43, v45;
	v47 =	vadd.f32 v1, v47;
	v45 =	vadd.f32 v55, v2  }
0x2ab: {  	v59 =	vld [tilespmem:$0x6210];
	v43 =	vmax.f32 v43, v57;
	v4 =	vmul.f32 v57, v57;
	v44 =	vadd.f32 v60, v44  }
0x2ac: {  	v54 =	vld [tilespmem:$0x6290];
	v48 =	vmax.f32 v48, v56;
	v47 =	vadd.f32 v3, v47;
	v45 =	vadd.f32 v53, v45  }
0x2ad: {  	v62 =	vmul.f32 v51, v51;
	v42 =	vadd.f32 v57, v42;
	v44 =	vadd.f32 v0, v44  }
0x2ae: {  	v49 =	vld [tilespmem:$0x6390];
	v0 =	vmul.f32 v46, v46;
	v63 =	vadd.f32 v5, v47;
	v45 =	vadd.f32 v46, v45  }
0x2af: {  	v43 =	vmax.f32 v43, v58;
	v1 =	vmul.f32 v58, v58;
	v57 =	vadd.f32 v58, v42  }
0x2b0: {  	v60 =	vld [tilespmem:$0x6780];
	v2 =	vmul.f32 v59, v59;
	v42 =	vadd.f32 v0, v63;
	v45 =	vadd.f32 v59, v45  }
0x2b1: {  	v3 =	vmul.f32 v54, v54;
	v58 =	vld [tilespmem:$0x6020];
	v44 =	vadd.f32 v4, v44;
	v4 =	vmax.f32 v48, v55  }
0x2b2: {  	v5 =	vld [tilespmem:$0x6410];
	v61 =	vmax.f32 v4, v53;
	v47 =	vadd.f32 v2, v42;
	v45 =	vadd.f32 v54, v45  }
0x2b3: {  	v44 =	vadd.f32 v1, v44;
	v63 =	vld [tilespmem:$0x6490];
	v46 =	vmax.f32 v61, v46;
	v1 =	vmul.f32 v49, v49  }
0x2b4: {  	v0 =	vld [tilespmem:$0x6510];
	v46 =	vmax.f32 v46, v59;
	v47 =	vadd.f32 v3, v47;
	v45 =	vadd.f32 v51, v45  }
0x2b5: {  	v55 =	vld [tilespmem:$0x5E20];
	v42 =	vmax.f32 v43, v60;
	v2 =	vmul.f32 v60, v60;
	v46 =	vmax.f32 v46, v54  }
0x2b6: {  	v54 =	vld [tilespmem:$0x5EA0];
	v46 =	vmax.f32 v46, v51;
	v47 =	vadd.f32 v62, v47;
	v45 =	vadd.f32 v49, v45  }
0x2b7: {  	v43 =	vadd.f32 v60, v57;
	v44 =	vadd.f32 v2, v44;
	v46 =	vmax.f32 v46, v49;
	v49 =	vld [tilespmem:$0x5F20]  }
0x2b8: {  	v53 =	vld [tilespmem:$0x5FA0];
	v3 =	vmul.f32 v5, v5;
	v47 =	vadd.f32 v1, v47;
	v45 =	vadd.f32 v5, v45  }
0x2b9: {  	v48 =	vld [tilespmem:$0x6610];
	v46 =	vmax.f32 v46, v5;
	v4 =	vmul.f32 v63, v63;
	v61 =	vmul.f32 v0, v0  }
0x2ba: {  	v46 =	vmax.f32 v46, v63;
	v5 =	vld [tilespmem:$0x6590];
	v47 =	vadd.f32 v3, v47;
	v45 =	vadd.f32 v63, v45  }
0x2bb: {  	v60 =	vld [tilespmem:$0x60A0];
	v62 =	vmul.f32 v55, v55;
	v46 =	vmax.f32 v46, v0;
	v63 =	vmul.f32 v54, v54  }
0x2bc: {  	v51 =	vld [tilespmem:$0x6690];
	v47 =	vadd.f32 v4, v47;
	v1 =	vmul.f32 v49, v49;
	v45 =	vadd.f32 v0, v45  }
0x2bd: {  	v4 =	vmul.f32 v53, v53;
	v0 =	vadd.f32 v54, v55;
	v56 =	vadd.f32 v63, v62  }
0x2be: {  	v59 =	vld [tilespmem:$0x6120];
	v62 =	vmul.f32 v58, v58;
	v54 =	vmax.f32 v55, v54;
	v47 =	vadd.f32 v61, v47  }
0x2bf: {  	v46 =	vmax.f32 v46, v5;
	v2 =	vmul.f32 v5, v5;
	v52 =	vadd.f32 v49, v0  }
0x2c0: {  	v45 =	vadd.f32 v5, v45;
	v3 =	vadd.f32 v1, v56;
	v5 =	vmul.f32 v48, v48  }
0x2c1: {  	v46 =	vmax.f32 v46, v48;
	v0 =	vmul.f32 v51, v51;
	v1 =	vmul.f32 v60, v60  }
0x2c2: {  	v61 =	vld [tilespmem:$0x6710];
	v49 =	vmax.f32 v54, v49;
	v47 =	vadd.f32 v2, v47;
	v52 =	vadd.f32 v53, v52  }
0x2c3: {  	v46 =	vmax.f32 v46, v51;
	v2 =	vmul.f32 v59, v59;
	v50 =	vadd.f32 v4, v3  }
0x2c4: {  	v49 =	vmax.f32 v49, v53;
	v45 =	vadd.f32 v48, v45;
	v63 =	vadd.f32 v58, v52;
	v52 =	vld [tilespmem:$0x61A0]  }
0x2c5: {  	v54 =	vld [tilespmem:$0x6320];
	v49 =	vmax.f32 v49, v58;
	v47 =	vadd.f32 v5, v47;
	v50 =	vadd.f32 v62, v50  }
0x2c6: {  	v49 =	vmax.f32 v49, v60;
	v45 =	vadd.f32 v51, v45;
	v51 =	vld [tilespmem:$0x6220];
	v48 =	vadd.f32 v60, v63  }
0x2c7: {  	v62 =	vld [tilespmem:$0x6790];
	v5 =	vmul.f32 v61, v61;
	v47 =	vadd.f32 v0, v47;
	v50 =	vadd.f32 v1, v50  }
0x2c8: {  	v46 =	vmax.f32 v46, v61;
	v57 =	vadd.f32 v61, v45;
	v3 =	vadd.f32 v59, v48;
	v48 =	vld [tilespmem:$0x62A0]  }
0x2c9: {  	v0 =	vld [tilespmem:$0x63A0];
	v47 =	vadd.f32 v5, v47;
	v50 =	vadd.f32 v2, v50;
	v4 =	vmul.f32 v52, v52  }
0x2ca: {  	v53 =	vld [tilespmem:$0x5EB0];
	v5 =	vmul.f32 v54, v54;
	v2 =	vmax.f32 v49, v59;
	v45 =	vadd.f32 v52, v3  }
0x2cb: {  	v60 =	vld [tilespmem:$0x64A0];
	v61 =	vmul.f32 v51, v51;
	v52 =	vmax.f32 v2, v52;
	v50 =	vadd.f32 v4, v50  }
0x2cc: {  	v4 =	vld [tilespmem:$0x6420];
	v63 =	vadd.f32 v51, v45;
	v45 =	vmax.f32 v46, v62;
	v46 =	vadd.f32 v62, v57  }
0x2cd: {  	v51 =	vmax.f32 v52, v51;
	v52 =	vld [tilespmem:$0x5E30];
	v50 =	vadd.f32 v61, v50;
	v1 =	vmul.f32 v48, v48  }
0x2ce: {  	v61 =	vmul.f32 v0, v0;
	v3 =	vadd.f32 v48, v63;
	v48 =	vmax.f32 v51, v48  }
0x2cf: {  	v56 =	vld [tilespmem:$0x5F30];
	v63 =	vmul.f32 v62, v62;
	v50 =	vadd.f32 v1, v50;
	v48 =	vmax.f32 v48, v54  }
0x2d0: {  	v55 =	vld [tilespmem:$0x65A0];
	v1 =	vmul.f32 v60, v60;
	v49 =	vadd.f32 v54, v3;
	v48 =	vmax.f32 v48, v0  }
0x2d1: {  	v57 =	vld [tilespmem:$0x5FB0];
	v47 =	vadd.f32 v63, v47;
	v3 =	vmul.f32 v53, v53;
	v50 =	vadd.f32 v5, v50  }
0x2d2: {  	v54 =	vld [tilespmem:$0x6520];
	v48 =	vmax.f32 v48, v4;
	v2 =	vmul.f32 v52, v52;
	v5 =	vadd.f32 v53, v52  }
0x2d3: {  	v52 =	vmax.f32 v52, v53;
	v49 =	vadd.f32 v0, v49;
	v0 =	vmul.f32 v4, v4  }
0x2d4: {  	v48 =	vmax.f32 v48, v60;
	v52 =	vmax.f32 v52, v56;
	v50 =	vadd.f32 v61, v50  }
0x2d5: {  	v62 =	vld [tilespmem:$0x6620];
	v58 =	vadd.f32 v3, v2;
	v2 =	vmul.f32 v55, v55;
	v49 =	vadd.f32 v4, v49  }
0x2d6: {  	v63 =	vld [tilespmem:$0x66A0];
	v3 =	vmul.f32 v57, v57;
	v52 =	vmax.f32 v52, v57;
	v50 =	vadd.f32 v0, v50  }
0x2d7: {  	v61 =	vld [tilespmem:$0x6030];
	v4 =	vmul.f32 v54, v54;
	v0 =	vmul.f32 v56, v56;
	v49 =	vadd.f32 v60, v49  }
0x2d8: {  	v59 =	vld [tilespmem:$0x6720];
	v48 =	vmax.f32 v48, v54;
	v50 =	vadd.f32 v1, v50;
	v1 =	vadd.f32 v56, v5  }
0x2d9: {  	v48 =	vmax.f32 v48, v55;
	v58 =	vadd.f32 v0, v58;
	v49 =	vadd.f32 v54, v49;
	v54 =	vld [tilespmem:$0x60B0]  }
0x2da: {  	v60 =	vld [tilespmem:$0x62B0];
	v48 =	vmax.f32 v48, v62;
	v5 =	vmul.f32 v62, v62;
	v51 =	vadd.f32 v57, v1  }
0x2db: {  	v48 =	vmax.f32 v48, v63;
	v50 =	vadd.f32 v4, v50;
	v49 =	vadd.f32 v55, v49;
	v55 =	vld [tilespmem:$0x6130]  }
0x2dc: {  	v56 =	vld [tilespmem:$0x6330];
	v58 =	vadd.f32 v3, v58;
	v4 =	vmul.f32 v61, v61;
	v51 =	vadd.f32 v61, v51  }
0x2dd: {  	v52 =	vmax.f32 v52, v61;
	v1 =	vld [tilespmem:$0x61B0];
	v48 =	vmax.f32 v48, v59;
	v50 =	vadd.f32 v2, v50  }
0x2de: {  	v57 =	vld [tilespmem:$0x67A0];
	v58 =	vadd.f32 v4, v58;
	v4 =	vmul.f32 v54, v54;
	v51 =	vadd.f32 v54, v51  }
0x2df: {  	v0 =	vld [tilespmem:$0x6230];
	v61 =	vmul.f32 v60, v60;
	v49 =	vadd.f32 v62, v49;
	v50 =	vadd.f32 v5, v50  }
0x2e0: {  	v58 =	vadd.f32 v4, v58;
	v2 =	vmul.f32 v55, v55;
	v51 =	vadd.f32 v55, v51  }
0x2e1: {  	v5 =	vmul.f32 v63, v63;
	v52 =	vmax.f32 v52, v54;
	v49 =	vadd.f32 v63, v49  }
0x2e2: {  	v4 =	vmul.f32 v1, v1;
	v3 =	vadd.f32 v2, v58;
	v51 =	vadd.f32 v1, v51  }
0x2e3: {  	v63 =	vmul.f32 v56, v56;
	v48 =	vmax.f32 v48, v57;
	v50 =	vadd.f32 v5, v50  }
0x2e4: {  	v62 =	vld [tilespmem:$0x63B0];
	v5 =	vmul.f32 v0, v0;
	v53 =	vadd.f32 v4, v3;
	v51 =	vadd.f32 v0, v51  }
0x2e5: {  	v54 =	vld [tilespmem:$0x6430];
	v52 =	vmax.f32 v52, v55;
	v49 =	vadd.f32 v59, v49;
	v59 =	vmul.f32 v59, v59  }
0x2e6: {  	v55 =	vld [tilespmem:$0x5E40];
	v1 =	vmax.f32 v52, v1;
	v53 =	vadd.f32 v5, v53;
	v51 =	vadd.f32 v60, v51  }
0x2e7: {  	v52 =	vld [tilespmem:$0x64B0];
	v50 =	vadd.f32 v59, v50;
	v49 =	vadd.f32 v57, v49;
	v0 =	vmax.f32 v1, v0  }
0x2e8: {  	v58 =	vld [tilespmem:$0x5EC0];
	v0 =	vmax.f32 v0, v60;
	v53 =	vadd.f32 v61, v53;
	v51 =	vadd.f32 v56, v51  }
0x2e9: {  	v57 =	vmul.f32 v57, v57;
	v5 =	vmul.f32 v62, v62;
	v0 =	vmax.f32 v0, v56  }
0x2ea: {  	v0 =	vmax.f32 v0, v62;
	v56 =	vld [tilespmem:$0x6530];
	v4 =	vadd.f32 v63, v53;
	v51 =	vadd.f32 v62, v51  }
0x2eb: {  	v59 =	vld [tilespmem:$0x5F40];
	v50 =	vadd.f32 v57, v50;
	v61 =	vmul.f32 v54, v54;
	v0 =	vmax.f32 v0, v54  }
0x2ec: {  	v0 =	vmax.f32 v0, v52;
	v1 =	vadd.f32 v5, v4;
	v51 =	vadd.f32 v54, v51  }
0x2ed: {  	v63 =	vmul.f32 v52, v52;
	v53 =	vmul.f32 v55, v55;
	v54 =	vld [tilespmem:$0x65B0];
	v5 =	vadd.f32 v58, v55  }
0x2ee: {  	v4 =	vmul.f32 v58, v58;
	v1 =	vadd.f32 v61, v1;
	v51 =	vadd.f32 v52, v51;
	v52 =	vld [tilespmem:$0x5FC0]  }
0x2ef: {  	v62 =	vld [tilespmem:$0x6040];
	v55 =	vmax.f32 v55, v58;
	v0 =	vmax.f32 v0, v56;
	v3 =	vmul.f32 v56, v56  }
0x2f0: {  	v60 =	vld [tilespmem:$0x60C0];
	v53 =	vadd.f32 v4, v53;
	v4 =	vmul.f32 v59, v59;
	v1 =	vadd.f32 v63, v1  }
0x2f1: {  	v55 =	vmax.f32 v55, v59;
	v5 =	vadd.f32 v59, v5;
	v51 =	vadd.f32 v56, v51;
	v56 =	vld [tilespmem:$0x6630]  }
0x2f2: {  	v53 =	vadd.f32 v4, v53;
	v0 =	vmax.f32 v0, v54;
	v1 =	vadd.f32 v3, v1  }
0x2f3: {  	v57 =	vld [tilespmem:$0x66B0];
	v51 =	vadd.f32 v54, v51;
	v54 =	vmul.f32 v54, v54;
	v4 =	vmul.f32 v52, v52  }
0x2f4: {  	v61 =	vld [tilespmem:$0x6140];
	v58 =	vadd.f32 v52, v5;
	v5 =	vmul.f32 v62, v62;
	v52 =	vmax.f32 v55, v52  }
0x2f5: {  	v1 =	vadd.f32 v54, v1;
	v52 =	vmax.f32 v52, v62;
	v53 =	vadd.f32 v4, v53  }
0x2f6: {  	v55 =	vld [tilespmem:$0x61C0];
	v63 =	vadd.f32 v62, v58;
	v0 =	vmax.f32 v0, v56;
	v4 =	vmul.f32 v60, v60  }
0x2f7: {  	v59 =	vld [tilespmem:$0x6240];
	v51 =	vadd.f32 v56, v51;
	v56 =	vmul.f32 v56, v56;
	v53 =	vadd.f32 v5, v53  }
0x2f8: {  	v58 =	vld [tilespmem:$0x6730];
	v52 =	vmax.f32 v52, v60;
	v0 =	vmax.f32 v0, v57;
	v54 =	vadd.f32 v60, v63  }
0x2f9: {  	v5 =	vmul.f32 v61, v61;
	v1 =	vadd.f32 v56, v1;
	v53 =	vadd.f32 v4, v53  }
0x2fa: {  	v56 =	vld [tilespmem:$0x62C0];
	v51 =	vadd.f32 v57, v51;
	v57 =	vmul.f32 v57, v57;
	v54 =	vadd.f32 v61, v54  }
0x2fb: {  	v62 =	vld [tilespmem:$0x6340];
	v52 =	vmax.f32 v52, v61;
	v4 =	vmul.f32 v55, v55;
	v53 =	vadd.f32 v5, v53  }
0x2fc: {  	v60 =	vld [tilespmem:$0x67B0];
	v52 =	vmax.f32 v52, v55;
	v1 =	vadd.f32 v57, v1;
	v54 =	vadd.f32 v55, v54  }
0x2fd: {  	v0 =	vmax.f32 v0, v58;
	v5 =	vmul.f32 v59, v59;
	v53 =	vadd.f32 v4, v53  }
0x2fe: {  	v51 =	vadd.f32 v58, v51;
	v58 =	vmul.f32 v58, v58;
	v55 =	vld [tilespmem:$0x63C0];
	v54 =	vadd.f32 v59, v54  }
0x2ff: {  	v3 =	vmul.f32 v56, v56;
	v53 =	vadd.f32 v5, v53  }
0x300: {  	v61 =	vld [tilespmem:$0x6440];
	v52 =	vmax.f32 v52, v59;
	v1 =	vadd.f32 v58, v1;
	v54 =	vadd.f32 v56, v54  }
0x301: {  	v57 =	vld [tilespmem:$0x5ED0];
	v51 =	vadd.f32 v60, v51;
	v4 =	vmul.f32 v62, v62;
	v53 =	vadd.f32 v3, v53  }
0x302: {  	v58 =	vld [tilespmem:$0x5E50];
	v56 =	vmax.f32 v52, v56;
	v52 =	vmax.f32 v0, v60;
	v54 =	vadd.f32 v62, v54  }
0x303: {  	v59 =	vld [tilespmem:$0x64C0];
	v60 =	vmul.f32 v60, v60;
	v5 =	vadd.f32 v4, v53;
	v4 =	vmul.f32 v55, v55  }
0x304: {  	v63 =	vld [tilespmem:$0x6540];
	v54 =	vadd.f32 v55, v54  }
0x305: {  	v56 =	vmax.f32 v56, v62;
	v60 =	vadd.f32 v60, v1;
	v53 =	vld [tilespmem:$0x5F50];
	v0 =	vadd.f32 v4, v5  }
0x306: {  	v5 =	vmul.f32 v61, v61;
	v4 =	vmax.f32 v56, v55;
	v54 =	vadd.f32 v61, v54  }
0x307: {  	v62 =	vmul.f32 v58, v58;
	v56 =	vld [tilespmem:$0x5FD0];
	v55 =	vadd.f32 v57, v58;
	v1 =	vmax.f32 v4, v61  }
0x308: {  	[tilespmem:$0x68E0] =	vst v12;
	v12 =	vld [tilespmem:$0x6260];
	v4 =	vmul.f32 v59, v59;
	v5 =	vadd.f32 v5, v0;
	v54 =	vadd.f32 v59, v54  }
0x309: {  	v61 =	vld [tilespmem:$0x65C0];
	v0 =	vmul.f32 v57, v57;
	v1 =	vmax.f32 v1, v59;
	v57 =	vmax.f32 v58, v57  }
0x30a: {  	v59 =	vld [tilespmem:$0x6050];
	v1 =	vmax.f32 v1, v63;
	v55 =	vadd.f32 v53, v55;
	v3 =	vadd.f32 v4, v5  }
0x30b: {  	v58 =	vld [tilespmem:$0x6640];
	v5 =	vadd.f32 v0, v62;
	v4 =	vmul.f32 v53, v53;
	v54 =	vadd.f32 v63, v54  }
0x30c: {  	v63 =	vmul.f32 v63, v63;
	v0 =	vld [tilespmem:$0x60D0];
	v53 =	vmax.f32 v57, v53;
	v62 =	vmul.f32 v56, v56  }
0x30d: {  	[tilespmem:$0x6CE0] =	vst v14;
	v14 =	vld [tilespmem:$0x5F70];
	v55 =	vadd.f32 v56, v55;
	v53 =	vmax.f32 v53, v56;
	v2 =	vadd.f32 v4, v5  }
0x30e: {  	v57 =	vld [tilespmem:$0x6150];
	v3 =	vadd.f32 v63, v3;
	v1 =	vmax.f32 v1, v61;
	v54 =	vadd.f32 v61, v54  }
0x30f: {  	v56 =	vld [tilespmem:$0x66C0];
	v61 =	vmul.f32 v61, v61;
	v5 =	vmul.f32 v59, v59;
	v2 =	vadd.f32 v62, v2  }
0x310: {  	v63 =	vld [tilespmem:$0x61D0];
	v55 =	vadd.f32 v59, v55;
	v53 =	vmax.f32 v53, v59;
	v1 =	vmax.f32 v1, v58  }
0x311: {  	[tilespmem:$0x6950] =	vst v33;
	v33 =	vld [tilespmem:$0x63F0];
	v3 =	vadd.f32 v61, v3;
	v62 =	vmul.f32 v0, v0;
	v2 =	vadd.f32 v5, v2  }
0x312: {  	v59 =	vld [tilespmem:$0x6250];
	v54 =	vadd.f32 v58, v54;
	v58 =	vmul.f32 v58, v58;
	v55 =	vadd.f32 v0, v55  }
0x313: {  	v4 =	vmul.f32 v57, v57;
	v0 =	vmax.f32 v53, v0;
	v53 =	vld [tilespmem:$0x6740];
	v2 =	vadd.f32 v62, v2  }
0x314: {  	v3 =	vadd.f32 v58, v3;
	v0 =	vmax.f32 v0, v57;
	v55 =	vadd.f32 v57, v55;
	v62 =	vld [tilespmem:$0x62D0]  }
0x315: {  	v1 =	vmax.f32 v1, v56;
	v61 =	vmul.f32 v63, v63;
	v57 =	vld [tilespmem:$0x6350];
	v2 =	vadd.f32 v4, v2  }
0x316: {  	[tilespmem:$0x6D50] =	vst v35;
	v35 =	vld [tilespmem:$0x6470];
	v54 =	vadd.f32 v56, v54;
	v56 =	vmul.f32 v56, v56;
	v55 =	vadd.f32 v63, v55  }
0x317: {  	v0 =	vmax.f32 v0, v63;
	v5 =	vmul.f32 v59, v59;
	v2 =	vadd.f32 v61, v2;
	v61 =	vld [tilespmem:$0x63D0]  }
0x318: {  	v58 =	vld [tilespmem:$0x67C0];
	v3 =	vadd.f32 v56, v3;
	v0 =	vmax.f32 v0, v59;
	v55 =	vadd.f32 v59, v55  }
0x319: {  	v56 =	vld [tilespmem:$0x6450];
	v1 =	vmax.f32 v1, v53;
	v63 =	vmul.f32 v62, v62;
	v2 =	vadd.f32 v5, v2  }
0x31a: {  	v4 =	vmul.f32 v57, v57;
	v55 =	vadd.f32 v62, v55;
	v0 =	vmax.f32 v0, v62;
	v5 =	vld [tilespmem:$0x1FFA0]  }
0x31b: {  	v62 =	vld [tilespmem:$0x6550];
	v2 =	vadd.f32 v63, v2;
	v63 =	vadd.f32 v53, v54;
	v53 =	vmul.f32 v53, v53  }
0x31c: {  	v54 =	vadd.f32 v57, v55;
	v55 =	vld [tilespmem:$0x64D0];
	v59 =	vmul.f32 v61, v61  }
0x31d: {  	v2 =	vadd.f32 v4, v2;
	v3 =	vadd.f32 v53, v3;
	v53 =	vmax.f32 v0, v57;
	v0 =	vld [tilespmem:$0x65D0]  }
0x31e: {  	v57 =	vadd.f32 v61, v54;
	v54 =	vmax.f32 v1, v58;
	v1 =	vmul.f32 v56, v56;
	v4 =	vld [tilespmem:$0x5E60]  }
0x31f: {  	[tilespmem:$0x68A0] =	vst v5;
	v5 =	vld [tilespmem:$0x1FFB0];
	v2 =	vadd.f32 v59, v2;
	v59 =	vadd.f32 v58, v63;
	v58 =	vmul.f32 v58, v58  }
0x320: {  	[tilespmem:$0x68C0] =	vst v6;
	v53 =	vmax.f32 v53, v61;
	v57 =	vadd.f32 v56, v57;
	v63 =	vld [tilespmem:$0x5EE0]  }
0x321: {  	[tilespmem:$0x6AC0] =	vst v7;
	v61 =	vmul.f32 v55, v55;
	v2 =	vadd.f32 v1, v2;
	v1 =	vadd.f32 v58, v3;
	v58 =	vld [tilespmem:$0x1FFD0]  }
0x322: {  	[tilespmem:$0x6900] =	vst v18;
	v3 =	vmax.f32 v53, v56;
	v53 =	vadd.f32 v55, v57;
	v57 =	vld [tilespmem:$0x6650]  }
0x323: {  	[tilespmem:$0x6B20] =	vst v25;
	v3 =	vmax.f32 v3, v55;
	v2 =	vadd.f32 v61, v2;
	v61 =	vld [tilespmem:$0x1FFE0]  }
0x324: {  	[tilespmem:$0x6D60] =	vst v38;
	v55 =	vmul.f32 v62, v62;
	v3 =	vmax.f32 v3, v62;
	v53 =	vadd.f32 v62, v53;
	v62 =	vld [tilespmem:$0x1FFF0]  }
0x325: {  	[tilespmem:$0x6AA0] =	vst v5;
	v5 =	vld [tilespmem:$0x1FFC0]  }
0x326: {  	v18 =	vmul.f32 v12, v12;
	v25 =	vmul.f32 v14, v14;
	[tilespmem:$0x6D70] =	vst v41;
	v56 =	vld [tilespmem:$0x5F60]  }
0x327: {  	v38 =	vmul.f32 v33, v33;
	v41 =	vmul.f32 v35, v35;
	[tilespmem:$0x68B0] =	vst v58  }
0x328: {  	v3 =	vmax.f32 v3, v0;
	v2 =	vadd.f32 v55, v2;
	v55 =	vmul.f32 v4, v4;
	[tilespmem:$0x6AB0] =	vst v61;
	v61 =	vld [tilespmem:$0x5FE0]  }
0x329: {  	v58 =	vmul.f32 v0, v0;
	v0 =	vadd.f32 v0, v53;
	v53 =	vld [tilespmem:$0x6060];
	[tilespmem:$0x6CB0] =	vst v62;
	v62 =	vmul.f32 v63, v63  }
0x32a: {  	v6 =	vadd.f32 v63, v4;
	v4 =	vmax.f32 v4, v63;
	v3 =	vmax.f32 v3, v57;
	[tilespmem:$0x6CA0] =	vst v5;
	v5 =	vld [tilespmem:$0x66D0]  }
0x32b: {  	v7 =	vld [tilespmem:$0x6750];
	[tilespmem:$0x6CC0] =	vst v8;
	v2 =	vadd.f32 v58, v2;
	v58 =	vmul.f32 v56, v56;
	v55 =	vadd.f32 v62, v55  }
0x32c: {  	[tilespmem:$0x6AF0] =	vst v16;
	v8 =	vmul.f32 v57, v57;
	v6 =	vadd.f32 v56, v6;
	v16 =	vmax.f32 v4, v56;
	v62 =	vld [tilespmem:$0x60E0]  }
0x32d: {  	[tilespmem:$0x68D0] =	vst v9;
	v0 =	vadd.f32 v57, v0;
	v9 =	vadd.f32 v58, v55;
	v57 =	vmul.f32 v61, v61  }
0x32e: {  	[tilespmem:$0x6AD0] =	vst v10;
	v10 =	vld [tilespmem:$0x6160];
	v2 =	vadd.f32 v8, v2;
	v55 =	vmul.f32 v53, v53;
	v6 =	vadd.f32 v61, v6  }
0x32f: {  	[tilespmem:$0x6CD0] =	vst v11;
	v58 =	vmul.f32 v5, v5;
	v3 =	vmax.f32 v3, v5;
	v9 =	vadd.f32 v57, v9  }
0x330: {  	[tilespmem:$0x68F0] =	vst v15;
	v0 =	vadd.f32 v5, v0;
	v3 =	vmax.f32 v3, v7;
	v57 =	vadd.f32 v53, v6;
	v6 =	vld [tilespmem:$0x61E0]  }
0x331: {  	[tilespmem:$0x6CF0] =	vst v17;
	v8 =	vld [tilespmem:$0x67D0];
	v2 =	vadd.f32 v58, v2;
	v58 =	vmul.f32 v62, v62;
	v9 =	vadd.f32 v55, v9  }
0x332: {  	v15 =	vld [tilespmem:$0x5E70];
	[tilespmem:$0x6D00] =	vst v20;
	v0 =	vadd.f32 v7, v0;
	v7 =	vmul.f32 v7, v7;
	v5 =	vadd.f32 v62, v57  }
0x333: {  	[tilespmem:$0x6B00] =	vst v19;
	v63 =	vmul.f32 v10, v10;
	v56 =	vmax.f32 v16, v61;
	v61 =	vld [tilespmem:$0x6360];
	v9 =	vadd.f32 v58, v9  }
0x334: {  	[tilespmem:$0x6910] =	vst v21;
	v7 =	vadd.f32 v7, v2;
	v55 =	vadd.f32 v10, v5;
	v5 =	vld [tilespmem:$0x62E0];
	v58 =	vmax.f32 v56, v53  }
0x335: {  	v17 =	vld [tilespmem:$0x60F0];
	[tilespmem:$0x6B10] =	vst v22;
	v57 =	vmul.f32 v6, v6;
	v9 =	vadd.f32 v63, v9;
	v63 =	vmax.f32 v58, v62  }
0x336: {  	[tilespmem:$0x6D10] =	vst v23;
	v2 =	vmax.f32 v3, v8;
	v4 =	vadd.f32 v6, v55;
	v19 =	vmax.f32 v63, v10;
	v10 =	vld [tilespmem:$0x5EF0]  }
0x337: {  	[tilespmem:$0x6920] =	vst v24;
	v3 =	vadd.f32 v8, v0;
	v8 =	vmul.f32 v8, v8;
	v53 =	vld [tilespmem:$0x63E0];
	v9 =	vadd.f32 v57, v9  }
0x338: {  	[tilespmem:$0x6D20] =	vst v26;
	v58 =	vld [tilespmem:$0x6460];
	v63 =	vmul.f32 v15, v15;
	v4 =	vadd.f32 v12, v4;
	v0 =	vmax.f32 v19, v6  }
0x339: {  	[tilespmem:$0x6930] =	vst v27;
	v62 =	vld [tilespmem:$0x64E0];
	v57 =	vmul.f32 v61, v61;
	v21 =	vmul.f32 v5, v5;
	v20 =	vadd.f32 v18, v9  }
0x33a: {  	[tilespmem:$0x6B30] =	vst v28;
	v0 =	vmax.f32 v0, v12;
	v55 =	vadd.f32 v5, v4;
	v4 =	vadd.f32 v8, v7;
	v8 =	vld [tilespmem:$0x5FF0]  }
0x33b: {  	v28 =	vld [tilespmem:$0x6560];
	[tilespmem:$0x6D30] =	vst v29;
	v0 =	vmax.f32 v0, v5;
	v56 =	vadd.f32 v21, v20;
	v21 =	vmul.f32 v10, v10  }
0x33c: {  	[tilespmem:$0x6940] =	vst v30;
	v22 =	vmul.f32 v53, v53;
	v18 =	vld [tilespmem:$0x6070];
	v0 =	vmax.f32 v0, v61;
	v23 =	vadd.f32 v10, v15  }
0x33d: {  	[tilespmem:$0x6B60] =	vst v37;
	v37 =	vld [tilespmem:$0x64F0];
	v26 =	vmul.f32 v58, v58;
	v61 =	vadd.f32 v61, v55;
	v24 =	vadd.f32 v21, v63  }
0x33e: {  	[tilespmem:$0x6970] =	vst v39;
	v39 =	vld [tilespmem:$0x6570];
	v0 =	vmax.f32 v0, v53;
	v55 =	vmul.f32 v62, v62;
	v27 =	vadd.f32 v14, v23  }
0x33f: {  	[tilespmem:$0x6980] =	vst v42;
	v42 =	vld [tilespmem:$0x65F0];
	v7 =	vadd.f32 v53, v61;
	v29 =	vmul.f32 v8, v8;
	v11 =	vadd.f32 v25, v24  }
0x340: {  	[tilespmem:$0x6B40] =	vst v31;
	v0 =	vmax.f32 v0, v58;
	v5 =	vadd.f32 v57, v56;
	v53 =	vld [tilespmem:$0x6170];
	v30 =	vadd.f32 v8, v27  }
0x341: {  	[tilespmem:$0x6D80] =	vst v44;
	v44 =	vld [tilespmem:$0x6670];
	v57 =	vmul.f32 v18, v18;
	v7 =	vadd.f32 v58, v7;
	v11 =	vadd.f32 v29, v11  }
0x342: {  	[tilespmem:$0x6D40] =	vst v32;
	v0 =	vmax.f32 v0, v62;
	v61 =	vld [tilespmem:$0x61F0];
	v5 =	vadd.f32 v22, v5;
	v58 =	vadd.f32 v18, v30  }
0x343: {  	[tilespmem:$0x6BA0] =	vst v49;
	v49 =	vld [tilespmem:$0x6770];
	v6 =	vadd.f32 v62, v7;
	v62 =	vmul.f32 v17, v17;
	v11 =	vadd.f32 v57, v11  }
0x344: {  	[tilespmem:$0x6B80] =	vst v43;
	v43 =	vmul.f32 v37, v37;
	v63 =	vmul.f32 v28, v28;
	v24 =	vld [tilespmem:$0x6270];
	v7 =	vadd.f32 v17, v58  }
0x345: {  	[tilespmem:$0x6B70] =	vst v40;
	v40 =	vld [tilespmem:$0x6760];
	v5 =	vadd.f32 v26, v5;
	v26 =	vmul.f32 v53, v53;
	v11 =	vadd.f32 v62, v11  }
0x346: {  	[tilespmem:$0x6B90] =	vst v46;
	v0 =	vmax.f32 v0, v28;
	v6 =	vadd.f32 v28, v6;
	v28 =	vld [tilespmem:$0x62F0];
	v7 =	vadd.f32 v53, v7  }
0x347: {  	v31 =	vld [tilespmem:$0x66E0];
	v46 =	vmul.f32 v39, v39;
	[tilespmem:$0x69A0] =	vst v48;
	v29 =	vmul.f32 v61, v61;
	v11 =	vadd.f32 v26, v11  }
0x348: {  	v48 =	vmul.f32 v42, v42;
	[tilespmem:$0x6DA0] =	vst v50;
	v50 =	vmul.f32 v44, v44;
	v30 =	vld [tilespmem:$0x6370];
	v7 =	vadd.f32 v61, v7  }
0x349: {  	[tilespmem:$0x6BC0] =	vst v59;
	v59 =	vmul.f32 v49, v49;
	v56 =	vld [tilespmem:$0x65E0];
	v32 =	vmul.f32 v24, v24;
	v11 =	vadd.f32 v29, v11  }
0x34a: {  	[tilespmem:$0x6B50] =	vst v34;
	v9 =	vmul.f32 v40, v40;
	v10 =	vmax.f32 v15, v10;
	v7 =	vadd.f32 v24, v7  }
0x34b: {  	[tilespmem:$0x6990] =	vst v45;
	v45 =	vld [tilespmem:$0x67E0];
	v10 =	vmax.f32 v10, v14;
	v34 =	vmul.f32 v28, v28;
	v11 =	vadd.f32 v32, v11  }
0x34c: {  	[tilespmem:$0x6D90] =	vst v47;
	v47 =	vld [tilespmem:$0x66F0];
	v15 =	vmul.f32 v31, v31;
	v8 =	vmax.f32 v10, v8;
	v7 =	vadd.f32 v28, v7  }
0x34d: {  	[tilespmem:$0x6960] =	vst v36;
	v25 =	vld [tilespmem:$0x6660];
	v8 =	vmax.f32 v8, v18;
	v36 =	vmul.f32 v30, v30;
	v11 =	vadd.f32 v34, v11  }
0x34e: {  	v8 =	vmax.f32 v8, v17;
	v27 =	vmul.f32 v56, v56;
	v7 =	vadd.f32 v30, v7  }
0x34f: {  	v0 =	vmax.f32 v0, v56;
	v8 =	vmax.f32 v8, v53;
	v11 =	vadd.f32 v36, v11  }
0x350: {  	v5 =	vadd.f32 v55, v5;
	v8 =	vmax.f32 v8, v61;
	v7 =	vadd.f32 v33, v7  }
0x351: {  	v55 =	vmul.f32 v47, v47;
	v57 =	vmul.f32 v45, v45;
	v11 =	vadd.f32 v38, v11  }
0x352: {  	v0 =	vmax.f32 v0, v25;
	v19 =	vmul.f32 v25, v25;
	v7 =	vadd.f32 v35, v7  }
0x353: {  	v8 =	vmax.f32 v8, v24;
	v5 =	vadd.f32 v63, v5;
	v11 =	vadd.f32 v41, v11  }
0x354: {  	v6 =	vadd.f32 v56, v6;
	v0 =	vmax.f32 v0, v31;
	v7 =	vadd.f32 v37, v7  }
0x355: {  	[tilespmem:$0x6AE0] =	vst v13;
	v0 =	vmax.f32 v0, v40;
	v5 =	vadd.f32 v27, v5;
	v11 =	vadd.f32 v43, v11  }
0x356: {  	[tilespmem:$0x6BB0] =	vst v51;
	v6 =	vadd.f32 v25, v6;
	v8 =	vmax.f32 v8, v28;
	v7 =	vadd.f32 v39, v7  }
0x357: {  	[tilespmem:$0x69B0] =	vst v52;
	v0 =	vmax.f32 v0, v45;
	v8 =	vmax.f32 v8, v30;
	v11 =	vadd.f32 v46, v11  }
0x358: {  	[tilespmem:$0x6DB0] =	vst v60;
	v5 =	vadd.f32 v19, v5;
	v8 =	vmax.f32 v8, v33;
	v7 =	vadd.f32 v42, v7  }
0x359: {  	[tilespmem:$0x69C0] =	vst v54;
	v6 =	vadd.f32 v31, v6;
	v8 =	vmax.f32 v8, v35;
	v11 =	vadd.f32 v48, v11  }
0x35a: {  	[tilespmem:$0x6DC0] =	vst v1;
	v53 =	vld [tilespmem:$0x67F0];
	v5 =	vadd.f32 v15, v5;
	v8 =	vmax.f32 v8, v37;
	v7 =	vadd.f32 v44, v7  }
0x35b: {  	[tilespmem:$0x69D0] =	vst v2;
	v6 =	vadd.f32 v40, v6;
	v8 =	vmax.f32 v8, v39;
	v54 =	vadd.f32 v50, v11  }
0x35c: {  	[tilespmem:$0x6BD0] =	vst v3;
	v51 =	vadd.f32 v9, v5;
	v52 =	vmax.f32 v8, v42;
	v7 =	vadd.f32 v47, v7  }
0x35d: {  	[tilespmem:$0x6DD0] =	vst v4;
	v56 =	vadd.f32 v45, v6;
	v58 =	vmax.f32 v52, v44;
	v2 =	vadd.f32 v55, v54  }
0x35e: {  	[tilespmem:$0x69E0] =	vst v0;
	v1 =	vadd.f32 v57, v51;
	v60 =	vmax.f32 v58, v47;
	v61 =	vadd.f32 v49, v7  }
0x35f: {  	v62 =	vmul.f32 v53, v53;
	[tilespmem:$0x6BE0] =	vst v56;
	v0 =	vmax.f32 v60, v49;
	v2 =	vadd.f32 v59, v2  }
0x360: {  	[tilespmem:$0x6DE0] =	vst v1;
	v0 =	vmax.f32 v0, v53;
	v63 =	vadd.f32 v53, v61  }
0x361: {  	[tilespmem:$0x69F0] =	vst v0;
	v2 =	vadd.f32 v62, v2  }
0x362: {  	[tilespmem:$0x6BF0] =	vst v63  }
0x363: {  	s19 =	sadd.s32 s18, s6;
	[tilespmem:$0x6DF0] =	vst v2  }
0x364: {  	[hbm4b:s19+s3] =	stream.linear.scatter [tilespmem:s13], [sflag:$0x2], $0x200, $0x38;
	[tilespmem:$0x6E00] =	vst v63  }
0x365: {  	_ =	swait.ge [sflag:s9], $0x200  }
0x366: {  	[sflag:s9] =	ssyncset.done $0x0  }
0x367: {  	s30 =	sadd.s32 s18, s7;
	[sflag:s9] =	ssyncadd.s32 $0xFFFFFE00  }
0x368: {  	[hbm4b:s30+s3] =	stream.linear.scatter [tilespmem:s14], [sflag:$0x2], $0x200, $0x38;
	[tilespmem:$0x6E00] =	vst v63  }
0x369: {  	_ =	swait.ge [sflag:s9], $0x200  }
0x36a: {  	p0 =	sne.s32 s18, $0x1FC0;
	[sflag:s9] =	ssyncset.done $0x0  }
.Ltmp0:
0x36b: {  	s31 =	sadd.s32 s18, s8;
	[sflag:s9] =	ssyncadd.s32 $0xFFFFFE00;
	(pc) =	sbr.rel @p0 .LBB2_2-.Ltmp0, $4  }
0x36c: {  	[hbm4b:s31+s3] =	stream.linear.scatter [tilespmem:s15], [sflag:$0x2], $0x200, $0x38;
	[tilespmem:$0x6E00] =	vst v63  }
0x36d: {  	_ =	swait.ge [sflag:s9], $0x200  }
0x36e: {  	[sflag:s9] =	ssyncset.done $0x0  }
0x36f: {  	s17 =	sadd.s32 $0x80, s17;
	s18 =	sadd.s32 $0x40, s18;
	[sflag:s9] =	ssyncadd.s32 $0xFFFFFE00  }
0x370: {  	s16 =	sadd.s32 $0x1, s16  }
0x371: {  	p0 =	sne.s32 s16, s5  }
.Ltmp1:
0x372: {  	_ = 	snop;
	(pc) =	sbr.rel @p0 .LBB2_1-.Ltmp1, $1  }
0x373: {  	_ =	sdelay $0x3  }
0x374: {  	_ =	sfence.sel $0x180000  }
0x375: {  	[bflag:$0x0] =	sbarrier.arrive $0xFFFF  }
0x376: {  	p0 =	sne.s32 s2, $0x0;
	_ =	strace $0x9000004A  }
0x377: {  	s0 =	sadd.s32 @!p0 $0x100000, s0;
	[bflag:$0x2] =	sbarrier.arrive $0xFFFF  }
0x378: {  	[sflag:s0] =	ssyncadd.tile.s32 @!p0 $0x1;
	_ =	shalt  }
.Lfunc_end2:
_tile_overlayer_lowered:
.L_overlay_start_2:
0x379: {  	(tag) =	ssettag $0x2  }
0x37a: {  	s0 =	rddreg [dreg:$0x0];
	s2 =	stileid.u32  }
0x37b: {  	s1 =	rddreg [dreg:$0x1];
	p0 =	sne.s32 s2, $0x0  }
0x37c: {  	s3 =	rddreg [dreg:$0x2];
	[bflag:$0x3] =	sbarrier.arrive $0xFFFF;
	s2 =	simm.s32 @!p0 $0x1C02  }
0x37d: {  	[timem:s3], [sflag:s2] =	dma.local @!p0 [hbm:s0], s1  }
0x37e: {  	s0 =	simm.s32 @!p0 $0x2  }
0x37f: {  	_ =	swait.ge @!p0 [sflag:s0], s1  }
0x380: {  	s1 =	ssub.s32 @!p0 $0x0, s1;
	[sflag:s0] =	ssyncset.done @!p0 $0x0  }
0x381: {  	[sflag:s0] =	ssyncadd.s32 @!p0 s1  }
0x382: {  	[bflag:$0x3] =	sbarrier.arrive $0xFFFF  }
0x383: {  	_ =	shalt  }

// kernel: kernel.9.cloned.1.call-start
scs
__scs_entry_jumppad:
0x0: {  	(pc) =	sbr.rel $0x88, $3  }
0x1: {  	(tag) =	ssettag $0x0;
	lr =	simm.s32 $0x1  }
0x2: {  	[smem:$0x3F9A] =	sst lr;
	_ =	strace $0xD0000000  }
0x3: {  	_ = 	snop  }
0x4: {  	_ = 	snop  }
0x5: {  	_ = 	snop  }
0x6: {  	_ = 	snop  }
0x7: {  	_ = 	snop  }
__scs_overlays_trampoline_lowered:
0x8: {  	[smem:$0x3FA9] =	sst s0  }
0x9: {  	[smem:$0x3FAA] =	sst s1  }
0xa: {  	[smem:$0x3FAB] =	sst s2  }
0xb: {  	[smem:$0x3FAC] =	sst s3  }
0xc: {  	[smem:$0x3FAD] =	sst s4  }
0xd: {  	[smem:$0x3FAE] =	sst s5  }
0xe: {  	[smem:$0x3FAF] =	sst s6  }
0xf: {  	[smem:$0x3FB0] =	sst s7  }
0x10: {  	[smem:$0x3FB1] =	sst s8  }
0x11: {  	[smem:$0x3FB2] =	sst s9;
	s0 =	simm.s32 @!p0 $0x0  }
0x12: {  	s1 =	sld [smem:$0x3F98];
	s0 =	simm.s32 @p0 $0x1  }
0x13: {  	[smem:$0x3FB3] =	sst s0;
	s0 =	simm.s32 @!p1 $0x0  }
0x14: {  	s2 =	sld [smem:$0x3F97];
	s0 =	simm.s32 @p1 $0x1  }
0x15: {  	[smem:$0x3FB4] =	sst s0;
	s0 =	simm.s32 @!p2 $0x0  }
0x16: {  	s3 =	sld [smem:$0x3FDB];
	s0 =	simm.s32 @p2 $0x1  }
0x17: {  	s4 =	simm.s32 $0x1BF5;
	[smem:$0x3FB6] =	sst s0  }
0x18: {  	s0 =	sld [smem:$0x3F99];
	_ =	swait.ge [sflag:s4], $0x0  }
0x19: {  	s7 =	sld [smem:$0x3F9A]  }
0x1a: {  	s8 =	sadd.s32 $0xFFFFE003, lr  }
0x1b: {  	s9 =	sadd.s32 $0xFFFFFEF7, lr;
	s5 =	simm.s32 $0xFFFFFFFF;
	p2 =	slt.u32 s8, $0xFFFFF086  }
0x1c: {  	p1 =	slt.u32 s9, $0xF7A;
	s5 =	simm.s32 @!p2 $0x0  }
0x1d: {  	s5 =	simm.s32 @p1 $0x1;
	p0 =	seq.s32 s7, s2  }
0x1e: {  	s7 =	smul.u32 @!p0 $0xF7A, s2;
	p2 =	seq.s32 @!p0 s5, $0x0  }
0x1f: {  	s9 =	smul.u32 $0xF7A, s1;
	s8 =	simm.s32 @!p0 $0x1BF5;
	p2 =	por !p2, p0  }
0x20: {  	[sflag:s8] =	ssyncset.s32 @!p0 $0xFFFFF086;
	s6 =	sadd.s32 @!p0 s3, s7;
	s7 =	simm.s32 @!p0 $0x108  }
0x21: {  	s3 =	sadd.s32 s3, s9;
	s6 =	sadd.s32 @!p0 $0x88, s6;
	s7 =	simm.s32 @p2 $0x1082  }
0x22: {  	[simem:s7], [sflag:s8] =	dma.local @!p0 [hbm:s6], $0xF7A  }
0x23: {  	s9 =	sor.u32 $0xD0000000, s2;
	s6 =	simm.s32 $0x108;
	_ =	swait.ge @!p0 [sflag:s8], $0x0  }
0x24: {  	s3 =	sadd.s32 $0x88, s3;
	s6 =	simm.s32 @!p1 $0x1082;
	[sflag:s4] =	ssyncset.s32 $0xFFFFF086  }
0x25: {  	[simem:s6], [sflag:s4] =	dma.local [hbm:s3], $0xF7A  }
0x26: {  	[smem:$0x3F9A] =	sst s1;
	(tag) =	ssettag s2;
	_ =	strace s9  }
0x27: {  	s1 =	sld [smem:$0x3FAA]  }
0x28: {  	s2 =	sld [smem:$0x3FAB]  }
0x29: {  	s4 =	sld [smem:$0x3FAD]  }
0x2a: {  	p0 =	seq.s32 s5, $0x0;
	s5 =	sld [smem:$0x3FAE]  }
0x2b: {  	s6 =	sld [smem:$0x3FAF]  }
0x2c: {  	s7 =	sld [smem:$0x3FB0]  }
0x2d: {  	s3 =	simm.s32 $0x108;
	s8 =	sld [smem:$0x3FB1]  }
0x2e: {  	s3 =	simm.s32 @!p0 $0x1082;
	s9 =	sld [smem:$0x3FB2]  }
0x2f: {  	lr =	sadd.s32 s0, s3;
	s0 =	sld [smem:$0x3FA9]  }
0x30: {  	s3 =	sld [smem:$0x3FAC]  }
0x31: {  	[smem:$0x3FB5] =	sst s10  }
0x32: {  	s10 =	sld [smem:$0x3FB3];
	_ =	sdelay $0x3  }
0x33: {  	p0 =	seq.s32 s10, $0x1;
	s10 =	sld [smem:$0x3FB5];
	_ =	sdelay $0x3  }
0x34: {  	[smem:$0x3FB5] =	sst s10  }
0x35: {  	s10 =	sld [smem:$0x3FB4];
	_ =	sdelay $0x3  }
0x36: {  	p1 =	seq.s32 s10, $0x1;
	s10 =	sld [smem:$0x3FB5];
	_ =	sdelay $0x3  }
0x37: {  	[smem:$0x3FB5] =	sst s10  }
0x38: {  	s10 =	sld [smem:$0x3FB6]  }
0x39: {  	_ = 	snop;
	(pc) =	sbr.ind lr, $3  }
0x3a: {  	_ = 	snop  }
0x3b: {  	_ = 	snop  }
0x3c: {  	p2 =	seq.s32 s10, $0x1;
	s10 =	sld [smem:$0x3FB5]  }
0x3d: {  	_ =	shalt  }
0x3e: {  	_ =	shalt  }
0x3f: {  	_ =	shalt  }
0x40: {  	_ =	shalt  }
0x41: {  	_ =	shalt  }
0x42: {  	_ =	shalt  }
0x43: {  	_ =	shalt  }
0x44: {  	_ =	shalt  }
0x45: {  	_ =	shalt  }
0x46: {  	_ =	shalt  }
0x47: {  	_ =	shalt  }
0x48: {  	_ =	shalt  }
0x49: {  	_ =	shalt  }
0x4a: {  	_ =	shalt  }
0x4b: {  	_ =	shalt  }
0x4c: {  	_ =	shalt  }
0x4d: {  	_ =	shalt  }
0x4e: {  	_ =	shalt  }
0x4f: {  	_ =	shalt  }
0x50: {  	_ =	shalt  }
0x51: {  	_ =	shalt  }
0x52: {  	_ =	shalt  }
0x53: {  	_ =	shalt  }
0x54: {  	_ =	shalt  }
0x55: {  	_ =	shalt  }
0x56: {  	_ =	shalt  }
0x57: {  	_ =	shalt  }
0x58: {  	_ =	shalt  }
0x59: {  	_ =	shalt  }
0x5a: {  	_ =	shalt  }
0x5b: {  	_ =	shalt  }
0x5c: {  	_ =	shalt  }
0x5d: {  	_ =	shalt  }
0x5e: {  	_ =	shalt  }
0x5f: {  	_ =	shalt  }
0x60: {  	_ =	shalt  }
0x61: {  	_ =	shalt  }
0x62: {  	_ =	shalt  }
0x63: {  	_ =	shalt  }
0x64: {  	_ =	shalt  }
0x65: {  	_ =	shalt  }
0x66: {  	_ =	shalt  }
0x67: {  	_ =	shalt  }
0x68: {  	_ =	shalt  }
0x69: {  	_ =	shalt  }
0x6a: {  	_ =	shalt  }
0x6b: {  	_ =	shalt  }
0x6c: {  	_ =	shalt  }
0x6d: {  	_ =	shalt  }
0x6e: {  	_ =	shalt  }
0x6f: {  	_ =	shalt  }
0x70: {  	_ =	shalt  }
0x71: {  	_ =	shalt  }
0x72: {  	_ =	shalt  }
0x73: {  	_ =	shalt  }
0x74: {  	_ =	shalt  }
0x75: {  	_ =	shalt  }
0x76: {  	_ =	shalt  }
0x77: {  	_ =	shalt  }
0x78: {  	_ =	shalt  }
0x79: {  	_ =	shalt  }
0x7a: {  	_ =	shalt  }
0x7b: {  	_ =	shalt  }
0x7c: {  	_ =	shalt  }
0x7d: {  	_ =	shalt  }
0x7e: {  	_ =	shalt  }
0x7f: {  	_ =	shalt  }
0x80: {  	_ =	shalt  }
0x81: {  	_ =	shalt  }
0x82: {  	_ =	shalt  }
0x83: {  	_ =	shalt  }
0x84: {  	_ =	shalt  }
0x85: {  	_ =	shalt  }
0x86: {  	_ =	shalt  }
0x87: {  	_ =	shalt  }
.Lfunc_end0:
.L_simem_size_0:
called_computation_lowered:
.L_overlay_start_0:
0x88: {  	s2 =	sld [smem:$0x3FD9]  }
0x89: {  	s3 =	sld [smem:$0x3FFE];
	_ =	sdelay $0x1  }
0x8a: {  	s1 =	srdreg.scid  }
0x8b: {  	s0 =	sand.u32 $0x1, s1  }
0x8c: {  	s17 =	sshll.u32 s0, $0xA;
	s2 =	sadd.s32 s3, s2  }
0x8d: {  	s2 =	sadd.s32 s2, s17  }
0x8e: {  	[smem:$0x3FC1] =	sst s2  }
0x8f: {  	_ = 	snop  }
0x90: {  	s2 =	sld [smem:$0x3FD0];
	(tm) =	ssettm $0x1  }
0x91: {  	s18 =	sld [smem:$0x3FFB];
	_ =	sdelay $0x3  }
0x92: {  	_ =	strace s18  }
0x93: {  	s3 =	sld [smem:$0x3FFC];
	_ =	sdelay $0x3  }
0x94: {  	_ =	strace s3  }
0x95: {  	s3 =	sld [smem:$0x3FFD];
	_ =	sdelay $0x3  }
0x96: {  	_ =	strace s3  }
0x97: {  	_ =	strace $0x8FFFFFFF  }
0x98: {  	s19 =	sld [smem:$0x3FDB];
	_ =	sdelay $0x1  }
0x99: {  	s4 =	simm.s32 $_scs_section_size  }
0x9a: {  	s5 =	simm.s32 $_size__tile_overlayer_lowered;
	s6 =	simm.s32 $_tile_overlayer_lowered  }
0x9b: {  	s22 =	simm.s32 $0x1BFF;
	s21 =	sshll.u32 s6, $0x1;
	s3 =	sadd.s32 s4, s19  }
0x9c: {  	s7 =	simm.s32 $0x0;
	s20 =	sshll.u32 s5, $0x1;
	s5 =	sadd.s32 s21, s3  }
0x9d: {  	[timem:s7], [sflag:s22] =	dma.local [hbm:s5], s20  }
0x9e: {  	_ =	swait.ge [sflag:s22], s20  }
0x9f: {  	s4 =	ssub.s32 $0x0, s20;
	[sflag:s22] =	ssyncset.done $0x0  }
0xa0: {  	[sflag:s22] =	ssyncadd.s32 s4;
	_ =	sdelay $0x1  }
0xa1: {  	s23 =	simm.s32 $0x1B8B  }
0xa2: {  	_ =	swait.ge [sflag:s23], $0x1  }
0xa3: {  	[sflag:s23] =	ssyncset.done $0x0  }
0xa4: {  	s25 =	simm.s32 $0x1B8E;
	s24 =	sld [smem:$0x3FFE];
	[sflag:s23] =	ssyncadd.s32 $0xFFFFFFFF  }
0xa5: {  	s26 =	simm.s32 $execute0_lowered;
	[smem:$0x3FD2] =	sst s25  }
0xa6: {  	s5 =	sshll.u32 s26, $0x1;
	_ =	strace $0x80000046;
	[dreg:$0x1] =	wrdreg $0xFFFFFFFF  }
0xa7: {  	s28 =	simm.s32 $_size_execute0_lowered;
	s3 =	sadd.s32 s3, s5;
	[dreg:$0x0] =	wrdreg $0x0  }
0xa8: {  	s5 =	sshll.u32 s28, $0x1;
	[dreg:$0x2] =	wrdreg s3  }
0xa9: {  	[dreg:$0x3] =	wrdreg s5  }
0xaa: {  	[dreg:$0x4] =	wrdreg $0xC0  }
0xab: {  	_ =	task [dreg:s7], $0x5FFFF  }
0xac: {  	[dreg:$0x1] =	wrdreg $0xFFFFFFFF  }
0xad: {  	[dreg:$0x0] =	wrdreg $0x60  }
0xae: {  	[dreg:$0x2] =	wrdreg s2  }
0xaf: {  	[dreg:$0x3] =	wrdreg s24  }
0xb0: {  	[dreg:$0x4] =	wrdreg $0x9  }
0xb1: {  	_ =	task.clear_ibuf [dreg:s7], $0x5FFFF;
	_ =	strace $0x90000046  }
0xb2: {  	s29 =	simm.s32 $0x9;
	_ =	strace $0x80000048  }
0xb3: {  	_ =	swait.ge [sflag:s29], $0x1  }
0xb4: {  	[sflag:s29] =	ssyncadd.s32 $0xFFFFFFFF  }
0xb5: {  	_ =	strace $0x90000048  }
0xb6: {  	_ =	sfence  }
0xb7: {  	s30 =	sld [smem:$0x0];
	_ =	sdelay $0x2  }
0xb8: {  	s31 =	sshll.u32 s1, $0xD;
	s1 =	sshrl.u32 s1, $0x2  }
0xb9: {  	s3 =	sand.u32 $0x4000, s31;
	s1 =	sadd.s32 s1, s30  }
0xba: {  	s0 =	sor.u32 s3, s0;
	s1 =	sshll.u32 s1, $0x11  }
0xbb: {  	s0 =	sor.u32 s1, s0  }
0xbc: {  	s0 =	sadd.s32 $0x8F2B, s0  }
0xbd: {  	[sflag:s0] =	ssyncadd.remote.s32 $0x1  }
0xbe: {  	_ =	sfence.sel $0xFFFF  }
0xbf: {  	[dreg:$0x0] =	wrdreg $0xFFFFFFFF;
	(pc) =	sbr.abs _section_cstart, $3  }
0xc0: {  	[dreg:$0x1] =	wrdreg $0xFFFFFFFF  }
0xc1: {  	_ =	task.clear_ibuf [dreg:s7], $0x2FFFF;
	_ =	strace $0x9FFFFFFF  }
0xc2: {  	(tm) =	ssettm $0x7FFFFFFF  }
0xc3: {  	_ =	shalt  }
tec
execute0_lowered:
.L_overlay_start_1:
0x0: {  	(tag) =	ssettag $0x1  }
0x1: {  	s1 =	srdreg.scid;
	s2 =	rddreg [dreg:$0x0]  }
0x2: {  	s0 =	stileid.u32;
	s5 =	rddreg [dreg:$0x1]  }
0x3: {  	s3 =	simm.s32 $0x0;
	s11 =	simm.s32 $0x0;
	s4 =	sand.u32 $0x1, s1  }
0x4: {  	s28 =	sshll.u32 s0, $0x1;
	s1 =	rddreg [dreg:$0x2];
	s7 =	smul.u32 $0x50000, s0  }
0x5: {  	[smem:$0x7FF] =	sst s3;
	s6 =	sor.u32 s4, s28;
	s10 =	smul.u32 $0x28000, s4  }
0x6: {  	s8 =	ssub.s32 $0x2, s4;
	_ =	strace $0x80000047;
	s6 =	smul.u32 $0x500, s6  }
0x7: {  	s9 =	sshrl.u32 s8, $0x1;
	s30 =	sadd.s32 s7, s5;
	s7 =	simm.s32 $0x2  }
0x8: {  	s31 =	ssub.s32 s8, s9;
	s8 =	simm.s32 $0x80;
	s9 =	simm.s32 $0x2800  }
0x9: {  	s29 =	sadd.s32 s6, s5;
	s5 =	smax.u32 s31, $0x1;
	s6 =	sadd.s32 s10, s30  }
0xa: {  	s10 =	simm.s32 $0x1;
	s4 =	sadd.s32 $0x43800, s29;
	s6 =	sadd.s32 $0x4D800, s6  }
.LBB2_1:
0xb: {  	[tilespmem:s3], [sflag:$0x2] =	stream.linear.gather [hbm4b:s4+s3], $0x2800, $0x38;
	[tilespmem:$0x6800] =	vst v63  }
0xc: {  	_ =	swait.ge [sflag:s7], $0x2800  }
0xd: {  	[sflag:s7] =	ssyncset.done $0x0  }
0xe: {  	s12 =	simm.s32 $0x0;
	[sflag:s7] =	ssyncadd.s32 $0xFFFFD800  }
0xf: {  	[tilespmem:s9], [sflag:$0x1] =	stream.indirect.gather [hbm4b:s2+s8], $0x80, s12, s8, $0xb8;
	[tilespmem:$0x6800] =	vst v63  }
0x10: {  	_ =	swait.ge [sflag:s10], $0x4000  }
0x11: {  	[sflag:s10] =	ssyncset.done $0x0  }
0x12: {  	[sflag:s10] =	ssyncadd.s32 $0xFFFFC000  }
0x13: {  	[hbm4b:s6+s3] =	stream.linear.scatter [tilespmem:s9], [sflag:$0x2], $0x4000, $0x38;
	[tilespmem:$0x6800] =	vst v63  }
0x14: {  	s13 =	simm.s32 $0x200;
	_ =	swait.ge [sflag:s7], $0x4000  }
0x15: {  	s14 =	simm.s32 $0x400;
	s12 =	sadd.s32 $0x800, s6;
	[sflag:s7] =	ssyncset.done $0x0  }
.LBB2_2:
0x16: {  	s15 =	sshra.s32 s13, $0x2  }
0x17: {  	[sflag:s7] =	ssyncadd.s32 $0xFFFFC000;
	s13 =	smov.u32 s14;
	s16 =	sadd.s32 $0x200, s14  }
0x18: {  	[tilespmem:s9], [sflag:$0x1] =	stream.indirect.gather [hbm4b:s2+s8], $0x80, s15, s8, $0xb8;
	[tilespmem:$0x6800] =	vst v63  }
0x19: {  	p0 =	sne.s32 s14, $0x9E00;
	_ =	swait.ge [sflag:s10], $0x4000  }
.Ltmp0:
0x1a: {  	[sflag:s10] =	ssyncset.done $0x0;
	(pc) =	sbr.rel @p0 .LBB2_2-.Ltmp0, $4  }
0x1b: {  	[sflag:s10] =	ssyncadd.s32 $0xFFFFC000  }
0x1c: {  	[hbm4b:s12+s3] =	stream.linear.scatter [tilespmem:s9], [sflag:$0x2], $0x4000, $0x38;
	[tilespmem:$0x6800] =	vst v63  }
0x1d: {  	_ =	swait.ge [sflag:s7], $0x4000  }
0x1e: {  	s14 =	smov.u32 s16;
	s12 =	sadd.s32 $0x800, s12;
	[sflag:s7] =	ssyncset.done $0x0  }
0x1f: {  	s13 =	sshra.s32 s13, $0x2;
	[sflag:s7] =	ssyncadd.s32 $0xFFFFC000  }
0x20: {  	[tilespmem:s9], [sflag:$0x1] =	stream.indirect.gather [hbm4b:s2+s8], $0x80, s13, s8, $0xb8;
	[tilespmem:$0x6800] =	vst v63  }
0x21: {  	s11 =	sadd.s32 $0x1, s11;
	_ =	swait.ge [sflag:s10], $0x4000  }
0x22: {  	p0 =	sne.s32 s11, s5;
	[sflag:s10] =	ssyncset.done $0x0  }
.Ltmp1:
0x23: {  	[sflag:s10] =	ssyncadd.s32 $0xFFFFC000;
	(pc) =	sbr.rel @p0 .LBB2_1-.Ltmp1, $4  }
0x24: {  	[hbm4b:s12+s3] =	stream.linear.scatter [tilespmem:s9], [sflag:$0x2], $0x4000, $0x38;
	[tilespmem:$0x6800] =	vst v63  }
0x25: {  	_ =	swait.ge [sflag:s7], $0x4000  }
0x26: {  	[sflag:s7] =	ssyncset.done $0x0  }
0x27: {  	[sflag:s7] =	ssyncadd.s32 $0xFFFFC000  }
0x28: {  	_ =	sfence.sel $0x180000  }
0x29: {  	[bflag:$0x0] =	sbarrier.arrive $0xFFFF  }
0x2a: {  	p0 =	sne.s32 s0, $0x0;
	_ =	strace $0x90000047  }
0x2b: {  	s0 =	sadd.s32 @!p0 $0x100000, s1;
	[bflag:$0x2] =	sbarrier.arrive $0xFFFF  }
0x2c: {  	[sflag:s0] =	ssyncadd.tile.s32 @!p0 $0x1;
	_ =	shalt  }
.Lfunc_end2:
_tile_overlayer_lowered:
.L_overlay_start_2:
0x2d: {  	(tag) =	ssettag $0x2  }
0x2e: {  	s0 =	rddreg [dreg:$0x0];
	s2 =	stileid.u32  }
0x2f: {  	s1 =	rddreg [dreg:$0x1];
	p0 =	sne.s32 s2, $0x0  }
0x30: {  	s3 =	rddreg [dreg:$0x2];
	[bflag:$0x3] =	sbarrier.arrive $0xFFFF;
	s2 =	simm.s32 @!p0 $0x1C02  }
0x31: {  	[timem:s3], [sflag:s2] =	dma.local @!p0 [hbm:s0], s1  }
0x32: {  	s0 =	simm.s32 @!p0 $0x2  }
0x33: {  	_ =	swait.ge @!p0 [sflag:s0], s1  }
0x34: {  	s1 =	ssub.s32 @!p0 $0x0, s1;
	[sflag:s0] =	ssyncset.done @!p0 $0x0  }
0x35: {  	[sflag:s0] =	ssyncadd.s32 @!p0 s1  }
0x36: {  	[bflag:$0x3] =	sbarrier.arrive $0xFFFF  }
0x37: {  	_ =	shalt  }

</sc_bundles>
